<compile_context>
chip_gen: v7x
topology: tpu7x:2x2x1
jax: 0.10.2.dev20260603
libtpu: 0.0.44.dev20260713+nightly
codegen_flags: <defaults>
</compile_context>

<pallas_src>
import functools
import math

import jax
import jax.numpy as jnp
from jax import lax
from jax.experimental import pallas as pl
from jax.experimental.pallas import tpu as pltpu
from jax.experimental.pallas import tpu_sc as plsc

_N = 10000
_E = 320000
_D = 128
_C = 64
_LAYERS = 4
_ALPHA = 0.5

_NC = 2
_NS = 16
_NW = _NC * _NS
_EPW = _E // _NW
_K = 96
_PAD = 80
_EPWP = _EPW + _PAD
_NCH = _EPWP // _K
_NP = 10240
_RPS = _NP // _NS
_ZR = 64
_TRASH = _NP - 1


def _segsum_body(x_hbm, src_hbm, dst_hbm, out_hbm, acc, sbufs, dbufs, rows,
                 gsem, ssem, dsem, csem):
    cid = lax.axis_index("c")
    sid = lax.axis_index("s")
    wid = cid * _NS + sid

    zero = jnp.zeros((16,), jnp.float32)
    z0 = rows[0]

    def zstore(i, _):
        r = i // (_D // 16)
        c = i % (_D // 16)
        z0[r, pl.ds(c * 16, 16)] = zero
        return 0

    lax.fori_loop(0, _K * (_D // 16), zstore, 0)

    def zcopy(j, _):
        pltpu.sync_copy(z0, acc.at[pl.ds(sid * _RPS + j * _K, _K)])
        return 0

    lax.fori_loop(0, _RPS // _K, zcopy, 0)
    pltpu.sync_copy(z0.at[pl.ds(0, _RPS % _K)],
                    acc.at[pl.ds(sid * _RPS + (_RPS // _K) * _K, _RPS % _K)])

    ebase = wid * _EPWP

    def _sload(i, buf, p):
        return pltpu.make_async_copy(src_hbm.at[pl.ds(ebase + i * _K, _K)],
                                     buf, ssem.at[p])

    def _dload(i, buf, p):
        return pltpu.make_async_copy(dst_hbm.at[pl.ds(ebase + i * _K, _K)],
                                     buf, dsem.at[p])

    def _gather(i, p):
        return pltpu.make_async_copy(x_hbm.at[sbufs[p]], rows[p], gsem.at[p])

    def _scatter(p):
        return pltpu.make_async_copy(rows[p], acc.at[dbufs[p]], csem.at[p])

    for p in range(3):
        _sload(p, sbufs[p], p).start()
    for p in range(2):
        _dload(p, dbufs[p], p).start()
    for p in range(2):
        _sload(p, sbufs[p], p).wait()
        _gather(p, p).start()
    plsc.subcore_barrier()

    def group(g, _):
        for p in range(3):
            i = g * 3 + p
            p2 = (p + 2) % 3
            _gather(i, p).wait()

            @pl.when((i >= 1) & (i + 2 < _NCH))
            def _():
                _scatter(p2).wait()

            @pl.when(i + 2 < _NCH)
            def _():
                _dload(i + 2, dbufs[p2], p2).start()
                _sload(i + 2, sbufs[p2], p2).wait()
                _gather(i + 2, p2).start()

            _dload(i, dbufs[p], p).wait()
            _scatter(p).start(add=True)

            @pl.when(i + 3 < _NCH)
            def _():
                _sload(i + 3, sbufs[p], p).start()
        return 0

    lax.fori_loop(0, _NCH // 3, group, 0)
    for p in range(3):
        _scatter(p).wait()
    plsc.subcore_barrier()
    pltpu.sync_copy(acc.at[pl.ds(sid * _RPS, _RPS)],
                    out_hbm.at[cid, pl.ds(sid * _RPS, _RPS)])


def _segsum(xcur, src, dst):
    mesh = plsc.VectorSubcoreMesh(core_axis_name="c", subcore_axis_name="s",
                                  num_cores=_NC, num_subcores=_NS)
    f = pl.kernel(
        _segsum_body,
        out_type=jax.ShapeDtypeStruct((_NC, _NP, _D), jnp.float32),
        mesh=mesh,
        scratch_types=[
            pltpu.VMEM_SHARED((_NP, _D), jnp.float32),
            [pltpu.VMEM((_K,), jnp.int32)] * 3,
            [pltpu.VMEM((_K,), jnp.int32)] * 3,
            [pltpu.VMEM((_K, _D), jnp.float32)] * 3,
            pltpu.SemaphoreType.DMA((3,)),
            pltpu.SemaphoreType.DMA((3,)),
            pltpu.SemaphoreType.DMA((3,)),
            pltpu.SemaphoreType.DMA((3,)),
        ],
    )
    return f(xcur, src, dst)


_BR = 1000


def _init_tc(x, w0, b0):
    def body(x_ref, w_ref, b_ref, o_ref):
        h = jnp.dot(x_ref[...], w_ref[...],
                    preferred_element_type=jnp.float32) + b_ref[...]
        o_ref[...] = jnp.maximum(h, 0.0)

    return pl.pallas_call(
        body,
        grid=(_N // _BR,),
        in_specs=[pl.BlockSpec((_BR, _D), lambda i: (i, 0)),
                  pl.BlockSpec((_D, _D), lambda i: (0, 0)),
                  pl.BlockSpec((1, _D), lambda i: (0, 0))],
        out_specs=pl.BlockSpec((_BR, _D), lambda i: (i, 0)),
        out_shape=jax.ShapeDtypeStruct((_N, _D), jnp.float32),
    )(x, w0, b0.reshape(1, _D))


def _layer_tc(parts, x0, xcur, w, beta):
    def body(p_ref, x0_ref, xc_ref, w_ref, o_ref):
        agg = p_ref[0] + p_ref[1]
        t = (1.0 - _ALPHA) * agg + _ALPHA * x0_ref[...]
        out = (1.0 - beta) * t + beta * jnp.dot(
            t, w_ref[...], preferred_element_type=jnp.float32)
        o_ref[...] = jnp.maximum(out + xc_ref[...], 0.0)

    return pl.pallas_call(
        body,
        grid=(_N // _BR,),
        in_specs=[pl.BlockSpec((_NC, _BR, _D), lambda i: (0, i, 0)),
                  pl.BlockSpec((_BR, _D), lambda i: (i, 0)),
                  pl.BlockSpec((_BR, _D), lambda i: (i, 0)),
                  pl.BlockSpec((_D, _D), lambda i: (0, 0))],
        out_specs=pl.BlockSpec((_BR, _D), lambda i: (i, 0)),
        out_shape=jax.ShapeDtypeStruct((_N, _D), jnp.float32),
    )(parts, x0, xcur, w)


def _final_tc(xcur, w1, b1):
    def body(x_ref, w_ref, b_ref, o_ref):
        logits = jnp.dot(x_ref[...], w_ref[...],
                         preferred_element_type=jnp.float32) + b_ref[...]
        m = jnp.max(logits, axis=1, keepdims=True)
        z = logits - m
        lse = jnp.log(jnp.sum(jnp.exp(z), axis=1, keepdims=True))
        o_ref[...] = z - lse

    return pl.pallas_call(
        body,
        grid=(_N // _BR,),
        in_specs=[pl.BlockSpec((_BR, _D), lambda i: (i, 0)),
                  pl.BlockSpec((_D, _C), lambda i: (0, 0)),
                  pl.BlockSpec((1, _C), lambda i: (0, 0))],
        out_specs=pl.BlockSpec((_BR, _C), lambda i: (i, 0)),
        out_shape=jax.ShapeDtypeStruct((_N, _C), jnp.float32),
    )(xcur, w1, b1.reshape(1, _C))


def kernel(x, edge_index, w0, b0, conv_w, w1, b1):
    e = edge_index.reshape(2, _NW, _EPW)
    src = jnp.concatenate(
        [e[0], jnp.zeros((_NW, _PAD), jnp.int32)], axis=1).reshape(-1)
    dst = jnp.concatenate(
        [e[1], jnp.full((_NW, _PAD), _TRASH, jnp.int32)], axis=1).reshape(-1)
    h = _init_tc(x, w0, b0)
    x0 = h
    xcur = h
    for layer in range(_LAYERS):
        beta = math.log(1.0 / (layer + 1) + 1.0)
        parts = _segsum(xcur, src, dst)
        xcur = _layer_tc(parts, x0, xcur, conv_w[layer], beta)
    return _final_tc(xcur, w1, b1)

# --- scband reference (transcript-rebuilt; emitter-appended) ---
"""Pipeline reference for scband-gana-gcn2-27522150433355 (READ-ONLY COPY).

The authoritative reference and input builder live on the scoring server;
editing this copy changes nothing except your own understanding.
"""

import jax, jax.numpy as jnp
import numpy as np
import math

N = 10000
E = 320000
D_IN = 128
HID = 128
NUM_CLASSES = 64
NUM_LAYERS = 4
ALPHA = 0.5
THETA = 1.0


def setup_inputs(seed: int = 0) -> dict:
    key = jax.random.key(seed)
    ks = jax.random.split(key, 8)
    x = jax.random.normal(ks[0], (N, D_IN), dtype=jnp.float32)
    edge_index = jax.random.randint(ks[1], (2, E), 0, N, dtype=jnp.int32)
    w0 = jax.random.normal(ks[2], (D_IN, HID), dtype=jnp.float32) / math.sqrt(D_IN)
    b0 = jnp.zeros((HID,), dtype=jnp.float32)
    conv_w = jax.random.normal(ks[3], (NUM_LAYERS, HID, HID), dtype=jnp.float32) / math.sqrt(HID)
    w1 = jax.random.normal(ks[4], (HID, NUM_CLASSES), dtype=jnp.float32) / math.sqrt(HID)
    b1 = jnp.zeros((NUM_CLASSES,), dtype=jnp.float32)
    return {"x": x, "edge_index": edge_index, "w0": w0, "b0": b0, "conv_w": conv_w, "w1": w1, "b1": b1}


def reference(x, edge_index, w0, b0, conv_w, w1, b1):
    # dropout is identity (p=0.0 / eval mode)
    h = jnp.dot(x, w0) + b0
    h = jax.nn.relu(h)
    x0 = h
    xcur = h
    src = edge_index[0]
    dst = edge_index[1]
    for layer in range(NUM_LAYERS):
        beta = math.log(THETA / (layer + 1) + 1.0)
        # GCN2Conv, normalize=False: propagate = unnormalized scatter-add of neighbor features
        agg = jax.ops.segment_sum(xcur[src], dst, num_segments=N)
        t = (1.0 - ALPHA) * agg + ALPHA * x0
        # shared_weights=True: out = (1-beta)*t + beta*(t @ W)
        out = (1.0 - beta) * t + beta * jnp.dot(t, conv_w[layer])
        xcur = jax.nn.relu(out + xcur)
    logits = jnp.dot(xcur, w1) + b1
    return jax.nn.log_softmax(logits, axis=1)

if __name__ == "__main__":
    import jax
    _d = setup_inputs()
    print(jax.jit(kernel)(*tuple(_d.values())))

</pallas_src>

<mosaic_0001>
#map = affine_map<(d0, d1) -> (0, 0)>
#map1 = affine_map<(d0, d1) -> (0)>
#map2 = affine_map<(d0, d1) -> (0, 0, 0)>
module attributes {stable_mosaic.version = 14 : i64} {
  func.func @_segsum_body(%arg0: i32, %arg1: i32, %arg2: memref<10000x128xf32, #tpu.memory_space<hbm>>, %arg3: memref<322560xi32, #tpu.memory_space<hbm>>, %arg4: memref<322560xi32, #tpu.memory_space<hbm>>, %arg5: memref<2x10240x128xf32, #tpu.memory_space<hbm>>, %arg6: memref<10240x128xf32, #tpu.memory_space<vmem_shared>>, %arg7: memref<96xi32, #tpu.memory_space<vmem>>, %arg8: memref<96xi32, #tpu.memory_space<vmem>>, %arg9: memref<96xi32, #tpu.memory_space<vmem>>, %arg10: memref<96xi32, #tpu.memory_space<vmem>>, %arg11: memref<96xi32, #tpu.memory_space<vmem>>, %arg12: memref<96xi32, #tpu.memory_space<vmem>>, %arg13: memref<96x128xf32, #tpu.memory_space<vmem>>, %arg14: memref<96x128xf32, #tpu.memory_space<vmem>>, %arg15: memref<96x128xf32, #tpu.memory_space<vmem>>, %arg16: memref<3x!tpu.dma_semaphore, #tpu.memory_space<semaphore_mem>>, %arg17: memref<3x!tpu.dma_semaphore, #tpu.memory_space<semaphore_mem>>, %arg18: memref<3x!tpu.dma_semaphore, #tpu.memory_space<semaphore_mem>>, %arg19: memref<3x!tpu.dma_semaphore, #tpu.memory_space<semaphore_mem>>) attributes {dimension_semantics = [#tpu.dimension_semantics<core_parallel>, #tpu.dimension_semantics<subcore_parallel>], iteration_bounds = array<i64: 2, 16>, scalar_prefetch = 0 : i64, scratch_operands = 14 : i64, tpu.core_type = #tpu.core_type<sc_vector_subcore>, window_params = [{transform_indices = #map}, {transform_indices = #map1}, {transform_indices = #map1}, {transform_indices = #map2}]} {
    %mul3A = arith.constant 16 : i32
    %mul3A_0 = arith.muli %arg0, %mul3A : i32
    %add3A = arith.addi %mul3A_0, %arg1 : i32
    %broadcast_in_dim3A = arith.constant 0.000000e+00 : f32
    %broadcast_in_dim3A_1 = vector.broadcast %broadcast_in_dim3A : f32 to vector<16xf32>
    %scan3A = arith.constant 0 : i32
    %scan3A_2 = arith.constant 0 : i32
    %scan3A_3 = arith.constant 768 : i32
    %scan3A_4 = arith.addi %scan3A_2, %scan3A_3 : i32
    %scan3A_5 = arith.constant 1 : i32
    %scan3A_6 = scf.for %scan3A_110 = %scan3A_2 to %scan3A_4 step %scan3A_5 iter_args(%scan3A_111 = %scan3A) -> (i32)  : i32 {
      %jit3A = arith.constant 8 : i32
      %div3A = arith.divsi %scan3A_110, %jit3A : i32
      %sign3A = arith.constant 0 : i32
      %sign3A_112 = arith.cmpi sgt, %scan3A_110, %sign3A : i32
      %sign3A_113 = arith.extui %sign3A_112 : i1 to i32
      %sign3A_114 = arith.constant 0 : i32
      %sign3A_115 = arith.cmpi slt, %scan3A_110, %sign3A_114 : i32
      %sign3A_116 = arith.extui %sign3A_115 : i1 to i32
      %sign3A_117 = arith.subi %sign3A_113, %sign3A_116 : i32
      %sign3A_118 = arith.constant 0 : i32
      %sign3A_119 = arith.cmpi sgt, %jit3A, %sign3A_118 : i32
      %sign3A_120 = arith.extui %sign3A_119 : i1 to i32
      %sign3A_121 = arith.constant 0 : i32
      %sign3A_122 = arith.cmpi slt, %jit3A, %sign3A_121 : i32
      %sign3A_123 = arith.extui %sign3A_122 : i1 to i32
      %sign3A_124 = arith.subi %sign3A_120, %sign3A_123 : i32
      %ne3A = arith.cmpi ne, %sign3A_117, %sign3A_124 : i32
      %rem3A = arith.remsi %scan3A_110, %jit3A : i32
      %ne3A_125 = arith.constant 0 : i32
      %ne3A_126 = arith.cmpi ne, %rem3A, %ne3A_125 : i32
      %and3A = arith.andi %ne3A, %ne3A_126 : i1
      %sub3A = arith.constant 1 : i32
      %sub3A_127 = arith.subi %div3A, %sub3A : i32
      %select_n3A = arith.select %and3A, %sub3A_127, %div3A : i32
      %jit3A_128 = arith.constant 8 : i32
      %eq3A = arith.constant 0 : i32
      %eq3A_129 = arith.cmpi eq, %jit3A_128, %eq3A : i32
      %jit3A_130 = arith.constant 1 : i32
      %select_n3A_131 = arith.select %eq3A_129, %jit3A_130, %jit3A_128 : i32
      %rem3A_132 = arith.remsi %scan3A_110, %select_n3A_131 : i32
      %ne3A_133 = arith.constant 0 : i32
      %ne3A_134 = arith.cmpi ne, %rem3A_132, %ne3A_133 : i32
      %lt3A = arith.constant 0 : i32
      %lt3A_135 = arith.cmpi slt, %rem3A_132, %lt3A : i32
      %lt3A_136 = arith.constant 0 : i32
      %lt3A_137 = arith.cmpi slt, %select_n3A_131, %lt3A_136 : i32
      %ne3A_138 = arith.xori %lt3A_135, %lt3A_137 : i1
      %and3A_139 = arith.andi %ne3A_138, %ne3A_134 : i1
      %add3A_140 = arith.addi %rem3A_132, %select_n3A_131 : i32
      %select_n3A_141 = arith.select %and3A_139, %add3A_140, %rem3A_132 : i32
      %mul3A_142 = arith.constant 16 : i32
      %mul3A_143 = arith.muli %select_n3A_141, %mul3A_142 : i32
      %swap3A = arith.index_cast %select_n3A : i32 to index
      %swap3A_144 = arith.index_cast %mul3A_143 : i32 to index
      %swap3A_145 = tpu.vector_load %arg13[%swap3A, %swap3A_144] {strides = array<i32>} : memref<96x128xf32, #tpu.memory_space<vmem>>, vector<1x16xf32>,
      %swap3A_146 = vector.shape_cast %swap3A_145 : vector<1x16xf32> to vector<16xf32>
      %swap3A_147 = vector.shape_cast %broadcast_in_dim3A_1 : vector<16xf32> to vector<1x16xf32>
      tpu.vector_store %arg13[%swap3A, %swap3A_144], %swap3A_147 {strides = array<i32>} : memref<96x128xf32, #tpu.memory_space<vmem>>, vector<1x16xf32>,
      %scan3A_148 = arith.constant 0 : i32
      scf.yield %scan3A_148 : i32
    }
    %scan3A_7 = arith.constant 768 : i32
    %scan3A_8 = arith.constant 0 : i32
    %scan3A_9 = arith.constant 0 : i32
    %scan3A_10 = arith.constant 6 : i32
    %scan3A_11 = arith.addi %scan3A_9, %scan3A_10 : i32
    %scan3A_12 = arith.constant 1 : i32
    %scan3A_13 = scf.for %scan3A_110 = %scan3A_9 to %scan3A_11 step %scan3A_12 iter_args(%scan3A_111 = %scan3A_8) -> (i32)  : i32 {
      %mul3A_112 = arith.constant 640 : i32
      %mul3A_113 = arith.muli %arg1, %mul3A_112 : i32
      %mul3A_114 = arith.constant 96 : i32
      %mul3A_115 = arith.muli %scan3A_110, %mul3A_114 : i32
      %add3A_116 = arith.addi %mul3A_113, %mul3A_115 : i32
      "tpu.region"() ({
        %run_scoped3A = tpu.sem_alloc : memref<!tpu.dma_semaphore, #tpu.memory_space<semaphore_mem>>
        %dma_start3A_118 = arith.constant 0 : i32
        %dma_start3A_119 = tpu.memref_slice %arg6[%add3A_116, %dma_start3A_118] : memref<10240x128xf32, #tpu.memory_space<vmem_shared>> -> memref<96x128xf32, #tpu.memory_space<vmem_shared>>
        %dma_start3A_120 = arith.constant 0 : i32
        %dma_start3A_121 = tpu.memref_slice %arg6[%add3A_116, %dma_start3A_120] : memref<10240x128xf32, #tpu.memory_space<vmem_shared>> -> memref<96x128xf32, #tpu.memory_space<vmem_shared>>
        tpu.enqueue_dma source(%arg13 : memref<96x128xf32, #tpu.memory_space<vmem>>) target(%dma_start3A_121 : memref<96x128xf32, #tpu.memory_space<vmem_shared>>) target_semaphore(%run_scoped3A : memref<!tpu.dma_semaphore, #tpu.memory_space<semaphore_mem>>)
        %dma_wait3A_122 = arith.constant 0 : i32
        %dma_wait3A_123 = tpu.memref_slice %arg6[%add3A_116, %dma_wait3A_122] : memref<10240x128xf32, #tpu.memory_space<vmem_shared>> -> memref<96x128xf32, #tpu.memory_space<vmem_shared>>
        %dma_wait3A_124 = arith.constant 0 : i32
        %dma_wait3A_125 = tpu.memref_slice %arg6[%add3A_116, %dma_wait3A_124] : memref<10240x128xf32, #tpu.memory_space<vmem_shared>> -> memref<96x128xf32, #tpu.memory_space<vmem_shared>>
        tpu.wait_dma2 semaphore(%run_scoped3A : memref<!tpu.dma_semaphore, #tpu.memory_space<semaphore_mem>>) src(%arg13 : memref<96x128xf32, #tpu.memory_space<vmem>>) dst(%dma_wait3A_125 : memref<96x128xf32, #tpu.memory_space<vmem_shared>>)
        tpu.yield
      }) : () -> ()
      %scan3A_117 = arith.constant 0 : i32
      scf.yield %scan3A_117 : i32
    }
    %scan3A_14 = arith.constant 6 : i32
    %mul3A_15 = arith.constant 640 : i32
    %mul3A_16 = arith.muli %arg1, %mul3A_15 : i32
    %add3A_17 = arith.constant 576 : i32
    %add3A_18 = arith.addi %mul3A_16, %add3A_17 : i32
    "tpu.region"() ({
      %run_scoped3A = tpu.sem_alloc : memref<!tpu.dma_semaphore, #tpu.memory_space<semaphore_mem>>
      %dma_start3A_110 = arith.constant 0 : i32
      %dma_start3A_111 = arith.constant 0 : i32
      %dma_start3A_112 = tpu.memref_slice %arg13[%dma_start3A_110, %dma_start3A_111] : memref<96x128xf32, #tpu.memory_space<vmem>> -> memref<64x128xf32, #tpu.memory_space<vmem>>
      %dma_start3A_113 = arith.constant 0 : i32
      %dma_start3A_114 = tpu.memref_slice %arg6[%add3A_18, %dma_start3A_113] : memref<10240x128xf32, #tpu.memory_space<vmem_shared>> -> memref<64x128xf32, #tpu.memory_space<vmem_shared>>
      %dma_start3A_115 = arith.constant 0 : i32
      %dma_start3A_116 = tpu.memref_slice %arg6[%add3A_18, %dma_start3A_115] : memref<10240x128xf32, #tpu.memory_space<vmem_shared>> -> memref<64x128xf32, #tpu.memory_space<vmem_shared>>
      %dma_start3A_117 = arith.constant 0 : i32
      %dma_start3A_118 = arith.constant 0 : i32
      %dma_start3A_119 = tpu.memref_slice %arg13[%dma_start3A_117, %dma_start3A_118] : memref<96x128xf32, #tpu.memory_space<vmem>> -> memref<64x128xf32, #tpu.memory_space<vmem>>
      tpu.enqueue_dma source(%dma_start3A_119 : memref<64x128xf32, #tpu.memory_space<vmem>>) target(%dma_start3A_116 : memref<64x128xf32, #tpu.memory_space<vmem_shared>>) target_semaphore(%run_scoped3A : memref<!tpu.dma_semaphore, #tpu.memory_space<semaphore_mem>>)
      %dma_wait3A_120 = arith.constant 0 : i32
      %dma_wait3A_121 = arith.constant 0 : i32
      %dma_wait3A_122 = tpu.memref_slice %arg13[%dma_wait3A_120, %dma_wait3A_121] : memref<96x128xf32, #tpu.memory_space<vmem>> -> memref<64x128xf32, #tpu.memory_space<vmem>>
      %dma_wait3A_123 = arith.constant 0 : i32
      %dma_wait3A_124 = tpu.memref_slice %arg6[%add3A_18, %dma_wait3A_123] : memref<10240x128xf32, #tpu.memory_space<vmem_shared>> -> memref<64x128xf32, #tpu.memory_space<vmem_shared>>
      %dma_wait3A_125 = arith.constant 0 : i32
      %dma_wait3A_126 = tpu.memref_slice %arg6[%add3A_18, %dma_wait3A_125] : memref<10240x128xf32, #tpu.memory_space<vmem_shared>> -> memref<64x128xf32, #tpu.memory_space<vmem_shared>>
      %dma_wait3A_127 = arith.constant 0 : i32
      %dma_wait3A_128 = arith.constant 0 : i32
      %dma_wait3A_129 = tpu.memref_slice %arg13[%dma_wait3A_127, %dma_wait3A_128] : memref<96x128xf32, #tpu.memory_space<vmem>> -> memref<64x128xf32, #tpu.memory_space<vmem>>
      tpu.wait_dma2 semaphore(%run_scoped3A : memref<!tpu.dma_semaphore, #tpu.memory_space<semaphore_mem>>) src(%dma_wait3A_129 : memref<64x128xf32, #tpu.memory_space<vmem>>) dst(%dma_wait3A_126 : memref<64x128xf32, #tpu.memory_space<vmem_shared>>)
      tpu.yield
    }) : () -> ()
    %mul3A_19 = arith.constant 10080 : i32
    %mul3A_20 = arith.muli %add3A, %mul3A_19 : i32
    %add3A_21 = arith.constant 0 : i32
    %add3A_22 = arith.addi %mul3A_20, %add3A_21 : i32
    %dma_start3A = arith.constant 0 : i32
    %dma_start3A_23 = tpu.memref_slice %arg3[%add3A_22] : memref<322560xi32, #tpu.memory_space<hbm>> -> memref<96xi32, #tpu.memory_space<hbm>>
    %dma_start3A_24 = tpu.memref_slice %arg17[%dma_start3A] : memref<3x!tpu.dma_semaphore, #tpu.memory_space<semaphore_mem>> -> memref<1x!tpu.dma_semaphore, #tpu.memory_space<semaphore_mem>>
    %dma_start3A_25 = tpu.memref_squeeze %dma_start3A_24 : memref<1x!tpu.dma_semaphore, #tpu.memory_space<semaphore_mem>> -> memref<!tpu.dma_semaphore, #tpu.memory_space<semaphore_mem>>
    %dma_start3A_26 = tpu.memref_slice %arg3[%add3A_22] : memref<322560xi32, #tpu.memory_space<hbm>> -> memref<96xi32, #tpu.memory_space<hbm>>
    tpu.enqueue_dma source(%dma_start3A_26 : memref<96xi32, #tpu.memory_space<hbm>>) target(%arg7 : memref<96xi32, #tpu.memory_space<vmem>>) target_semaphore(%dma_start3A_25 : memref<!tpu.dma_semaphore, #tpu.memory_space<semaphore_mem>>)
    %add3A_27 = arith.constant 96 : i32
    %add3A_28 = arith.addi %mul3A_20, %add3A_27 : i32
    %dma_start3A_29 = arith.constant 1 : i32
    %dma_start3A_30 = tpu.memref_slice %arg3[%add3A_28] : memref<322560xi32, #tpu.memory_space<hbm>> -> memref<96xi32, #tpu.memory_space<hbm>>
    %dma_start3A_31 = tpu.memref_slice %arg17[%dma_start3A_29] : memref<3x!tpu.dma_semaphore, #tpu.memory_space<semaphore_mem>> -> memref<1x!tpu.dma_semaphore, #tpu.memory_space<semaphore_mem>>
    %dma_start3A_32 = tpu.memref_squeeze %dma_start3A_31 : memref<1x!tpu.dma_semaphore, #tpu.memory_space<semaphore_mem>> -> memref<!tpu.dma_semaphore, #tpu.memory_space<semaphore_mem>>
    %dma_start3A_33 = tpu.memref_slice %arg3[%add3A_28] : memref<322560xi32, #tpu.memory_space<hbm>> -> memref<96xi32, #tpu.memory_space<hbm>>
    tpu.enqueue_dma source(%dma_start3A_33 : memref<96xi32, #tpu.memory_space<hbm>>) target(%arg8 : memref<96xi32, #tpu.memory_space<vmem>>) target_semaphore(%dma_start3A_32 : memref<!tpu.dma_semaphore, #tpu.memory_space<semaphore_mem>>)
    %add3A_34 = arith.constant 192 : i32
    %add3A_35 = arith.addi %mul3A_20, %add3A_34 : i32
    %dma_start3A_36 = arith.constant 2 : i32
    %dma_start3A_37 = tpu.memref_slice %arg3[%add3A_35] : memref<322560xi32, #tpu.memory_space<hbm>> -> memref<96xi32, #tpu.memory_space<hbm>>
    %dma_start3A_38 = tpu.memref_slice %arg17[%dma_start3A_36] : memref<3x!tpu.dma_semaphore, #tpu.memory_space<semaphore_mem>> -> memref<1x!tpu.dma_semaphore, #tpu.memory_space<semaphore_mem>>
    %dma_start3A_39 = tpu.memref_squeeze %dma_start3A_38 : memref<1x!tpu.dma_semaphore, #tpu.memory_space<semaphore_mem>> -> memref<!tpu.dma_semaphore, #tpu.memory_space<semaphore_mem>>
    %dma_start3A_40 = tpu.memref_slice %arg3[%add3A_35] : memref<322560xi32, #tpu.memory_space<hbm>> -> memref<96xi32, #tpu.memory_space<hbm>>
    tpu.enqueue_dma source(%dma_start3A_40 : memref<96xi32, #tpu.memory_space<hbm>>) target(%arg9 : memref<96xi32, #tpu.memory_space<vmem>>) target_semaphore(%dma_start3A_39 : memref<!tpu.dma_semaphore, #tpu.memory_space<semaphore_mem>>)
    %add3A_41 = arith.constant 0 : i32
    %add3A_42 = arith.addi %mul3A_20, %add3A_41 : i32
    %dma_start3A_43 = arith.constant 0 : i32
    %dma_start3A_44 = tpu.memref_slice %arg4[%add3A_42] : memref<322560xi32, #tpu.memory_space<hbm>> -> memref<96xi32, #tpu.memory_space<hbm>>
    %dma_start3A_45 = tpu.memref_slice %arg18[%dma_start3A_43] : memref<3x!tpu.dma_semaphore, #tpu.memory_space<semaphore_mem>> -> memref<1x!tpu.dma_semaphore, #tpu.memory_space<semaphore_mem>>
    %dma_start3A_46 = tpu.memref_squeeze %dma_start3A_45 : memref<1x!tpu.dma_semaphore, #tpu.memory_space<semaphore_mem>> -> memref<!tpu.dma_semaphore, #tpu.memory_space<semaphore_mem>>
    %dma_start3A_47 = tpu.memref_slice %arg4[%add3A_42] : memref<322560xi32, #tpu.memory_space<hbm>> -> memref<96xi32, #tpu.memory_space<hbm>>
    tpu.enqueue_dma source(%dma_start3A_47 : memref<96xi32, #tpu.memory_space<hbm>>) target(%arg10 : memref<96xi32, #tpu.memory_space<vmem>>) target_semaphore(%dma_start3A_46 : memref<!tpu.dma_semaphore, #tpu.memory_space<semaphore_mem>>)
    %add3A_48 = arith.constant 96 : i32
    %add3A_49 = arith.addi %mul3A_20, %add3A_48 : i32
    %dma_start3A_50 = arith.constant 1 : i32
    %dma_start3A_51 = tpu.memref_slice %arg4[%add3A_49] : memref<322560xi32, #tpu.memory_space<hbm>> -> memref<96xi32, #tpu.memory_space<hbm>>
    %dma_start3A_52 = tpu.memref_slice %arg18[%dma_start3A_50] : memref<3x!tpu.dma_semaphore, #tpu.memory_space<semaphore_mem>> -> memref<1x!tpu.dma_semaphore, #tpu.memory_space<semaphore_mem>>
    %dma_start3A_53 = tpu.memref_squeeze %dma_start3A_52 : memref<1x!tpu.dma_semaphore, #tpu.memory_space<semaphore_mem>> -> memref<!tpu.dma_semaphore, #tpu.memory_space<semaphore_mem>>
    %dma_start3A_54 = tpu.memref_slice %arg4[%add3A_49] : memref<322560xi32, #tpu.memory_space<hbm>> -> memref<96xi32, #tpu.memory_space<hbm>>
    tpu.enqueue_dma source(%dma_start3A_54 : memref<96xi32, #tpu.memory_space<hbm>>) target(%arg11 : memref<96xi32, #tpu.memory_space<vmem>>) target_semaphore(%dma_start3A_53 : memref<!tpu.dma_semaphore, #tpu.memory_space<semaphore_mem>>)
    %add3A_55 = arith.constant 0 : i32
    %add3A_56 = arith.addi %mul3A_20, %add3A_55 : i32
    %dma_wait3A = arith.constant 0 : i32
    %dma_wait3A_57 = tpu.memref_slice %arg3[%add3A_56] : memref<322560xi32, #tpu.memory_space<hbm>> -> memref<96xi32, #tpu.memory_space<hbm>>
    %dma_wait3A_58 = tpu.memref_slice %arg17[%dma_wait3A] : memref<3x!tpu.dma_semaphore, #tpu.memory_space<semaphore_mem>> -> memref<1x!tpu.dma_semaphore, #tpu.memory_space<semaphore_mem>>
    %dma_wait3A_59 = tpu.memref_squeeze %dma_wait3A_58 : memref<1x!tpu.dma_semaphore, #tpu.memory_space<semaphore_mem>> -> memref<!tpu.dma_semaphore, #tpu.memory_space<semaphore_mem>>
    %dma_wait3A_60 = tpu.memref_slice %arg3[%add3A_56] : memref<322560xi32, #tpu.memory_space<hbm>> -> memref<96xi32, #tpu.memory_space<hbm>>
    tpu.wait_dma2 semaphore(%dma_wait3A_59 : memref<!tpu.dma_semaphore, #tpu.memory_space<semaphore_mem>>) src(%dma_wait3A_60 : memref<96xi32, #tpu.memory_space<hbm>>) dst(%arg7 : memref<96xi32, #tpu.memory_space<vmem>>)
    %dma_start3A_61 = arith.constant 0 : i32
    %dma_start3A_62 = arith.constant 0 : i32
    %dma_start3A_63 = arith.constant 0 : i32
    %dma_start3A_64 = tpu.memref_slice %arg2[%dma_start3A_62, %dma_start3A_63] : memref<10000x128xf32, #tpu.memory_space<hbm>> -> memref<10000x128xf32, #tpu.memory_space<hbm>>
    %dma_start3A_65 = tpu.memref_slice %arg16[%dma_start3A_61] : memref<3x!tpu.dma_semaphore, #tpu.memory_space<semaphore_mem>> -> memref<1x!tpu.dma_semaphore, #tpu.memory_space<semaphore_mem>>
    %dma_start3A_66 = tpu.memref_squeeze %dma_start3A_65 : memref<1x!tpu.dma_semaphore, #tpu.memory_space<semaphore_mem>> -> memref<!tpu.dma_semaphore, #tpu.memory_space<semaphore_mem>>
    tpu.enqueue_indirect_dma source(%dma_start3A_64 : memref<10000x128xf32, #tpu.memory_space<hbm>>) target(%arg13 : memref<96x128xf32, #tpu.memory_space<vmem>>) offsets(%arg7 : memref<96xi32, #tpu.memory_space<vmem>>) semaphore(%dma_start3A_66 : memref<!tpu.dma_semaphore, #tpu.memory_space<semaphore_mem>>)
    %add3A_67 = arith.constant 96 : i32
    %add3A_68 = arith.addi %mul3A_20, %add3A_67 : i32
    %dma_wait3A_69 = arith.constant 1 : i32
    %dma_wait3A_70 = tpu.memref_slice %arg3[%add3A_68] : memref<322560xi32, #tpu.memory_space<hbm>> -> memref<96xi32, #tpu.memory_space<hbm>>
    %dma_wait3A_71 = tpu.memref_slice %arg17[%dma_wait3A_69] : memref<3x!tpu.dma_semaphore, #tpu.memory_space<semaphore_mem>> -> memref<1x!tpu.dma_semaphore, #tpu.memory_space<semaphore_mem>>
    %dma_wait3A_72 = tpu.memref_squeeze %dma_wait3A_71 : memref<1x!tpu.dma_semaphore, #tpu.memory_space<semaphore_mem>> -> memref<!tpu.dma_semaphore, #tpu.memory_space<semaphore_mem>>
    %dma_wait3A_73 = tpu.memref_slice %arg3[%add3A_68] : memref<322560xi32, #tpu.memory_space<hbm>> -> memref<96xi32, #tpu.memory_space<hbm>>
    tpu.wait_dma2 semaphore(%dma_wait3A_72 : memref<!tpu.dma_semaphore, #tpu.memory_space<semaphore_mem>>) src(%dma_wait3A_73 : memref<96xi32, #tpu.memory_space<hbm>>) dst(%arg8 : memref<96xi32, #tpu.memory_space<vmem>>)
    %dma_start3A_74 = arith.constant 1 : i32
    %dma_start3A_75 = arith.constant 0 : i32
    %dma_start3A_76 = arith.constant 0 : i32
    %dma_start3A_77 = tpu.memref_slice %arg2[%dma_start3A_75, %dma_start3A_76] : memref<10000x128xf32, #tpu.memory_space<hbm>> -> memref<10000x128xf32, #tpu.memory_space<hbm>>
    %dma_start3A_78 = tpu.memref_slice %arg16[%dma_start3A_74] : memref<3x!tpu.dma_semaphore, #tpu.memory_space<semaphore_mem>> -> memref<1x!tpu.dma_semaphore, #tpu.memory_space<semaphore_mem>>
    %dma_start3A_79 = tpu.memref_squeeze %dma_start3A_78 : memref<1x!tpu.dma_semaphore, #tpu.memory_space<semaphore_mem>> -> memref<!tpu.dma_semaphore, #tpu.memory_space<semaphore_mem>>
    tpu.enqueue_indirect_dma source(%dma_start3A_77 : memref<10000x128xf32, #tpu.memory_space<hbm>>) target(%arg14 : memref<96x128xf32, #tpu.memory_space<vmem>>) offsets(%arg8 : memref<96xi32, #tpu.memory_space<vmem>>) semaphore(%dma_start3A_79 : memref<!tpu.dma_semaphore, #tpu.memory_space<semaphore_mem>>)
    %barrier3A = arith.constant 0 : index
    tpu.barrier barrier_id(%barrier3A)
    %scan3A_80 = arith.constant 0 : i32
    %scan3A_81 = arith.constant 0 : i32
    %scan3A_82 = arith.constant 35 : i32
    %scan3A_83 = arith.addi %scan3A_81, %scan3A_82 : i32
    %scan3A_84 = arith.constant 1 : i32
    %scan3A_85 = scf.for %scan3A_110 = %scan3A_81 to %scan3A_83 step %scan3A_84 iter_args(%scan3A_111 = %scan3A_80) -> (i32)  : i32 {
      %mul3A_112 = arith.constant 3 : i32
      %mul3A_113 = arith.muli %scan3A_110, %mul3A_112 : i32
      %add3A_114 = arith.constant 0 : i32
      %add3A_115 = arith.addi %mul3A_113, %add3A_114 : i32
      %dma_wait3A_116 = arith.constant 0 : i32
      %dma_wait3A_117 = arith.constant 0 : i32
      %dma_wait3A_118 = arith.constant 0 : i32
      %dma_wait3A_119 = tpu.memref_slice %arg2[%dma_wait3A_117, %dma_wait3A_118] : memref<10000x128xf32, #tpu.memory_space<hbm>> -> memref<10000x128xf32, #tpu.memory_space<hbm>>
      %dma_wait3A_120 = tpu.memref_slice %arg16[%dma_wait3A_116] : memref<3x!tpu.dma_semaphore, #tpu.memory_space<semaphore_mem>> -> memref<1x!tpu.dma_semaphore, #tpu.memory_space<semaphore_mem>>
      %dma_wait3A_121 = tpu.memref_squeeze %dma_wait3A_120 : memref<1x!tpu.dma_semaphore, #tpu.memory_space<semaphore_mem>> -> memref<!tpu.dma_semaphore, #tpu.memory_space<semaphore_mem>>
      tpu.wait_indirect_dma semaphore(%dma_wait3A_121 : memref<!tpu.dma_semaphore, #tpu.memory_space<semaphore_mem>>) src(%dma_wait3A_119 : memref<10000x128xf32, #tpu.memory_space<hbm>>) dst(%arg13 : memref<96x128xf32, #tpu.memory_space<vmem>>)
      %ge3A = arith.constant 1 : i32
      %ge3A_122 = arith.cmpi sge, %add3A_115, %ge3A : i32
      %add3A_123 = arith.constant 2 : i32
      %add3A_124 = arith.addi %add3A_115, %add3A_123 : i32
      %lt3A = arith.constant 105 : i32
      %lt3A_125 = arith.cmpi slt, %add3A_124, %lt3A : i32
      %and3A = arith.andi %ge3A_122, %lt3A_125 : i1
      %convert_element_type3A = arith.extui %and3A : i1 to i32
      %cond3A = arith.constant 0 : i32
      %cond3A_126 = arith.cmpi ne, %convert_element_type3A, %cond3A : i32
      scf.if %cond3A_126 {
        %dma_wait3A_252 = arith.constant 2 : i32
        %dma_wait3A_253 = arith.constant 0 : i32
        %dma_wait3A_254 = arith.constant 0 : i32
        %dma_wait3A_255 = tpu.memref_slice %arg6[%dma_wait3A_253, %dma_wait3A_254] : memref<10240x128xf32, #tpu.memory_space<vmem_shared>> -> memref<10240x128xf32, #tpu.memory_space<vmem_shared>>
        %dma_wait3A_256 = tpu.memref_slice %arg19[%dma_wait3A_252] : memref<3x!tpu.dma_semaphore, #tpu.memory_space<semaphore_mem>> -> memref<1x!tpu.dma_semaphore, #tpu.memory_space<semaphore_mem>>
        %dma_wait3A_257 = tpu.memref_squeeze %dma_wait3A_256 : memref<1x!tpu.dma_semaphore, #tpu.memory_space<semaphore_mem>> -> memref<!tpu.dma_semaphore, #tpu.memory_space<semaphore_mem>>
        tpu.wait_indirect_dma semaphore(%dma_wait3A_257 : memref<!tpu.dma_semaphore, #tpu.memory_space<semaphore_mem>>) src(%arg15 : memref<96x128xf32, #tpu.memory_space<vmem>>) dst(%dma_wait3A_255 : memref<10240x128xf32, #tpu.memory_space<vmem_shared>>)
      } else {
      }
      %add3A_127 = arith.constant 2 : i32
      %add3A_128 = arith.addi %add3A_115, %add3A_127 : i32
      %lt3A_129 = arith.constant 105 : i32
      %lt3A_130 = arith.cmpi slt, %add3A_128, %lt3A_129 : i32
      %convert_element_type3A_131 = arith.extui %lt3A_130 : i1 to i32
      %cond3A_132 = arith.constant 0 : i32
      %cond3A_133 = arith.cmpi ne, %convert_element_type3A_131, %cond3A_132 : i32
      scf.if %cond3A_133 {
        %add3A_252 = arith.constant 2 : i32
        %add3A_253 = arith.addi %add3A_115, %add3A_252 : i32
        %mul3A_254 = arith.constant 96 : i32
        %mul3A_255 = arith.muli %add3A_253, %mul3A_254 : i32
        %add3A_256 = arith.addi %mul3A_20, %mul3A_255 : i32
        %dma_start3A_257 = arith.constant 2 : i32
        %dma_start3A_258 = tpu.memref_slice %arg4[%add3A_256] : memref<322560xi32, #tpu.memory_space<hbm>> -> memref<96xi32, #tpu.memory_space<hbm>>
        %dma_start3A_259 = tpu.memref_slice %arg18[%dma_start3A_257] : memref<3x!tpu.dma_semaphore, #tpu.memory_space<semaphore_mem>> -> memref<1x!tpu.dma_semaphore, #tpu.memory_space<semaphore_mem>>
        %dma_start3A_260 = tpu.memref_squeeze %dma_start3A_259 : memref<1x!tpu.dma_semaphore, #tpu.memory_space<semaphore_mem>> -> memref<!tpu.dma_semaphore, #tpu.memory_space<semaphore_mem>>
        %dma_start3A_261 = tpu.memref_slice %arg4[%add3A_256] : memref<322560xi32, #tpu.memory_space<hbm>> -> memref<96xi32, #tpu.memory_space<hbm>>
        tpu.enqueue_dma source(%dma_start3A_261 : memref<96xi32, #tpu.memory_space<hbm>>) target(%arg12 : memref<96xi32, #tpu.memory_space<vmem>>) target_semaphore(%dma_start3A_260 : memref<!tpu.dma_semaphore, #tpu.memory_space<semaphore_mem>>)
        %add3A_262 = arith.constant 2 : i32
        %add3A_263 = arith.addi %add3A_115, %add3A_262 : i32
        %mul3A_264 = arith.constant 96 : i32
        %mul3A_265 = arith.muli %add3A_263, %mul3A_264 : i32
        %add3A_266 = arith.addi %mul3A_20, %mul3A_265 : i32
        %dma_wait3A_267 = arith.constant 2 : i32
        %dma_wait3A_268 = tpu.memref_slice %arg3[%add3A_266] : memref<322560xi32, #tpu.memory_space<hbm>> -> memref<96xi32, #tpu.memory_space<hbm>>
        %dma_wait3A_269 = tpu.memref_slice %arg17[%dma_wait3A_267] : memref<3x!tpu.dma_semaphore, #tpu.memory_space<semaphore_mem>> -> memref<1x!tpu.dma_semaphore, #tpu.memory_space<semaphore_mem>>
        %dma_wait3A_270 = tpu.memref_squeeze %dma_wait3A_269 : memref<1x!tpu.dma_semaphore, #tpu.memory_space<semaphore_mem>> -> memref<!tpu.dma_semaphore, #tpu.memory_space<semaphore_mem>>
        %dma_wait3A_271 = tpu.memref_slice %arg3[%add3A_266] : memref<322560xi32, #tpu.memory_space<hbm>> -> memref<96xi32, #tpu.memory_space<hbm>>
        tpu.wait_dma2 semaphore(%dma_wait3A_270 : memref<!tpu.dma_semaphore, #tpu.memory_space<semaphore_mem>>) src(%dma_wait3A_271 : memref<96xi32, #tpu.memory_space<hbm>>) dst(%arg9 : memref<96xi32, #tpu.memory_space<vmem>>)
        %add3A_272 = arith.constant 2 : i32
        %add3A_273 = arith.addi %add3A_115, %add3A_272 : i32
        %dma_start3A_274 = arith.constant 2 : i32
        %dma_start3A_275 = arith.constant 0 : i32
        %dma_start3A_276 = arith.constant 0 : i32
        %dma_start3A_277 = tpu.memref_slice %arg2[%dma_start3A_275, %dma_start3A_276] : memref<10000x128xf32, #tpu.memory_space<hbm>> -> memref<10000x128xf32, #tpu.memory_space<hbm>>
        %dma_start3A_278 = tpu.memref_slice %arg16[%dma_start3A_274] : memref<3x!tpu.dma_semaphore, #tpu.memory_space<semaphore_mem>> -> memref<1x!tpu.dma_semaphore, #tpu.memory_space<semaphore_mem>>
        %dma_start3A_279 = tpu.memref_squeeze %dma_start3A_278 : memref<1x!tpu.dma_semaphore, #tpu.memory_space<semaphore_mem>> -> memref<!tpu.dma_semaphore, #tpu.memory_space<semaphore_mem>>
        tpu.enqueue_indirect_dma source(%dma_start3A_277 : memref<10000x128xf32, #tpu.memory_space<hbm>>) target(%arg15 : memref<96x128xf32, #tpu.memory_space<vmem>>) offsets(%arg9 : memref<96xi32, #tpu.memory_space<vmem>>) semaphore(%dma_start3A_279 : memref<!tpu.dma_semaphore, #tpu.memory_space<semaphore_mem>>)
      } else {
      }
      %mul3A_134 = arith.constant 96 : i32
      %mul3A_135 = arith.muli %add3A_115, %mul3A_134 : i32
      %add3A_136 = arith.addi %mul3A_20, %mul3A_135 : i32
      %dma_wait3A_137 = arith.constant 0 : i32
      %dma_wait3A_138 = tpu.memref_slice %arg4[%add3A_136] : memref<322560xi32, #tpu.memory_space<hbm>> -> memref<96xi32, #tpu.memory_space<hbm>>
      %dma_wait3A_139 = tpu.memref_slice %arg18[%dma_wait3A_137] : memref<3x!tpu.dma_semaphore, #tpu.memory_space<semaphore_mem>> -> memref<1x!tpu.dma_semaphore, #tpu.memory_space<semaphore_mem>>
      %dma_wait3A_140 = tpu.memref_squeeze %dma_wait3A_139 : memref<1x!tpu.dma_semaphore, #tpu.memory_space<semaphore_mem>> -> memref<!tpu.dma_semaphore, #tpu.memory_space<semaphore_mem>>
      %dma_wait3A_141 = tpu.memref_slice %arg4[%add3A_136] : memref<322560xi32, #tpu.memory_space<hbm>> -> memref<96xi32, #tpu.memory_space<hbm>>
      tpu.wait_dma2 semaphore(%dma_wait3A_140 : memref<!tpu.dma_semaphore, #tpu.memory_space<semaphore_mem>>) src(%dma_wait3A_141 : memref<96xi32, #tpu.memory_space<hbm>>) dst(%arg10 : memref<96xi32, #tpu.memory_space<vmem>>)
      %dma_start3A_142 = arith.constant 0 : i32
      %dma_start3A_143 = arith.constant 0 : i32
      %dma_start3A_144 = arith.constant 0 : i32
      %dma_start3A_145 = tpu.memref_slice %arg6[%dma_start3A_143, %dma_start3A_144] : memref<10240x128xf32, #tpu.memory_space<vmem_shared>> -> memref<10240x128xf32, #tpu.memory_space<vmem_shared>>
      %dma_start3A_146 = tpu.memref_slice %arg19[%dma_start3A_142] : memref<3x!tpu.dma_semaphore, #tpu.memory_space<semaphore_mem>> -> memref<1x!tpu.dma_semaphore, #tpu.memory_space<semaphore_mem>>
      %dma_start3A_147 = tpu.memref_squeeze %dma_start3A_146 : memref<1x!tpu.dma_semaphore, #tpu.memory_space<semaphore_mem>> -> memref<!tpu.dma_semaphore, #tpu.memory_space<semaphore_mem>>
      tpu.enqueue_indirect_dma source(%arg13 : memref<96x128xf32, #tpu.memory_space<vmem>>) target(%dma_start3A_145 : memref<10240x128xf32, #tpu.memory_space<vmem_shared>>) offsets(%arg10 : memref<96xi32, #tpu.memory_space<vmem>>) semaphore(%dma_start3A_147 : memref<!tpu.dma_semaphore, #tpu.memory_space<semaphore_mem>>) {add = true}
      %add3A_148 = arith.constant 3 : i32
      %add3A_149 = arith.addi %add3A_115, %add3A_148 : i32
      %lt3A_150 = arith.constant 105 : i32
      %lt3A_151 = arith.cmpi slt, %add3A_149, %lt3A_150 : i32
      %convert_element_type3A_152 = arith.extui %lt3A_151 : i1 to i32
      %cond3A_153 = arith.constant 0 : i32
      %cond3A_154 = arith.cmpi ne, %convert_element_type3A_152, %cond3A_153 : i32
      scf.if %cond3A_154 {
        %add3A_252 = arith.constant 3 : i32
        %add3A_253 = arith.addi %add3A_115, %add3A_252 : i32
        %mul3A_254 = arith.constant 96 : i32
        %mul3A_255 = arith.muli %add3A_253, %mul3A_254 : i32
        %add3A_256 = arith.addi %mul3A_20, %mul3A_255 : i32
        %dma_start3A_257 = arith.constant 0 : i32
        %dma_start3A_258 = tpu.memref_slice %arg3[%add3A_256] : memref<322560xi32, #tpu.memory_space<hbm>> -> memref<96xi32, #tpu.memory_space<hbm>>
        %dma_start3A_259 = tpu.memref_slice %arg17[%dma_start3A_257] : memref<3x!tpu.dma_semaphore, #tpu.memory_space<semaphore_mem>> -> memref<1x!tpu.dma_semaphore, #tpu.memory_space<semaphore_mem>>
        %dma_start3A_260 = tpu.memref_squeeze %dma_start3A_259 : memref<1x!tpu.dma_semaphore, #tpu.memory_space<semaphore_mem>> -> memref<!tpu.dma_semaphore, #tpu.memory_space<semaphore_mem>>
        %dma_start3A_261 = tpu.memref_slice %arg3[%add3A_256] : memref<322560xi32, #tpu.memory_space<hbm>> -> memref<96xi32, #tpu.memory_space<hbm>>
        tpu.enqueue_dma source(%dma_start3A_261 : memref<96xi32, #tpu.memory_space<hbm>>) target(%arg7 : memref<96xi32, #tpu.memory_space<vmem>>) target_semaphore(%dma_start3A_260 : memref<!tpu.dma_semaphore, #tpu.memory_space<semaphore_mem>>)
      } else {
      }
      %mul3A_155 = arith.constant 3 : i32
      %mul3A_156 = arith.muli %scan3A_110, %mul3A_155 : i32
      %add3A_157 = arith.constant 1 : i32
      %add3A_158 = arith.addi %mul3A_156, %add3A_157 : i32
      %dma_wait3A_159 = arith.constant 1 : i32
      %dma_wait3A_160 = arith.constant 0 : i32
      %dma_wait3A_161 = arith.constant 0 : i32
      %dma_wait3A_162 = tpu.memref_slice %arg2[%dma_wait3A_160, %dma_wait3A_161] : memref<10000x128xf32, #tpu.memory_space<hbm>> -> memref<10000x128xf32, #tpu.memory_space<hbm>>
      %dma_wait3A_163 = tpu.memref_slice %arg16[%dma_wait3A_159] : memref<3x!tpu.dma_semaphore, #tpu.memory_space<semaphore_mem>> -> memref<1x!tpu.dma_semaphore, #tpu.memory_space<semaphore_mem>>
      %dma_wait3A_164 = tpu.memref_squeeze %dma_wait3A_163 : memref<1x!tpu.dma_semaphore, #tpu.memory_space<semaphore_mem>> -> memref<!tpu.dma_semaphore, #tpu.memory_space<semaphore_mem>>
      tpu.wait_indirect_dma semaphore(%dma_wait3A_164 : memref<!tpu.dma_semaphore, #tpu.memory_space<semaphore_mem>>) src(%dma_wait3A_162 : memref<10000x128xf32, #tpu.memory_space<hbm>>) dst(%arg14 : memref<96x128xf32, #tpu.memory_space<vmem>>)
      %ge3A_165 = arith.constant 1 : i32
      %ge3A_166 = arith.cmpi sge, %add3A_158, %ge3A_165 : i32
      %add3A_167 = arith.constant 2 : i32
      %add3A_168 = arith.addi %add3A_158, %add3A_167 : i32
      %lt3A_169 = arith.constant 105 : i32
      %lt3A_170 = arith.cmpi slt, %add3A_168, %lt3A_169 : i32
      %and3A_171 = arith.andi %ge3A_166, %lt3A_170 : i1
      %convert_element_type3A_172 = arith.extui %and3A_171 : i1 to i32
      %cond3A_173 = arith.constant 0 : i32
      %cond3A_174 = arith.cmpi ne, %convert_element_type3A_172, %cond3A_173 : i32
      scf.if %cond3A_174 {
        %dma_wait3A_252 = arith.constant 0 : i32
        %dma_wait3A_253 = arith.constant 0 : i32
        %dma_wait3A_254 = arith.constant 0 : i32
        %dma_wait3A_255 = tpu.memref_slice %arg6[%dma_wait3A_253, %dma_wait3A_254] : memref<10240x128xf32, #tpu.memory_space<vmem_shared>> -> memref<10240x128xf32, #tpu.memory_space<vmem_shared>>
        %dma_wait3A_256 = tpu.memref_slice %arg19[%dma_wait3A_252] : memref<3x!tpu.dma_semaphore, #tpu.memory_space<semaphore_mem>> -> memref<1x!tpu.dma_semaphore, #tpu.memory_space<semaphore_mem>>
        %dma_wait3A_257 = tpu.memref_squeeze %dma_wait3A_256 : memref<1x!tpu.dma_semaphore, #tpu.memory_space<semaphore_mem>> -> memref<!tpu.dma_semaphore, #tpu.memory_space<semaphore_mem>>
        tpu.wait_indirect_dma semaphore(%dma_wait3A_257 : memref<!tpu.dma_semaphore, #tpu.memory_space<semaphore_mem>>) src(%arg13 : memref<96x128xf32, #tpu.memory_space<vmem>>) dst(%dma_wait3A_255 : memref<10240x128xf32, #tpu.memory_space<vmem_shared>>)
      } else {
      }
      %add3A_175 = arith.constant 2 : i32
      %add3A_176 = arith.addi %add3A_158, %add3A_175 : i32
      %lt3A_177 = arith.constant 105 : i32
      %lt3A_178 = arith.cmpi slt, %add3A_176, %lt3A_177 : i32
      %convert_element_type3A_179 = arith.extui %lt3A_178 : i1 to i32
      %cond3A_180 = arith.constant 0 : i32
      %cond3A_181 = arith.cmpi ne, %convert_element_type3A_179, %cond3A_180 : i32
      scf.if %cond3A_181 {
        %add3A_252 = arith.constant 2 : i32
        %add3A_253 = arith.addi %add3A_158, %add3A_252 : i32
        %mul3A_254 = arith.constant 96 : i32
        %mul3A_255 = arith.muli %add3A_253, %mul3A_254 : i32
        %add3A_256 = arith.addi %mul3A_20, %mul3A_255 : i32
        %dma_start3A_257 = arith.constant 0 : i32
        %dma_start3A_258 = tpu.memref_slice %arg4[%add3A_256] : memref<322560xi32, #tpu.memory_space<hbm>> -> memref<96xi32, #tpu.memory_space<hbm>>
        %dma_start3A_259 = tpu.memref_slice %arg18[%dma_start3A_257] : memref<3x!tpu.dma_semaphore, #tpu.memory_space<semaphore_mem>> -> memref<1x!tpu.dma_semaphore, #tpu.memory_space<semaphore_mem>>
        %dma_start3A_260 = tpu.memref_squeeze %dma_start3A_259 : memref<1x!tpu.dma_semaphore, #tpu.memory_space<semaphore_mem>> -> memref<!tpu.dma_semaphore, #tpu.memory_space<semaphore_mem>>
        %dma_start3A_261 = tpu.memref_slice %arg4[%add3A_256] : memref<322560xi32, #tpu.memory_space<hbm>> -> memref<96xi32, #tpu.memory_space<hbm>>
        tpu.enqueue_dma source(%dma_start3A_261 : memref<96xi32, #tpu.memory_space<hbm>>) target(%arg10 : memref<96xi32, #tpu.memory_space<vmem>>) target_semaphore(%dma_start3A_260 : memref<!tpu.dma_semaphore, #tpu.memory_space<semaphore_mem>>)
        %add3A_262 = arith.constant 2 : i32
        %add3A_263 = arith.addi %add3A_158, %add3A_262 : i32
        %mul3A_264 = arith.constant 96 : i32
        %mul3A_265 = arith.muli %add3A_263, %mul3A_264 : i32
        %add3A_266 = arith.addi %mul3A_20, %mul3A_265 : i32
        %dma_wait3A_267 = arith.constant 0 : i32
        %dma_wait3A_268 = tpu.memref_slice %arg3[%add3A_266] : memref<322560xi32, #tpu.memory_space<hbm>> -> memref<96xi32, #tpu.memory_space<hbm>>
        %dma_wait3A_269 = tpu.memref_slice %arg17[%dma_wait3A_267] : memref<3x!tpu.dma_semaphore, #tpu.memory_space<semaphore_mem>> -> memref<1x!tpu.dma_semaphore, #tpu.memory_space<semaphore_mem>>
        %dma_wait3A_270 = tpu.memref_squeeze %dma_wait3A_269 : memref<1x!tpu.dma_semaphore, #tpu.memory_space<semaphore_mem>> -> memref<!tpu.dma_semaphore, #tpu.memory_space<semaphore_mem>>
        %dma_wait3A_271 = tpu.memref_slice %arg3[%add3A_266] : memref<322560xi32, #tpu.memory_space<hbm>> -> memref<96xi32, #tpu.memory_space<hbm>>
        tpu.wait_dma2 semaphore(%dma_wait3A_270 : memref<!tpu.dma_semaphore, #tpu.memory_space<semaphore_mem>>) src(%dma_wait3A_271 : memref<96xi32, #tpu.memory_space<hbm>>) dst(%arg7 : memref<96xi32, #tpu.memory_space<vmem>>)
        %add3A_272 = arith.constant 2 : i32
        %add3A_273 = arith.addi %add3A_158, %add3A_272 : i32
        %dma_start3A_274 = arith.constant 0 : i32
        %dma_start3A_275 = arith.constant 0 : i32
        %dma_start3A_276 = arith.constant 0 : i32
        %dma_start3A_277 = tpu.memref_slice %arg2[%dma_start3A_275, %dma_start3A_276] : memref<10000x128xf32, #tpu.memory_space<hbm>> -> memref<10000x128xf32, #tpu.memory_space<hbm>>
        %dma_start3A_278 = tpu.memref_slice %arg16[%dma_start3A_274] : memref<3x!tpu.dma_semaphore, #tpu.memory_space<semaphore_mem>> -> memref<1x!tpu.dma_semaphore, #tpu.memory_space<semaphore_mem>>
        %dma_start3A_279 = tpu.memref_squeeze %dma_start3A_278 : memref<1x!tpu.dma_semaphore, #tpu.memory_space<semaphore_mem>> -> memref<!tpu.dma_semaphore, #tpu.memory_space<semaphore_mem>>
        tpu.enqueue_indirect_dma source(%dma_start3A_277 : memref<10000x128xf32, #tpu.memory_space<hbm>>) target(%arg13 : memref<96x128xf32, #tpu.memory_space<vmem>>) offsets(%arg7 : memref<96xi32, #tpu.memory_space<vmem>>) semaphore(%dma_start3A_279 : memref<!tpu.dma_semaphore, #tpu.memory_space<semaphore_mem>>)
      } else {
      }
      %mul3A_182 = arith.constant 96 : i32
      %mul3A_183 = arith.muli %add3A_158, %mul3A_182 : i32
      %add3A_184 = arith.addi %mul3A_20, %mul3A_183 : i32
      %dma_wait3A_185 = arith.constant 1 : i32
      %dma_wait3A_186 = tpu.memref_slice %arg4[%add3A_184] : memref<322560xi32, #tpu.memory_space<hbm>> -> memref<96xi32, #tpu.memory_space<hbm>>
      %dma_wait3A_187 = tpu.memref_slice %arg18[%dma_wait3A_185] : memref<3x!tpu.dma_semaphore, #tpu.memory_space<semaphore_mem>> -> memref<1x!tpu.dma_semaphore, #tpu.memory_space<semaphore_mem>>
      %dma_wait3A_188 = tpu.memref_squeeze %dma_wait3A_187 : memref<1x!tpu.dma_semaphore, #tpu.memory_space<semaphore_mem>> -> memref<!tpu.dma_semaphore, #tpu.memory_space<semaphore_mem>>
      %dma_wait3A_189 = tpu.memref_slice %arg4[%add3A_184] : memref<322560xi32, #tpu.memory_space<hbm>> -> memref<96xi32, #tpu.memory_space<hbm>>
      tpu.wait_dma2 semaphore(%dma_wait3A_188 : memref<!tpu.dma_semaphore, #tpu.memory_space<semaphore_mem>>) src(%dma_wait3A_189 : memref<96xi32, #tpu.memory_space<hbm>>) dst(%arg11 : memref<96xi32, #tpu.memory_space<vmem>>)
      %dma_start3A_190 = arith.constant 1 : i32
      %dma_start3A_191 = arith.constant 0 : i32
      %dma_start3A_192 = arith.constant 0 : i32
      %dma_start3A_193 = tpu.memref_slice %arg6[%dma_start3A_191, %dma_start3A_192] : memref<10240x128xf32, #tpu.memory_space<vmem_shared>> -> memref<10240x128xf32, #tpu.memory_space<vmem_shared>>
      %dma_start3A_194 = tpu.memref_slice %arg19[%dma_start3A_190] : memref<3x!tpu.dma_semaphore, #tpu.memory_space<semaphore_mem>> -> memref<1x!tpu.dma_semaphore, #tpu.memory_space<semaphore_mem>>
      %dma_start3A_195 = tpu.memref_squeeze %dma_start3A_194 : memref<1x!tpu.dma_semaphore, #tpu.memory_space<semaphore_mem>> -> memref<!tpu.dma_semaphore, #tpu.memory_space<semaphore_mem>>
      tpu.enqueue_indirect_dma source(%arg14 : memref<96x128xf32, #tpu.memory_space<vmem>>) target(%dma_start3A_193 : memref<10240x128xf32, #tpu.memory_space<vmem_shared>>) offsets(%arg11 : memref<96xi32, #tpu.memory_space<vmem>>) semaphore(%dma_start3A_195 : memref<!tpu.dma_semaphore, #tpu.memory_space<semaphore_mem>>) {add = true}
      %add3A_196 = arith.constant 3 : i32
      %add3A_197 = arith.addi %add3A_158, %add3A_196 : i32
      %lt3A_198 = arith.constant 105 : i32
      %lt3A_199 = arith.cmpi slt, %add3A_197, %lt3A_198 : i32
      %convert_element_type3A_200 = arith.extui %lt3A_199 : i1 to i32
      %cond3A_201 = arith.constant 0 : i32
      %cond3A_202 = arith.cmpi ne, %convert_element_type3A_200, %cond3A_201 : i32
      scf.if %cond3A_202 {
        %add3A_252 = arith.constant 3 : i32
        %add3A_253 = arith.addi %add3A_158, %add3A_252 : i32
        %mul3A_254 = arith.constant 96 : i32
        %mul3A_255 = arith.muli %add3A_253, %mul3A_254 : i32
        %add3A_256 = arith.addi %mul3A_20, %mul3A_255 : i32
        %dma_start3A_257 = arith.constant 1 : i32
        %dma_start3A_258 = tpu.memref_slice %arg3[%add3A_256] : memref<322560xi32, #tpu.memory_space<hbm>> -> memref<96xi32, #tpu.memory_space<hbm>>
        %dma_start3A_259 = tpu.memref_slice %arg17[%dma_start3A_257] : memref<3x!tpu.dma_semaphore, #tpu.memory_space<semaphore_mem>> -> memref<1x!tpu.dma_semaphore, #tpu.memory_space<semaphore_mem>>
        %dma_start3A_260 = tpu.memref_squeeze %dma_start3A_259 : memref<1x!tpu.dma_semaphore, #tpu.memory_space<semaphore_mem>> -> memref<!tpu.dma_semaphore, #tpu.memory_space<semaphore_mem>>
        %dma_start3A_261 = tpu.memref_slice %arg3[%add3A_256] : memref<322560xi32, #tpu.memory_space<hbm>> -> memref<96xi32, #tpu.memory_space<hbm>>
        tpu.enqueue_dma source(%dma_start3A_261 : memref<96xi32, #tpu.memory_space<hbm>>) target(%arg8 : memref<96xi32, #tpu.memory_space<vmem>>) target_semaphore(%dma_start3A_260 : memref<!tpu.dma_semaphore, #tpu.memory_space<semaphore_mem>>)
      } else {
      }
      %mul3A_203 = arith.constant 3 : i32
      %mul3A_204 = arith.muli %scan3A_110, %mul3A_203 : i32
      %add3A_205 = arith.constant 2 : i32
      %add3A_206 = arith.addi %mul3A_204, %add3A_205 : i32
      %dma_wait3A_207 = arith.constant 2 : i32
      %dma_wait3A_208 = arith.constant 0 : i32
      %dma_wait3A_209 = arith.constant 0 : i32
      %dma_wait3A_210 = tpu.memref_slice %arg2[%dma_wait3A_208, %dma_wait3A_209] : memref<10000x128xf32, #tpu.memory_space<hbm>> -> memref<10000x128xf32, #tpu.memory_space<hbm>>
      %dma_wait3A_211 = tpu.memref_slice %arg16[%dma_wait3A_207] : memref<3x!tpu.dma_semaphore, #tpu.memory_space<semaphore_mem>> -> memref<1x!tpu.dma_semaphore, #tpu.memory_space<semaphore_mem>>
      %dma_wait3A_212 = tpu.memref_squeeze %dma_wait3A_211 : memref<1x!tpu.dma_semaphore, #tpu.memory_space<semaphore_mem>> -> memref<!tpu.dma_semaphore, #tpu.memory_space<semaphore_mem>>
      tpu.wait_indirect_dma semaphore(%dma_wait3A_212 : memref<!tpu.dma_semaphore, #tpu.memory_space<semaphore_mem>>) src(%dma_wait3A_210 : memref<10000x128xf32, #tpu.memory_space<hbm>>) dst(%arg15 : memref<96x128xf32, #tpu.memory_space<vmem>>)
      %ge3A_213 = arith.constant 1 : i32
      %ge3A_214 = arith.cmpi sge, %add3A_206, %ge3A_213 : i32
      %add3A_215 = arith.constant 2 : i32
      %add3A_216 = arith.addi %add3A_206, %add3A_215 : i32
      %lt3A_217 = arith.constant 105 : i32
      %lt3A_218 = arith.cmpi slt, %add3A_216, %lt3A_217 : i32
      %and3A_219 = arith.andi %ge3A_214, %lt3A_218 : i1
      %convert_element_type3A_220 = arith.extui %and3A_219 : i1 to i32
      %cond3A_221 = arith.constant 0 : i32
      %cond3A_222 = arith.cmpi ne, %convert_element_type3A_220, %cond3A_221 : i32
      scf.if %cond3A_222 {
        %dma_wait3A_252 = arith.constant 1 : i32
        %dma_wait3A_253 = arith.constant 0 : i32
        %dma_wait3A_254 = arith.constant 0 : i32
        %dma_wait3A_255 = tpu.memref_slice %arg6[%dma_wait3A_253, %dma_wait3A_254] : memref<10240x128xf32, #tpu.memory_space<vmem_shared>> -> memref<10240x128xf32, #tpu.memory_space<vmem_shared>>
        %dma_wait3A_256 = tpu.memref_slice %arg19[%dma_wait3A_252] : memref<3x!tpu.dma_semaphore, #tpu.memory_space<semaphore_mem>> -> memref<1x!tpu.dma_semaphore, #tpu.memory_space<semaphore_mem>>
        %dma_wait3A_257 = tpu.memref_squeeze %dma_wait3A_256 : memref<1x!tpu.dma_semaphore, #tpu.memory_space<semaphore_mem>> -> memref<!tpu.dma_semaphore, #tpu.memory_space<semaphore_mem>>
        tpu.wait_indirect_dma semaphore(%dma_wait3A_257 : memref<!tpu.dma_semaphore, #tpu.memory_space<semaphore_mem>>) src(%arg14 : memref<96x128xf32, #tpu.memory_space<vmem>>) dst(%dma_wait3A_255 : memref<10240x128xf32, #tpu.memory_space<vmem_shared>>)
      } else {
      }
      %add3A_223 = arith.constant 2 : i32
      %add3A_224 = arith.addi %add3A_206, %add3A_223 : i32
      %lt3A_225 = arith.constant 105 : i32
      %lt3A_226 = arith.cmpi slt, %add3A_224, %lt3A_225 : i32
      %convert_element_type3A_227 = arith.extui %lt3A_226 : i1 to i32
      %cond3A_228 = arith.constant 0 : i32
      %cond3A_229 = arith.cmpi ne, %convert_element_type3A_227, %cond3A_228 : i32
      scf.if %cond3A_229 {
        %add3A_252 = arith.constant 2 : i32
        %add3A_253 = arith.addi %add3A_206, %add3A_252 : i32
        %mul3A_254 = arith.constant 96 : i32
        %mul3A_255 = arith.muli %add3A_253, %mul3A_254 : i32
        %add3A_256 = arith.addi %mul3A_20, %mul3A_255 : i32
        %dma_start3A_257 = arith.constant 1 : i32
        %dma_start3A_258 = tpu.memref_slice %arg4[%add3A_256] : memref<322560xi32, #tpu.memory_space<hbm>> -> memref<96xi32, #tpu.memory_space<hbm>>
        %dma_start3A_259 = tpu.memref_slice %arg18[%dma_start3A_257] : memref<3x!tpu.dma_semaphore, #tpu.memory_space<semaphore_mem>> -> memref<1x!tpu.dma_semaphore, #tpu.memory_space<semaphore_mem>>
        %dma_start3A_260 = tpu.memref_squeeze %dma_start3A_259 : memref<1x!tpu.dma_semaphore, #tpu.memory_space<semaphore_mem>> -> memref<!tpu.dma_semaphore, #tpu.memory_space<semaphore_mem>>
        %dma_start3A_261 = tpu.memref_slice %arg4[%add3A_256] : memref<322560xi32, #tpu.memory_space<hbm>> -> memref<96xi32, #tpu.memory_space<hbm>>
        tpu.enqueue_dma source(%dma_start3A_261 : memref<96xi32, #tpu.memory_space<hbm>>) target(%arg11 : memref<96xi32, #tpu.memory_space<vmem>>) target_semaphore(%dma_start3A_260 : memref<!tpu.dma_semaphore, #tpu.memory_space<semaphore_mem>>)
        %add3A_262 = arith.constant 2 : i32
        %add3A_263 = arith.addi %add3A_206, %add3A_262 : i32
        %mul3A_264 = arith.constant 96 : i32
        %mul3A_265 = arith.muli %add3A_263, %mul3A_264 : i32
        %add3A_266 = arith.addi %mul3A_20, %mul3A_265 : i32
        %dma_wait3A_267 = arith.constant 1 : i32
        %dma_wait3A_268 = tpu.memref_slice %arg3[%add3A_266] : memref<322560xi32, #tpu.memory_space<hbm>> -> memref<96xi32, #tpu.memory_space<hbm>>
        %dma_wait3A_269 = tpu.memref_slice %arg17[%dma_wait3A_267] : memref<3x!tpu.dma_semaphore, #tpu.memory_space<semaphore_mem>> -> memref<1x!tpu.dma_semaphore, #tpu.memory_space<semaphore_mem>>
        %dma_wait3A_270 = tpu.memref_squeeze %dma_wait3A_269 : memref<1x!tpu.dma_semaphore, #tpu.memory_space<semaphore_mem>> -> memref<!tpu.dma_semaphore, #tpu.memory_space<semaphore_mem>>
        %dma_wait3A_271 = tpu.memref_slice %arg3[%add3A_266] : memref<322560xi32, #tpu.memory_space<hbm>> -> memref<96xi32, #tpu.memory_space<hbm>>
        tpu.wait_dma2 semaphore(%dma_wait3A_270 : memref<!tpu.dma_semaphore, #tpu.memory_space<semaphore_mem>>) src(%dma_wait3A_271 : memref<96xi32, #tpu.memory_space<hbm>>) dst(%arg8 : memref<96xi32, #tpu.memory_space<vmem>>)
        %add3A_272 = arith.constant 2 : i32
        %add3A_273 = arith.addi %add3A_206, %add3A_272 : i32
        %dma_start3A_274 = arith.constant 1 : i32
        %dma_start3A_275 = arith.constant 0 : i32
        %dma_start3A_276 = arith.constant 0 : i32
        %dma_start3A_277 = tpu.memref_slice %arg2[%dma_start3A_275, %dma_start3A_276] : memref<10000x128xf32, #tpu.memory_space<hbm>> -> memref<10000x128xf32, #tpu.memory_space<hbm>>
        %dma_start3A_278 = tpu.memref_slice %arg16[%dma_start3A_274] : memref<3x!tpu.dma_semaphore, #tpu.memory_space<semaphore_mem>> -> memref<1x!tpu.dma_semaphore, #tpu.memory_space<semaphore_mem>>
        %dma_start3A_279 = tpu.memref_squeeze %dma_start3A_278 : memref<1x!tpu.dma_semaphore, #tpu.memory_space<semaphore_mem>> -> memref<!tpu.dma_semaphore, #tpu.memory_space<semaphore_mem>>
        tpu.enqueue_indirect_dma source(%dma_start3A_277 : memref<10000x128xf32, #tpu.memory_space<hbm>>) target(%arg14 : memref<96x128xf32, #tpu.memory_space<vmem>>) offsets(%arg8 : memref<96xi32, #tpu.memory_space<vmem>>) semaphore(%dma_start3A_279 : memref<!tpu.dma_semaphore, #tpu.memory_space<semaphore_mem>>)
      } else {
      }
      %mul3A_230 = arith.constant 96 : i32
      %mul3A_231 = arith.muli %add3A_206, %mul3A_230 : i32
      %add3A_232 = arith.addi %mul3A_20, %mul3A_231 : i32
      %dma_wait3A_233 = arith.constant 2 : i32
      %dma_wait3A_234 = tpu.memref_slice %arg4[%add3A_232] : memref<322560xi32, #tpu.memory_space<hbm>> -> memref<96xi32, #tpu.memory_space<hbm>>
      %dma_wait3A_235 = tpu.memref_slice %arg18[%dma_wait3A_233] : memref<3x!tpu.dma_semaphore, #tpu.memory_space<semaphore_mem>> -> memref<1x!tpu.dma_semaphore, #tpu.memory_space<semaphore_mem>>
      %dma_wait3A_236 = tpu.memref_squeeze %dma_wait3A_235 : memref<1x!tpu.dma_semaphore, #tpu.memory_space<semaphore_mem>> -> memref<!tpu.dma_semaphore, #tpu.memory_space<semaphore_mem>>
      %dma_wait3A_237 = tpu.memref_slice %arg4[%add3A_232] : memref<322560xi32, #tpu.memory_space<hbm>> -> memref<96xi32, #tpu.memory_space<hbm>>
      tpu.wait_dma2 semaphore(%dma_wait3A_236 : memref<!tpu.dma_semaphore, #tpu.memory_space<semaphore_mem>>) src(%dma_wait3A_237 : memref<96xi32, #tpu.memory_space<hbm>>) dst(%arg12 : memref<96xi32, #tpu.memory_space<vmem>>)
      %dma_start3A_238 = arith.constant 2 : i32
      %dma_start3A_239 = arith.constant 0 : i32
      %dma_start3A_240 = arith.constant 0 : i32
      %dma_start3A_241 = tpu.memref_slice %arg6[%dma_start3A_239, %dma_start3A_240] : memref<10240x128xf32, #tpu.memory_space<vmem_shared>> -> memref<10240x128xf32, #tpu.memory_space<vmem_shared>>
      %dma_start3A_242 = tpu.memref_slice %arg19[%dma_start3A_238] : memref<3x!tpu.dma_semaphore, #tpu.memory_space<semaphore_mem>> -> memref<1x!tpu.dma_semaphore, #tpu.memory_space<semaphore_mem>>
      %dma_start3A_243 = tpu.memref_squeeze %dma_start3A_242 : memref<1x!tpu.dma_semaphore, #tpu.memory_space<semaphore_mem>> -> memref<!tpu.dma_semaphore, #tpu.memory_space<semaphore_mem>>
      tpu.enqueue_indirect_dma source(%arg15 : memref<96x128xf32, #tpu.memory_space<vmem>>) target(%dma_start3A_241 : memref<10240x128xf32, #tpu.memory_space<vmem_shared>>) offsets(%arg12 : memref<96xi32, #tpu.memory_space<vmem>>) semaphore(%dma_start3A_243 : memref<!tpu.dma_semaphore, #tpu.memory_space<semaphore_mem>>) {add = true}
      %add3A_244 = arith.constant 3 : i32
      %add3A_245 = arith.addi %add3A_206, %add3A_244 : i32
      %lt3A_246 = arith.constant 105 : i32
      %lt3A_247 = arith.cmpi slt, %add3A_245, %lt3A_246 : i32
      %convert_element_type3A_248 = arith.extui %lt3A_247 : i1 to i32
      %cond3A_249 = arith.constant 0 : i32
      %cond3A_250 = arith.cmpi ne, %convert_element_type3A_248, %cond3A_249 : i32
      scf.if %cond3A_250 {
        %add3A_252 = arith.constant 3 : i32
        %add3A_253 = arith.addi %add3A_206, %add3A_252 : i32
        %mul3A_254 = arith.constant 96 : i32
        %mul3A_255 = arith.muli %add3A_253, %mul3A_254 : i32
        %add3A_256 = arith.addi %mul3A_20, %mul3A_255 : i32
        %dma_start3A_257 = arith.constant 2 : i32
        %dma_start3A_258 = tpu.memref_slice %arg3[%add3A_256] : memref<322560xi32, #tpu.memory_space<hbm>> -> memref<96xi32, #tpu.memory_space<hbm>>
        %dma_start3A_259 = tpu.memref_slice %arg17[%dma_start3A_257] : memref<3x!tpu.dma_semaphore, #tpu.memory_space<semaphore_mem>> -> memref<1x!tpu.dma_semaphore, #tpu.memory_space<semaphore_mem>>
        %dma_start3A_260 = tpu.memref_squeeze %dma_start3A_259 : memref<1x!tpu.dma_semaphore, #tpu.memory_space<semaphore_mem>> -> memref<!tpu.dma_semaphore, #tpu.memory_space<semaphore_mem>>
        %dma_start3A_261 = tpu.memref_slice %arg3[%add3A_256] : memref<322560xi32, #tpu.memory_space<hbm>> -> memref<96xi32, #tpu.memory_space<hbm>>
        tpu.enqueue_dma source(%dma_start3A_261 : memref<96xi32, #tpu.memory_space<hbm>>) target(%arg9 : memref<96xi32, #tpu.memory_space<vmem>>) target_semaphore(%dma_start3A_260 : memref<!tpu.dma_semaphore, #tpu.memory_space<semaphore_mem>>)
      } else {
      }
      %scan3A_251 = arith.constant 0 : i32
      scf.yield %scan3A_251 : i32
    }
    %scan3A_86 = arith.constant 35 : i32
    %dma_wait3A_87 = arith.constant 0 : i32
    %dma_wait3A_88 = arith.constant 0 : i32
    %dma_wait3A_89 = arith.constant 0 : i32
    %dma_wait3A_90 = tpu.memref_slice %arg6[%dma_wait3A_88, %dma_wait3A_89] : memref<10240x128xf32, #tpu.memory_space<vmem_shared>> -> memref<10240x128xf32, #tpu.memory_space<vmem_shared>>
    %dma_wait3A_91 = tpu.memref_slice %arg19[%dma_wait3A_87] : memref<3x!tpu.dma_semaphore, #tpu.memory_space<semaphore_mem>> -> memref<1x!tpu.dma_semaphore, #tpu.memory_space<semaphore_mem>>
    %dma_wait3A_92 = tpu.memref_squeeze %dma_wait3A_91 : memref<1x!tpu.dma_semaphore, #tpu.memory_space<semaphore_mem>> -> memref<!tpu.dma_semaphore, #tpu.memory_space<semaphore_mem>>
    tpu.wait_indirect_dma semaphore(%dma_wait3A_92 : memref<!tpu.dma_semaphore, #tpu.memory_space<semaphore_mem>>) src(%arg13 : memref<96x128xf32, #tpu.memory_space<vmem>>) dst(%dma_wait3A_90 : memref<10240x128xf32, #tpu.memory_space<vmem_shared>>)
    %dma_wait3A_93 = arith.constant 1 : i32
    %dma_wait3A_94 = arith.constant 0 : i32
    %dma_wait3A_95 = arith.constant 0 : i32
    %dma_wait3A_96 = tpu.memref_slice %arg6[%dma_wait3A_94, %dma_wait3A_95] : memref<10240x128xf32, #tpu.memory_space<vmem_shared>> -> memref<10240x128xf32, #tpu.memory_space<vmem_shared>>
    %dma_wait3A_97 = tpu.memref_slice %arg19[%dma_wait3A_93] : memref<3x!tpu.dma_semaphore, #tpu.memory_space<semaphore_mem>> -> memref<1x!tpu.dma_semaphore, #tpu.memory_space<semaphore_mem>>
    %dma_wait3A_98 = tpu.memref_squeeze %dma_wait3A_97 : memref<1x!tpu.dma_semaphore, #tpu.memory_space<semaphore_mem>> -> memref<!tpu.dma_semaphore, #tpu.memory_space<semaphore_mem>>
    tpu.wait_indirect_dma semaphore(%dma_wait3A_98 : memref<!tpu.dma_semaphore, #tpu.memory_space<semaphore_mem>>) src(%arg14 : memref<96x128xf32, #tpu.memory_space<vmem>>) dst(%dma_wait3A_96 : memref<10240x128xf32, #tpu.memory_space<vmem_shared>>)
    %dma_wait3A_99 = arith.constant 2 : i32
    %dma_wait3A_100 = arith.constant 0 : i32
    %dma_wait3A_101 = arith.constant 0 : i32
    %dma_wait3A_102 = tpu.memref_slice %arg6[%dma_wait3A_100, %dma_wait3A_101] : memref<10240x128xf32, #tpu.memory_space<vmem_shared>> -> memref<10240x128xf32, #tpu.memory_space<vmem_shared>>
    %dma_wait3A_103 = tpu.memref_slice %arg19[%dma_wait3A_99] : memref<3x!tpu.dma_semaphore, #tpu.memory_space<semaphore_mem>> -> memref<1x!tpu.dma_semaphore, #tpu.memory_space<semaphore_mem>>
    %dma_wait3A_104 = tpu.memref_squeeze %dma_wait3A_103 : memref<1x!tpu.dma_semaphore, #tpu.memory_space<semaphore_mem>> -> memref<!tpu.dma_semaphore, #tpu.memory_space<semaphore_mem>>
    tpu.wait_indirect_dma semaphore(%dma_wait3A_104 : memref<!tpu.dma_semaphore, #tpu.memory_space<semaphore_mem>>) src(%arg15 : memref<96x128xf32, #tpu.memory_space<vmem>>) dst(%dma_wait3A_102 : memref<10240x128xf32, #tpu.memory_space<vmem_shared>>)
    %barrier3A_105 = arith.constant 0 : index
    tpu.barrier barrier_id(%barrier3A_105)
    %mul3A_106 = arith.constant 640 : i32
    %mul3A_107 = arith.muli %arg1, %mul3A_106 : i32
    %mul3A_108 = arith.constant 640 : i32
    %mul3A_109 = arith.muli %arg1, %mul3A_108 : i32
    "tpu.region"() ({
      %run_scoped3A = tpu.sem_alloc : memref<!tpu.dma_semaphore, #tpu.memory_space<semaphore_mem>>
      %dma_start3A_110 = arith.constant 0 : i32
      %dma_start3A_111 = tpu.memref_slice %arg5[%arg0, %mul3A_109, %dma_start3A_110] : memref<2x10240x128xf32, #tpu.memory_space<hbm>> -> memref<1x640x128xf32, #tpu.memory_space<hbm>>
      %dma_start3A_112 = tpu.memref_squeeze %dma_start3A_111 : memref<1x640x128xf32, #tpu.memory_space<hbm>> -> memref<640x128xf32, #tpu.memory_space<hbm>>
      %dma_start3A_113 = arith.constant 0 : i32
      %dma_start3A_114 = tpu.memref_slice %arg6[%mul3A_107, %dma_start3A_113] : memref<10240x128xf32, #tpu.memory_space<vmem_shared>> -> memref<640x128xf32, #tpu.memory_space<vmem_shared>>
      tpu.enqueue_dma source(%dma_start3A_114 : memref<640x128xf32, #tpu.memory_space<vmem_shared>>) target(%dma_start3A_112 : memref<640x128xf32, #tpu.memory_space<hbm>>) target_semaphore(%run_scoped3A : memref<!tpu.dma_semaphore, #tpu.memory_space<semaphore_mem>>)
      %dma_wait3A_115 = arith.constant 0 : i32
      %dma_wait3A_116 = tpu.memref_slice %arg5[%arg0, %mul3A_109, %dma_wait3A_115] : memref<2x10240x128xf32, #tpu.memory_space<hbm>> -> memref<1x640x128xf32, #tpu.memory_space<hbm>>
      %dma_wait3A_117 = tpu.memref_squeeze %dma_wait3A_116 : memref<1x640x128xf32, #tpu.memory_space<hbm>> -> memref<640x128xf32, #tpu.memory_space<hbm>>
      %dma_wait3A_118 = arith.constant 0 : i32
      %dma_wait3A_119 = tpu.memref_slice %arg6[%mul3A_107, %dma_wait3A_118] : memref<10240x128xf32, #tpu.memory_space<vmem_shared>> -> memref<640x128xf32, #tpu.memory_space<vmem_shared>>
      tpu.wait_dma2 semaphore(%run_scoped3A : memref<!tpu.dma_semaphore, #tpu.memory_space<semaphore_mem>>) src(%dma_wait3A_119 : memref<640x128xf32, #tpu.memory_space<vmem_shared>>) dst(%dma_wait3A_117 : memref<640x128xf32, #tpu.memory_space<hbm>>)
      tpu.yield
    }) : () -> ()
    return
  }
}

#map = affine_map<(d0, d1) -> (0, 0)>
#map1 = affine_map<(d0, d1) -> (0)>
#map2 = affine_map<(d0, d1) -> (0, 0, 0)>
module attributes {stable_mosaic.version = 14 : i64} {
  func.func @_segsum_body(%arg0: i32, %arg1: i32, %arg2: memref<10000x128xf32, #tpu.memory_space<hbm>>, %arg3: memref<322560xi32, #tpu.memory_space<hbm>>, %arg4: memref<322560xi32, #tpu.memory_space<hbm>>, %arg5: memref<2x10240x128xf32, #tpu.memory_space<hbm>>, %arg6: memref<10240x128xf32, #tpu.memory_space<vmem_shared>>, %arg7: memref<96xi32, #tpu.memory_space<vmem>>, %arg8: memref<96xi32, #tpu.memory_space<vmem>>, %arg9: memref<96xi32, #tpu.memory_space<vmem>>, %arg10: memref<96xi32, #tpu.memory_space<vmem>>, %arg11: memref<96xi32, #tpu.memory_space<vmem>>, %arg12: memref<96xi32, #tpu.memory_space<vmem>>, %arg13: memref<96x128xf32, #tpu.memory_space<vmem>>, %arg14: memref<96x128xf32, #tpu.memory_space<vmem>>, %arg15: memref<96x128xf32, #tpu.memory_space<vmem>>, %arg16: memref<3x!tpu.dma_semaphore, #tpu.memory_space<semaphore_mem>>, %arg17: memref<3x!tpu.dma_semaphore, #tpu.memory_space<semaphore_mem>>, %arg18: memref<3x!tpu.dma_semaphore, #tpu.memory_space<semaphore_mem>>, %arg19: memref<3x!tpu.dma_semaphore, #tpu.memory_space<semaphore_mem>>) attributes {dimension_semantics = [#tpu.dimension_semantics<core_parallel>, #tpu.dimension_semantics<subcore_parallel>], iteration_bounds = array<i64: 2, 16>, scalar_prefetch = 0 : i64, scratch_operands = 14 : i64, tpu.core_type = #tpu.core_type<sc_vector_subcore>, window_params = [{transform_indices = #map}, {transform_indices = #map1}, {transform_indices = #map1}, {transform_indices = #map2}]} {
    %mul3A = arith.constant 16 : i32
    %mul3A_0 = arith.muli %arg0, %mul3A : i32
    %add3A = arith.addi %mul3A_0, %arg1 : i32
    %broadcast_in_dim3A = arith.constant 0.000000e+00 : f32
    %broadcast_in_dim3A_1 = vector.broadcast %broadcast_in_dim3A : f32 to vector<16xf32>
    %scan3A = arith.constant 0 : i32
    %scan3A_2 = arith.constant 0 : i32
    %scan3A_3 = arith.constant 768 : i32
    %scan3A_4 = arith.addi %scan3A_2, %scan3A_3 : i32
    %scan3A_5 = arith.constant 1 : i32
    %scan3A_6 = scf.for %scan3A_110 = %scan3A_2 to %scan3A_4 step %scan3A_5 iter_args(%scan3A_111 = %scan3A) -> (i32)  : i32 {
      %jit3A = arith.constant 8 : i32
      %div3A = arith.divsi %scan3A_110, %jit3A : i32
      %sign3A = arith.constant 0 : i32
      %sign3A_112 = arith.cmpi sgt, %scan3A_110, %sign3A : i32
      %sign3A_113 = arith.extui %sign3A_112 : i1 to i32
      %sign3A_114 = arith.constant 0 : i32
      %sign3A_115 = arith.cmpi slt, %scan3A_110, %sign3A_114 : i32
      %sign3A_116 = arith.extui %sign3A_115 : i1 to i32
      %sign3A_117 = arith.subi %sign3A_113, %sign3A_116 : i32
      %sign3A_118 = arith.constant 0 : i32
      %sign3A_119 = arith.cmpi sgt, %jit3A, %sign3A_118 : i32
      %sign3A_120 = arith.extui %sign3A_119 : i1 to i32
      %sign3A_121 = arith.constant 0 : i32
      %sign3A_122 = arith.cmpi slt, %jit3A, %sign3A_121 : i32
      %sign3A_123 = arith.extui %sign3A_122 : i1 to i32
      %sign3A_124 = arith.subi %sign3A_120, %sign3A_123 : i32
      %ne3A = arith.cmpi ne, %sign3A_117, %sign3A_124 : i32
      %rem3A = arith.remsi %scan3A_110, %jit3A : i32
      %ne3A_125 = arith.constant 0 : i32
      %ne3A_126 = arith.cmpi ne, %rem3A, %ne3A_125 : i32
      %and3A = arith.andi %ne3A, %ne3A_126 : i1
      %sub3A = arith.constant 1 : i32
      %sub3A_127 = arith.subi %div3A, %sub3A : i32
      %select_n3A = arith.select %and3A, %sub3A_127, %div3A : i32
      %jit3A_128 = arith.constant 8 : i32
      %eq3A = arith.constant 0 : i32
      %eq3A_129 = arith.cmpi eq, %jit3A_128, %eq3A : i32
      %jit3A_130 = arith.constant 1 : i32
      %select_n3A_131 = arith.select %eq3A_129, %jit3A_130, %jit3A_128 : i32
      %rem3A_132 = arith.remsi %scan3A_110, %select_n3A_131 : i32
      %ne3A_133 = arith.constant 0 : i32
      %ne3A_134 = arith.cmpi ne, %rem3A_132, %ne3A_133 : i32
      %lt3A = arith.constant 0 : i32
      %lt3A_135 = arith.cmpi slt, %rem3A_132, %lt3A : i32
      %lt3A_136 = arith.constant 0 : i32
      %lt3A_137 = arith.cmpi slt, %select_n3A_131, %lt3A_136 : i32
      %ne3A_138 = arith.xori %lt3A_135, %lt3A_137 : i1
      %and3A_139 = arith.andi %ne3A_138, %ne3A_134 : i1
      %add3A_140 = arith.addi %rem3A_132, %select_n3A_131 : i32
      %select_n3A_141 = arith.select %and3A_139, %add3A_140, %rem3A_132 : i32
      %mul3A_142 = arith.constant 16 : i32
      %mul3A_143 = arith.muli %select_n3A_141, %mul3A_142 : i32
      %swap3A = arith.index_cast %select_n3A : i32 to index
      %swap3A_144 = arith.index_cast %mul3A_143 : i32 to index
      %swap3A_145 = tpu.vector_load %arg13[%swap3A, %swap3A_144] {strides = array<i32>} : memref<96x128xf32, #tpu.memory_space<vmem>>, vector<1x16xf32>,
      %swap3A_146 = vector.shape_cast %swap3A_145 : vector<1x16xf32> to vector<16xf32>
      %swap3A_147 = vector.shape_cast %broadcast_in_dim3A_1 : vector<16xf32> to vector<1x16xf32>
      tpu.vector_store %arg13[%swap3A, %swap3A_144], %swap3A_147 {strides = array<i32>} : memref<96x128xf32, #tpu.memory_space<vmem>>, vector<1x16xf32>,
      %scan3A_148 = arith.constant 0 : i32
      scf.yield %scan3A_148 : i32
    }
    %scan3A_7 = arith.constant 768 : i32
    %scan3A_8 = arith.constant 0 : i32
    %scan3A_9 = arith.constant 0 : i32
    %scan3A_10 = arith.constant 6 : i32
    %scan3A_11 = arith.addi %scan3A_9, %scan3A_10 : i32
    %scan3A_12 = arith.constant 1 : i32
    %scan3A_13 = scf.for %scan3A_110 = %scan3A_9 to %scan3A_11 step %scan3A_12 iter_args(%scan3A_111 = %scan3A_8) -> (i32)  : i32 {
      %mul3A_112 = arith.constant 640 : i32
      %mul3A_113 = arith.muli %arg1, %mul3A_112 : i32
      %mul3A_114 = arith.constant 96 : i32
      %mul3A_115 = arith.muli %scan3A_110, %mul3A_114 : i32
      %add3A_116 = arith.addi %mul3A_113, %mul3A_115 : i32
      "tpu.region"() ({
        %run_scoped3A = tpu.sem_alloc : memref<!tpu.dma_semaphore, #tpu.memory_space<semaphore_mem>>
        %dma_start3A_118 = arith.constant 0 : i32
        %dma_start3A_119 = tpu.memref_slice %arg6[%add3A_116, %dma_start3A_118] : memref<10240x128xf32, #tpu.memory_space<vmem_shared>> -> memref<96x128xf32, #tpu.memory_space<vmem_shared>>
        %dma_start3A_120 = arith.constant 0 : i32
        %dma_start3A_121 = tpu.memref_slice %arg6[%add3A_116, %dma_start3A_120] : memref<10240x128xf32, #tpu.memory_space<vmem_shared>> -> memref<96x128xf32, #tpu.memory_space<vmem_shared>>
        tpu.enqueue_dma source(%arg13 : memref<96x128xf32, #tpu.memory_space<vmem>>) target(%dma_start3A_121 : memref<96x128xf32, #tpu.memory_space<vmem_shared>>) target_semaphore(%run_scoped3A : memref<!tpu.dma_semaphore, #tpu.memory_space<semaphore_mem>>)
        %dma_wait3A_122 = arith.constant 0 : i32
        %dma_wait3A_123 = tpu.memref_slice %arg6[%add3A_116, %dma_wait3A_122] : memref<10240x128xf32, #tpu.memory_space<vmem_shared>> -> memref<96x128xf32, #tpu.memory_space<vmem_shared>>
        %dma_wait3A_124 = arith.constant 0 : i32
        %dma_wait3A_125 = tpu.memref_slice %arg6[%add3A_116, %dma_wait3A_124] : memref<10240x128xf32, #tpu.memory_space<vmem_shared>> -> memref<96x128xf32, #tpu.memory_space<vmem_shared>>
        tpu.wait_dma2 semaphore(%run_scoped3A : memref<!tpu.dma_semaphore, #tpu.memory_space<semaphore_mem>>) src(%arg13 : memref<96x128xf32, #tpu.memory_space<vmem>>) dst(%dma_wait3A_125 : memref<96x128xf32, #tpu.memory_space<vmem_shared>>)
        tpu.yield
      }) : () -> ()
      %scan3A_117 = arith.constant 0 : i32
      scf.yield %scan3A_117 : i32
    }
    %scan3A_14 = arith.constant 6 : i32
    %mul3A_15 = arith.constant 640 : i32
    %mul3A_16 = arith.muli %arg1, %mul3A_15 : i32
    %add3A_17 = arith.constant 576 : i32
    %add3A_18 = arith.addi %mul3A_16, %add3A_17 : i32
    "tpu.region"() ({
      %run_scoped3A = tpu.sem_alloc : memref<!tpu.dma_semaphore, #tpu.memory_space<semaphore_mem>>
      %dma_start3A_110 = arith.constant 0 : i32
      %dma_start3A_111 = arith.constant 0 : i32
      %dma_start3A_112 = tpu.memref_slice %arg13[%dma_start3A_110, %dma_start3A_111] : memref<96x128xf32, #tpu.memory_space<vmem>> -> memref<64x128xf32, #tpu.memory_space<vmem>>
      %dma_start3A_113 = arith.constant 0 : i32
      %dma_start3A_114 = tpu.memref_slice %arg6[%add3A_18, %dma_start3A_113] : memref<10240x128xf32, #tpu.memory_space<vmem_shared>> -> memref<64x128xf32, #tpu.memory_space<vmem_shared>>
      %dma_start3A_115 = arith.constant 0 : i32
      %dma_start3A_116 = tpu.memref_slice %arg6[%add3A_18, %dma_start3A_115] : memref<10240x128xf32, #tpu.memory_space<vmem_shared>> -> memref<64x128xf32, #tpu.memory_space<vmem_shared>>
      %dma_start3A_117 = arith.constant 0 : i32
      %dma_start3A_118 = arith.constant 0 : i32
      %dma_start3A_119 = tpu.memref_slice %arg13[%dma_start3A_117, %dma_start3A_118] : memref<96x128xf32, #tpu.memory_space<vmem>> -> memref<64x128xf32, #tpu.memory_space<vmem>>
      tpu.enqueue_dma source(%dma_start3A_119 : memref<64x128xf32, #tpu.memory_space<vmem>>) target(%dma_start3A_116 : memref<64x128xf32, #tpu.memory_space<vmem_shared>>) target_semaphore(%run_scoped3A : memref<!tpu.dma_semaphore, #tpu.memory_space<semaphore_mem>>)
      %dma_wait3A_120 = arith.constant 0 : i32
      %dma_wait3A_121 = arith.constant 0 : i32
      %dma_wait3A_122 = tpu.memref_slice %arg13[%dma_wait3A_120, %dma_wait3A_121] : memref<96x128xf32, #tpu.memory_space<vmem>> -> memref<64x128xf32, #tpu.memory_space<vmem>>
      %dma_wait3A_123 = arith.constant 0 : i32
      %dma_wait3A_124 = tpu.memref_slice %arg6[%add3A_18, %dma_wait3A_123] : memref<10240x128xf32, #tpu.memory_space<vmem_shared>> -> memref<64x128xf32, #tpu.memory_space<vmem_shared>>
      %dma_wait3A_125 = arith.constant 0 : i32
      %dma_wait3A_126 = tpu.memref_slice %arg6[%add3A_18, %dma_wait3A_125] : memref<10240x128xf32, #tpu.memory_space<vmem_shared>> -> memref<64x128xf32, #tpu.memory_space<vmem_shared>>
      %dma_wait3A_127 = arith.constant 0 : i32
      %dma_wait3A_128 = arith.constant 0 : i32
      %dma_wait3A_129 = tpu.memref_slice %arg13[%dma_wait3A_127, %dma_wait3A_128] : memref<96x128xf32, #tpu.memory_space<vmem>> -> memref<64x128xf32, #tpu.memory_space<vmem>>
      tpu.wait_dma2 semaphore(%run_scoped3A : memref<!tpu.dma_semaphore, #tpu.memory_space<semaphore_mem>>) src(%dma_wait3A_129 : memref<64x128xf32, #tpu.memory_space<vmem>>) dst(%dma_wait3A_126 : memref<64x128xf32, #tpu.memory_space<vmem_shared>>)
      tpu.yield
    }) : () -> ()
    %mul3A_19 = arith.constant 10080 : i32
    %mul3A_20 = arith.muli %add3A, %mul3A_19 : i32
    %add3A_21 = arith.constant 0 : i32
    %add3A_22 = arith.addi %mul3A_20, %add3A_21 : i32
    %dma_start3A = arith.constant 0 : i32
    %dma_start3A_23 = tpu.memref_slice %arg3[%add3A_22] : memref<322560xi32, #tpu.memory_space<hbm>> -> memref<96xi32, #tpu.memory_space<hbm>>
    %dma_start3A_24 = tpu.memref_slice %arg17[%dma_start3A] : memref<3x!tpu.dma_semaphore, #tpu.memory_space<semaphore_mem>> -> memref<1x!tpu.dma_semaphore, #tpu.memory_space<semaphore_mem>>
    %dma_start3A_25 = tpu.memref_squeeze %dma_start3A_24 : memref<1x!tpu.dma_semaphore, #tpu.memory_space<semaphore_mem>> -> memref<!tpu.dma_semaphore, #tpu.memory_space<semaphore_mem>>
    %dma_start3A_26 = tpu.memref_slice %arg3[%add3A_22] : memref<322560xi32, #tpu.memory_space<hbm>> -> memref<96xi32, #tpu.memory_space<hbm>>
    tpu.enqueue_dma source(%dma_start3A_26 : memref<96xi32, #tpu.memory_space<hbm>>) target(%arg7 : memref<96xi32, #tpu.memory_space<vmem>>) target_semaphore(%dma_start3A_25 : memref<!tpu.dma_semaphore, #tpu.memory_space<semaphore_mem>>)
    %add3A_27 = arith.constant 96 : i32
    %add3A_28 = arith.addi %mul3A_20, %add3A_27 : i32
    %dma_start3A_29 = arith.constant 1 : i32
    %dma_start3A_30 = tpu.memref_slice %arg3[%add3A_28] : memref<322560xi32, #tpu.memory_space<hbm>> -> memref<96xi32, #tpu.memory_space<hbm>>
    %dma_start3A_31 = tpu.memref_slice %arg17[%dma_start3A_29] : memref<3x!tpu.dma_semaphore, #tpu.memory_space<semaphore_mem>> -> memref<1x!tpu.dma_semaphore, #tpu.memory_space<semaphore_mem>>
    %dma_start3A_32 = tpu.memref_squeeze %dma_start3A_31 : memref<1x!tpu.dma_semaphore, #tpu.memory_space<semaphore_mem>> -> memref<!tpu.dma_semaphore, #tpu.memory_space<semaphore_mem>>
    %dma_start3A_33 = tpu.memref_slice %arg3[%add3A_28] : memref<322560xi32, #tpu.memory_space<hbm>> -> memref<96xi32, #tpu.memory_space<hbm>>
    tpu.enqueue_dma source(%dma_start3A_33 : memref<96xi32, #tpu.memory_space<hbm>>) target(%arg8 : memref<96xi32, #tpu.memory_space<vmem>>) target_semaphore(%dma_start3A_32 : memref<!tpu.dma_semaphore, #tpu.memory_space<semaphore_mem>>)
    %add3A_34 = arith.constant 192 : i32
    %add3A_35 = arith.addi %mul3A_20, %add3A_34 : i32
    %dma_start3A_36 = arith.constant 2 : i32
    %dma_start3A_37 = tpu.memref_slice %arg3[%add3A_35] : memref<322560xi32, #tpu.memory_space<hbm>> -> memref<96xi32, #tpu.memory_space<hbm>>
    %dma_start3A_38 = tpu.memref_slice %arg17[%dma_start3A_36] : memref<3x!tpu.dma_semaphore, #tpu.memory_space<semaphore_mem>> -> memref<1x!tpu.dma_semaphore, #tpu.memory_space<semaphore_mem>>
    %dma_start3A_39 = tpu.memref_squeeze %dma_start3A_38 : memref<1x!tpu.dma_semaphore, #tpu.memory_space<semaphore_mem>> -> memref<!tpu.dma_semaphore, #tpu.memory_space<semaphore_mem>>
    %dma_start3A_40 = tpu.memref_slice %arg3[%add3A_35] : memref<322560xi32, #tpu.memory_space<hbm>> -> memref<96xi32, #tpu.memory_space<hbm>>
    tpu.enqueue_dma source(%dma_start3A_40 : memref<96xi32, #tpu.memory_space<hbm>>) target(%arg9 : memref<96xi32, #tpu.memory_space<vmem>>) target_semaphore(%dma_start3A_39 : memref<!tpu.dma_semaphore, #tpu.memory_space<semaphore_mem>>)
    %add3A_41 = arith.constant 0 : i32
    %add3A_42 = arith.addi %mul3A_20, %add3A_41 : i32
    %dma_start3A_43 = arith.constant 0 : i32
    %dma_start3A_44 = tpu.memref_slice %arg4[%add3A_42] : memref<322560xi32, #tpu.memory_space<hbm>> -> memref<96xi32, #tpu.memory_space<hbm>>
    %dma_start3A_45 = tpu.memref_slice %arg18[%dma_start3A_43] : memref<3x!tpu.dma_semaphore, #tpu.memory_space<semaphore_mem>> -> memref<1x!tpu.dma_semaphore, #tpu.memory_space<semaphore_mem>>
    %dma_start3A_46 = tpu.memref_squeeze %dma_start3A_45 : memref<1x!tpu.dma_semaphore, #tpu.memory_space<semaphore_mem>> -> memref<!tpu.dma_semaphore, #tpu.memory_space<semaphore_mem>>
    %dma_start3A_47 = tpu.memref_slice %arg4[%add3A_42] : memref<322560xi32, #tpu.memory_space<hbm>> -> memref<96xi32, #tpu.memory_space<hbm>>
    tpu.enqueue_dma source(%dma_start3A_47 : memref<96xi32, #tpu.memory_space<hbm>>) target(%arg10 : memref<96xi32, #tpu.memory_space<vmem>>) target_semaphore(%dma_start3A_46 : memref<!tpu.dma_semaphore, #tpu.memory_space<semaphore_mem>>)
    %add3A_48 = arith.constant 96 : i32
    %add3A_49 = arith.addi %mul3A_20, %add3A_48 : i32
    %dma_start3A_50 = arith.constant 1 : i32
    %dma_start3A_51 = tpu.memref_slice %arg4[%add3A_49] : memref<322560xi32, #tpu.memory_space<hbm>> -> memref<96xi32, #tpu.memory_space<hbm>>
    %dma_start3A_52 = tpu.memref_slice %arg18[%dma_start3A_50] : memref<3x!tpu.dma_semaphore, #tpu.memory_space<semaphore_mem>> -> memref<1x!tpu.dma_semaphore, #tpu.memory_space<semaphore_mem>>
    %dma_start3A_53 = tpu.memref_squeeze %dma_start3A_52 : memref<1x!tpu.dma_semaphore, #tpu.memory_space<semaphore_mem>> -> memref<!tpu.dma_semaphore, #tpu.memory_space<semaphore_mem>>
    %dma_start3A_54 = tpu.memref_slice %arg4[%add3A_49] : memref<322560xi32, #tpu.memory_space<hbm>> -> memref<96xi32, #tpu.memory_space<hbm>>
    tpu.enqueue_dma source(%dma_start3A_54 : memref<96xi32, #tpu.memory_space<hbm>>) target(%arg11 : memref<96xi32, #tpu.memory_space<vmem>>) target_semaphore(%dma_start3A_53 : memref<!tpu.dma_semaphore, #tpu.memory_space<semaphore_mem>>)
    %add3A_55 = arith.constant 0 : i32
    %add3A_56 = arith.addi %mul3A_20, %add3A_55 : i32
    %dma_wait3A = arith.constant 0 : i32
    %dma_wait3A_57 = tpu.memref_slice %arg3[%add3A_56] : memref<322560xi32, #tpu.memory_space<hbm>> -> memref<96xi32, #tpu.memory_space<hbm>>
    %dma_wait3A_58 = tpu.memref_slice %arg17[%dma_wait3A] : memref<3x!tpu.dma_semaphore, #tpu.memory_space<semaphore_mem>> -> memref<1x!tpu.dma_semaphore, #tpu.memory_space<semaphore_mem>>
    %dma_wait3A_59 = tpu.memref_squeeze %dma_wait3A_58 : memref<1x!tpu.dma_semaphore, #tpu.memory_space<semaphore_mem>> -> memref<!tpu.dma_semaphore, #tpu.memory_space<semaphore_mem>>
    %dma_wait3A_60 = tpu.memref_slice %arg3[%add3A_56] : memref<322560xi32, #tpu.memory_space<hbm>> -> memref<96xi32, #tpu.memory_space<hbm>>
    tpu.wait_dma2 semaphore(%dma_wait3A_59 : memref<!tpu.dma_semaphore, #tpu.memory_space<semaphore_mem>>) src(%dma_wait3A_60 : memref<96xi32, #tpu.memory_space<hbm>>) dst(%arg7 : memref<96xi32, #tpu.memory_space<vmem>>)
    %dma_start3A_61 = arith.constant 0 : i32
    %dma_start3A_62 = arith.constant 0 : i32
    %dma_start3A_63 = arith.constant 0 : i32
    %dma_start3A_64 = tpu.memref_slice %arg2[%dma_start3A_62, %dma_start3A_63] : memref<10000x128xf32, #tpu.memory_space<hbm>> -> memref<10000x128xf32, #tpu.memory_space<hbm>>
    %dma_start3A_65 = tpu.memref_slice %arg16[%dma_start3A_61] : memref<3x!tpu.dma_semaphore, #tpu.memory_space<semaphore_mem>> -> memref<1x!tpu.dma_semaphore, #tpu.memory_space<semaphore_mem>>
    %dma_start3A_66 = tpu.memref_squeeze %dma_start3A_65 : memref<1x!tpu.dma_semaphore, #tpu.memory_space<semaphore_mem>> -> memref<!tpu.dma_semaphore, #tpu.memory_space<semaphore_mem>>
    tpu.enqueue_indirect_dma source(%dma_start3A_64 : memref<10000x128xf32, #tpu.memory_space<hbm>>) target(%arg13 : memref<96x128xf32, #tpu.memory_space<vmem>>) offsets(%arg7 : memref<96xi32, #tpu.memory_space<vmem>>) semaphore(%dma_start3A_66 : memref<!tpu.dma_semaphore, #tpu.memory_space<semaphore_mem>>)
    %add3A_67 = arith.constant 96 : i32
    %add3A_68 = arith.addi %mul3A_20, %add3A_67 : i32
    %dma_wait3A_69 = arith.constant 1 : i32
    %dma_wait3A_70 = tpu.memref_slice %arg3[%add3A_68] : memref<322560xi32, #tpu.memory_space<hbm>> -> memref<96xi32, #tpu.memory_space<hbm>>
    %dma_wait3A_71 = tpu.memref_slice %arg17[%dma_wait3A_69] : memref<3x!tpu.dma_semaphore, #tpu.memory_space<semaphore_mem>> -> memref<1x!tpu.dma_semaphore, #tpu.memory_space<semaphore_mem>>
    %dma_wait3A_72 = tpu.memref_squeeze %dma_wait3A_71 : memref<1x!tpu.dma_semaphore, #tpu.memory_space<semaphore_mem>> -> memref<!tpu.dma_semaphore, #tpu.memory_space<semaphore_mem>>
    %dma_wait3A_73 = tpu.memref_slice %arg3[%add3A_68] : memref<322560xi32, #tpu.memory_space<hbm>> -> memref<96xi32, #tpu.memory_space<hbm>>
    tpu.wait_dma2 semaphore(%dma_wait3A_72 : memref<!tpu.dma_semaphore, #tpu.memory_space<semaphore_mem>>) src(%dma_wait3A_73 : memref<96xi32, #tpu.memory_space<hbm>>) dst(%arg8 : memref<96xi32, #tpu.memory_space<vmem>>)
    %dma_start3A_74 = arith.constant 1 : i32
    %dma_start3A_75 = arith.constant 0 : i32
    %dma_start3A_76 = arith.constant 0 : i32
    %dma_start3A_77 = tpu.memref_slice %arg2[%dma_start3A_75, %dma_start3A_76] : memref<10000x128xf32, #tpu.memory_space<hbm>> -> memref<10000x128xf32, #tpu.memory_space<hbm>>
    %dma_start3A_78 = tpu.memref_slice %arg16[%dma_start3A_74] : memref<3x!tpu.dma_semaphore, #tpu.memory_space<semaphore_mem>> -> memref<1x!tpu.dma_semaphore, #tpu.memory_space<semaphore_mem>>
    %dma_start3A_79 = tpu.memref_squeeze %dma_start3A_78 : memref<1x!tpu.dma_semaphore, #tpu.memory_space<semaphore_mem>> -> memref<!tpu.dma_semaphore, #tpu.memory_space<semaphore_mem>>
    tpu.enqueue_indirect_dma source(%dma_start3A_77 : memref<10000x128xf32, #tpu.memory_space<hbm>>) target(%arg14 : memref<96x128xf32, #tpu.memory_space<vmem>>) offsets(%arg8 : memref<96xi32, #tpu.memory_space<vmem>>) semaphore(%dma_start3A_79 : memref<!tpu.dma_semaphore, #tpu.memory_space<semaphore_mem>>)
    %barrier3A = arith.constant 0 : index
    tpu.barrier barrier_id(%barrier3A)
    %scan3A_80 = arith.constant 0 : i32
    %scan3A_81 = arith.constant 0 : i32
    %scan3A_82 = arith.constant 35 : i32
    %scan3A_83 = arith.addi %scan3A_81, %scan3A_82 : i32
    %scan3A_84 = arith.constant 1 : i32
    %scan3A_85 = scf.for %scan3A_110 = %scan3A_81 to %scan3A_83 step %scan3A_84 iter_args(%scan3A_111 = %scan3A_80) -> (i32)  : i32 {
      %mul3A_112 = arith.constant 3 : i32
      %mul3A_113 = arith.muli %scan3A_110, %mul3A_112 : i32
      %add3A_114 = arith.constant 0 : i32
      %add3A_115 = arith.addi %mul3A_113, %add3A_114 : i32
      %dma_wait3A_116 = arith.constant 0 : i32
      %dma_wait3A_117 = arith.constant 0 : i32
      %dma_wait3A_118 = arith.constant 0 : i32
      %dma_wait3A_119 = tpu.memref_slice %arg2[%dma_wait3A_117, %dma_wait3A_118] : memref<10000x128xf32, #tpu.memory_space<hbm>> -> memref<10000x128xf32, #tpu.memory_space<hbm>>
      %dma_wait3A_120 = tpu.memref_slice %arg16[%dma_wait3A_116] : memref<3x!tpu.dma_semaphore, #tpu.memory_space<semaphore_mem>> -> memref<1x!tpu.dma_semaphore, #tpu.memory_space<semaphore_mem>>
      %dma_wait3A_121 = tpu.memref_squeeze %dma_wait3A_120 : memref<1x!tpu.dma_semaphore, #tpu.memory_space<semaphore_mem>> -> memref<!tpu.dma_semaphore, #tpu.memory_space<semaphore_mem>>
      tpu.wait_indirect_dma semaphore(%dma_wait3A_121 : memref<!tpu.dma_semaphore, #tpu.memory_space<semaphore_mem>>) src(%dma_wait3A_119 : memref<10000x128xf32, #tpu.memory_space<hbm>>) dst(%arg13 : memref<96x128xf32, #tpu.memory_space<vmem>>)
      %ge3A = arith.constant 1 : i32
      %ge3A_122 = arith.cmpi sge, %add3A_115, %ge3A : i32
      %add3A_123 = arith.constant 2 : i32
      %add3A_124 = arith.addi %add3A_115, %add3A_123 : i32
      %lt3A = arith.constant 105 : i32
      %lt3A_125 = arith.cmpi slt, %add3A_124, %lt3A : i32
      %and3A = arith.andi %ge3A_122, %lt3A_125 : i1
      %convert_element_type3A = arith.extui %and3A : i1 to i32
      %cond3A = arith.constant 0 : i32
      %cond3A_126 = arith.cmpi ne, %convert_element_type3A, %cond3A : i32
      scf.if %cond3A_126 {
        %dma_wait3A_252 = arith.constant 2 : i32
        %dma_wait3A_253 = arith.constant 0 : i32
        %dma_wait3A_254 = arith.constant 0 : i32
        %dma_wait3A_255 = tpu.memref_slice %arg6[%dma_wait3A_253, %dma_wait3A_254] : memref<10240x128xf32, #tpu.memory_space<vmem_shared>> -> memref<10240x128xf32, #tpu.memory_space<vmem_shared>>
        %dma_wait3A_256 = tpu.memref_slice %arg19[%dma_wait3A_252] : memref<3x!tpu.dma_semaphore, #tpu.memory_space<semaphore_mem>> -> memref<1x!tpu.dma_semaphore, #tpu.memory_space<semaphore_mem>>
        %dma_wait3A_257 = tpu.memref_squeeze %dma_wait3A_256 : memref<1x!tpu.dma_semaphore, #tpu.memory_space<semaphore_mem>> -> memref<!tpu.dma_semaphore, #tpu.memory_space<semaphore_mem>>
        tpu.wait_indirect_dma semaphore(%dma_wait3A_257 : memref<!tpu.dma_semaphore, #tpu.memory_space<semaphore_mem>>) src(%arg15 : memref<96x128xf32, #tpu.memory_space<vmem>>) dst(%dma_wait3A_255 : memref<10240x128xf32, #tpu.memory_space<vmem_shared>>)
      } else {
      }
      %add3A_127 = arith.constant 2 : i32
      %add3A_128 = arith.addi %add3A_115, %add3A_127 : i32
      %lt3A_129 = arith.constant 105 : i32
      %lt3A_130 = arith.cmpi slt, %add3A_128, %lt3A_129 : i32
      %convert_element_type3A_131 = arith.extui %lt3A_130 : i1 to i32
      %cond3A_132 = arith.constant 0 : i32
      %cond3A_133 = arith.cmpi ne, %convert_element_type3A_131, %cond3A_132 : i32
      scf.if %cond3A_133 {
        %add3A_252 = arith.constant 2 : i32
        %add3A_253 = arith.addi %add3A_115, %add3A_252 : i32
        %mul3A_254 = arith.constant 96 : i32
        %mul3A_255 = arith.muli %add3A_253, %mul3A_254 : i32
        %add3A_256 = arith.addi %mul3A_20, %mul3A_255 : i32
        %dma_start3A_257 = arith.constant 2 : i32
        %dma_start3A_258 = tpu.memref_slice %arg4[%add3A_256] : memref<322560xi32, #tpu.memory_space<hbm>> -> memref<96xi32, #tpu.memory_space<hbm>>
        %dma_start3A_259 = tpu.memref_slice %arg18[%dma_start3A_257] : memref<3x!tpu.dma_semaphore, #tpu.memory_space<semaphore_mem>> -> memref<1x!tpu.dma_semaphore, #tpu.memory_space<semaphore_mem>>
        %dma_start3A_260 = tpu.memref_squeeze %dma_start3A_259 : memref<1x!tpu.dma_semaphore, #tpu.memory_space<semaphore_mem>> -> memref<!tpu.dma_semaphore, #tpu.memory_space<semaphore_mem>>
        %dma_start3A_261 = tpu.memref_slice %arg4[%add3A_256] : memref<322560xi32, #tpu.memory_space<hbm>> -> memref<96xi32, #tpu.memory_space<hbm>>
        tpu.enqueue_dma source(%dma_start3A_261 : memref<96xi32, #tpu.memory_space<hbm>>) target(%arg12 : memref<96xi32, #tpu.memory_space<vmem>>) target_semaphore(%dma_start3A_260 : memref<!tpu.dma_semaphore, #tpu.memory_space<semaphore_mem>>)
        %add3A_262 = arith.constant 2 : i32
        %add3A_263 = arith.addi %add3A_115, %add3A_262 : i32
        %mul3A_264 = arith.constant 96 : i32
        %mul3A_265 = arith.muli %add3A_263, %mul3A_264 : i32
        %add3A_266 = arith.addi %mul3A_20, %mul3A_265 : i32
        %dma_wait3A_267 = arith.constant 2 : i32
        %dma_wait3A_268 = tpu.memref_slice %arg3[%add3A_266] : memref<322560xi32, #tpu.memory_space<hbm>> -> memref<96xi32, #tpu.memory_space<hbm>>
        %dma_wait3A_269 = tpu.memref_slice %arg17[%dma_wait3A_267] : memref<3x!tpu.dma_semaphore, #tpu.memory_space<semaphore_mem>> -> memref<1x!tpu.dma_semaphore, #tpu.memory_space<semaphore_mem>>
        %dma_wait3A_270 = tpu.memref_squeeze %dma_wait3A_269 : memref<1x!tpu.dma_semaphore, #tpu.memory_space<semaphore_mem>> -> memref<!tpu.dma_semaphore, #tpu.memory_space<semaphore_mem>>
        %dma_wait3A_271 = tpu.memref_slice %arg3[%add3A_266] : memref<322560xi32, #tpu.memory_space<hbm>> -> memref<96xi32, #tpu.memory_space<hbm>>
        tpu.wait_dma2 semaphore(%dma_wait3A_270 : memref<!tpu.dma_semaphore, #tpu.memory_space<semaphore_mem>>) src(%dma_wait3A_271 : memref<96xi32, #tpu.memory_space<hbm>>) dst(%arg9 : memref<96xi32, #tpu.memory_space<vmem>>)
        %add3A_272 = arith.constant 2 : i32
        %add3A_273 = arith.addi %add3A_115, %add3A_272 : i32
        %dma_start3A_274 = arith.constant 2 : i32
        %dma_start3A_275 = arith.constant 0 : i32
        %dma_start3A_276 = arith.constant 0 : i32
        %dma_start3A_277 = tpu.memref_slice %arg2[%dma_start3A_275, %dma_start3A_276] : memref<10000x128xf32, #tpu.memory_space<hbm>> -> memref<10000x128xf32, #tpu.memory_space<hbm>>
        %dma_start3A_278 = tpu.memref_slice %arg16[%dma_start3A_274] : memref<3x!tpu.dma_semaphore, #tpu.memory_space<semaphore_mem>> -> memref<1x!tpu.dma_semaphore, #tpu.memory_space<semaphore_mem>>
        %dma_start3A_279 = tpu.memref_squeeze %dma_start3A_278 : memref<1x!tpu.dma_semaphore, #tpu.memory_space<semaphore_mem>> -> memref<!tpu.dma_semaphore, #tpu.memory_space<semaphore_mem>>
        tpu.enqueue_indirect_dma source(%dma_start3A_277 : memref<10000x128xf32, #tpu.memory_space<hbm>>) target(%arg15 : memref<96x128xf32, #tpu.memory_space<vmem>>) offsets(%arg9 : memref<96xi32, #tpu.memory_space<vmem>>) semaphore(%dma_start3A_279 : memref<!tpu.dma_semaphore, #tpu.memory_space<semaphore_mem>>)
      } else {
      }
      %mul3A_134 = arith.constant 96 : i32
      %mul3A_135 = arith.muli %add3A_115, %mul3A_134 : i32
      %add3A_136 = arith.addi %mul3A_20, %mul3A_135 : i32
      %dma_wait3A_137 = arith.constant 0 : i32
      %dma_wait3A_138 = tpu.memref_slice %arg4[%add3A_136] : memref<322560xi32, #tpu.memory_space<hbm>> -> memref<96xi32, #tpu.memory_space<hbm>>
      %dma_wait3A_139 = tpu.memref_slice %arg18[%dma_wait3A_137] : memref<3x!tpu.dma_semaphore, #tpu.memory_space<semaphore_mem>> -> memref<1x!tpu.dma_semaphore, #tpu.memory_space<semaphore_mem>>
      %dma_wait3A_140 = tpu.memref_squeeze %dma_wait3A_139 : memref<1x!tpu.dma_semaphore, #tpu.memory_space<semaphore_mem>> -> memref<!tpu.dma_semaphore, #tpu.memory_space<semaphore_mem>>
      %dma_wait3A_141 = tpu.memref_slice %arg4[%add3A_136] : memref<322560xi32, #tpu.memory_space<hbm>> -> memref<96xi32, #tpu.memory_space<hbm>>
      tpu.wait_dma2 semaphore(%dma_wait3A_140 : memref<!tpu.dma_semaphore, #tpu.memory_space<semaphore_mem>>) src(%dma_wait3A_141 : memref<96xi32, #tpu.memory_space<hbm>>) dst(%arg10 : memref<96xi32, #tpu.memory_space<vmem>>)
      %dma_start3A_142 = arith.constant 0 : i32
      %dma_start3A_143 = arith.constant 0 : i32
      %dma_start3A_144 = arith.constant 0 : i32
      %dma_start3A_145 = tpu.memref_slice %arg6[%dma_start3A_143, %dma_start3A_144] : memref<10240x128xf32, #tpu.memory_space<vmem_shared>> -> memref<10240x128xf32, #tpu.memory_space<vmem_shared>>
      %dma_start3A_146 = tpu.memref_slice %arg19[%dma_start3A_142] : memref<3x!tpu.dma_semaphore, #tpu.memory_space<semaphore_mem>> -> memref<1x!tpu.dma_semaphore, #tpu.memory_space<semaphore_mem>>
      %dma_start3A_147 = tpu.memref_squeeze %dma_start3A_146 : memref<1x!tpu.dma_semaphore, #tpu.memory_space<semaphore_mem>> -> memref<!tpu.dma_semaphore, #tpu.memory_space<semaphore_mem>>
      tpu.enqueue_indirect_dma source(%arg13 : memref<96x128xf32, #tpu.memory_space<vmem>>) target(%dma_start3A_145 : memref<10240x128xf32, #tpu.memory_space<vmem_shared>>) offsets(%arg10 : memref<96xi32, #tpu.memory_space<vmem>>) semaphore(%dma_start3A_147 : memref<!tpu.dma_semaphore, #tpu.memory_space<semaphore_mem>>) {add = true}
      %add3A_148 = arith.constant 3 : i32
      %add3A_149 = arith.addi %add3A_115, %add3A_148 : i32
      %lt3A_150 = arith.constant 105 : i32
      %lt3A_151 = arith.cmpi slt, %add3A_149, %lt3A_150 : i32
      %convert_element_type3A_152 = arith.extui %lt3A_151 : i1 to i32
      %cond3A_153 = arith.constant 0 : i32
      %cond3A_154 = arith.cmpi ne, %convert_element_type3A_152, %cond3A_153 : i32
      scf.if %cond3A_154 {
        %add3A_252 = arith.constant 3 : i32
        %add3A_253 = arith.addi %add3A_115, %add3A_252 : i32
        %mul3A_254 = arith.constant 96 : i32
        %mul3A_255 = arith.muli %add3A_253, %mul3A_254 : i32
        %add3A_256 = arith.addi %mul3A_20, %mul3A_255 : i32
        %dma_start3A_257 = arith.constant 0 : i32
        %dma_start3A_258 = tpu.memref_slice %arg3[%add3A_256] : memref<322560xi32, #tpu.memory_space<hbm>> -> memref<96xi32, #tpu.memory_space<hbm>>
        %dma_start3A_259 = tpu.memref_slice %arg17[%dma_start3A_257] : memref<3x!tpu.dma_semaphore, #tpu.memory_space<semaphore_mem>> -> memref<1x!tpu.dma_semaphore, #tpu.memory_space<semaphore_mem>>
        %dma_start3A_260 = tpu.memref_squeeze %dma_start3A_259 : memref<1x!tpu.dma_semaphore, #tpu.memory_space<semaphore_mem>> -> memref<!tpu.dma_semaphore, #tpu.memory_space<semaphore_mem>>
        %dma_start3A_261 = tpu.memref_slice %arg3[%add3A_256] : memref<322560xi32, #tpu.memory_space<hbm>> -> memref<96xi32, #tpu.memory_space<hbm>>
        tpu.enqueue_dma source(%dma_start3A_261 : memref<96xi32, #tpu.memory_space<hbm>>) target(%arg7 : memref<96xi32, #tpu.memory_space<vmem>>) target_semaphore(%dma_start3A_260 : memref<!tpu.dma_semaphore, #tpu.memory_space<semaphore_mem>>)
      } else {
      }
      %mul3A_155 = arith.constant 3 : i32
      %mul3A_156 = arith.muli %scan3A_110, %mul3A_155 : i32
      %add3A_157 = arith.constant 1 : i32
      %add3A_158 = arith.addi %mul3A_156, %add3A_157 : i32
      %dma_wait3A_159 = arith.constant 1 : i32
      %dma_wait3A_160 = arith.constant 0 : i32
      %dma_wait3A_161 = arith.constant 0 : i32
      %dma_wait3A_162 = tpu.memref_slice %arg2[%dma_wait3A_160, %dma_wait3A_161] : memref<10000x128xf32, #tpu.memory_space<hbm>> -> memref<10000x128xf32, #tpu.memory_space<hbm>>
      %dma_wait3A_163 = tpu.memref_slice %arg16[%dma_wait3A_159] : memref<3x!tpu.dma_semaphore, #tpu.memory_space<semaphore_mem>> -> memref<1x!tpu.dma_semaphore, #tpu.memory_space<semaphore_mem>>
      %dma_wait3A_164 = tpu.memref_squeeze %dma_wait3A_163 : memref<1x!tpu.dma_semaphore, #tpu.memory_space<semaphore_mem>> -> memref<!tpu.dma_semaphore, #tpu.memory_space<semaphore_mem>>
      tpu.wait_indirect_dma semaphore(%dma_wait3A_164 : memref<!tpu.dma_semaphore, #tpu.memory_space<semaphore_mem>>) src(%dma_wait3A_162 : memref<10000x128xf32, #tpu.memory_space<hbm>>) dst(%arg14 : memref<96x128xf32, #tpu.memory_space<vmem>>)
      %ge3A_165 = arith.constant 1 : i32
      %ge3A_166 = arith.cmpi sge, %add3A_158, %ge3A_165 : i32
      %add3A_167 = arith.constant 2 : i32
      %add3A_168 = arith.addi %add3A_158, %add3A_167 : i32
      %lt3A_169 = arith.constant 105 : i32
      %lt3A_170 = arith.cmpi slt, %add3A_168, %lt3A_169 : i32
      %and3A_171 = arith.andi %ge3A_166, %lt3A_170 : i1
      %convert_element_type3A_172 = arith.extui %and3A_171 : i1 to i32
      %cond3A_173 = arith.constant 0 : i32
      %cond3A_174 = arith.cmpi ne, %convert_element_type3A_172, %cond3A_173 : i32
      scf.if %cond3A_174 {
        %dma_wait3A_252 = arith.constant 0 : i32
        %dma_wait3A_253 = arith.constant 0 : i32
        %dma_wait3A_254 = arith.constant 0 : i32
        %dma_wait3A_255 = tpu.memref_slice %arg6[%dma_wait3A_253, %dma_wait3A_254] : memref<10240x128xf32, #tpu.memory_space<vmem_shared>> -> memref<10240x128xf32, #tpu.memory_space<vmem_shared>>
        %dma_wait3A_256 = tpu.memref_slice %arg19[%dma_wait3A_252] : memref<3x!tpu.dma_semaphore, #tpu.memory_space<semaphore_mem>> -> memref<1x!tpu.dma_semaphore, #tpu.memory_space<semaphore_mem>>
        %dma_wait3A_257 = tpu.memref_squeeze %dma_wait3A_256 : memref<1x!tpu.dma_semaphore, #tpu.memory_space<semaphore_mem>> -> memref<!tpu.dma_semaphore, #tpu.memory_space<semaphore_mem>>
        tpu.wait_indirect_dma semaphore(%dma_wait3A_257 : memref<!tpu.dma_semaphore, #tpu.memory_space<semaphore_mem>>) src(%arg13 : memref<96x128xf32, #tpu.memory_space<vmem>>) dst(%dma_wait3A_255 : memref<10240x128xf32, #tpu.memory_space<vmem_shared>>)
      } else {
      }
      %add3A_175 = arith.constant 2 : i32
      %add3A_176 = arith.addi %add3A_158, %add3A_175 : i32
      %lt3A_177 = arith.constant 105 : i32
      %lt3A_178 = arith.cmpi slt, %add3A_176, %lt3A_177 : i32
      %convert_element_type3A_179 = arith.extui %lt3A_178 : i1 to i32
      %cond3A_180 = arith.constant 0 : i32
      %cond3A_181 = arith.cmpi ne, %convert_element_type3A_179, %cond3A_180 : i32
      scf.if %cond3A_181 {
        %add3A_252 = arith.constant 2 : i32
        %add3A_253 = arith.addi %add3A_158, %add3A_252 : i32
        %mul3A_254 = arith.constant 96 : i32
        %mul3A_255 = arith.muli %add3A_253, %mul3A_254 : i32
        %add3A_256 = arith.addi %mul3A_20, %mul3A_255 : i32
        %dma_start3A_257 = arith.constant 0 : i32
        %dma_start3A_258 = tpu.memref_slice %arg4[%add3A_256] : memref<322560xi32, #tpu.memory_space<hbm>> -> memref<96xi32, #tpu.memory_space<hbm>>
        %dma_start3A_259 = tpu.memref_slice %arg18[%dma_start3A_257] : memref<3x!tpu.dma_semaphore, #tpu.memory_space<semaphore_mem>> -> memref<1x!tpu.dma_semaphore, #tpu.memory_space<semaphore_mem>>
        %dma_start3A_260 = tpu.memref_squeeze %dma_start3A_259 : memref<1x!tpu.dma_semaphore, #tpu.memory_space<semaphore_mem>> -> memref<!tpu.dma_semaphore, #tpu.memory_space<semaphore_mem>>
        %dma_start3A_261 = tpu.memref_slice %arg4[%add3A_256] : memref<322560xi32, #tpu.memory_space<hbm>> -> memref<96xi32, #tpu.memory_space<hbm>>
        tpu.enqueue_dma source(%dma_start3A_261 : memref<96xi32, #tpu.memory_space<hbm>>) target(%arg10 : memref<96xi32, #tpu.memory_space<vmem>>) target_semaphore(%dma_start3A_260 : memref<!tpu.dma_semaphore, #tpu.memory_space<semaphore_mem>>)
        %add3A_262 = arith.constant 2 : i32
        %add3A_263 = arith.addi %add3A_158, %add3A_262 : i32
        %mul3A_264 = arith.constant 96 : i32
        %mul3A_265 = arith.muli %add3A_263, %mul3A_264 : i32
        %add3A_266 = arith.addi %mul3A_20, %mul3A_265 : i32
        %dma_wait3A_267 = arith.constant 0 : i32
        %dma_wait3A_268 = tpu.memref_slice %arg3[%add3A_266] : memref<322560xi32, #tpu.memory_space<hbm>> -> memref<96xi32, #tpu.memory_space<hbm>>
        %dma_wait3A_269 = tpu.memref_slice %arg17[%dma_wait3A_267] : memref<3x!tpu.dma_semaphore, #tpu.memory_space<semaphore_mem>> -> memref<1x!tpu.dma_semaphore, #tpu.memory_space<semaphore_mem>>
        %dma_wait3A_270 = tpu.memref_squeeze %dma_wait3A_269 : memref<1x!tpu.dma_semaphore, #tpu.memory_space<semaphore_mem>> -> memref<!tpu.dma_semaphore, #tpu.memory_space<semaphore_mem>>
        %dma_wait3A_271 = tpu.memref_slice %arg3[%add3A_266] : memref<322560xi32, #tpu.memory_space<hbm>> -> memref<96xi32, #tpu.memory_space<hbm>>
        tpu.wait_dma2 semaphore(%dma_wait3A_270 : memref<!tpu.dma_semaphore, #tpu.memory_space<semaphore_mem>>) src(%dma_wait3A_271 : memref<96xi32, #tpu.memory_space<hbm>>) dst(%arg7 : memref<96xi32, #tpu.memory_space<vmem>>)
        %add3A_272 = arith.constant 2 : i32
        %add3A_273 = arith.addi %add3A_158, %add3A_272 : i32
        %dma_start3A_274 = arith.constant 0 : i32
        %dma_start3A_275 = arith.constant 0 : i32
        %dma_start3A_276 = arith.constant 0 : i32
        %dma_start3A_277 = tpu.memref_slice %arg2[%dma_start3A_275, %dma_start3A_276] : memref<10000x128xf32, #tpu.memory_space<hbm>> -> memref<10000x128xf32, #tpu.memory_space<hbm>>
        %dma_start3A_278 = tpu.memref_slice %arg16[%dma_start3A_274] : memref<3x!tpu.dma_semaphore, #tpu.memory_space<semaphore_mem>> -> memref<1x!tpu.dma_semaphore, #tpu.memory_space<semaphore_mem>>
        %dma_start3A_279 = tpu.memref_squeeze %dma_start3A_278 : memref<1x!tpu.dma_semaphore, #tpu.memory_space<semaphore_mem>> -> memref<!tpu.dma_semaphore, #tpu.memory_space<semaphore_mem>>
        tpu.enqueue_indirect_dma source(%dma_start3A_277 : memref<10000x128xf32, #tpu.memory_space<hbm>>) target(%arg13 : memref<96x128xf32, #tpu.memory_space<vmem>>) offsets(%arg7 : memref<96xi32, #tpu.memory_space<vmem>>) semaphore(%dma_start3A_279 : memref<!tpu.dma_semaphore, #tpu.memory_space<semaphore_mem>>)
      } else {
      }
      %mul3A_182 = arith.constant 96 : i32
      %mul3A_183 = arith.muli %add3A_158, %mul3A_182 : i32
      %add3A_184 = arith.addi %mul3A_20, %mul3A_183 : i32
      %dma_wait3A_185 = arith.constant 1 : i32
      %dma_wait3A_186 = tpu.memref_slice %arg4[%add3A_184] : memref<322560xi32, #tpu.memory_space<hbm>> -> memref<96xi32, #tpu.memory_space<hbm>>
      %dma_wait3A_187 = tpu.memref_slice %arg18[%dma_wait3A_185] : memref<3x!tpu.dma_semaphore, #tpu.memory_space<semaphore_mem>> -> memref<1x!tpu.dma_semaphore, #tpu.memory_space<semaphore_mem>>
      %dma_wait3A_188 = tpu.memref_squeeze %dma_wait3A_187 : memref<1x!tpu.dma_semaphore, #tpu.memory_space<semaphore_mem>> -> memref<!tpu.dma_semaphore, #tpu.memory_space<semaphore_mem>>
      %dma_wait3A_189 = tpu.memref_slice %arg4[%add3A_184] : memref<322560xi32, #tpu.memory_space<hbm>> -> memref<96xi32, #tpu.memory_space<hbm>>
      tpu.wait_dma2 semaphore(%dma_wait3A_188 : memref<!tpu.dma_semaphore, #tpu.memory_space<semaphore_mem>>) src(%dma_wait3A_189 : memref<96xi32, #tpu.memory_space<hbm>>) dst(%arg11 : memref<96xi32, #tpu.memory_space<vmem>>)
      %dma_start3A_190 = arith.constant 1 : i32
      %dma_start3A_191 = arith.constant 0 : i32
      %dma_start3A_192 = arith.constant 0 : i32
      %dma_start3A_193 = tpu.memref_slice %arg6[%dma_start3A_191, %dma_start3A_192] : memref<10240x128xf32, #tpu.memory_space<vmem_shared>> -> memref<10240x128xf32, #tpu.memory_space<vmem_shared>>
      %dma_start3A_194 = tpu.memref_slice %arg19[%dma_start3A_190] : memref<3x!tpu.dma_semaphore, #tpu.memory_space<semaphore_mem>> -> memref<1x!tpu.dma_semaphore, #tpu.memory_space<semaphore_mem>>
      %dma_start3A_195 = tpu.memref_squeeze %dma_start3A_194 : memref<1x!tpu.dma_semaphore, #tpu.memory_space<semaphore_mem>> -> memref<!tpu.dma_semaphore, #tpu.memory_space<semaphore_mem>>
      tpu.enqueue_indirect_dma source(%arg14 : memref<96x128xf32, #tpu.memory_space<vmem>>) target(%dma_start3A_193 : memref<10240x128xf32, #tpu.memory_space<vmem_shared>>) offsets(%arg11 : memref<96xi32, #tpu.memory_space<vmem>>) semaphore(%dma_start3A_195 : memref<!tpu.dma_semaphore, #tpu.memory_space<semaphore_mem>>) {add = true}
      %add3A_196 = arith.constant 3 : i32
      %add3A_197 = arith.addi %add3A_158, %add3A_196 : i32
      %lt3A_198 = arith.constant 105 : i32
      %lt3A_199 = arith.cmpi slt, %add3A_197, %lt3A_198 : i32
      %convert_element_type3A_200 = arith.extui %lt3A_199 : i1 to i32
      %cond3A_201 = arith.constant 0 : i32
      %cond3A_202 = arith.cmpi ne, %convert_element_type3A_200, %cond3A_201 : i32
      scf.if %cond3A_202 {
        %add3A_252 = arith.constant 3 : i32
        %add3A_253 = arith.addi %add3A_158, %add3A_252 : i32
        %mul3A_254 = arith.constant 96 : i32
        %mul3A_255 = arith.muli %add3A_253, %mul3A_254 : i32
        %add3A_256 = arith.addi %mul3A_20, %mul3A_255 : i32
        %dma_start3A_257 = arith.constant 1 : i32
        %dma_start3A_258 = tpu.memref_slice %arg3[%add3A_256] : memref<322560xi32, #tpu.memory_space<hbm>> -> memref<96xi32, #tpu.memory_space<hbm>>
        %dma_start3A_259 = tpu.memref_slice %arg17[%dma_start3A_257] : memref<3x!tpu.dma_semaphore, #tpu.memory_space<semaphore_mem>> -> memref<1x!tpu.dma_semaphore, #tpu.memory_space<semaphore_mem>>
        %dma_start3A_260 = tpu.memref_squeeze %dma_start3A_259 : memref<1x!tpu.dma_semaphore, #tpu.memory_space<semaphore_mem>> -> memref<!tpu.dma_semaphore, #tpu.memory_space<semaphore_mem>>
        %dma_start3A_261 = tpu.memref_slice %arg3[%add3A_256] : memref<322560xi32, #tpu.memory_space<hbm>> -> memref<96xi32, #tpu.memory_space<hbm>>
        tpu.enqueue_dma source(%dma_start3A_261 : memref<96xi32, #tpu.memory_space<hbm>>) target(%arg8 : memref<96xi32, #tpu.memory_space<vmem>>) target_semaphore(%dma_start3A_260 : memref<!tpu.dma_semaphore, #tpu.memory_space<semaphore_mem>>)
      } else {
      }
      %mul3A_203 = arith.constant 3 : i32
      %mul3A_204 = arith.muli %scan3A_110, %mul3A_203 : i32
      %add3A_205 = arith.constant 2 : i32
      %add3A_206 = arith.addi %mul3A_204, %add3A_205 : i32
      %dma_wait3A_207 = arith.constant 2 : i32
      %dma_wait3A_208 = arith.constant 0 : i32
      %dma_wait3A_209 = arith.constant 0 : i32
      %dma_wait3A_210 = tpu.memref_slice %arg2[%dma_wait3A_208, %dma_wait3A_209] : memref<10000x128xf32, #tpu.memory_space<hbm>> -> memref<10000x128xf32, #tpu.memory_space<hbm>>
      %dma_wait3A_211 = tpu.memref_slice %arg16[%dma_wait3A_207] : memref<3x!tpu.dma_semaphore, #tpu.memory_space<semaphore_mem>> -> memref<1x!tpu.dma_semaphore, #tpu.memory_space<semaphore_mem>>
      %dma_wait3A_212 = tpu.memref_squeeze %dma_wait3A_211 : memref<1x!tpu.dma_semaphore, #tpu.memory_space<semaphore_mem>> -> memref<!tpu.dma_semaphore, #tpu.memory_space<semaphore_mem>>
      tpu.wait_indirect_dma semaphore(%dma_wait3A_212 : memref<!tpu.dma_semaphore, #tpu.memory_space<semaphore_mem>>) src(%dma_wait3A_210 : memref<10000x128xf32, #tpu.memory_space<hbm>>) dst(%arg15 : memref<96x128xf32, #tpu.memory_space<vmem>>)
      %ge3A_213 = arith.constant 1 : i32
      %ge3A_214 = arith.cmpi sge, %add3A_206, %ge3A_213 : i32
      %add3A_215 = arith.constant 2 : i32
      %add3A_216 = arith.addi %add3A_206, %add3A_215 : i32
      %lt3A_217 = arith.constant 105 : i32
      %lt3A_218 = arith.cmpi slt, %add3A_216, %lt3A_217 : i32
      %and3A_219 = arith.andi %ge3A_214, %lt3A_218 : i1
      %convert_element_type3A_220 = arith.extui %and3A_219 : i1 to i32
      %cond3A_221 = arith.constant 0 : i32
      %cond3A_222 = arith.cmpi ne, %convert_element_type3A_220, %cond3A_221 : i32
      scf.if %cond3A_222 {
        %dma_wait3A_252 = arith.constant 1 : i32
        %dma_wait3A_253 = arith.constant 0 : i32
        %dma_wait3A_254 = arith.constant 0 : i32
        %dma_wait3A_255 = tpu.memref_slice %arg6[%dma_wait3A_253, %dma_wait3A_254] : memref<10240x128xf32, #tpu.memory_space<vmem_shared>> -> memref<10240x128xf32, #tpu.memory_space<vmem_shared>>
        %dma_wait3A_256 = tpu.memref_slice %arg19[%dma_wait3A_252] : memref<3x!tpu.dma_semaphore, #tpu.memory_space<semaphore_mem>> -> memref<1x!tpu.dma_semaphore, #tpu.memory_space<semaphore_mem>>
        %dma_wait3A_257 = tpu.memref_squeeze %dma_wait3A_256 : memref<1x!tpu.dma_semaphore, #tpu.memory_space<semaphore_mem>> -> memref<!tpu.dma_semaphore, #tpu.memory_space<semaphore_mem>>
        tpu.wait_indirect_dma semaphore(%dma_wait3A_257 : memref<!tpu.dma_semaphore, #tpu.memory_space<semaphore_mem>>) src(%arg14 : memref<96x128xf32, #tpu.memory_space<vmem>>) dst(%dma_wait3A_255 : memref<10240x128xf32, #tpu.memory_space<vmem_shared>>)
      } else {
      }
      %add3A_223 = arith.constant 2 : i32
      %add3A_224 = arith.addi %add3A_206, %add3A_223 : i32
      %lt3A_225 = arith.constant 105 : i32
      %lt3A_226 = arith.cmpi slt, %add3A_224, %lt3A_225 : i32
      %convert_element_type3A_227 = arith.extui %lt3A_226 : i1 to i32
      %cond3A_228 = arith.constant 0 : i32
      %cond3A_229 = arith.cmpi ne, %convert_element_type3A_227, %cond3A_228 : i32
      scf.if %cond3A_229 {
        %add3A_252 = arith.constant 2 : i32
        %add3A_253 = arith.addi %add3A_206, %add3A_252 : i32
        %mul3A_254 = arith.constant 96 : i32
        %mul3A_255 = arith.muli %add3A_253, %mul3A_254 : i32
        %add3A_256 = arith.addi %mul3A_20, %mul3A_255 : i32
        %dma_start3A_257 = arith.constant 1 : i32
        %dma_start3A_258 = tpu.memref_slice %arg4[%add3A_256] : memref<322560xi32, #tpu.memory_space<hbm>> -> memref<96xi32, #tpu.memory_space<hbm>>
        %dma_start3A_259 = tpu.memref_slice %arg18[%dma_start3A_257] : memref<3x!tpu.dma_semaphore, #tpu.memory_space<semaphore_mem>> -> memref<1x!tpu.dma_semaphore, #tpu.memory_space<semaphore_mem>>
        %dma_start3A_260 = tpu.memref_squeeze %dma_start3A_259 : memref<1x!tpu.dma_semaphore, #tpu.memory_space<semaphore_mem>> -> memref<!tpu.dma_semaphore, #tpu.memory_space<semaphore_mem>>
        %dma_start3A_261 = tpu.memref_slice %arg4[%add3A_256] : memref<322560xi32, #tpu.memory_space<hbm>> -> memref<96xi32, #tpu.memory_space<hbm>>
        tpu.enqueue_dma source(%dma_start3A_261 : memref<96xi32, #tpu.memory_space<hbm>>) target(%arg11 : memref<96xi32, #tpu.memory_space<vmem>>) target_semaphore(%dma_start3A_260 : memref<!tpu.dma_semaphore, #tpu.memory_space<semaphore_mem>>)
        %add3A_262 = arith.constant 2 : i32
        %add3A_263 = arith.addi %add3A_206, %add3A_262 : i32
        %mul3A_264 = arith.constant 96 : i32
        %mul3A_265 = arith.muli %add3A_263, %mul3A_264 : i32
        %add3A_266 = arith.addi %mul3A_20, %mul3A_265 : i32
        %dma_wait3A_267 = arith.constant 1 : i32
        %dma_wait3A_268 = tpu.memref_slice %arg3[%add3A_266] : memref<322560xi32, #tpu.memory_space<hbm>> -> memref<96xi32, #tpu.memory_space<hbm>>
        %dma_wait3A_269 = tpu.memref_slice %arg17[%dma_wait3A_267] : memref<3x!tpu.dma_semaphore, #tpu.memory_space<semaphore_mem>> -> memref<1x!tpu.dma_semaphore, #tpu.memory_space<semaphore_mem>>
        %dma_wait3A_270 = tpu.memref_squeeze %dma_wait3A_269 : memref<1x!tpu.dma_semaphore, #tpu.memory_space<semaphore_mem>> -> memref<!tpu.dma_semaphore, #tpu.memory_space<semaphore_mem>>
        %dma_wait3A_271 = tpu.memref_slice %arg3[%add3A_266] : memref<322560xi32, #tpu.memory_space<hbm>> -> memref<96xi32, #tpu.memory_space<hbm>>
        tpu.wait_dma2 semaphore(%dma_wait3A_270 : memref<!tpu.dma_semaphore, #tpu.memory_space<semaphore_mem>>) src(%dma_wait3A_271 : memref<96xi32, #tpu.memory_space<hbm>>) dst(%arg8 : memref<96xi32, #tpu.memory_space<vmem>>)
        %add3A_272 = arith.constant 2 : i32
        %add3A_273 = arith.addi %add3A_206, %add3A_272 : i32
        %dma_start3A_274 = arith.constant 1 : i32
        %dma_start3A_275 = arith.constant 0 : i32
        %dma_start3A_276 = arith.constant 0 : i32
        %dma_start3A_277 = tpu.memref_slice %arg2[%dma_start3A_275, %dma_start3A_276] : memref<10000x128xf32, #tpu.memory_space<hbm>> -> memref<10000x128xf32, #tpu.memory_space<hbm>>
        %dma_start3A_278 = tpu.memref_slice %arg16[%dma_start3A_274] : memref<3x!tpu.dma_semaphore, #tpu.memory_space<semaphore_mem>> -> memref<1x!tpu.dma_semaphore, #tpu.memory_space<semaphore_mem>>
        %dma_start3A_279 = tpu.memref_squeeze %dma_start3A_278 : memref<1x!tpu.dma_semaphore, #tpu.memory_space<semaphore_mem>> -> memref<!tpu.dma_semaphore, #tpu.memory_space<semaphore_mem>>
        tpu.enqueue_indirect_dma source(%dma_start3A_277 : memref<10000x128xf32, #tpu.memory_space<hbm>>) target(%arg14 : memref<96x128xf32, #tpu.memory_space<vmem>>) offsets(%arg8 : memref<96xi32, #tpu.memory_space<vmem>>) semaphore(%dma_start3A_279 : memref<!tpu.dma_semaphore, #tpu.memory_space<semaphore_mem>>)
      } else {
      }
      %mul3A_230 = arith.constant 96 : i32
      %mul3A_231 = arith.muli %add3A_206, %mul3A_230 : i32
      %add3A_232 = arith.addi %mul3A_20, %mul3A_231 : i32
      %dma_wait3A_233 = arith.constant 2 : i32
      %dma_wait3A_234 = tpu.memref_slice %arg4[%add3A_232] : memref<322560xi32, #tpu.memory_space<hbm>> -> memref<96xi32, #tpu.memory_space<hbm>>
      %dma_wait3A_235 = tpu.memref_slice %arg18[%dma_wait3A_233] : memref<3x!tpu.dma_semaphore, #tpu.memory_space<semaphore_mem>> -> memref<1x!tpu.dma_semaphore, #tpu.memory_space<semaphore_mem>>
      %dma_wait3A_236 = tpu.memref_squeeze %dma_wait3A_235 : memref<1x!tpu.dma_semaphore, #tpu.memory_space<semaphore_mem>> -> memref<!tpu.dma_semaphore, #tpu.memory_space<semaphore_mem>>
      %dma_wait3A_237 = tpu.memref_slice %arg4[%add3A_232] : memref<322560xi32, #tpu.memory_space<hbm>> -> memref<96xi32, #tpu.memory_space<hbm>>
      tpu.wait_dma2 semaphore(%dma_wait3A_236 : memref<!tpu.dma_semaphore, #tpu.memory_space<semaphore_mem>>) src(%dma_wait3A_237 : memref<96xi32, #tpu.memory_space<hbm>>) dst(%arg12 : memref<96xi32, #tpu.memory_space<vmem>>)
      %dma_start3A_238 = arith.constant 2 : i32
      %dma_start3A_239 = arith.constant 0 : i32
      %dma_start3A_240 = arith.constant 0 : i32
      %dma_start3A_241 = tpu.memref_slice %arg6[%dma_start3A_239, %dma_start3A_240] : memref<10240x128xf32, #tpu.memory_space<vmem_shared>> -> memref<10240x128xf32, #tpu.memory_space<vmem_shared>>
      %dma_start3A_242 = tpu.memref_slice %arg19[%dma_start3A_238] : memref<3x!tpu.dma_semaphore, #tpu.memory_space<semaphore_mem>> -> memref<1x!tpu.dma_semaphore, #tpu.memory_space<semaphore_mem>>
      %dma_start3A_243 = tpu.memref_squeeze %dma_start3A_242 : memref<1x!tpu.dma_semaphore, #tpu.memory_space<semaphore_mem>> -> memref<!tpu.dma_semaphore, #tpu.memory_space<semaphore_mem>>
      tpu.enqueue_indirect_dma source(%arg15 : memref<96x128xf32, #tpu.memory_space<vmem>>) target(%dma_start3A_241 : memref<10240x128xf32, #tpu.memory_space<vmem_shared>>) offsets(%arg12 : memref<96xi32, #tpu.memory_space<vmem>>) semaphore(%dma_start3A_243 : memref<!tpu.dma_semaphore, #tpu.memory_space<semaphore_mem>>) {add = true}
      %add3A_244 = arith.constant 3 : i32
      %add3A_245 = arith.addi %add3A_206, %add3A_244 : i32
      %lt3A_246 = arith.constant 105 : i32
      %lt3A_247 = arith.cmpi slt, %add3A_245, %lt3A_246 : i32
      %convert_element_type3A_248 = arith.extui %lt3A_247 : i1 to i32
      %cond3A_249 = arith.constant 0 : i32
      %cond3A_250 = arith.cmpi ne, %convert_element_type3A_248, %cond3A_249 : i32
      scf.if %cond3A_250 {
        %add3A_252 = arith.constant 3 : i32
        %add3A_253 = arith.addi %add3A_206, %add3A_252 : i32
        %mul3A_254 = arith.constant 96 : i32
        %mul3A_255 = arith.muli %add3A_253, %mul3A_254 : i32
        %add3A_256 = arith.addi %mul3A_20, %mul3A_255 : i32
        %dma_start3A_257 = arith.constant 2 : i32
        %dma_start3A_258 = tpu.memref_slice %arg3[%add3A_256] : memref<322560xi32, #tpu.memory_space<hbm>> -> memref<96xi32, #tpu.memory_space<hbm>>
        %dma_start3A_259 = tpu.memref_slice %arg17[%dma_start3A_257] : memref<3x!tpu.dma_semaphore, #tpu.memory_space<semaphore_mem>> -> memref<1x!tpu.dma_semaphore, #tpu.memory_space<semaphore_mem>>
        %dma_start3A_260 = tpu.memref_squeeze %dma_start3A_259 : memref<1x!tpu.dma_semaphore, #tpu.memory_space<semaphore_mem>> -> memref<!tpu.dma_semaphore, #tpu.memory_space<semaphore_mem>>
        %dma_start3A_261 = tpu.memref_slice %arg3[%add3A_256] : memref<322560xi32, #tpu.memory_space<hbm>> -> memref<96xi32, #tpu.memory_space<hbm>>
        tpu.enqueue_dma source(%dma_start3A_261 : memref<96xi32, #tpu.memory_space<hbm>>) target(%arg9 : memref<96xi32, #tpu.memory_space<vmem>>) target_semaphore(%dma_start3A_260 : memref<!tpu.dma_semaphore, #tpu.memory_space<semaphore_mem>>)
      } else {
      }
      %scan3A_251 = arith.constant 0 : i32
      scf.yield %scan3A_251 : i32
    }
    %scan3A_86 = arith.constant 35 : i32
    %dma_wait3A_87 = arith.constant 0 : i32
    %dma_wait3A_88 = arith.constant 0 : i32
    %dma_wait3A_89 = arith.constant 0 : i32
    %dma_wait3A_90 = tpu.memref_slice %arg6[%dma_wait3A_88, %dma_wait3A_89] : memref<10240x128xf32, #tpu.memory_space<vmem_shared>> -> memref<10240x128xf32, #tpu.memory_space<vmem_shared>>
    %dma_wait3A_91 = tpu.memref_slice %arg19[%dma_wait3A_87] : memref<3x!tpu.dma_semaphore, #tpu.memory_space<semaphore_mem>> -> memref<1x!tpu.dma_semaphore, #tpu.memory_space<semaphore_mem>>
    %dma_wait3A_92 = tpu.memref_squeeze %dma_wait3A_91 : memref<1x!tpu.dma_semaphore, #tpu.memory_space<semaphore_mem>> -> memref<!tpu.dma_semaphore, #tpu.memory_space<semaphore_mem>>
    tpu.wait_indirect_dma semaphore(%dma_wait3A_92 : memref<!tpu.dma_semaphore, #tpu.memory_space<semaphore_mem>>) src(%arg13 : memref<96x128xf32, #tpu.memory_space<vmem>>) dst(%dma_wait3A_90 : memref<10240x128xf32, #tpu.memory_space<vmem_shared>>)
    %dma_wait3A_93 = arith.constant 1 : i32
    %dma_wait3A_94 = arith.constant 0 : i32
    %dma_wait3A_95 = arith.constant 0 : i32
    %dma_wait3A_96 = tpu.memref_slice %arg6[%dma_wait3A_94, %dma_wait3A_95] : memref<10240x128xf32, #tpu.memory_space<vmem_shared>> -> memref<10240x128xf32, #tpu.memory_space<vmem_shared>>
    %dma_wait3A_97 = tpu.memref_slice %arg19[%dma_wait3A_93] : memref<3x!tpu.dma_semaphore, #tpu.memory_space<semaphore_mem>> -> memref<1x!tpu.dma_semaphore, #tpu.memory_space<semaphore_mem>>
    %dma_wait3A_98 = tpu.memref_squeeze %dma_wait3A_97 : memref<1x!tpu.dma_semaphore, #tpu.memory_space<semaphore_mem>> -> memref<!tpu.dma_semaphore, #tpu.memory_space<semaphore_mem>>
    tpu.wait_indirect_dma semaphore(%dma_wait3A_98 : memref<!tpu.dma_semaphore, #tpu.memory_space<semaphore_mem>>) src(%arg14 : memref<96x128xf32, #tpu.memory_space<vmem>>) dst(%dma_wait3A_96 : memref<10240x128xf32, #tpu.memory_space<vmem_shared>>)
    %dma_wait3A_99 = arith.constant 2 : i32
    %dma_wait3A_100 = arith.constant 0 : i32
    %dma_wait3A_101 = arith.constant 0 : i32
    %dma_wait3A_102 = tpu.memref_slice %arg6[%dma_wait3A_100, %dma_wait3A_101] : memref<10240x128xf32, #tpu.memory_space<vmem_shared>> -> memref<10240x128xf32, #tpu.memory_space<vmem_shared>>
    %dma_wait3A_103 = tpu.memref_slice %arg19[%dma_wait3A_99] : memref<3x!tpu.dma_semaphore, #tpu.memory_space<semaphore_mem>> -> memref<1x!tpu.dma_semaphore, #tpu.memory_space<semaphore_mem>>
    %dma_wait3A_104 = tpu.memref_squeeze %dma_wait3A_103 : memref<1x!tpu.dma_semaphore, #tpu.memory_space<semaphore_mem>> -> memref<!tpu.dma_semaphore, #tpu.memory_space<semaphore_mem>>
    tpu.wait_indirect_dma semaphore(%dma_wait3A_104 : memref<!tpu.dma_semaphore, #tpu.memory_space<semaphore_mem>>) src(%arg15 : memref<96x128xf32, #tpu.memory_space<vmem>>) dst(%dma_wait3A_102 : memref<10240x128xf32, #tpu.memory_space<vmem_shared>>)
    %barrier3A_105 = arith.constant 0 : index
    tpu.barrier barrier_id(%barrier3A_105)
    %mul3A_106 = arith.constant 640 : i32
    %mul3A_107 = arith.muli %arg1, %mul3A_106 : i32
    %mul3A_108 = arith.constant 640 : i32
    %mul3A_109 = arith.muli %arg1, %mul3A_108 : i32
    "tpu.region"() ({
      %run_scoped3A = tpu.sem_alloc : memref<!tpu.dma_semaphore, #tpu.memory_space<semaphore_mem>>
      %dma_start3A_110 = arith.constant 0 : i32
      %dma_start3A_111 = tpu.memref_slice %arg5[%arg0, %mul3A_109, %dma_start3A_110] : memref<2x10240x128xf32, #tpu.memory_space<hbm>> -> memref<1x640x128xf32, #tpu.memory_space<hbm>>
      %dma_start3A_112 = tpu.memref_squeeze %dma_start3A_111 : memref<1x640x128xf32, #tpu.memory_space<hbm>> -> memref<640x128xf32, #tpu.memory_space<hbm>>
      %dma_start3A_113 = arith.constant 0 : i32
      %dma_start3A_114 = tpu.memref_slice %arg6[%mul3A_107, %dma_start3A_113] : memref<10240x128xf32, #tpu.memory_space<vmem_shared>> -> memref<640x128xf32, #tpu.memory_space<vmem_shared>>
      tpu.enqueue_dma source(%dma_start3A_114 : memref<640x128xf32, #tpu.memory_space<vmem_shared>>) target(%dma_start3A_112 : memref<640x128xf32, #tpu.memory_space<hbm>>) target_semaphore(%run_scoped3A : memref<!tpu.dma_semaphore, #tpu.memory_space<semaphore_mem>>)
      %dma_wait3A_115 = arith.constant 0 : i32
      %dma_wait3A_116 = tpu.memref_slice %arg5[%arg0, %mul3A_109, %dma_wait3A_115] : memref<2x10240x128xf32, #tpu.memory_space<hbm>> -> memref<1x640x128xf32, #tpu.memory_space<hbm>>
      %dma_wait3A_117 = tpu.memref_squeeze %dma_wait3A_116 : memref<1x640x128xf32, #tpu.memory_space<hbm>> -> memref<640x128xf32, #tpu.memory_space<hbm>>
      %dma_wait3A_118 = arith.constant 0 : i32
      %dma_wait3A_119 = tpu.memref_slice %arg6[%mul3A_107, %dma_wait3A_118] : memref<10240x128xf32, #tpu.memory_space<vmem_shared>> -> memref<640x128xf32, #tpu.memory_space<vmem_shared>>
      tpu.wait_dma2 semaphore(%run_scoped3A : memref<!tpu.dma_semaphore, #tpu.memory_space<semaphore_mem>>) src(%dma_wait3A_119 : memref<640x128xf32, #tpu.memory_space<vmem_shared>>) dst(%dma_wait3A_117 : memref<640x128xf32, #tpu.memory_space<hbm>>)
      tpu.yield
    }) : () -> ()
    return
  }
}

#map = affine_map<(d0, d1) -> (0, 0)>
#map1 = affine_map<(d0, d1) -> (0)>
#map2 = affine_map<(d0, d1) -> (0, 0, 0)>
module attributes {stable_mosaic.version = 14 : i64} {
  func.func @_segsum_body(%arg0: i32, %arg1: i32, %arg2: memref<10000x128xf32, #tpu.memory_space<hbm>>, %arg3: memref<322560xi32, #tpu.memory_space<hbm>>, %arg4: memref<322560xi32, #tpu.memory_space<hbm>>, %arg5: memref<2x10240x128xf32, #tpu.memory_space<hbm>>, %arg6: memref<10240x128xf32, #tpu.memory_space<vmem_shared>>, %arg7: memref<96xi32, #tpu.memory_space<vmem>>, %arg8: memref<96xi32, #tpu.memory_space<vmem>>, %arg9: memref<96xi32, #tpu.memory_space<vmem>>, %arg10: memref<96xi32, #tpu.memory_space<vmem>>, %arg11: memref<96xi32, #tpu.memory_space<vmem>>, %arg12: memref<96xi32, #tpu.memory_space<vmem>>, %arg13: memref<96x128xf32, #tpu.memory_space<vmem>>, %arg14: memref<96x128xf32, #tpu.memory_space<vmem>>, %arg15: memref<96x128xf32, #tpu.memory_space<vmem>>, %arg16: memref<3x!tpu.dma_semaphore, #tpu.memory_space<semaphore_mem>>, %arg17: memref<3x!tpu.dma_semaphore, #tpu.memory_space<semaphore_mem>>, %arg18: memref<3x!tpu.dma_semaphore, #tpu.memory_space<semaphore_mem>>, %arg19: memref<3x!tpu.dma_semaphore, #tpu.memory_space<semaphore_mem>>) attributes {dimension_semantics = [#tpu.dimension_semantics<core_parallel>, #tpu.dimension_semantics<subcore_parallel>], iteration_bounds = array<i64: 2, 16>, scalar_prefetch = 0 : i64, scratch_operands = 14 : i64, tpu.core_type = #tpu.core_type<sc_vector_subcore>, window_params = [{transform_indices = #map}, {transform_indices = #map1}, {transform_indices = #map1}, {transform_indices = #map2}]} {
    %mul3A = arith.constant 16 : i32
    %mul3A_0 = arith.muli %arg0, %mul3A : i32
    %add3A = arith.addi %mul3A_0, %arg1 : i32
    %broadcast_in_dim3A = arith.constant 0.000000e+00 : f32
    %broadcast_in_dim3A_1 = vector.broadcast %broadcast_in_dim3A : f32 to vector<16xf32>
    %scan3A = arith.constant 0 : i32
    %scan3A_2 = arith.constant 0 : i32
    %scan3A_3 = arith.constant 768 : i32
    %scan3A_4 = arith.addi %scan3A_2, %scan3A_3 : i32
    %scan3A_5 = arith.constant 1 : i32
    %scan3A_6 = scf.for %scan3A_110 = %scan3A_2 to %scan3A_4 step %scan3A_5 iter_args(%scan3A_111 = %scan3A) -> (i32)  : i32 {
      %jit3A = arith.constant 8 : i32
      %div3A = arith.divsi %scan3A_110, %jit3A : i32
      %sign3A = arith.constant 0 : i32
      %sign3A_112 = arith.cmpi sgt, %scan3A_110, %sign3A : i32
      %sign3A_113 = arith.extui %sign3A_112 : i1 to i32
      %sign3A_114 = arith.constant 0 : i32
      %sign3A_115 = arith.cmpi slt, %scan3A_110, %sign3A_114 : i32
      %sign3A_116 = arith.extui %sign3A_115 : i1 to i32
      %sign3A_117 = arith.subi %sign3A_113, %sign3A_116 : i32
      %sign3A_118 = arith.constant 0 : i32
      %sign3A_119 = arith.cmpi sgt, %jit3A, %sign3A_118 : i32
      %sign3A_120 = arith.extui %sign3A_119 : i1 to i32
      %sign3A_121 = arith.constant 0 : i32
      %sign3A_122 = arith.cmpi slt, %jit3A, %sign3A_121 : i32
      %sign3A_123 = arith.extui %sign3A_122 : i1 to i32
      %sign3A_124 = arith.subi %sign3A_120, %sign3A_123 : i32
      %ne3A = arith.cmpi ne, %sign3A_117, %sign3A_124 : i32
      %rem3A = arith.remsi %scan3A_110, %jit3A : i32
      %ne3A_125 = arith.constant 0 : i32
      %ne3A_126 = arith.cmpi ne, %rem3A, %ne3A_125 : i32
      %and3A = arith.andi %ne3A, %ne3A_126 : i1
      %sub3A = arith.constant 1 : i32
      %sub3A_127 = arith.subi %div3A, %sub3A : i32
      %select_n3A = arith.select %and3A, %sub3A_127, %div3A : i32
      %jit3A_128 = arith.constant 8 : i32
      %eq3A = arith.constant 0 : i32
      %eq3A_129 = arith.cmpi eq, %jit3A_128, %eq3A : i32
      %jit3A_130 = arith.constant 1 : i32
      %select_n3A_131 = arith.select %eq3A_129, %jit3A_130, %jit3A_128 : i32
      %rem3A_132 = arith.remsi %scan3A_110, %select_n3A_131 : i32
      %ne3A_133 = arith.constant 0 : i32
      %ne3A_134 = arith.cmpi ne, %rem3A_132, %ne3A_133 : i32
      %lt3A = arith.constant 0 : i32
      %lt3A_135 = arith.cmpi slt, %rem3A_132, %lt3A : i32
      %lt3A_136 = arith.constant 0 : i32
      %lt3A_137 = arith.cmpi slt, %select_n3A_131, %lt3A_136 : i32
      %ne3A_138 = arith.xori %lt3A_135, %lt3A_137 : i1
      %and3A_139 = arith.andi %ne3A_138, %ne3A_134 : i1
      %add3A_140 = arith.addi %rem3A_132, %select_n3A_131 : i32
      %select_n3A_141 = arith.select %and3A_139, %add3A_140, %rem3A_132 : i32
      %mul3A_142 = arith.constant 16 : i32
      %mul3A_143 = arith.muli %select_n3A_141, %mul3A_142 : i32
      %swap3A = arith.index_cast %select_n3A : i32 to index
      %swap3A_144 = arith.index_cast %mul3A_143 : i32 to index
      %swap3A_145 = tpu.vector_load %arg13[%swap3A, %swap3A_144] {strides = array<i32>} : memref<96x128xf32, #tpu.memory_space<vmem>>, vector<1x16xf32>,
      %swap3A_146 = vector.shape_cast %swap3A_145 : vector<1x16xf32> to vector<16xf32>
      %swap3A_147 = vector.shape_cast %broadcast_in_dim3A_1 : vector<16xf32> to vector<1x16xf32>
      tpu.vector_store %arg13[%swap3A, %swap3A_144], %swap3A_147 {strides = array<i32>} : memref<96x128xf32, #tpu.memory_space<vmem>>, vector<1x16xf32>,
      %scan3A_148 = arith.constant 0 : i32
      scf.yield %scan3A_148 : i32
    }
    %scan3A_7 = arith.constant 768 : i32
    %scan3A_8 = arith.constant 0 : i32
    %scan3A_9 = arith.constant 0 : i32
    %scan3A_10 = arith.constant 6 : i32
    %scan3A_11 = arith.addi %scan3A_9, %scan3A_10 : i32
    %scan3A_12 = arith.constant 1 : i32
    %scan3A_13 = scf.for %scan3A_110 = %scan3A_9 to %scan3A_11 step %scan3A_12 iter_args(%scan3A_111 = %scan3A_8) -> (i32)  : i32 {
      %mul3A_112 = arith.constant 640 : i32
      %mul3A_113 = arith.muli %arg1, %mul3A_112 : i32
      %mul3A_114 = arith.constant 96 : i32
      %mul3A_115 = arith.muli %scan3A_110, %mul3A_114 : i32
      %add3A_116 = arith.addi %mul3A_113, %mul3A_115 : i32
      "tpu.region"() ({
        %run_scoped3A = tpu.sem_alloc : memref<!tpu.dma_semaphore, #tpu.memory_space<semaphore_mem>>
        %dma_start3A_118 = arith.constant 0 : i32
        %dma_start3A_119 = tpu.memref_slice %arg6[%add3A_116, %dma_start3A_118] : memref<10240x128xf32, #tpu.memory_space<vmem_shared>> -> memref<96x128xf32, #tpu.memory_space<vmem_shared>>
        %dma_start3A_120 = arith.constant 0 : i32
        %dma_start3A_121 = tpu.memref_slice %arg6[%add3A_116, %dma_start3A_120] : memref<10240x128xf32, #tpu.memory_space<vmem_shared>> -> memref<96x128xf32, #tpu.memory_space<vmem_shared>>
        tpu.enqueue_dma source(%arg13 : memref<96x128xf32, #tpu.memory_space<vmem>>) target(%dma_start3A_121 : memref<96x128xf32, #tpu.memory_space<vmem_shared>>) target_semaphore(%run_scoped3A : memref<!tpu.dma_semaphore, #tpu.memory_space<semaphore_mem>>)
        %dma_wait3A_122 = arith.constant 0 : i32
        %dma_wait3A_123 = tpu.memref_slice %arg6[%add3A_116, %dma_wait3A_122] : memref<10240x128xf32, #tpu.memory_space<vmem_shared>> -> memref<96x128xf32, #tpu.memory_space<vmem_shared>>
        %dma_wait3A_124 = arith.constant 0 : i32
        %dma_wait3A_125 = tpu.memref_slice %arg6[%add3A_116, %dma_wait3A_124] : memref<10240x128xf32, #tpu.memory_space<vmem_shared>> -> memref<96x128xf32, #tpu.memory_space<vmem_shared>>
        tpu.wait_dma2 semaphore(%run_scoped3A : memref<!tpu.dma_semaphore, #tpu.memory_space<semaphore_mem>>) src(%arg13 : memref<96x128xf32, #tpu.memory_space<vmem>>) dst(%dma_wait3A_125 : memref<96x128xf32, #tpu.memory_space<vmem_shared>>)
        tpu.yield
      }) : () -> ()
      %scan3A_117 = arith.constant 0 : i32
      scf.yield %scan3A_117 : i32
    }
    %scan3A_14 = arith.constant 6 : i32
    %mul3A_15 = arith.constant 640 : i32
    %mul3A_16 = arith.muli %arg1, %mul3A_15 : i32
    %add3A_17 = arith.constant 576 : i32
    %add3A_18 = arith.addi %mul3A_16, %add3A_17 : i32
    "tpu.region"() ({
      %run_scoped3A = tpu.sem_alloc : memref<!tpu.dma_semaphore, #tpu.memory_space<semaphore_mem>>
      %dma_start3A_110 = arith.constant 0 : i32
      %dma_start3A_111 = arith.constant 0 : i32
      %dma_start3A_112 = tpu.memref_slice %arg13[%dma_start3A_110, %dma_start3A_111] : memref<96x128xf32, #tpu.memory_space<vmem>> -> memref<64x128xf32, #tpu.memory_space<vmem>>
      %dma_start3A_113 = arith.constant 0 : i32
      %dma_start3A_114 = tpu.memref_slice %arg6[%add3A_18, %dma_start3A_113] : memref<10240x128xf32, #tpu.memory_space<vmem_shared>> -> memref<64x128xf32, #tpu.memory_space<vmem_shared>>
      %dma_start3A_115 = arith.constant 0 : i32
      %dma_start3A_116 = tpu.memref_slice %arg6[%add3A_18, %dma_start3A_115] : memref<10240x128xf32, #tpu.memory_space<vmem_shared>> -> memref<64x128xf32, #tpu.memory_space<vmem_shared>>
      %dma_start3A_117 = arith.constant 0 : i32
      %dma_start3A_118 = arith.constant 0 : i32
      %dma_start3A_119 = tpu.memref_slice %arg13[%dma_start3A_117, %dma_start3A_118] : memref<96x128xf32, #tpu.memory_space<vmem>> -> memref<64x128xf32, #tpu.memory_space<vmem>>
      tpu.enqueue_dma source(%dma_start3A_119 : memref<64x128xf32, #tpu.memory_space<vmem>>) target(%dma_start3A_116 : memref<64x128xf32, #tpu.memory_space<vmem_shared>>) target_semaphore(%run_scoped3A : memref<!tpu.dma_semaphore, #tpu.memory_space<semaphore_mem>>)
      %dma_wait3A_120 = arith.constant 0 : i32
      %dma_wait3A_121 = arith.constant 0 : i32
      %dma_wait3A_122 = tpu.memref_slice %arg13[%dma_wait3A_120, %dma_wait3A_121] : memref<96x128xf32, #tpu.memory_space<vmem>> -> memref<64x128xf32, #tpu.memory_space<vmem>>
      %dma_wait3A_123 = arith.constant 0 : i32
      %dma_wait3A_124 = tpu.memref_slice %arg6[%add3A_18, %dma_wait3A_123] : memref<10240x128xf32, #tpu.memory_space<vmem_shared>> -> memref<64x128xf32, #tpu.memory_space<vmem_shared>>
      %dma_wait3A_125 = arith.constant 0 : i32
      %dma_wait3A_126 = tpu.memref_slice %arg6[%add3A_18, %dma_wait3A_125] : memref<10240x128xf32, #tpu.memory_space<vmem_shared>> -> memref<64x128xf32, #tpu.memory_space<vmem_shared>>
      %dma_wait3A_127 = arith.constant 0 : i32
      %dma_wait3A_128 = arith.constant 0 : i32
      %dma_wait3A_129 = tpu.memref_slice %arg13[%dma_wait3A_127, %dma_wait3A_128] : memref<96x128xf32, #tpu.memory_space<vmem>> -> memref<64x128xf32, #tpu.memory_space<vmem>>
      tpu.wait_dma2 semaphore(%run_scoped3A : memref<!tpu.dma_semaphore, #tpu.memory_space<semaphore_mem>>) src(%dma_wait3A_129 : memref<64x128xf32, #tpu.memory_space<vmem>>) dst(%dma_wait3A_126 : memref<64x128xf32, #tpu.memory_space<vmem_shared>>)
      tpu.yield
    }) : () -> ()
    %mul3A_19 = arith.constant 10080 : i32
    %mul3A_20 = arith.muli %add3A, %mul3A_19 : i32
    %add3A_21 = arith.constant 0 : i32
    %add3A_22 = arith.addi %mul3A_20, %add3A_21 : i32
    %dma_start3A = arith.constant 0 : i32
    %dma_start3A_23 = tpu.memref_slice %arg3[%add3A_22] : memref<322560xi32, #tpu.memory_space<hbm>> -> memref<96xi32, #tpu.memory_space<hbm>>
    %dma_start3A_24 = tpu.memref_slice %arg17[%dma_start3A] : memref<3x!tpu.dma_semaphore, #tpu.memory_space<semaphore_mem>> -> memref<1x!tpu.dma_semaphore, #tpu.memory_space<semaphore_mem>>
    %dma_start3A_25 = tpu.memref_squeeze %dma_start3A_24 : memref<1x!tpu.dma_semaphore, #tpu.memory_space<semaphore_mem>> -> memref<!tpu.dma_semaphore, #tpu.memory_space<semaphore_mem>>
    %dma_start3A_26 = tpu.memref_slice %arg3[%add3A_22] : memref<322560xi32, #tpu.memory_space<hbm>> -> memref<96xi32, #tpu.memory_space<hbm>>
    tpu.enqueue_dma source(%dma_start3A_26 : memref<96xi32, #tpu.memory_space<hbm>>) target(%arg7 : memref<96xi32, #tpu.memory_space<vmem>>) target_semaphore(%dma_start3A_25 : memref<!tpu.dma_semaphore, #tpu.memory_space<semaphore_mem>>)
    %add3A_27 = arith.constant 96 : i32
    %add3A_28 = arith.addi %mul3A_20, %add3A_27 : i32
    %dma_start3A_29 = arith.constant 1 : i32
    %dma_start3A_30 = tpu.memref_slice %arg3[%add3A_28] : memref<322560xi32, #tpu.memory_space<hbm>> -> memref<96xi32, #tpu.memory_space<hbm>>
    %dma_start3A_31 = tpu.memref_slice %arg17[%dma_start3A_29] : memref<3x!tpu.dma_semaphore, #tpu.memory_space<semaphore_mem>> -> memref<1x!tpu.dma_semaphore, #tpu.memory_space<semaphore_mem>>
    %dma_start3A_32 = tpu.memref_squeeze %dma_start3A_31 : memref<1x!tpu.dma_semaphore, #tpu.memory_space<semaphore_mem>> -> memref<!tpu.dma_semaphore, #tpu.memory_space<semaphore_mem>>
    %dma_start3A_33 = tpu.memref_slice %arg3[%add3A_28] : memref<322560xi32, #tpu.memory_space<hbm>> -> memref<96xi32, #tpu.memory_space<hbm>>
    tpu.enqueue_dma source(%dma_start3A_33 : memref<96xi32, #tpu.memory_space<hbm>>) target(%arg8 : memref<96xi32, #tpu.memory_space<vmem>>) target_semaphore(%dma_start3A_32 : memref<!tpu.dma_semaphore, #tpu.memory_space<semaphore_mem>>)
    %add3A_34 = arith.constant 192 : i32
    %add3A_35 = arith.addi %mul3A_20, %add3A_34 : i32
    %dma_start3A_36 = arith.constant 2 : i32
    %dma_start3A_37 = tpu.memref_slice %arg3[%add3A_35] : memref<322560xi32, #tpu.memory_space<hbm>> -> memref<96xi32, #tpu.memory_space<hbm>>
    %dma_start3A_38 = tpu.memref_slice %arg17[%dma_start3A_36] : memref<3x!tpu.dma_semaphore, #tpu.memory_space<semaphore_mem>> -> memref<1x!tpu.dma_semaphore, #tpu.memory_space<semaphore_mem>>
    %dma_start3A_39 = tpu.memref_squeeze %dma_start3A_38 : memref<1x!tpu.dma_semaphore, #tpu.memory_space<semaphore_mem>> -> memref<!tpu.dma_semaphore, #tpu.memory_space<semaphore_mem>>
    %dma_start3A_40 = tpu.memref_slice %arg3[%add3A_35] : memref<322560xi32, #tpu.memory_space<hbm>> -> memref<96xi32, #tpu.memory_space<hbm>>
    tpu.enqueue_dma source(%dma_start3A_40 : memref<96xi32, #tpu.memory_space<hbm>>) target(%arg9 : memref<96xi32, #tpu.memory_space<vmem>>) target_semaphore(%dma_start3A_39 : memref<!tpu.dma_semaphore, #tpu.memory_space<semaphore_mem>>)
    %add3A_41 = arith.constant 0 : i32
    %add3A_42 = arith.addi %mul3A_20, %add3A_41 : i32
    %dma_start3A_43 = arith.constant 0 : i32
    %dma_start3A_44 = tpu.memref_slice %arg4[%add3A_42] : memref<322560xi32, #tpu.memory_space<hbm>> -> memref<96xi32, #tpu.memory_space<hbm>>
    %dma_start3A_45 = tpu.memref_slice %arg18[%dma_start3A_43] : memref<3x!tpu.dma_semaphore, #tpu.memory_space<semaphore_mem>> -> memref<1x!tpu.dma_semaphore, #tpu.memory_space<semaphore_mem>>
    %dma_start3A_46 = tpu.memref_squeeze %dma_start3A_45 : memref<1x!tpu.dma_semaphore, #tpu.memory_space<semaphore_mem>> -> memref<!tpu.dma_semaphore, #tpu.memory_space<semaphore_mem>>
    %dma_start3A_47 = tpu.memref_slice %arg4[%add3A_42] : memref<322560xi32, #tpu.memory_space<hbm>> -> memref<96xi32, #tpu.memory_space<hbm>>
    tpu.enqueue_dma source(%dma_start3A_47 : memref<96xi32, #tpu.memory_space<hbm>>) target(%arg10 : memref<96xi32, #tpu.memory_space<vmem>>) target_semaphore(%dma_start3A_46 : memref<!tpu.dma_semaphore, #tpu.memory_space<semaphore_mem>>)
    %add3A_48 = arith.constant 96 : i32
    %add3A_49 = arith.addi %mul3A_20, %add3A_48 : i32
    %dma_start3A_50 = arith.constant 1 : i32
    %dma_start3A_51 = tpu.memref_slice %arg4[%add3A_49] : memref<322560xi32, #tpu.memory_space<hbm>> -> memref<96xi32, #tpu.memory_space<hbm>>
    %dma_start3A_52 = tpu.memref_slice %arg18[%dma_start3A_50] : memref<3x!tpu.dma_semaphore, #tpu.memory_space<semaphore_mem>> -> memref<1x!tpu.dma_semaphore, #tpu.memory_space<semaphore_mem>>
    %dma_start3A_53 = tpu.memref_squeeze %dma_start3A_52 : memref<1x!tpu.dma_semaphore, #tpu.memory_space<semaphore_mem>> -> memref<!tpu.dma_semaphore, #tpu.memory_space<semaphore_mem>>
    %dma_start3A_54 = tpu.memref_slice %arg4[%add3A_49] : memref<322560xi32, #tpu.memory_space<hbm>> -> memref<96xi32, #tpu.memory_space<hbm>>
    tpu.enqueue_dma source(%dma_start3A_54 : memref<96xi32, #tpu.memory_space<hbm>>) target(%arg11 : memref<96xi32, #tpu.memory_space<vmem>>) target_semaphore(%dma_start3A_53 : memref<!tpu.dma_semaphore, #tpu.memory_space<semaphore_mem>>)
    %add3A_55 = arith.constant 0 : i32
    %add3A_56 = arith.addi %mul3A_20, %add3A_55 : i32
    %dma_wait3A = arith.constant 0 : i32
    %dma_wait3A_57 = tpu.memref_slice %arg3[%add3A_56] : memref<322560xi32, #tpu.memory_space<hbm>> -> memref<96xi32, #tpu.memory_space<hbm>>
    %dma_wait3A_58 = tpu.memref_slice %arg17[%dma_wait3A] : memref<3x!tpu.dma_semaphore, #tpu.memory_space<semaphore_mem>> -> memref<1x!tpu.dma_semaphore, #tpu.memory_space<semaphore_mem>>
    %dma_wait3A_59 = tpu.memref_squeeze %dma_wait3A_58 : memref<1x!tpu.dma_semaphore, #tpu.memory_space<semaphore_mem>> -> memref<!tpu.dma_semaphore, #tpu.memory_space<semaphore_mem>>
    %dma_wait3A_60 = tpu.memref_slice %arg3[%add3A_56] : memref<322560xi32, #tpu.memory_space<hbm>> -> memref<96xi32, #tpu.memory_space<hbm>>
    tpu.wait_dma2 semaphore(%dma_wait3A_59 : memref<!tpu.dma_semaphore, #tpu.memory_space<semaphore_mem>>) src(%dma_wait3A_60 : memref<96xi32, #tpu.memory_space<hbm>>) dst(%arg7 : memref<96xi32, #tpu.memory_space<vmem>>)
    %dma_start3A_61 = arith.constant 0 : i32
    %dma_start3A_62 = arith.constant 0 : i32
    %dma_start3A_63 = arith.constant 0 : i32
    %dma_start3A_64 = tpu.memref_slice %arg2[%dma_start3A_62, %dma_start3A_63] : memref<10000x128xf32, #tpu.memory_space<hbm>> -> memref<10000x128xf32, #tpu.memory_space<hbm>>
    %dma_start3A_65 = tpu.memref_slice %arg16[%dma_start3A_61] : memref<3x!tpu.dma_semaphore, #tpu.memory_space<semaphore_mem>> -> memref<1x!tpu.dma_semaphore, #tpu.memory_space<semaphore_mem>>
    %dma_start3A_66 = tpu.memref_squeeze %dma_start3A_65 : memref<1x!tpu.dma_semaphore, #tpu.memory_space<semaphore_mem>> -> memref<!tpu.dma_semaphore, #tpu.memory_space<semaphore_mem>>
    tpu.enqueue_indirect_dma source(%dma_start3A_64 : memref<10000x128xf32, #tpu.memory_space<hbm>>) target(%arg13 : memref<96x128xf32, #tpu.memory_space<vmem>>) offsets(%arg7 : memref<96xi32, #tpu.memory_space<vmem>>) semaphore(%dma_start3A_66 : memref<!tpu.dma_semaphore, #tpu.memory_space<semaphore_mem>>)
    %add3A_67 = arith.constant 96 : i32
    %add3A_68 = arith.addi %mul3A_20, %add3A_67 : i32
    %dma_wait3A_69 = arith.constant 1 : i32
    %dma_wait3A_70 = tpu.memref_slice %arg3[%add3A_68] : memref<322560xi32, #tpu.memory_space<hbm>> -> memref<96xi32, #tpu.memory_space<hbm>>
    %dma_wait3A_71 = tpu.memref_slice %arg17[%dma_wait3A_69] : memref<3x!tpu.dma_semaphore, #tpu.memory_space<semaphore_mem>> -> memref<1x!tpu.dma_semaphore, #tpu.memory_space<semaphore_mem>>
    %dma_wait3A_72 = tpu.memref_squeeze %dma_wait3A_71 : memref<1x!tpu.dma_semaphore, #tpu.memory_space<semaphore_mem>> -> memref<!tpu.dma_semaphore, #tpu.memory_space<semaphore_mem>>
    %dma_wait3A_73 = tpu.memref_slice %arg3[%add3A_68] : memref<322560xi32, #tpu.memory_space<hbm>> -> memref<96xi32, #tpu.memory_space<hbm>>
    tpu.wait_dma2 semaphore(%dma_wait3A_72 : memref<!tpu.dma_semaphore, #tpu.memory_space<semaphore_mem>>) src(%dma_wait3A_73 : memref<96xi32, #tpu.memory_space<hbm>>) dst(%arg8 : memref<96xi32, #tpu.memory_space<vmem>>)
    %dma_start3A_74 = arith.constant 1 : i32
    %dma_start3A_75 = arith.constant 0 : i32
    %dma_start3A_76 = arith.constant 0 : i32
    %dma_start3A_77 = tpu.memref_slice %arg2[%dma_start3A_75, %dma_start3A_76] : memref<10000x128xf32, #tpu.memory_space<hbm>> -> memref<10000x128xf32, #tpu.memory_space<hbm>>
    %dma_start3A_78 = tpu.memref_slice %arg16[%dma_start3A_74] : memref<3x!tpu.dma_semaphore, #tpu.memory_space<semaphore_mem>> -> memref<1x!tpu.dma_semaphore, #tpu.memory_space<semaphore_mem>>
    %dma_start3A_79 = tpu.memref_squeeze %dma_start3A_78 : memref<1x!tpu.dma_semaphore, #tpu.memory_space<semaphore_mem>> -> memref<!tpu.dma_semaphore, #tpu.memory_space<semaphore_mem>>
    tpu.enqueue_indirect_dma source(%dma_start3A_77 : memref<10000x128xf32, #tpu.memory_space<hbm>>) target(%arg14 : memref<96x128xf32, #tpu.memory_space<vmem>>) offsets(%arg8 : memref<96xi32, #tpu.memory_space<vmem>>) semaphore(%dma_start3A_79 : memref<!tpu.dma_semaphore, #tpu.memory_space<semaphore_mem>>)
    %barrier3A = arith.constant 0 : index
    tpu.barrier barrier_id(%barrier3A)
    %scan3A_80 = arith.constant 0 : i32
    %scan3A_81 = arith.constant 0 : i32
    %scan3A_82 = arith.constant 35 : i32
    %scan3A_83 = arith.addi %scan3A_81, %scan3A_82 : i32
    %scan3A_84 = arith.constant 1 : i32
    %scan3A_85 = scf.for %scan3A_110 = %scan3A_81 to %scan3A_83 step %scan3A_84 iter_args(%scan3A_111 = %scan3A_80) -> (i32)  : i32 {
      %mul3A_112 = arith.constant 3 : i32
      %mul3A_113 = arith.muli %scan3A_110, %mul3A_112 : i32
      %add3A_114 = arith.constant 0 : i32
      %add3A_115 = arith.addi %mul3A_113, %add3A_114 : i32
      %dma_wait3A_116 = arith.constant 0 : i32
      %dma_wait3A_117 = arith.constant 0 : i32
      %dma_wait3A_118 = arith.constant 0 : i32
      %dma_wait3A_119 = tpu.memref_slice %arg2[%dma_wait3A_117, %dma_wait3A_118] : memref<10000x128xf32, #tpu.memory_space<hbm>> -> memref<10000x128xf32, #tpu.memory_space<hbm>>
      %dma_wait3A_120 = tpu.memref_slice %arg16[%dma_wait3A_116] : memref<3x!tpu.dma_semaphore, #tpu.memory_space<semaphore_mem>> -> memref<1x!tpu.dma_semaphore, #tpu.memory_space<semaphore_mem>>
      %dma_wait3A_121 = tpu.memref_squeeze %dma_wait3A_120 : memref<1x!tpu.dma_semaphore, #tpu.memory_space<semaphore_mem>> -> memref<!tpu.dma_semaphore, #tpu.memory_space<semaphore_mem>>
      tpu.wait_indirect_dma semaphore(%dma_wait3A_121 : memref<!tpu.dma_semaphore, #tpu.memory_space<semaphore_mem>>) src(%dma_wait3A_119 : memref<10000x128xf32, #tpu.memory_space<hbm>>) dst(%arg13 : memref<96x128xf32, #tpu.memory_space<vmem>>)
      %ge3A = arith.constant 1 : i32
      %ge3A_122 = arith.cmpi sge, %add3A_115, %ge3A : i32
      %add3A_123 = arith.constant 2 : i32
      %add3A_124 = arith.addi %add3A_115, %add3A_123 : i32
      %lt3A = arith.constant 105 : i32
      %lt3A_125 = arith.cmpi slt, %add3A_124, %lt3A : i32
      %and3A = arith.andi %ge3A_122, %lt3A_125 : i1
      %convert_element_type3A = arith.extui %and3A : i1 to i32
      %cond3A = arith.constant 0 : i32
      %cond3A_126 = arith.cmpi ne, %convert_element_type3A, %cond3A : i32
      scf.if %cond3A_126 {
        %dma_wait3A_252 = arith.constant 2 : i32
        %dma_wait3A_253 = arith.constant 0 : i32
        %dma_wait3A_254 = arith.constant 0 : i32
        %dma_wait3A_255 = tpu.memref_slice %arg6[%dma_wait3A_253, %dma_wait3A_254] : memref<10240x128xf32, #tpu.memory_space<vmem_shared>> -> memref<10240x128xf32, #tpu.memory_space<vmem_shared>>
        %dma_wait3A_256 = tpu.memref_slice %arg19[%dma_wait3A_252] : memref<3x!tpu.dma_semaphore, #tpu.memory_space<semaphore_mem>> -> memref<1x!tpu.dma_semaphore, #tpu.memory_space<semaphore_mem>>
        %dma_wait3A_257 = tpu.memref_squeeze %dma_wait3A_256 : memref<1x!tpu.dma_semaphore, #tpu.memory_space<semaphore_mem>> -> memref<!tpu.dma_semaphore, #tpu.memory_space<semaphore_mem>>
        tpu.wait_indirect_dma semaphore(%dma_wait3A_257 : memref<!tpu.dma_semaphore, #tpu.memory_space<semaphore_mem>>) src(%arg15 : memref<96x128xf32, #tpu.memory_space<vmem>>) dst(%dma_wait3A_255 : memref<10240x128xf32, #tpu.memory_space<vmem_shared>>)
      } else {
      }
      %add3A_127 = arith.constant 2 : i32
      %add3A_128 = arith.addi %add3A_115, %add3A_127 : i32
      %lt3A_129 = arith.constant 105 : i32
      %lt3A_130 = arith.cmpi slt, %add3A_128, %lt3A_129 : i32
      %convert_element_type3A_131 = arith.extui %lt3A_130 : i1 to i32
      %cond3A_132 = arith.constant 0 : i32
      %cond3A_133 = arith.cmpi ne, %convert_element_type3A_131, %cond3A_132 : i32
      scf.if %cond3A_133 {
        %add3A_252 = arith.constant 2 : i32
        %add3A_253 = arith.addi %add3A_115, %add3A_252 : i32
        %mul3A_254 = arith.constant 96 : i32
        %mul3A_255 = arith.muli %add3A_253, %mul3A_254 : i32
        %add3A_256 = arith.addi %mul3A_20, %mul3A_255 : i32
        %dma_start3A_257 = arith.constant 2 : i32
        %dma_start3A_258 = tpu.memref_slice %arg4[%add3A_256] : memref<322560xi32, #tpu.memory_space<hbm>> -> memref<96xi32, #tpu.memory_space<hbm>>
        %dma_start3A_259 = tpu.memref_slice %arg18[%dma_start3A_257] : memref<3x!tpu.dma_semaphore, #tpu.memory_space<semaphore_mem>> -> memref<1x!tpu.dma_semaphore, #tpu.memory_space<semaphore_mem>>
        %dma_start3A_260 = tpu.memref_squeeze %dma_start3A_259 : memref<1x!tpu.dma_semaphore, #tpu.memory_space<semaphore_mem>> -> memref<!tpu.dma_semaphore, #tpu.memory_space<semaphore_mem>>
        %dma_start3A_261 = tpu.memref_slice %arg4[%add3A_256] : memref<322560xi32, #tpu.memory_space<hbm>> -> memref<96xi32, #tpu.memory_space<hbm>>
        tpu.enqueue_dma source(%dma_start3A_261 : memref<96xi32, #tpu.memory_space<hbm>>) target(%arg12 : memref<96xi32, #tpu.memory_space<vmem>>) target_semaphore(%dma_start3A_260 : memref<!tpu.dma_semaphore, #tpu.memory_space<semaphore_mem>>)
        %add3A_262 = arith.constant 2 : i32
        %add3A_263 = arith.addi %add3A_115, %add3A_262 : i32
        %mul3A_264 = arith.constant 96 : i32
        %mul3A_265 = arith.muli %add3A_263, %mul3A_264 : i32
        %add3A_266 = arith.addi %mul3A_20, %mul3A_265 : i32
        %dma_wait3A_267 = arith.constant 2 : i32
        %dma_wait3A_268 = tpu.memref_slice %arg3[%add3A_266] : memref<322560xi32, #tpu.memory_space<hbm>> -> memref<96xi32, #tpu.memory_space<hbm>>
        %dma_wait3A_269 = tpu.memref_slice %arg17[%dma_wait3A_267] : memref<3x!tpu.dma_semaphore, #tpu.memory_space<semaphore_mem>> -> memref<1x!tpu.dma_semaphore, #tpu.memory_space<semaphore_mem>>
        %dma_wait3A_270 = tpu.memref_squeeze %dma_wait3A_269 : memref<1x!tpu.dma_semaphore, #tpu.memory_space<semaphore_mem>> -> memref<!tpu.dma_semaphore, #tpu.memory_space<semaphore_mem>>
        %dma_wait3A_271 = tpu.memref_slice %arg3[%add3A_266] : memref<322560xi32, #tpu.memory_space<hbm>> -> memref<96xi32, #tpu.memory_space<hbm>>
        tpu.wait_dma2 semaphore(%dma_wait3A_270 : memref<!tpu.dma_semaphore, #tpu.memory_space<semaphore_mem>>) src(%dma_wait3A_271 : memref<96xi32, #tpu.memory_space<hbm>>) dst(%arg9 : memref<96xi32, #tpu.memory_space<vmem>>)
        %add3A_272 = arith.constant 2 : i32
        %add3A_273 = arith.addi %add3A_115, %add3A_272 : i32
        %dma_start3A_274 = arith.constant 2 : i32
        %dma_start3A_275 = arith.constant 0 : i32
        %dma_start3A_276 = arith.constant 0 : i32
        %dma_start3A_277 = tpu.memref_slice %arg2[%dma_start3A_275, %dma_start3A_276] : memref<10000x128xf32, #tpu.memory_space<hbm>> -> memref<10000x128xf32, #tpu.memory_space<hbm>>
        %dma_start3A_278 = tpu.memref_slice %arg16[%dma_start3A_274] : memref<3x!tpu.dma_semaphore, #tpu.memory_space<semaphore_mem>> -> memref<1x!tpu.dma_semaphore, #tpu.memory_space<semaphore_mem>>
        %dma_start3A_279 = tpu.memref_squeeze %dma_start3A_278 : memref<1x!tpu.dma_semaphore, #tpu.memory_space<semaphore_mem>> -> memref<!tpu.dma_semaphore, #tpu.memory_space<semaphore_mem>>
        tpu.enqueue_indirect_dma source(%dma_start3A_277 : memref<10000x128xf32, #tpu.memory_space<hbm>>) target(%arg15 : memref<96x128xf32, #tpu.memory_space<vmem>>) offsets(%arg9 : memref<96xi32, #tpu.memory_space<vmem>>) semaphore(%dma_start3A_279 : memref<!tpu.dma_semaphore, #tpu.memory_space<semaphore_mem>>)
      } else {
      }
      %mul3A_134 = arith.constant 96 : i32
      %mul3A_135 = arith.muli %add3A_115, %mul3A_134 : i32
      %add3A_136 = arith.addi %mul3A_20, %mul3A_135 : i32
      %dma_wait3A_137 = arith.constant 0 : i32
      %dma_wait3A_138 = tpu.memref_slice %arg4[%add3A_136] : memref<322560xi32, #tpu.memory_space<hbm>> -> memref<96xi32, #tpu.memory_space<hbm>>
      %dma_wait3A_139 = tpu.memref_slice %arg18[%dma_wait3A_137] : memref<3x!tpu.dma_semaphore, #tpu.memory_space<semaphore_mem>> -> memref<1x!tpu.dma_semaphore, #tpu.memory_space<semaphore_mem>>
      %dma_wait3A_140 = tpu.memref_squeeze %dma_wait3A_139 : memref<1x!tpu.dma_semaphore, #tpu.memory_space<semaphore_mem>> -> memref<!tpu.dma_semaphore, #tpu.memory_space<semaphore_mem>>
      %dma_wait3A_141 = tpu.memref_slice %arg4[%add3A_136] : memref<322560xi32, #tpu.memory_space<hbm>> -> memref<96xi32, #tpu.memory_space<hbm>>
      tpu.wait_dma2 semaphore(%dma_wait3A_140 : memref<!tpu.dma_semaphore, #tpu.memory_space<semaphore_mem>>) src(%dma_wait3A_141 : memref<96xi32, #tpu.memory_space<hbm>>) dst(%arg10 : memref<96xi32, #tpu.memory_space<vmem>>)
      %dma_start3A_142 = arith.constant 0 : i32
      %dma_start3A_143 = arith.constant 0 : i32
      %dma_start3A_144 = arith.constant 0 : i32
      %dma_start3A_145 = tpu.memref_slice %arg6[%dma_start3A_143, %dma_start3A_144] : memref<10240x128xf32, #tpu.memory_space<vmem_shared>> -> memref<10240x128xf32, #tpu.memory_space<vmem_shared>>
      %dma_start3A_146 = tpu.memref_slice %arg19[%dma_start3A_142] : memref<3x!tpu.dma_semaphore, #tpu.memory_space<semaphore_mem>> -> memref<1x!tpu.dma_semaphore, #tpu.memory_space<semaphore_mem>>
      %dma_start3A_147 = tpu.memref_squeeze %dma_start3A_146 : memref<1x!tpu.dma_semaphore, #tpu.memory_space<semaphore_mem>> -> memref<!tpu.dma_semaphore, #tpu.memory_space<semaphore_mem>>
      tpu.enqueue_indirect_dma source(%arg13 : memref<96x128xf32, #tpu.memory_space<vmem>>) target(%dma_start3A_145 : memref<10240x128xf32, #tpu.memory_space<vmem_shared>>) offsets(%arg10 : memref<96xi32, #tpu.memory_space<vmem>>) semaphore(%dma_start3A_147 : memref<!tpu.dma_semaphore, #tpu.memory_space<semaphore_mem>>) {add = true}
      %add3A_148 = arith.constant 3 : i32
      %add3A_149 = arith.addi %add3A_115, %add3A_148 : i32
      %lt3A_150 = arith.constant 105 : i32
      %lt3A_151 = arith.cmpi slt, %add3A_149, %lt3A_150 : i32
      %convert_element_type3A_152 = arith.extui %lt3A_151 : i1 to i32
      %cond3A_153 = arith.constant 0 : i32
      %cond3A_154 = arith.cmpi ne, %convert_element_type3A_152, %cond3A_153 : i32
      scf.if %cond3A_154 {
        %add3A_252 = arith.constant 3 : i32
        %add3A_253 = arith.addi %add3A_115, %add3A_252 : i32
        %mul3A_254 = arith.constant 96 : i32
        %mul3A_255 = arith.muli %add3A_253, %mul3A_254 : i32
        %add3A_256 = arith.addi %mul3A_20, %mul3A_255 : i32
        %dma_start3A_257 = arith.constant 0 : i32
        %dma_start3A_258 = tpu.memref_slice %arg3[%add3A_256] : memref<322560xi32, #tpu.memory_space<hbm>> -> memref<96xi32, #tpu.memory_space<hbm>>
        %dma_start3A_259 = tpu.memref_slice %arg17[%dma_start3A_257] : memref<3x!tpu.dma_semaphore, #tpu.memory_space<semaphore_mem>> -> memref<1x!tpu.dma_semaphore, #tpu.memory_space<semaphore_mem>>
        %dma_start3A_260 = tpu.memref_squeeze %dma_start3A_259 : memref<1x!tpu.dma_semaphore, #tpu.memory_space<semaphore_mem>> -> memref<!tpu.dma_semaphore, #tpu.memory_space<semaphore_mem>>
        %dma_start3A_261 = tpu.memref_slice %arg3[%add3A_256] : memref<322560xi32, #tpu.memory_space<hbm>> -> memref<96xi32, #tpu.memory_space<hbm>>
        tpu.enqueue_dma source(%dma_start3A_261 : memref<96xi32, #tpu.memory_space<hbm>>) target(%arg7 : memref<96xi32, #tpu.memory_space<vmem>>) target_semaphore(%dma_start3A_260 : memref<!tpu.dma_semaphore, #tpu.memory_space<semaphore_mem>>)
      } else {
      }
      %mul3A_155 = arith.constant 3 : i32
      %mul3A_156 = arith.muli %scan3A_110, %mul3A_155 : i32
      %add3A_157 = arith.constant 1 : i32
      %add3A_158 = arith.addi %mul3A_156, %add3A_157 : i32
      %dma_wait3A_159 = arith.constant 1 : i32
      %dma_wait3A_160 = arith.constant 0 : i32
      %dma_wait3A_161 = arith.constant 0 : i32
      %dma_wait3A_162 = tpu.memref_slice %arg2[%dma_wait3A_160, %dma_wait3A_161] : memref<10000x128xf32, #tpu.memory_space<hbm>> -> memref<10000x128xf32, #tpu.memory_space<hbm>>
      %dma_wait3A_163 = tpu.memref_slice %arg16[%dma_wait3A_159] : memref<3x!tpu.dma_semaphore, #tpu.memory_space<semaphore_mem>> -> memref<1x!tpu.dma_semaphore, #tpu.memory_space<semaphore_mem>>
      %dma_wait3A_164 = tpu.memref_squeeze %dma_wait3A_163 : memref<1x!tpu.dma_semaphore, #tpu.memory_space<semaphore_mem>> -> memref<!tpu.dma_semaphore, #tpu.memory_space<semaphore_mem>>
      tpu.wait_indirect_dma semaphore(%dma_wait3A_164 : memref<!tpu.dma_semaphore, #tpu.memory_space<semaphore_mem>>) src(%dma_wait3A_162 : memref<10000x128xf32, #tpu.memory_space<hbm>>) dst(%arg14 : memref<96x128xf32, #tpu.memory_space<vmem>>)
      %ge3A_165 = arith.constant 1 : i32
      %ge3A_166 = arith.cmpi sge, %add3A_158, %ge3A_165 : i32
      %add3A_167 = arith.constant 2 : i32
      %add3A_168 = arith.addi %add3A_158, %add3A_167 : i32
      %lt3A_169 = arith.constant 105 : i32
      %lt3A_170 = arith.cmpi slt, %add3A_168, %lt3A_169 : i32
      %and3A_171 = arith.andi %ge3A_166, %lt3A_170 : i1
      %convert_element_type3A_172 = arith.extui %and3A_171 : i1 to i32
      %cond3A_173 = arith.constant 0 : i32
      %cond3A_174 = arith.cmpi ne, %convert_element_type3A_172, %cond3A_173 : i32
      scf.if %cond3A_174 {
        %dma_wait3A_252 = arith.constant 0 : i32
        %dma_wait3A_253 = arith.constant 0 : i32
        %dma_wait3A_254 = arith.constant 0 : i32
        %dma_wait3A_255 = tpu.memref_slice %arg6[%dma_wait3A_253, %dma_wait3A_254] : memref<10240x128xf32, #tpu.memory_space<vmem_shared>> -> memref<10240x128xf32, #tpu.memory_space<vmem_shared>>
        %dma_wait3A_256 = tpu.memref_slice %arg19[%dma_wait3A_252] : memref<3x!tpu.dma_semaphore, #tpu.memory_space<semaphore_mem>> -> memref<1x!tpu.dma_semaphore, #tpu.memory_space<semaphore_mem>>
        %dma_wait3A_257 = tpu.memref_squeeze %dma_wait3A_256 : memref<1x!tpu.dma_semaphore, #tpu.memory_space<semaphore_mem>> -> memref<!tpu.dma_semaphore, #tpu.memory_space<semaphore_mem>>
        tpu.wait_indirect_dma semaphore(%dma_wait3A_257 : memref<!tpu.dma_semaphore, #tpu.memory_space<semaphore_mem>>) src(%arg13 : memref<96x128xf32, #tpu.memory_space<vmem>>) dst(%dma_wait3A_255 : memref<10240x128xf32, #tpu.memory_space<vmem_shared>>)
      } else {
      }
      %add3A_175 = arith.constant 2 : i32
      %add3A_176 = arith.addi %add3A_158, %add3A_175 : i32
      %lt3A_177 = arith.constant 105 : i32
      %lt3A_178 = arith.cmpi slt, %add3A_176, %lt3A_177 : i32
      %convert_element_type3A_179 = arith.extui %lt3A_178 : i1 to i32
      %cond3A_180 = arith.constant 0 : i32
      %cond3A_181 = arith.cmpi ne, %convert_element_type3A_179, %cond3A_180 : i32
      scf.if %cond3A_181 {
        %add3A_252 = arith.constant 2 : i32
        %add3A_253 = arith.addi %add3A_158, %add3A_252 : i32
        %mul3A_254 = arith.constant 96 : i32
        %mul3A_255 = arith.muli %add3A_253, %mul3A_254 : i32
        %add3A_256 = arith.addi %mul3A_20, %mul3A_255 : i32
        %dma_start3A_257 = arith.constant 0 : i32
        %dma_start3A_258 = tpu.memref_slice %arg4[%add3A_256] : memref<322560xi32, #tpu.memory_space<hbm>> -> memref<96xi32, #tpu.memory_space<hbm>>
        %dma_start3A_259 = tpu.memref_slice %arg18[%dma_start3A_257] : memref<3x!tpu.dma_semaphore, #tpu.memory_space<semaphore_mem>> -> memref<1x!tpu.dma_semaphore, #tpu.memory_space<semaphore_mem>>
        %dma_start3A_260 = tpu.memref_squeeze %dma_start3A_259 : memref<1x!tpu.dma_semaphore, #tpu.memory_space<semaphore_mem>> -> memref<!tpu.dma_semaphore, #tpu.memory_space<semaphore_mem>>
        %dma_start3A_261 = tpu.memref_slice %arg4[%add3A_256] : memref<322560xi32, #tpu.memory_space<hbm>> -> memref<96xi32, #tpu.memory_space<hbm>>
        tpu.enqueue_dma source(%dma_start3A_261 : memref<96xi32, #tpu.memory_space<hbm>>) target(%arg10 : memref<96xi32, #tpu.memory_space<vmem>>) target_semaphore(%dma_start3A_260 : memref<!tpu.dma_semaphore, #tpu.memory_space<semaphore_mem>>)
        %add3A_262 = arith.constant 2 : i32
        %add3A_263 = arith.addi %add3A_158, %add3A_262 : i32
        %mul3A_264 = arith.constant 96 : i32
        %mul3A_265 = arith.muli %add3A_263, %mul3A_264 : i32
        %add3A_266 = arith.addi %mul3A_20, %mul3A_265 : i32
        %dma_wait3A_267 = arith.constant 0 : i32
        %dma_wait3A_268 = tpu.memref_slice %arg3[%add3A_266] : memref<322560xi32, #tpu.memory_space<hbm>> -> memref<96xi32, #tpu.memory_space<hbm>>
        %dma_wait3A_269 = tpu.memref_slice %arg17[%dma_wait3A_267] : memref<3x!tpu.dma_semaphore, #tpu.memory_space<semaphore_mem>> -> memref<1x!tpu.dma_semaphore, #tpu.memory_space<semaphore_mem>>
        %dma_wait3A_270 = tpu.memref_squeeze %dma_wait3A_269 : memref<1x!tpu.dma_semaphore, #tpu.memory_space<semaphore_mem>> -> memref<!tpu.dma_semaphore, #tpu.memory_space<semaphore_mem>>
        %dma_wait3A_271 = tpu.memref_slice %arg3[%add3A_266] : memref<322560xi32, #tpu.memory_space<hbm>> -> memref<96xi32, #tpu.memory_space<hbm>>
        tpu.wait_dma2 semaphore(%dma_wait3A_270 : memref<!tpu.dma_semaphore, #tpu.memory_space<semaphore_mem>>) src(%dma_wait3A_271 : memref<96xi32, #tpu.memory_space<hbm>>) dst(%arg7 : memref<96xi32, #tpu.memory_space<vmem>>)
        %add3A_272 = arith.constant 2 : i32
        %add3A_273 = arith.addi %add3A_158, %add3A_272 : i32
        %dma_start3A_274 = arith.constant 0 : i32
        %dma_start3A_275 = arith.constant 0 : i32
        %dma_start3A_276 = arith.constant 0 : i32
        %dma_start3A_277 = tpu.memref_slice %arg2[%dma_start3A_275, %dma_start3A_276] : memref<10000x128xf32, #tpu.memory_space<hbm>> -> memref<10000x128xf32, #tpu.memory_space<hbm>>
        %dma_start3A_278 = tpu.memref_slice %arg16[%dma_start3A_274] : memref<3x!tpu.dma_semaphore, #tpu.memory_space<semaphore_mem>> -> memref<1x!tpu.dma_semaphore, #tpu.memory_space<semaphore_mem>>
        %dma_start3A_279 = tpu.memref_squeeze %dma_start3A_278 : memref<1x!tpu.dma_semaphore, #tpu.memory_space<semaphore_mem>> -> memref<!tpu.dma_semaphore, #tpu.memory_space<semaphore_mem>>
        tpu.enqueue_indirect_dma source(%dma_start3A_277 : memref<10000x128xf32, #tpu.memory_space<hbm>>) target(%arg13 : memref<96x128xf32, #tpu.memory_space<vmem>>) offsets(%arg7 : memref<96xi32, #tpu.memory_space<vmem>>) semaphore(%dma_start3A_279 : memref<!tpu.dma_semaphore, #tpu.memory_space<semaphore_mem>>)
      } else {
      }
      %mul3A_182 = arith.constant 96 : i32
      %mul3A_183 = arith.muli %add3A_158, %mul3A_182 : i32
      %add3A_184 = arith.addi %mul3A_20, %mul3A_183 : i32
      %dma_wait3A_185 = arith.constant 1 : i32
      %dma_wait3A_186 = tpu.memref_slice %arg4[%add3A_184] : memref<322560xi32, #tpu.memory_space<hbm>> -> memref<96xi32, #tpu.memory_space<hbm>>
      %dma_wait3A_187 = tpu.memref_slice %arg18[%dma_wait3A_185] : memref<3x!tpu.dma_semaphore, #tpu.memory_space<semaphore_mem>> -> memref<1x!tpu.dma_semaphore, #tpu.memory_space<semaphore_mem>>
      %dma_wait3A_188 = tpu.memref_squeeze %dma_wait3A_187 : memref<1x!tpu.dma_semaphore, #tpu.memory_space<semaphore_mem>> -> memref<!tpu.dma_semaphore, #tpu.memory_space<semaphore_mem>>
      %dma_wait3A_189 = tpu.memref_slice %arg4[%add3A_184] : memref<322560xi32, #tpu.memory_space<hbm>> -> memref<96xi32, #tpu.memory_space<hbm>>
      tpu.wait_dma2 semaphore(%dma_wait3A_188 : memref<!tpu.dma_semaphore, #tpu.memory_space<semaphore_mem>>) src(%dma_wait3A_189 : memref<96xi32, #tpu.memory_space<hbm>>) dst(%arg11 : memref<96xi32, #tpu.memory_space<vmem>>)
      %dma_start3A_190 = arith.constant 1 : i32
      %dma_start3A_191 = arith.constant 0 : i32
      %dma_start3A_192 = arith.constant 0 : i32
      %dma_start3A_193 = tpu.memref_slice %arg6[%dma_start3A_191, %dma_start3A_192] : memref<10240x128xf32, #tpu.memory_space<vmem_shared>> -> memref<10240x128xf32, #tpu.memory_space<vmem_shared>>
      %dma_start3A_194 = tpu.memref_slice %arg19[%dma_start3A_190] : memref<3x!tpu.dma_semaphore, #tpu.memory_space<semaphore_mem>> -> memref<1x!tpu.dma_semaphore, #tpu.memory_space<semaphore_mem>>
      %dma_start3A_195 = tpu.memref_squeeze %dma_start3A_194 : memref<1x!tpu.dma_semaphore, #tpu.memory_space<semaphore_mem>> -> memref<!tpu.dma_semaphore, #tpu.memory_space<semaphore_mem>>
      tpu.enqueue_indirect_dma source(%arg14 : memref<96x128xf32, #tpu.memory_space<vmem>>) target(%dma_start3A_193 : memref<10240x128xf32, #tpu.memory_space<vmem_shared>>) offsets(%arg11 : memref<96xi32, #tpu.memory_space<vmem>>) semaphore(%dma_start3A_195 : memref<!tpu.dma_semaphore, #tpu.memory_space<semaphore_mem>>) {add = true}
      %add3A_196 = arith.constant 3 : i32
      %add3A_197 = arith.addi %add3A_158, %add3A_196 : i32
      %lt3A_198 = arith.constant 105 : i32
      %lt3A_199 = arith.cmpi slt, %add3A_197, %lt3A_198 : i32
      %convert_element_type3A_200 = arith.extui %lt3A_199 : i1 to i32
      %cond3A_201 = arith.constant 0 : i32
      %cond3A_202 = arith.cmpi ne, %convert_element_type3A_200, %cond3A_201 : i32
      scf.if %cond3A_202 {
        %add3A_252 = arith.constant 3 : i32
        %add3A_253 = arith.addi %add3A_158, %add3A_252 : i32
        %mul3A_254 = arith.constant 96 : i32
        %mul3A_255 = arith.muli %add3A_253, %mul3A_254 : i32
        %add3A_256 = arith.addi %mul3A_20, %mul3A_255 : i32
        %dma_start3A_257 = arith.constant 1 : i32
        %dma_start3A_258 = tpu.memref_slice %arg3[%add3A_256] : memref<322560xi32, #tpu.memory_space<hbm>> -> memref<96xi32, #tpu.memory_space<hbm>>
        %dma_start3A_259 = tpu.memref_slice %arg17[%dma_start3A_257] : memref<3x!tpu.dma_semaphore, #tpu.memory_space<semaphore_mem>> -> memref<1x!tpu.dma_semaphore, #tpu.memory_space<semaphore_mem>>
        %dma_start3A_260 = tpu.memref_squeeze %dma_start3A_259 : memref<1x!tpu.dma_semaphore, #tpu.memory_space<semaphore_mem>> -> memref<!tpu.dma_semaphore, #tpu.memory_space<semaphore_mem>>
        %dma_start3A_261 = tpu.memref_slice %arg3[%add3A_256] : memref<322560xi32, #tpu.memory_space<hbm>> -> memref<96xi32, #tpu.memory_space<hbm>>
        tpu.enqueue_dma source(%dma_start3A_261 : memref<96xi32, #tpu.memory_space<hbm>>) target(%arg8 : memref<96xi32, #tpu.memory_space<vmem>>) target_semaphore(%dma_start3A_260 : memref<!tpu.dma_semaphore, #tpu.memory_space<semaphore_mem>>)
      } else {
      }
      %mul3A_203 = arith.constant 3 : i32
      %mul3A_204 = arith.muli %scan3A_110, %mul3A_203 : i32
      %add3A_205 = arith.constant 2 : i32
      %add3A_206 = arith.addi %mul3A_204, %add3A_205 : i32
      %dma_wait3A_207 = arith.constant 2 : i32
      %dma_wait3A_208 = arith.constant 0 : i32
      %dma_wait3A_209 = arith.constant 0 : i32
      %dma_wait3A_210 = tpu.memref_slice %arg2[%dma_wait3A_208, %dma_wait3A_209] : memref<10000x128xf32, #tpu.memory_space<hbm>> -> memref<10000x128xf32, #tpu.memory_space<hbm>>
      %dma_wait3A_211 = tpu.memref_slice %arg16[%dma_wait3A_207] : memref<3x!tpu.dma_semaphore, #tpu.memory_space<semaphore_mem>> -> memref<1x!tpu.dma_semaphore, #tpu.memory_space<semaphore_mem>>
      %dma_wait3A_212 = tpu.memref_squeeze %dma_wait3A_211 : memref<1x!tpu.dma_semaphore, #tpu.memory_space<semaphore_mem>> -> memref<!tpu.dma_semaphore, #tpu.memory_space<semaphore_mem>>
      tpu.wait_indirect_dma semaphore(%dma_wait3A_212 : memref<!tpu.dma_semaphore, #tpu.memory_space<semaphore_mem>>) src(%dma_wait3A_210 : memref<10000x128xf32, #tpu.memory_space<hbm>>) dst(%arg15 : memref<96x128xf32, #tpu.memory_space<vmem>>)
      %ge3A_213 = arith.constant 1 : i32
      %ge3A_214 = arith.cmpi sge, %add3A_206, %ge3A_213 : i32
      %add3A_215 = arith.constant 2 : i32
      %add3A_216 = arith.addi %add3A_206, %add3A_215 : i32
      %lt3A_217 = arith.constant 105 : i32
      %lt3A_218 = arith.cmpi slt, %add3A_216, %lt3A_217 : i32
      %and3A_219 = arith.andi %ge3A_214, %lt3A_218 : i1
      %convert_element_type3A_220 = arith.extui %and3A_219 : i1 to i32
      %cond3A_221 = arith.constant 0 : i32
      %cond3A_222 = arith.cmpi ne, %convert_element_type3A_220, %cond3A_221 : i32
      scf.if %cond3A_222 {
        %dma_wait3A_252 = arith.constant 1 : i32
        %dma_wait3A_253 = arith.constant 0 : i32
        %dma_wait3A_254 = arith.constant 0 : i32
        %dma_wait3A_255 = tpu.memref_slice %arg6[%dma_wait3A_253, %dma_wait3A_254] : memref<10240x128xf32, #tpu.memory_space<vmem_shared>> -> memref<10240x128xf32, #tpu.memory_space<vmem_shared>>
        %dma_wait3A_256 = tpu.memref_slice %arg19[%dma_wait3A_252] : memref<3x!tpu.dma_semaphore, #tpu.memory_space<semaphore_mem>> -> memref<1x!tpu.dma_semaphore, #tpu.memory_space<semaphore_mem>>
        %dma_wait3A_257 = tpu.memref_squeeze %dma_wait3A_256 : memref<1x!tpu.dma_semaphore, #tpu.memory_space<semaphore_mem>> -> memref<!tpu.dma_semaphore, #tpu.memory_space<semaphore_mem>>
        tpu.wait_indirect_dma semaphore(%dma_wait3A_257 : memref<!tpu.dma_semaphore, #tpu.memory_space<semaphore_mem>>) src(%arg14 : memref<96x128xf32, #tpu.memory_space<vmem>>) dst(%dma_wait3A_255 : memref<10240x128xf32, #tpu.memory_space<vmem_shared>>)
      } else {
      }
      %add3A_223 = arith.constant 2 : i32
      %add3A_224 = arith.addi %add3A_206, %add3A_223 : i32
      %lt3A_225 = arith.constant 105 : i32
      %lt3A_226 = arith.cmpi slt, %add3A_224, %lt3A_225 : i32
      %convert_element_type3A_227 = arith.extui %lt3A_226 : i1 to i32
      %cond3A_228 = arith.constant 0 : i32
      %cond3A_229 = arith.cmpi ne, %convert_element_type3A_227, %cond3A_228 : i32
      scf.if %cond3A_229 {
        %add3A_252 = arith.constant 2 : i32
        %add3A_253 = arith.addi %add3A_206, %add3A_252 : i32
        %mul3A_254 = arith.constant 96 : i32
        %mul3A_255 = arith.muli %add3A_253, %mul3A_254 : i32
        %add3A_256 = arith.addi %mul3A_20, %mul3A_255 : i32
        %dma_start3A_257 = arith.constant 1 : i32
        %dma_start3A_258 = tpu.memref_slice %arg4[%add3A_256] : memref<322560xi32, #tpu.memory_space<hbm>> -> memref<96xi32, #tpu.memory_space<hbm>>
        %dma_start3A_259 = tpu.memref_slice %arg18[%dma_start3A_257] : memref<3x!tpu.dma_semaphore, #tpu.memory_space<semaphore_mem>> -> memref<1x!tpu.dma_semaphore, #tpu.memory_space<semaphore_mem>>
        %dma_start3A_260 = tpu.memref_squeeze %dma_start3A_259 : memref<1x!tpu.dma_semaphore, #tpu.memory_space<semaphore_mem>> -> memref<!tpu.dma_semaphore, #tpu.memory_space<semaphore_mem>>
        %dma_start3A_261 = tpu.memref_slice %arg4[%add3A_256] : memref<322560xi32, #tpu.memory_space<hbm>> -> memref<96xi32, #tpu.memory_space<hbm>>
        tpu.enqueue_dma source(%dma_start3A_261 : memref<96xi32, #tpu.memory_space<hbm>>) target(%arg11 : memref<96xi32, #tpu.memory_space<vmem>>) target_semaphore(%dma_start3A_260 : memref<!tpu.dma_semaphore, #tpu.memory_space<semaphore_mem>>)
        %add3A_262 = arith.constant 2 : i32
        %add3A_263 = arith.addi %add3A_206, %add3A_262 : i32
        %mul3A_264 = arith.constant 96 : i32
        %mul3A_265 = arith.muli %add3A_263, %mul3A_264 : i32
        %add3A_266 = arith.addi %mul3A_20, %mul3A_265 : i32
        %dma_wait3A_267 = arith.constant 1 : i32
        %dma_wait3A_268 = tpu.memref_slice %arg3[%add3A_266] : memref<322560xi32, #tpu.memory_space<hbm>> -> memref<96xi32, #tpu.memory_space<hbm>>
        %dma_wait3A_269 = tpu.memref_slice %arg17[%dma_wait3A_267] : memref<3x!tpu.dma_semaphore, #tpu.memory_space<semaphore_mem>> -> memref<1x!tpu.dma_semaphore, #tpu.memory_space<semaphore_mem>>
        %dma_wait3A_270 = tpu.memref_squeeze %dma_wait3A_269 : memref<1x!tpu.dma_semaphore, #tpu.memory_space<semaphore_mem>> -> memref<!tpu.dma_semaphore, #tpu.memory_space<semaphore_mem>>
        %dma_wait3A_271 = tpu.memref_slice %arg3[%add3A_266] : memref<322560xi32, #tpu.memory_space<hbm>> -> memref<96xi32, #tpu.memory_space<hbm>>
        tpu.wait_dma2 semaphore(%dma_wait3A_270 : memref<!tpu.dma_semaphore, #tpu.memory_space<semaphore_mem>>) src(%dma_wait3A_271 : memref<96xi32, #tpu.memory_space<hbm>>) dst(%arg8 : memref<96xi32, #tpu.memory_space<vmem>>)
        %add3A_272 = arith.constant 2 : i32
        %add3A_273 = arith.addi %add3A_206, %add3A_272 : i32
        %dma_start3A_274 = arith.constant 1 : i32
        %dma_start3A_275 = arith.constant 0 : i32
        %dma_start3A_276 = arith.constant 0 : i32
        %dma_start3A_277 = tpu.memref_slice %arg2[%dma_start3A_275, %dma_start3A_276] : memref<10000x128xf32, #tpu.memory_space<hbm>> -> memref<10000x128xf32, #tpu.memory_space<hbm>>
        %dma_start3A_278 = tpu.memref_slice %arg16[%dma_start3A_274] : memref<3x!tpu.dma_semaphore, #tpu.memory_space<semaphore_mem>> -> memref<1x!tpu.dma_semaphore, #tpu.memory_space<semaphore_mem>>
        %dma_start3A_279 = tpu.memref_squeeze %dma_start3A_278 : memref<1x!tpu.dma_semaphore, #tpu.memory_space<semaphore_mem>> -> memref<!tpu.dma_semaphore, #tpu.memory_space<semaphore_mem>>
        tpu.enqueue_indirect_dma source(%dma_start3A_277 : memref<10000x128xf32, #tpu.memory_space<hbm>>) target(%arg14 : memref<96x128xf32, #tpu.memory_space<vmem>>) offsets(%arg8 : memref<96xi32, #tpu.memory_space<vmem>>) semaphore(%dma_start3A_279 : memref<!tpu.dma_semaphore, #tpu.memory_space<semaphore_mem>>)
      } else {
      }
      %mul3A_230 = arith.constant 96 : i32
      %mul3A_231 = arith.muli %add3A_206, %mul3A_230 : i32
      %add3A_232 = arith.addi %mul3A_20, %mul3A_231 : i32
      %dma_wait3A_233 = arith.constant 2 : i32
      %dma_wait3A_234 = tpu.memref_slice %arg4[%add3A_232] : memref<322560xi32, #tpu.memory_space<hbm>> -> memref<96xi32, #tpu.memory_space<hbm>>
      %dma_wait3A_235 = tpu.memref_slice %arg18[%dma_wait3A_233] : memref<3x!tpu.dma_semaphore, #tpu.memory_space<semaphore_mem>> -> memref<1x!tpu.dma_semaphore, #tpu.memory_space<semaphore_mem>>
      %dma_wait3A_236 = tpu.memref_squeeze %dma_wait3A_235 : memref<1x!tpu.dma_semaphore, #tpu.memory_space<semaphore_mem>> -> memref<!tpu.dma_semaphore, #tpu.memory_space<semaphore_mem>>
      %dma_wait3A_237 = tpu.memref_slice %arg4[%add3A_232] : memref<322560xi32, #tpu.memory_space<hbm>> -> memref<96xi32, #tpu.memory_space<hbm>>
      tpu.wait_dma2 semaphore(%dma_wait3A_236 : memref<!tpu.dma_semaphore, #tpu.memory_space<semaphore_mem>>) src(%dma_wait3A_237 : memref<96xi32, #tpu.memory_space<hbm>>) dst(%arg12 : memref<96xi32, #tpu.memory_space<vmem>>)
      %dma_start3A_238 = arith.constant 2 : i32
      %dma_start3A_239 = arith.constant 0 : i32
      %dma_start3A_240 = arith.constant 0 : i32
      %dma_start3A_241 = tpu.memref_slice %arg6[%dma_start3A_239, %dma_start3A_240] : memref<10240x128xf32, #tpu.memory_space<vmem_shared>> -> memref<10240x128xf32, #tpu.memory_space<vmem_shared>>
      %dma_start3A_242 = tpu.memref_slice %arg19[%dma_start3A_238] : memref<3x!tpu.dma_semaphore, #tpu.memory_space<semaphore_mem>> -> memref<1x!tpu.dma_semaphore, #tpu.memory_space<semaphore_mem>>
      %dma_start3A_243 = tpu.memref_squeeze %dma_start3A_242 : memref<1x!tpu.dma_semaphore, #tpu.memory_space<semaphore_mem>> -> memref<!tpu.dma_semaphore, #tpu.memory_space<semaphore_mem>>
      tpu.enqueue_indirect_dma source(%arg15 : memref<96x128xf32, #tpu.memory_space<vmem>>) target(%dma_start3A_241 : memref<10240x128xf32, #tpu.memory_space<vmem_shared>>) offsets(%arg12 : memref<96xi32, #tpu.memory_space<vmem>>) semaphore(%dma_start3A_243 : memref<!tpu.dma_semaphore, #tpu.memory_space<semaphore_mem>>) {add = true}
      %add3A_244 = arith.constant 3 : i32
      %add3A_245 = arith.addi %add3A_206, %add3A_244 : i32
      %lt3A_246 = arith.constant 105 : i32
      %lt3A_247 = arith.cmpi slt, %add3A_245, %lt3A_246 : i32
      %convert_element_type3A_248 = arith.extui %lt3A_247 : i1 to i32
      %cond3A_249 = arith.constant 0 : i32
      %cond3A_250 = arith.cmpi ne, %convert_element_type3A_248, %cond3A_249 : i32
      scf.if %cond3A_250 {
        %add3A_252 = arith.constant 3 : i32
        %add3A_253 = arith.addi %add3A_206, %add3A_252 : i32
        %mul3A_254 = arith.constant 96 : i32
        %mul3A_255 = arith.muli %add3A_253, %mul3A_254 : i32
        %add3A_256 = arith.addi %mul3A_20, %mul3A_255 : i32
        %dma_start3A_257 = arith.constant 2 : i32
        %dma_start3A_258 = tpu.memref_slice %arg3[%add3A_256] : memref<322560xi32, #tpu.memory_space<hbm>> -> memref<96xi32, #tpu.memory_space<hbm>>
        %dma_start3A_259 = tpu.memref_slice %arg17[%dma_start3A_257] : memref<3x!tpu.dma_semaphore, #tpu.memory_space<semaphore_mem>> -> memref<1x!tpu.dma_semaphore, #tpu.memory_space<semaphore_mem>>
        %dma_start3A_260 = tpu.memref_squeeze %dma_start3A_259 : memref<1x!tpu.dma_semaphore, #tpu.memory_space<semaphore_mem>> -> memref<!tpu.dma_semaphore, #tpu.memory_space<semaphore_mem>>
        %dma_start3A_261 = tpu.memref_slice %arg3[%add3A_256] : memref<322560xi32, #tpu.memory_space<hbm>> -> memref<96xi32, #tpu.memory_space<hbm>>
        tpu.enqueue_dma source(%dma_start3A_261 : memref<96xi32, #tpu.memory_space<hbm>>) target(%arg9 : memref<96xi32, #tpu.memory_space<vmem>>) target_semaphore(%dma_start3A_260 : memref<!tpu.dma_semaphore, #tpu.memory_space<semaphore_mem>>)
      } else {
      }
      %scan3A_251 = arith.constant 0 : i32
      scf.yield %scan3A_251 : i32
    }
    %scan3A_86 = arith.constant 35 : i32
    %dma_wait3A_87 = arith.constant 0 : i32
    %dma_wait3A_88 = arith.constant 0 : i32
    %dma_wait3A_89 = arith.constant 0 : i32
    %dma_wait3A_90 = tpu.memref_slice %arg6[%dma_wait3A_88, %dma_wait3A_89] : memref<10240x128xf32, #tpu.memory_space<vmem_shared>> -> memref<10240x128xf32, #tpu.memory_space<vmem_shared>>
    %dma_wait3A_91 = tpu.memref_slice %arg19[%dma_wait3A_87] : memref<3x!tpu.dma_semaphore, #tpu.memory_space<semaphore_mem>> -> memref<1x!tpu.dma_semaphore, #tpu.memory_space<semaphore_mem>>
    %dma_wait3A_92 = tpu.memref_squeeze %dma_wait3A_91 : memref<1x!tpu.dma_semaphore, #tpu.memory_space<semaphore_mem>> -> memref<!tpu.dma_semaphore, #tpu.memory_space<semaphore_mem>>
    tpu.wait_indirect_dma semaphore(%dma_wait3A_92 : memref<!tpu.dma_semaphore, #tpu.memory_space<semaphore_mem>>) src(%arg13 : memref<96x128xf32, #tpu.memory_space<vmem>>) dst(%dma_wait3A_90 : memref<10240x128xf32, #tpu.memory_space<vmem_shared>>)
    %dma_wait3A_93 = arith.constant 1 : i32
    %dma_wait3A_94 = arith.constant 0 : i32
    %dma_wait3A_95 = arith.constant 0 : i32
    %dma_wait3A_96 = tpu.memref_slice %arg6[%dma_wait3A_94, %dma_wait3A_95] : memref<10240x128xf32, #tpu.memory_space<vmem_shared>> -> memref<10240x128xf32, #tpu.memory_space<vmem_shared>>
    %dma_wait3A_97 = tpu.memref_slice %arg19[%dma_wait3A_93] : memref<3x!tpu.dma_semaphore, #tpu.memory_space<semaphore_mem>> -> memref<1x!tpu.dma_semaphore, #tpu.memory_space<semaphore_mem>>
    %dma_wait3A_98 = tpu.memref_squeeze %dma_wait3A_97 : memref<1x!tpu.dma_semaphore, #tpu.memory_space<semaphore_mem>> -> memref<!tpu.dma_semaphore, #tpu.memory_space<semaphore_mem>>
    tpu.wait_indirect_dma semaphore(%dma_wait3A_98 : memref<!tpu.dma_semaphore, #tpu.memory_space<semaphore_mem>>) src(%arg14 : memref<96x128xf32, #tpu.memory_space<vmem>>) dst(%dma_wait3A_96 : memref<10240x128xf32, #tpu.memory_space<vmem_shared>>)
    %dma_wait3A_99 = arith.constant 2 : i32
    %dma_wait3A_100 = arith.constant 0 : i32
    %dma_wait3A_101 = arith.constant 0 : i32
    %dma_wait3A_102 = tpu.memref_slice %arg6[%dma_wait3A_100, %dma_wait3A_101] : memref<10240x128xf32, #tpu.memory_space<vmem_shared>> -> memref<10240x128xf32, #tpu.memory_space<vmem_shared>>
    %dma_wait3A_103 = tpu.memref_slice %arg19[%dma_wait3A_99] : memref<3x!tpu.dma_semaphore, #tpu.memory_space<semaphore_mem>> -> memref<1x!tpu.dma_semaphore, #tpu.memory_space<semaphore_mem>>
    %dma_wait3A_104 = tpu.memref_squeeze %dma_wait3A_103 : memref<1x!tpu.dma_semaphore, #tpu.memory_space<semaphore_mem>> -> memref<!tpu.dma_semaphore, #tpu.memory_space<semaphore_mem>>
    tpu.wait_indirect_dma semaphore(%dma_wait3A_104 : memref<!tpu.dma_semaphore, #tpu.memory_space<semaphore_mem>>) src(%arg15 : memref<96x128xf32, #tpu.memory_space<vmem>>) dst(%dma_wait3A_102 : memref<10240x128xf32, #tpu.memory_space<vmem_shared>>)
    %barrier3A_105 = arith.constant 0 : index
    tpu.barrier barrier_id(%barrier3A_105)
    %mul3A_106 = arith.constant 640 : i32
    %mul3A_107 = arith.muli %arg1, %mul3A_106 : i32
    %mul3A_108 = arith.constant 640 : i32
    %mul3A_109 = arith.muli %arg1, %mul3A_108 : i32
    "tpu.region"() ({
      %run_scoped3A = tpu.sem_alloc : memref<!tpu.dma_semaphore, #tpu.memory_space<semaphore_mem>>
      %dma_start3A_110 = arith.constant 0 : i32
      %dma_start3A_111 = tpu.memref_slice %arg5[%arg0, %mul3A_109, %dma_start3A_110] : memref<2x10240x128xf32, #tpu.memory_space<hbm>> -> memref<1x640x128xf32, #tpu.memory_space<hbm>>
      %dma_start3A_112 = tpu.memref_squeeze %dma_start3A_111 : memref<1x640x128xf32, #tpu.memory_space<hbm>> -> memref<640x128xf32, #tpu.memory_space<hbm>>
      %dma_start3A_113 = arith.constant 0 : i32
      %dma_start3A_114 = tpu.memref_slice %arg6[%mul3A_107, %dma_start3A_113] : memref<10240x128xf32, #tpu.memory_space<vmem_shared>> -> memref<640x128xf32, #tpu.memory_space<vmem_shared>>
      tpu.enqueue_dma source(%dma_start3A_114 : memref<640x128xf32, #tpu.memory_space<vmem_shared>>) target(%dma_start3A_112 : memref<640x128xf32, #tpu.memory_space<hbm>>) target_semaphore(%run_scoped3A : memref<!tpu.dma_semaphore, #tpu.memory_space<semaphore_mem>>)
      %dma_wait3A_115 = arith.constant 0 : i32
      %dma_wait3A_116 = tpu.memref_slice %arg5[%arg0, %mul3A_109, %dma_wait3A_115] : memref<2x10240x128xf32, #tpu.memory_space<hbm>> -> memref<1x640x128xf32, #tpu.memory_space<hbm>>
      %dma_wait3A_117 = tpu.memref_squeeze %dma_wait3A_116 : memref<1x640x128xf32, #tpu.memory_space<hbm>> -> memref<640x128xf32, #tpu.memory_space<hbm>>
      %dma_wait3A_118 = arith.constant 0 : i32
      %dma_wait3A_119 = tpu.memref_slice %arg6[%mul3A_107, %dma_wait3A_118] : memref<10240x128xf32, #tpu.memory_space<vmem_shared>> -> memref<640x128xf32, #tpu.memory_space<vmem_shared>>
      tpu.wait_dma2 semaphore(%run_scoped3A : memref<!tpu.dma_semaphore, #tpu.memory_space<semaphore_mem>>) src(%dma_wait3A_119 : memref<640x128xf32, #tpu.memory_space<vmem_shared>>) dst(%dma_wait3A_117 : memref<640x128xf32, #tpu.memory_space<hbm>>)
      tpu.yield
    }) : () -> ()
    return
  }
}

#map = affine_map<(d0, d1) -> (0, 0)>
#map1 = affine_map<(d0, d1) -> (0)>
#map2 = affine_map<(d0, d1) -> (0, 0, 0)>
module attributes {stable_mosaic.version = 14 : i64} {
  func.func @_segsum_body(%arg0: i32, %arg1: i32, %arg2: memref<10000x128xf32, #tpu.memory_space<hbm>>, %arg3: memref<322560xi32, #tpu.memory_space<hbm>>, %arg4: memref<322560xi32, #tpu.memory_space<hbm>>, %arg5: memref<2x10240x128xf32, #tpu.memory_space<hbm>>, %arg6: memref<10240x128xf32, #tpu.memory_space<vmem_shared>>, %arg7: memref<96xi32, #tpu.memory_space<vmem>>, %arg8: memref<96xi32, #tpu.memory_space<vmem>>, %arg9: memref<96xi32, #tpu.memory_space<vmem>>, %arg10: memref<96xi32, #tpu.memory_space<vmem>>, %arg11: memref<96xi32, #tpu.memory_space<vmem>>, %arg12: memref<96xi32, #tpu.memory_space<vmem>>, %arg13: memref<96x128xf32, #tpu.memory_space<vmem>>, %arg14: memref<96x128xf32, #tpu.memory_space<vmem>>, %arg15: memref<96x128xf32, #tpu.memory_space<vmem>>, %arg16: memref<3x!tpu.dma_semaphore, #tpu.memory_space<semaphore_mem>>, %arg17: memref<3x!tpu.dma_semaphore, #tpu.memory_space<semaphore_mem>>, %arg18: memref<3x!tpu.dma_semaphore, #tpu.memory_space<semaphore_mem>>, %arg19: memref<3x!tpu.dma_semaphore, #tpu.memory_space<semaphore_mem>>) attributes {dimension_semantics = [#tpu.dimension_semantics<core_parallel>, #tpu.dimension_semantics<subcore_parallel>], iteration_bounds = array<i64: 2, 16>, scalar_prefetch = 0 : i64, scratch_operands = 14 : i64, tpu.core_type = #tpu.core_type<sc_vector_subcore>, window_params = [{transform_indices = #map}, {transform_indices = #map1}, {transform_indices = #map1}, {transform_indices = #map2}]} {
    %mul3A = arith.constant 16 : i32
    %mul3A_0 = arith.muli %arg0, %mul3A : i32
    %add3A = arith.addi %mul3A_0, %arg1 : i32
    %broadcast_in_dim3A = arith.constant 0.000000e+00 : f32
    %broadcast_in_dim3A_1 = vector.broadcast %broadcast_in_dim3A : f32 to vector<16xf32>
    %scan3A = arith.constant 0 : i32
    %scan3A_2 = arith.constant 0 : i32
    %scan3A_3 = arith.constant 768 : i32
    %scan3A_4 = arith.addi %scan3A_2, %scan3A_3 : i32
    %scan3A_5 = arith.constant 1 : i32
    %scan3A_6 = scf.for %scan3A_110 = %scan3A_2 to %scan3A_4 step %scan3A_5 iter_args(%scan3A_111 = %scan3A) -> (i32)  : i32 {
      %jit3A = arith.constant 8 : i32
      %div3A = arith.divsi %scan3A_110, %jit3A : i32
      %sign3A = arith.constant 0 : i32
      %sign3A_112 = arith.cmpi sgt, %scan3A_110, %sign3A : i32
      %sign3A_113 = arith.extui %sign3A_112 : i1 to i32
      %sign3A_114 = arith.constant 0 : i32
      %sign3A_115 = arith.cmpi slt, %scan3A_110, %sign3A_114 : i32
      %sign3A_116 = arith.extui %sign3A_115 : i1 to i32
      %sign3A_117 = arith.subi %sign3A_113, %sign3A_116 : i32
      %sign3A_118 = arith.constant 0 : i32
      %sign3A_119 = arith.cmpi sgt, %jit3A, %sign3A_118 : i32
      %sign3A_120 = arith.extui %sign3A_119 : i1 to i32
      %sign3A_121 = arith.constant 0 : i32
      %sign3A_122 = arith.cmpi slt, %jit3A, %sign3A_121 : i32
      %sign3A_123 = arith.extui %sign3A_122 : i1 to i32
      %sign3A_124 = arith.subi %sign3A_120, %sign3A_123 : i32
      %ne3A = arith.cmpi ne, %sign3A_117, %sign3A_124 : i32
      %rem3A = arith.remsi %scan3A_110, %jit3A : i32
      %ne3A_125 = arith.constant 0 : i32
      %ne3A_126 = arith.cmpi ne, %rem3A, %ne3A_125 : i32
      %and3A = arith.andi %ne3A, %ne3A_126 : i1
      %sub3A = arith.constant 1 : i32
      %sub3A_127 = arith.subi %div3A, %sub3A : i32
      %select_n3A = arith.select %and3A, %sub3A_127, %div3A : i32
      %jit3A_128 = arith.constant 8 : i32
      %eq3A = arith.constant 0 : i32
      %eq3A_129 = arith.cmpi eq, %jit3A_128, %eq3A : i32
      %jit3A_130 = arith.constant 1 : i32
      %select_n3A_131 = arith.select %eq3A_129, %jit3A_130, %jit3A_128 : i32
      %rem3A_132 = arith.remsi %scan3A_110, %select_n3A_131 : i32
      %ne3A_133 = arith.constant 0 : i32
      %ne3A_134 = arith.cmpi ne, %rem3A_132, %ne3A_133 : i32
      %lt3A = arith.constant 0 : i32
      %lt3A_135 = arith.cmpi slt, %rem3A_132, %lt3A : i32
      %lt3A_136 = arith.constant 0 : i32
      %lt3A_137 = arith.cmpi slt, %select_n3A_131, %lt3A_136 : i32
      %ne3A_138 = arith.xori %lt3A_135, %lt3A_137 : i1
      %and3A_139 = arith.andi %ne3A_138, %ne3A_134 : i1
      %add3A_140 = arith.addi %rem3A_132, %select_n3A_131 : i32
      %select_n3A_141 = arith.select %and3A_139, %add3A_140, %rem3A_132 : i32
      %mul3A_142 = arith.constant 16 : i32
      %mul3A_143 = arith.muli %select_n3A_141, %mul3A_142 : i32
      %swap3A = arith.index_cast %select_n3A : i32 to index
      %swap3A_144 = arith.index_cast %mul3A_143 : i32 to index
      %swap3A_145 = tpu.vector_load %arg13[%swap3A, %swap3A_144] {strides = array<i32>} : memref<96x128xf32, #tpu.memory_space<vmem>>, vector<1x16xf32>,
      %swap3A_146 = vector.shape_cast %swap3A_145 : vector<1x16xf32> to vector<16xf32>
      %swap3A_147 = vector.shape_cast %broadcast_in_dim3A_1 : vector<16xf32> to vector<1x16xf32>
      tpu.vector_store %arg13[%swap3A, %swap3A_144], %swap3A_147 {strides = array<i32>} : memref<96x128xf32, #tpu.memory_space<vmem>>, vector<1x16xf32>,
      %scan3A_148 = arith.constant 0 : i32
      scf.yield %scan3A_148 : i32
    }
    %scan3A_7 = arith.constant 768 : i32
    %scan3A_8 = arith.constant 0 : i32
    %scan3A_9 = arith.constant 0 : i32
    %scan3A_10 = arith.constant 6 : i32
    %scan3A_11 = arith.addi %scan3A_9, %scan3A_10 : i32
    %scan3A_12 = arith.constant 1 : i32
    %scan3A_13 = scf.for %scan3A_110 = %scan3A_9 to %scan3A_11 step %scan3A_12 iter_args(%scan3A_111 = %scan3A_8) -> (i32)  : i32 {
      %mul3A_112 = arith.constant 640 : i32
      %mul3A_113 = arith.muli %arg1, %mul3A_112 : i32
      %mul3A_114 = arith.constant 96 : i32
      %mul3A_115 = arith.muli %scan3A_110, %mul3A_114 : i32
      %add3A_116 = arith.addi %mul3A_113, %mul3A_115 : i32
      "tpu.region"() ({
        %run_scoped3A = tpu.sem_alloc : memref<!tpu.dma_semaphore, #tpu.memory_space<semaphore_mem>>
        %dma_start3A_118 = arith.constant 0 : i32
        %dma_start3A_119 = tpu.memref_slice %arg6[%add3A_116, %dma_start3A_118] : memref<10240x128xf32, #tpu.memory_space<vmem_shared>> -> memref<96x128xf32, #tpu.memory_space<vmem_shared>>
        %dma_start3A_120 = arith.constant 0 : i32
        %dma_start3A_121 = tpu.memref_slice %arg6[%add3A_116, %dma_start3A_120] : memref<10240x128xf32, #tpu.memory_space<vmem_shared>> -> memref<96x128xf32, #tpu.memory_space<vmem_shared>>
        tpu.enqueue_dma source(%arg13 : memref<96x128xf32, #tpu.memory_space<vmem>>) target(%dma_start3A_121 : memref<96x128xf32, #tpu.memory_space<vmem_shared>>) target_semaphore(%run_scoped3A : memref<!tpu.dma_semaphore, #tpu.memory_space<semaphore_mem>>)
        %dma_wait3A_122 = arith.constant 0 : i32
        %dma_wait3A_123 = tpu.memref_slice %arg6[%add3A_116, %dma_wait3A_122] : memref<10240x128xf32, #tpu.memory_space<vmem_shared>> -> memref<96x128xf32, #tpu.memory_space<vmem_shared>>
        %dma_wait3A_124 = arith.constant 0 : i32
        %dma_wait3A_125 = tpu.memref_slice %arg6[%add3A_116, %dma_wait3A_124] : memref<10240x128xf32, #tpu.memory_space<vmem_shared>> -> memref<96x128xf32, #tpu.memory_space<vmem_shared>>
        tpu.wait_dma2 semaphore(%run_scoped3A : memref<!tpu.dma_semaphore, #tpu.memory_space<semaphore_mem>>) src(%arg13 : memref<96x128xf32, #tpu.memory_space<vmem>>) dst(%dma_wait3A_125 : memref<96x128xf32, #tpu.memory_space<vmem_shared>>)
        tpu.yield
      }) : () -> ()
      %scan3A_117 = arith.constant 0 : i32
      scf.yield %scan3A_117 : i32
    }
    %scan3A_14 = arith.constant 6 : i32
    %mul3A_15 = arith.constant 640 : i32
    %mul3A_16 = arith.muli %arg1, %mul3A_15 : i32
    %add3A_17 = arith.constant 576 : i32
    %add3A_18 = arith.addi %mul3A_16, %add3A_17 : i32
    "tpu.region"() ({
      %run_scoped3A = tpu.sem_alloc : memref<!tpu.dma_semaphore, #tpu.memory_space<semaphore_mem>>
      %dma_start3A_110 = arith.constant 0 : i32
      %dma_start3A_111 = arith.constant 0 : i32
      %dma_start3A_112 = tpu.memref_slice %arg13[%dma_start3A_110, %dma_start3A_111] : memref<96x128xf32, #tpu.memory_space<vmem>> -> memref<64x128xf32, #tpu.memory_space<vmem>>
      %dma_start3A_113 = arith.constant 0 : i32
      %dma_start3A_114 = tpu.memref_slice %arg6[%add3A_18, %dma_start3A_113] : memref<10240x128xf32, #tpu.memory_space<vmem_shared>> -> memref<64x128xf32, #tpu.memory_space<vmem_shared>>
      %dma_start3A_115 = arith.constant 0 : i32
      %dma_start3A_116 = tpu.memref_slice %arg6[%add3A_18, %dma_start3A_115] : memref<10240x128xf32, #tpu.memory_space<vmem_shared>> -> memref<64x128xf32, #tpu.memory_space<vmem_shared>>
      %dma_start3A_117 = arith.constant 0 : i32
      %dma_start3A_118 = arith.constant 0 : i32
      %dma_start3A_119 = tpu.memref_slice %arg13[%dma_start3A_117, %dma_start3A_118] : memref<96x128xf32, #tpu.memory_space<vmem>> -> memref<64x128xf32, #tpu.memory_space<vmem>>
      tpu.enqueue_dma source(%dma_start3A_119 : memref<64x128xf32, #tpu.memory_space<vmem>>) target(%dma_start3A_116 : memref<64x128xf32, #tpu.memory_space<vmem_shared>>) target_semaphore(%run_scoped3A : memref<!tpu.dma_semaphore, #tpu.memory_space<semaphore_mem>>)
      %dma_wait3A_120 = arith.constant 0 : i32
      %dma_wait3A_121 = arith.constant 0 : i32
      %dma_wait3A_122 = tpu.memref_slice %arg13[%dma_wait3A_120, %dma_wait3A_121] : memref<96x128xf32, #tpu.memory_space<vmem>> -> memref<64x128xf32, #tpu.memory_space<vmem>>
      %dma_wait3A_123 = arith.constant 0 : i32
      %dma_wait3A_124 = tpu.memref_slice %arg6[%add3A_18, %dma_wait3A_123] : memref<10240x128xf32, #tpu.memory_space<vmem_shared>> -> memref<64x128xf32, #tpu.memory_space<vmem_shared>>
      %dma_wait3A_125 = arith.constant 0 : i32
      %dma_wait3A_126 = tpu.memref_slice %arg6[%add3A_18, %dma_wait3A_125] : memref<10240x128xf32, #tpu.memory_space<vmem_shared>> -> memref<64x128xf32, #tpu.memory_space<vmem_shared>>
      %dma_wait3A_127 = arith.constant 0 : i32
      %dma_wait3A_128 = arith.constant 0 : i32
      %dma_wait3A_129 = tpu.memref_slice %arg13[%dma_wait3A_127, %dma_wait3A_128] : memref<96x128xf32, #tpu.memory_space<vmem>> -> memref<64x128xf32, #tpu.memory_space<vmem>>
      tpu.wait_dma2 semaphore(%run_scoped3A : memref<!tpu.dma_semaphore, #tpu.memory_space<semaphore_mem>>) src(%dma_wait3A_129 : memref<64x128xf32, #tpu.memory_space<vmem>>) dst(%dma_wait3A_126 : memref<64x128xf32, #tpu.memory_space<vmem_shared>>)
      tpu.yield
    }) : () -> ()
    %mul3A_19 = arith.constant 10080 : i32
    %mul3A_20 = arith.muli %add3A, %mul3A_19 : i32
    %add3A_21 = arith.constant 0 : i32
    %add3A_22 = arith.addi %mul3A_20, %add3A_21 : i32
    %dma_start3A = arith.constant 0 : i32
    %dma_start3A_23 = tpu.memref_slice %arg3[%add3A_22] : memref<322560xi32, #tpu.memory_space<hbm>> -> memref<96xi32, #tpu.memory_space<hbm>>
    %dma_start3A_24 = tpu.memref_slice %arg17[%dma_start3A] : memref<3x!tpu.dma_semaphore, #tpu.memory_space<semaphore_mem>> -> memref<1x!tpu.dma_semaphore, #tpu.memory_space<semaphore_mem>>
    %dma_start3A_25 = tpu.memref_squeeze %dma_start3A_24 : memref<1x!tpu.dma_semaphore, #tpu.memory_space<semaphore_mem>> -> memref<!tpu.dma_semaphore, #tpu.memory_space<semaphore_mem>>
    %dma_start3A_26 = tpu.memref_slice %arg3[%add3A_22] : memref<322560xi32, #tpu.memory_space<hbm>> -> memref<96xi32, #tpu.memory_space<hbm>>
    tpu.enqueue_dma source(%dma_start3A_26 : memref<96xi32, #tpu.memory_space<hbm>>) target(%arg7 : memref<96xi32, #tpu.memory_space<vmem>>) target_semaphore(%dma_start3A_25 : memref<!tpu.dma_semaphore, #tpu.memory_space<semaphore_mem>>)
    %add3A_27 = arith.constant 96 : i32
    %add3A_28 = arith.addi %mul3A_20, %add3A_27 : i32
    %dma_start3A_29 = arith.constant 1 : i32
    %dma_start3A_30 = tpu.memref_slice %arg3[%add3A_28] : memref<322560xi32, #tpu.memory_space<hbm>> -> memref<96xi32, #tpu.memory_space<hbm>>
    %dma_start3A_31 = tpu.memref_slice %arg17[%dma_start3A_29] : memref<3x!tpu.dma_semaphore, #tpu.memory_space<semaphore_mem>> -> memref<1x!tpu.dma_semaphore, #tpu.memory_space<semaphore_mem>>
    %dma_start3A_32 = tpu.memref_squeeze %dma_start3A_31 : memref<1x!tpu.dma_semaphore, #tpu.memory_space<semaphore_mem>> -> memref<!tpu.dma_semaphore, #tpu.memory_space<semaphore_mem>>
    %dma_start3A_33 = tpu.memref_slice %arg3[%add3A_28] : memref<322560xi32, #tpu.memory_space<hbm>> -> memref<96xi32, #tpu.memory_space<hbm>>
    tpu.enqueue_dma source(%dma_start3A_33 : memref<96xi32, #tpu.memory_space<hbm>>) target(%arg8 : memref<96xi32, #tpu.memory_space<vmem>>) target_semaphore(%dma_start3A_32 : memref<!tpu.dma_semaphore, #tpu.memory_space<semaphore_mem>>)
    %add3A_34 = arith.constant 192 : i32
    %add3A_35 = arith.addi %mul3A_20, %add3A_34 : i32
    %dma_start3A_36 = arith.constant 2 : i32
    %dma_start3A_37 = tpu.memref_slice %arg3[%add3A_35] : memref<322560xi32, #tpu.memory_space<hbm>> -> memref<96xi32, #tpu.memory_space<hbm>>
    %dma_start3A_38 = tpu.memref_slice %arg17[%dma_start3A_36] : memref<3x!tpu.dma_semaphore, #tpu.memory_space<semaphore_mem>> -> memref<1x!tpu.dma_semaphore, #tpu.memory_space<semaphore_mem>>
    %dma_start3A_39 = tpu.memref_squeeze %dma_start3A_38 : memref<1x!tpu.dma_semaphore, #tpu.memory_space<semaphore_mem>> -> memref<!tpu.dma_semaphore, #tpu.memory_space<semaphore_mem>>
    %dma_start3A_40 = tpu.memref_slice %arg3[%add3A_35] : memref<322560xi32, #tpu.memory_space<hbm>> -> memref<96xi32, #tpu.memory_space<hbm>>
    tpu.enqueue_dma source(%dma_start3A_40 : memref<96xi32, #tpu.memory_space<hbm>>) target(%arg9 : memref<96xi32, #tpu.memory_space<vmem>>) target_semaphore(%dma_start3A_39 : memref<!tpu.dma_semaphore, #tpu.memory_space<semaphore_mem>>)
    %add3A_41 = arith.constant 0 : i32
    %add3A_42 = arith.addi %mul3A_20, %add3A_41 : i32
    %dma_start3A_43 = arith.constant 0 : i32
    %dma_start3A_44 = tpu.memref_slice %arg4[%add3A_42] : memref<322560xi32, #tpu.memory_space<hbm>> -> memref<96xi32, #tpu.memory_space<hbm>>
    %dma_start3A_45 = tpu.memref_slice %arg18[%dma_start3A_43] : memref<3x!tpu.dma_semaphore, #tpu.memory_space<semaphore_mem>> -> memref<1x!tpu.dma_semaphore, #tpu.memory_space<semaphore_mem>>
    %dma_start3A_46 = tpu.memref_squeeze %dma_start3A_45 : memref<1x!tpu.dma_semaphore, #tpu.memory_space<semaphore_mem>> -> memref<!tpu.dma_semaphore, #tpu.memory_space<semaphore_mem>>
    %dma_start3A_47 = tpu.memref_slice %arg4[%add3A_42] : memref<322560xi32, #tpu.memory_space<hbm>> -> memref<96xi32, #tpu.memory_space<hbm>>
    tpu.enqueue_dma source(%dma_start3A_47 : memref<96xi32, #tpu.memory_space<hbm>>) target(%arg10 : memref<96xi32, #tpu.memory_space<vmem>>) target_semaphore(%dma_start3A_46 : memref<!tpu.dma_semaphore, #tpu.memory_space<semaphore_mem>>)
    %add3A_48 = arith.constant 96 : i32
    %add3A_49 = arith.addi %mul3A_20, %add3A_48 : i32
    %dma_start3A_50 = arith.constant 1 : i32
    %dma_start3A_51 = tpu.memref_slice %arg4[%add3A_49] : memref<322560xi32, #tpu.memory_space<hbm>> -> memref<96xi32, #tpu.memory_space<hbm>>
    %dma_start3A_52 = tpu.memref_slice %arg18[%dma_start3A_50] : memref<3x!tpu.dma_semaphore, #tpu.memory_space<semaphore_mem>> -> memref<1x!tpu.dma_semaphore, #tpu.memory_space<semaphore_mem>>
    %dma_start3A_53 = tpu.memref_squeeze %dma_start3A_52 : memref<1x!tpu.dma_semaphore, #tpu.memory_space<semaphore_mem>> -> memref<!tpu.dma_semaphore, #tpu.memory_space<semaphore_mem>>
    %dma_start3A_54 = tpu.memref_slice %arg4[%add3A_49] : memref<322560xi32, #tpu.memory_space<hbm>> -> memref<96xi32, #tpu.memory_space<hbm>>
    tpu.enqueue_dma source(%dma_start3A_54 : memref<96xi32, #tpu.memory_space<hbm>>) target(%arg11 : memref<96xi32, #tpu.memory_space<vmem>>) target_semaphore(%dma_start3A_53 : memref<!tpu.dma_semaphore, #tpu.memory_space<semaphore_mem>>)
    %add3A_55 = arith.constant 0 : i32
    %add3A_56 = arith.addi %mul3A_20, %add3A_55 : i32
    %dma_wait3A = arith.constant 0 : i32
    %dma_wait3A_57 = tpu.memref_slice %arg3[%add3A_56] : memref<322560xi32, #tpu.memory_space<hbm>> -> memref<96xi32, #tpu.memory_space<hbm>>
    %dma_wait3A_58 = tpu.memref_slice %arg17[%dma_wait3A] : memref<3x!tpu.dma_semaphore, #tpu.memory_space<semaphore_mem>> -> memref<1x!tpu.dma_semaphore, #tpu.memory_space<semaphore_mem>>
    %dma_wait3A_59 = tpu.memref_squeeze %dma_wait3A_58 : memref<1x!tpu.dma_semaphore, #tpu.memory_space<semaphore_mem>> -> memref<!tpu.dma_semaphore, #tpu.memory_space<semaphore_mem>>
    %dma_wait3A_60 = tpu.memref_slice %arg3[%add3A_56] : memref<322560xi32, #tpu.memory_space<hbm>> -> memref<96xi32, #tpu.memory_space<hbm>>
    tpu.wait_dma2 semaphore(%dma_wait3A_59 : memref<!tpu.dma_semaphore, #tpu.memory_space<semaphore_mem>>) src(%dma_wait3A_60 : memref<96xi32, #tpu.memory_space<hbm>>) dst(%arg7 : memref<96xi32, #tpu.memory_space<vmem>>)
    %dma_start3A_61 = arith.constant 0 : i32
    %dma_start3A_62 = arith.constant 0 : i32
    %dma_start3A_63 = arith.constant 0 : i32
    %dma_start3A_64 = tpu.memref_slice %arg2[%dma_start3A_62, %dma_start3A_63] : memref<10000x128xf32, #tpu.memory_space<hbm>> -> memref<10000x128xf32, #tpu.memory_space<hbm>>
    %dma_start3A_65 = tpu.memref_slice %arg16[%dma_start3A_61] : memref<3x!tpu.dma_semaphore, #tpu.memory_space<semaphore_mem>> -> memref<1x!tpu.dma_semaphore, #tpu.memory_space<semaphore_mem>>
    %dma_start3A_66 = tpu.memref_squeeze %dma_start3A_65 : memref<1x!tpu.dma_semaphore, #tpu.memory_space<semaphore_mem>> -> memref<!tpu.dma_semaphore, #tpu.memory_space<semaphore_mem>>
    tpu.enqueue_indirect_dma source(%dma_start3A_64 : memref<10000x128xf32, #tpu.memory_space<hbm>>) target(%arg13 : memref<96x128xf32, #tpu.memory_space<vmem>>) offsets(%arg7 : memref<96xi32, #tpu.memory_space<vmem>>) semaphore(%dma_start3A_66 : memref<!tpu.dma_semaphore, #tpu.memory_space<semaphore_mem>>)
    %add3A_67 = arith.constant 96 : i32
    %add3A_68 = arith.addi %mul3A_20, %add3A_67 : i32
    %dma_wait3A_69 = arith.constant 1 : i32
    %dma_wait3A_70 = tpu.memref_slice %arg3[%add3A_68] : memref<322560xi32, #tpu.memory_space<hbm>> -> memref<96xi32, #tpu.memory_space<hbm>>
    %dma_wait3A_71 = tpu.memref_slice %arg17[%dma_wait3A_69] : memref<3x!tpu.dma_semaphore, #tpu.memory_space<semaphore_mem>> -> memref<1x!tpu.dma_semaphore, #tpu.memory_space<semaphore_mem>>
    %dma_wait3A_72 = tpu.memref_squeeze %dma_wait3A_71 : memref<1x!tpu.dma_semaphore, #tpu.memory_space<semaphore_mem>> -> memref<!tpu.dma_semaphore, #tpu.memory_space<semaphore_mem>>
    %dma_wait3A_73 = tpu.memref_slice %arg3[%add3A_68] : memref<322560xi32, #tpu.memory_space<hbm>> -> memref<96xi32, #tpu.memory_space<hbm>>
    tpu.wait_dma2 semaphore(%dma_wait3A_72 : memref<!tpu.dma_semaphore, #tpu.memory_space<semaphore_mem>>) src(%dma_wait3A_73 : memref<96xi32, #tpu.memory_space<hbm>>) dst(%arg8 : memref<96xi32, #tpu.memory_space<vmem>>)
    %dma_start3A_74 = arith.constant 1 : i32
    %dma_start3A_75 = arith.constant 0 : i32
    %dma_start3A_76 = arith.constant 0 : i32
    %dma_start3A_77 = tpu.memref_slice %arg2[%dma_start3A_75, %dma_start3A_76] : memref<10000x128xf32, #tpu.memory_space<hbm>> -> memref<10000x128xf32, #tpu.memory_space<hbm>>
    %dma_start3A_78 = tpu.memref_slice %arg16[%dma_start3A_74] : memref<3x!tpu.dma_semaphore, #tpu.memory_space<semaphore_mem>> -> memref<1x!tpu.dma_semaphore, #tpu.memory_space<semaphore_mem>>
    %dma_start3A_79 = tpu.memref_squeeze %dma_start3A_78 : memref<1x!tpu.dma_semaphore, #tpu.memory_space<semaphore_mem>> -> memref<!tpu.dma_semaphore, #tpu.memory_space<semaphore_mem>>
    tpu.enqueue_indirect_dma source(%dma_start3A_77 : memref<10000x128xf32, #tpu.memory_space<hbm>>) target(%arg14 : memref<96x128xf32, #tpu.memory_space<vmem>>) offsets(%arg8 : memref<96xi32, #tpu.memory_space<vmem>>) semaphore(%dma_start3A_79 : memref<!tpu.dma_semaphore, #tpu.memory_space<semaphore_mem>>)
    %barrier3A = arith.constant 0 : index
    tpu.barrier barrier_id(%barrier3A)
    %scan3A_80 = arith.constant 0 : i32
    %scan3A_81 = arith.constant 0 : i32
    %scan3A_82 = arith.constant 35 : i32
    %scan3A_83 = arith.addi %scan3A_81, %scan3A_82 : i32
    %scan3A_84 = arith.constant 1 : i32
    %scan3A_85 = scf.for %scan3A_110 = %scan3A_81 to %scan3A_83 step %scan3A_84 iter_args(%scan3A_111 = %scan3A_80) -> (i32)  : i32 {
      %mul3A_112 = arith.constant 3 : i32
      %mul3A_113 = arith.muli %scan3A_110, %mul3A_112 : i32
      %add3A_114 = arith.constant 0 : i32
      %add3A_115 = arith.addi %mul3A_113, %add3A_114 : i32
      %dma_wait3A_116 = arith.constant 0 : i32
      %dma_wait3A_117 = arith.constant 0 : i32
      %dma_wait3A_118 = arith.constant 0 : i32
      %dma_wait3A_119 = tpu.memref_slice %arg2[%dma_wait3A_117, %dma_wait3A_118] : memref<10000x128xf32, #tpu.memory_space<hbm>> -> memref<10000x128xf32, #tpu.memory_space<hbm>>
      %dma_wait3A_120 = tpu.memref_slice %arg16[%dma_wait3A_116] : memref<3x!tpu.dma_semaphore, #tpu.memory_space<semaphore_mem>> -> memref<1x!tpu.dma_semaphore, #tpu.memory_space<semaphore_mem>>
      %dma_wait3A_121 = tpu.memref_squeeze %dma_wait3A_120 : memref<1x!tpu.dma_semaphore, #tpu.memory_space<semaphore_mem>> -> memref<!tpu.dma_semaphore, #tpu.memory_space<semaphore_mem>>
      tpu.wait_indirect_dma semaphore(%dma_wait3A_121 : memref<!tpu.dma_semaphore, #tpu.memory_space<semaphore_mem>>) src(%dma_wait3A_119 : memref<10000x128xf32, #tpu.memory_space<hbm>>) dst(%arg13 : memref<96x128xf32, #tpu.memory_space<vmem>>)
      %ge3A = arith.constant 1 : i32
      %ge3A_122 = arith.cmpi sge, %add3A_115, %ge3A : i32
      %add3A_123 = arith.constant 2 : i32
      %add3A_124 = arith.addi %add3A_115, %add3A_123 : i32
      %lt3A = arith.constant 105 : i32
      %lt3A_125 = arith.cmpi slt, %add3A_124, %lt3A : i32
      %and3A = arith.andi %ge3A_122, %lt3A_125 : i1
      %convert_element_type3A = arith.extui %and3A : i1 to i32
      %cond3A = arith.constant 0 : i32
      %cond3A_126 = arith.cmpi ne, %convert_element_type3A, %cond3A : i32
      scf.if %cond3A_126 {
        %dma_wait3A_252 = arith.constant 2 : i32
        %dma_wait3A_253 = arith.constant 0 : i32
        %dma_wait3A_254 = arith.constant 0 : i32
        %dma_wait3A_255 = tpu.memref_slice %arg6[%dma_wait3A_253, %dma_wait3A_254] : memref<10240x128xf32, #tpu.memory_space<vmem_shared>> -> memref<10240x128xf32, #tpu.memory_space<vmem_shared>>
        %dma_wait3A_256 = tpu.memref_slice %arg19[%dma_wait3A_252] : memref<3x!tpu.dma_semaphore, #tpu.memory_space<semaphore_mem>> -> memref<1x!tpu.dma_semaphore, #tpu.memory_space<semaphore_mem>>
        %dma_wait3A_257 = tpu.memref_squeeze %dma_wait3A_256 : memref<1x!tpu.dma_semaphore, #tpu.memory_space<semaphore_mem>> -> memref<!tpu.dma_semaphore, #tpu.memory_space<semaphore_mem>>
        tpu.wait_indirect_dma semaphore(%dma_wait3A_257 : memref<!tpu.dma_semaphore, #tpu.memory_space<semaphore_mem>>) src(%arg15 : memref<96x128xf32, #tpu.memory_space<vmem>>) dst(%dma_wait3A_255 : memref<10240x128xf32, #tpu.memory_space<vmem_shared>>)
      } else {
      }
      %add3A_127 = arith.constant 2 : i32
      %add3A_128 = arith.addi %add3A_115, %add3A_127 : i32
      %lt3A_129 = arith.constant 105 : i32
      %lt3A_130 = arith.cmpi slt, %add3A_128, %lt3A_129 : i32
      %convert_element_type3A_131 = arith.extui %lt3A_130 : i1 to i32
      %cond3A_132 = arith.constant 0 : i32
      %cond3A_133 = arith.cmpi ne, %convert_element_type3A_131, %cond3A_132 : i32
      scf.if %cond3A_133 {
        %add3A_252 = arith.constant 2 : i32
        %add3A_253 = arith.addi %add3A_115, %add3A_252 : i32
        %mul3A_254 = arith.constant 96 : i32
        %mul3A_255 = arith.muli %add3A_253, %mul3A_254 : i32
        %add3A_256 = arith.addi %mul3A_20, %mul3A_255 : i32
        %dma_start3A_257 = arith.constant 2 : i32
        %dma_start3A_258 = tpu.memref_slice %arg4[%add3A_256] : memref<322560xi32, #tpu.memory_space<hbm>> -> memref<96xi32, #tpu.memory_space<hbm>>
        %dma_start3A_259 = tpu.memref_slice %arg18[%dma_start3A_257] : memref<3x!tpu.dma_semaphore, #tpu.memory_space<semaphore_mem>> -> memref<1x!tpu.dma_semaphore, #tpu.memory_space<semaphore_mem>>
        %dma_start3A_260 = tpu.memref_squeeze %dma_start3A_259 : memref<1x!tpu.dma_semaphore, #tpu.memory_space<semaphore_mem>> -> memref<!tpu.dma_semaphore, #tpu.memory_space<semaphore_mem>>
        %dma_start3A_261 = tpu.memref_slice %arg4[%add3A_256] : memref<322560xi32, #tpu.memory_space<hbm>> -> memref<96xi32, #tpu.memory_space<hbm>>
        tpu.enqueue_dma source(%dma_start3A_261 : memref<96xi32, #tpu.memory_space<hbm>>) target(%arg12 : memref<96xi32, #tpu.memory_space<vmem>>) target_semaphore(%dma_start3A_260 : memref<!tpu.dma_semaphore, #tpu.memory_space<semaphore_mem>>)
        %add3A_262 = arith.constant 2 : i32
        %add3A_263 = arith.addi %add3A_115, %add3A_262 : i32
        %mul3A_264 = arith.constant 96 : i32
        %mul3A_265 = arith.muli %add3A_263, %mul3A_264 : i32
        %add3A_266 = arith.addi %mul3A_20, %mul3A_265 : i32
        %dma_wait3A_267 = arith.constant 2 : i32
        %dma_wait3A_268 = tpu.memref_slice %arg3[%add3A_266] : memref<322560xi32, #tpu.memory_space<hbm>> -> memref<96xi32, #tpu.memory_space<hbm>>
        %dma_wait3A_269 = tpu.memref_slice %arg17[%dma_wait3A_267] : memref<3x!tpu.dma_semaphore, #tpu.memory_space<semaphore_mem>> -> memref<1x!tpu.dma_semaphore, #tpu.memory_space<semaphore_mem>>
        %dma_wait3A_270 = tpu.memref_squeeze %dma_wait3A_269 : memref<1x!tpu.dma_semaphore, #tpu.memory_space<semaphore_mem>> -> memref<!tpu.dma_semaphore, #tpu.memory_space<semaphore_mem>>
        %dma_wait3A_271 = tpu.memref_slice %arg3[%add3A_266] : memref<322560xi32, #tpu.memory_space<hbm>> -> memref<96xi32, #tpu.memory_space<hbm>>
        tpu.wait_dma2 semaphore(%dma_wait3A_270 : memref<!tpu.dma_semaphore, #tpu.memory_space<semaphore_mem>>) src(%dma_wait3A_271 : memref<96xi32, #tpu.memory_space<hbm>>) dst(%arg9 : memref<96xi32, #tpu.memory_space<vmem>>)
        %add3A_272 = arith.constant 2 : i32
        %add3A_273 = arith.addi %add3A_115, %add3A_272 : i32
        %dma_start3A_274 = arith.constant 2 : i32
        %dma_start3A_275 = arith.constant 0 : i32
        %dma_start3A_276 = arith.constant 0 : i32
        %dma_start3A_277 = tpu.memref_slice %arg2[%dma_start3A_275, %dma_start3A_276] : memref<10000x128xf32, #tpu.memory_space<hbm>> -> memref<10000x128xf32, #tpu.memory_space<hbm>>
        %dma_start3A_278 = tpu.memref_slice %arg16[%dma_start3A_274] : memref<3x!tpu.dma_semaphore, #tpu.memory_space<semaphore_mem>> -> memref<1x!tpu.dma_semaphore, #tpu.memory_space<semaphore_mem>>
        %dma_start3A_279 = tpu.memref_squeeze %dma_start3A_278 : memref<1x!tpu.dma_semaphore, #tpu.memory_space<semaphore_mem>> -> memref<!tpu.dma_semaphore, #tpu.memory_space<semaphore_mem>>
        tpu.enqueue_indirect_dma source(%dma_start3A_277 : memref<10000x128xf32, #tpu.memory_space<hbm>>) target(%arg15 : memref<96x128xf32, #tpu.memory_space<vmem>>) offsets(%arg9 : memref<96xi32, #tpu.memory_space<vmem>>) semaphore(%dma_start3A_279 : memref<!tpu.dma_semaphore, #tpu.memory_space<semaphore_mem>>)
      } else {
      }
      %mul3A_134 = arith.constant 96 : i32
      %mul3A_135 = arith.muli %add3A_115, %mul3A_134 : i32
      %add3A_136 = arith.addi %mul3A_20, %mul3A_135 : i32
      %dma_wait3A_137 = arith.constant 0 : i32
      %dma_wait3A_138 = tpu.memref_slice %arg4[%add3A_136] : memref<322560xi32, #tpu.memory_space<hbm>> -> memref<96xi32, #tpu.memory_space<hbm>>
      %dma_wait3A_139 = tpu.memref_slice %arg18[%dma_wait3A_137] : memref<3x!tpu.dma_semaphore, #tpu.memory_space<semaphore_mem>> -> memref<1x!tpu.dma_semaphore, #tpu.memory_space<semaphore_mem>>
      %dma_wait3A_140 = tpu.memref_squeeze %dma_wait3A_139 : memref<1x!tpu.dma_semaphore, #tpu.memory_space<semaphore_mem>> -> memref<!tpu.dma_semaphore, #tpu.memory_space<semaphore_mem>>
      %dma_wait3A_141 = tpu.memref_slice %arg4[%add3A_136] : memref<322560xi32, #tpu.memory_space<hbm>> -> memref<96xi32, #tpu.memory_space<hbm>>
      tpu.wait_dma2 semaphore(%dma_wait3A_140 : memref<!tpu.dma_semaphore, #tpu.memory_space<semaphore_mem>>) src(%dma_wait3A_141 : memref<96xi32, #tpu.memory_space<hbm>>) dst(%arg10 : memref<96xi32, #tpu.memory_space<vmem>>)
      %dma_start3A_142 = arith.constant 0 : i32
      %dma_start3A_143 = arith.constant 0 : i32
      %dma_start3A_144 = arith.constant 0 : i32
      %dma_start3A_145 = tpu.memref_slice %arg6[%dma_start3A_143, %dma_start3A_144] : memref<10240x128xf32, #tpu.memory_space<vmem_shared>> -> memref<10240x128xf32, #tpu.memory_space<vmem_shared>>
      %dma_start3A_146 = tpu.memref_slice %arg19[%dma_start3A_142] : memref<3x!tpu.dma_semaphore, #tpu.memory_space<semaphore_mem>> -> memref<1x!tpu.dma_semaphore, #tpu.memory_space<semaphore_mem>>
      %dma_start3A_147 = tpu.memref_squeeze %dma_start3A_146 : memref<1x!tpu.dma_semaphore, #tpu.memory_space<semaphore_mem>> -> memref<!tpu.dma_semaphore, #tpu.memory_space<semaphore_mem>>
      tpu.enqueue_indirect_dma source(%arg13 : memref<96x128xf32, #tpu.memory_space<vmem>>) target(%dma_start3A_145 : memref<10240x128xf32, #tpu.memory_space<vmem_shared>>) offsets(%arg10 : memref<96xi32, #tpu.memory_space<vmem>>) semaphore(%dma_start3A_147 : memref<!tpu.dma_semaphore, #tpu.memory_space<semaphore_mem>>) {add = true}
      %add3A_148 = arith.constant 3 : i32
      %add3A_149 = arith.addi %add3A_115, %add3A_148 : i32
      %lt3A_150 = arith.constant 105 : i32
      %lt3A_151 = arith.cmpi slt, %add3A_149, %lt3A_150 : i32
      %convert_element_type3A_152 = arith.extui %lt3A_151 : i1 to i32
      %cond3A_153 = arith.constant 0 : i32
      %cond3A_154 = arith.cmpi ne, %convert_element_type3A_152, %cond3A_153 : i32
      scf.if %cond3A_154 {
        %add3A_252 = arith.constant 3 : i32
        %add3A_253 = arith.addi %add3A_115, %add3A_252 : i32
        %mul3A_254 = arith.constant 96 : i32
        %mul3A_255 = arith.muli %add3A_253, %mul3A_254 : i32
        %add3A_256 = arith.addi %mul3A_20, %mul3A_255 : i32
        %dma_start3A_257 = arith.constant 0 : i32
        %dma_start3A_258 = tpu.memref_slice %arg3[%add3A_256] : memref<322560xi32, #tpu.memory_space<hbm>> -> memref<96xi32, #tpu.memory_space<hbm>>
        %dma_start3A_259 = tpu.memref_slice %arg17[%dma_start3A_257] : memref<3x!tpu.dma_semaphore, #tpu.memory_space<semaphore_mem>> -> memref<1x!tpu.dma_semaphore, #tpu.memory_space<semaphore_mem>>
        %dma_start3A_260 = tpu.memref_squeeze %dma_start3A_259 : memref<1x!tpu.dma_semaphore, #tpu.memory_space<semaphore_mem>> -> memref<!tpu.dma_semaphore, #tpu.memory_space<semaphore_mem>>
        %dma_start3A_261 = tpu.memref_slice %arg3[%add3A_256] : memref<322560xi32, #tpu.memory_space<hbm>> -> memref<96xi32, #tpu.memory_space<hbm>>
        tpu.enqueue_dma source(%dma_start3A_261 : memref<96xi32, #tpu.memory_space<hbm>>) target(%arg7 : memref<96xi32, #tpu.memory_space<vmem>>) target_semaphore(%dma_start3A_260 : memref<!tpu.dma_semaphore, #tpu.memory_space<semaphore_mem>>)
      } else {
      }
      %mul3A_155 = arith.constant 3 : i32
      %mul3A_156 = arith.muli %scan3A_110, %mul3A_155 : i32
      %add3A_157 = arith.constant 1 : i32
      %add3A_158 = arith.addi %mul3A_156, %add3A_157 : i32
      %dma_wait3A_159 = arith.constant 1 : i32
      %dma_wait3A_160 = arith.constant 0 : i32
      %dma_wait3A_161 = arith.constant 0 : i32
      %dma_wait3A_162 = tpu.memref_slice %arg2[%dma_wait3A_160, %dma_wait3A_161] : memref<10000x128xf32, #tpu.memory_space<hbm>> -> memref<10000x128xf32, #tpu.memory_space<hbm>>
      %dma_wait3A_163 = tpu.memref_slice %arg16[%dma_wait3A_159] : memref<3x!tpu.dma_semaphore, #tpu.memory_space<semaphore_mem>> -> memref<1x!tpu.dma_semaphore, #tpu.memory_space<semaphore_mem>>
      %dma_wait3A_164 = tpu.memref_squeeze %dma_wait3A_163 : memref<1x!tpu.dma_semaphore, #tpu.memory_space<semaphore_mem>> -> memref<!tpu.dma_semaphore, #tpu.memory_space<semaphore_mem>>
      tpu.wait_indirect_dma semaphore(%dma_wait3A_164 : memref<!tpu.dma_semaphore, #tpu.memory_space<semaphore_mem>>) src(%dma_wait3A_162 : memref<10000x128xf32, #tpu.memory_space<hbm>>) dst(%arg14 : memref<96x128xf32, #tpu.memory_space<vmem>>)
      %ge3A_165 = arith.constant 1 : i32
      %ge3A_166 = arith.cmpi sge, %add3A_158, %ge3A_165 : i32
      %add3A_167 = arith.constant 2 : i32
      %add3A_168 = arith.addi %add3A_158, %add3A_167 : i32
      %lt3A_169 = arith.constant 105 : i32
      %lt3A_170 = arith.cmpi slt, %add3A_168, %lt3A_169 : i32
      %and3A_171 = arith.andi %ge3A_166, %lt3A_170 : i1
      %convert_element_type3A_172 = arith.extui %and3A_171 : i1 to i32
      %cond3A_173 = arith.constant 0 : i32
      %cond3A_174 = arith.cmpi ne, %convert_element_type3A_172, %cond3A_173 : i32
      scf.if %cond3A_174 {
        %dma_wait3A_252 = arith.constant 0 : i32
        %dma_wait3A_253 = arith.constant 0 : i32
        %dma_wait3A_254 = arith.constant 0 : i32
        %dma_wait3A_255 = tpu.memref_slice %arg6[%dma_wait3A_253, %dma_wait3A_254] : memref<10240x128xf32, #tpu.memory_space<vmem_shared>> -> memref<10240x128xf32, #tpu.memory_space<vmem_shared>>
        %dma_wait3A_256 = tpu.memref_slice %arg19[%dma_wait3A_252] : memref<3x!tpu.dma_semaphore, #tpu.memory_space<semaphore_mem>> -> memref<1x!tpu.dma_semaphore, #tpu.memory_space<semaphore_mem>>
        %dma_wait3A_257 = tpu.memref_squeeze %dma_wait3A_256 : memref<1x!tpu.dma_semaphore, #tpu.memory_space<semaphore_mem>> -> memref<!tpu.dma_semaphore, #tpu.memory_space<semaphore_mem>>
        tpu.wait_indirect_dma semaphore(%dma_wait3A_257 : memref<!tpu.dma_semaphore, #tpu.memory_space<semaphore_mem>>) src(%arg13 : memref<96x128xf32, #tpu.memory_space<vmem>>) dst(%dma_wait3A_255 : memref<10240x128xf32, #tpu.memory_space<vmem_shared>>)
      } else {
      }
      %add3A_175 = arith.constant 2 : i32
      %add3A_176 = arith.addi %add3A_158, %add3A_175 : i32
      %lt3A_177 = arith.constant 105 : i32
      %lt3A_178 = arith.cmpi slt, %add3A_176, %lt3A_177 : i32
      %convert_element_type3A_179 = arith.extui %lt3A_178 : i1 to i32
      %cond3A_180 = arith.constant 0 : i32
      %cond3A_181 = arith.cmpi ne, %convert_element_type3A_179, %cond3A_180 : i32
      scf.if %cond3A_181 {
        %add3A_252 = arith.constant 2 : i32
        %add3A_253 = arith.addi %add3A_158, %add3A_252 : i32
        %mul3A_254 = arith.constant 96 : i32
        %mul3A_255 = arith.muli %add3A_253, %mul3A_254 : i32
        %add3A_256 = arith.addi %mul3A_20, %mul3A_255 : i32
        %dma_start3A_257 = arith.constant 0 : i32
        %dma_start3A_258 = tpu.memref_slice %arg4[%add3A_256] : memref<322560xi32, #tpu.memory_space<hbm>> -> memref<96xi32, #tpu.memory_space<hbm>>
        %dma_start3A_259 = tpu.memref_slice %arg18[%dma_start3A_257] : memref<3x!tpu.dma_semaphore, #tpu.memory_space<semaphore_mem>> -> memref<1x!tpu.dma_semaphore, #tpu.memory_space<semaphore_mem>>
        %dma_start3A_260 = tpu.memref_squeeze %dma_start3A_259 : memref<1x!tpu.dma_semaphore, #tpu.memory_space<semaphore_mem>> -> memref<!tpu.dma_semaphore, #tpu.memory_space<semaphore_mem>>
        %dma_start3A_261 = tpu.memref_slice %arg4[%add3A_256] : memref<322560xi32, #tpu.memory_space<hbm>> -> memref<96xi32, #tpu.memory_space<hbm>>
        tpu.enqueue_dma source(%dma_start3A_261 : memref<96xi32, #tpu.memory_space<hbm>>) target(%arg10 : memref<96xi32, #tpu.memory_space<vmem>>) target_semaphore(%dma_start3A_260 : memref<!tpu.dma_semaphore, #tpu.memory_space<semaphore_mem>>)
        %add3A_262 = arith.constant 2 : i32
        %add3A_263 = arith.addi %add3A_158, %add3A_262 : i32
        %mul3A_264 = arith.constant 96 : i32
        %mul3A_265 = arith.muli %add3A_263, %mul3A_264 : i32
        %add3A_266 = arith.addi %mul3A_20, %mul3A_265 : i32
        %dma_wait3A_267 = arith.constant 0 : i32
        %dma_wait3A_268 = tpu.memref_slice %arg3[%add3A_266] : memref<322560xi32, #tpu.memory_space<hbm>> -> memref<96xi32, #tpu.memory_space<hbm>>
        %dma_wait3A_269 = tpu.memref_slice %arg17[%dma_wait3A_267] : memref<3x!tpu.dma_semaphore, #tpu.memory_space<semaphore_mem>> -> memref<1x!tpu.dma_semaphore, #tpu.memory_space<semaphore_mem>>
        %dma_wait3A_270 = tpu.memref_squeeze %dma_wait3A_269 : memref<1x!tpu.dma_semaphore, #tpu.memory_space<semaphore_mem>> -> memref<!tpu.dma_semaphore, #tpu.memory_space<semaphore_mem>>
        %dma_wait3A_271 = tpu.memref_slice %arg3[%add3A_266] : memref<322560xi32, #tpu.memory_space<hbm>> -> memref<96xi32, #tpu.memory_space<hbm>>
        tpu.wait_dma2 semaphore(%dma_wait3A_270 : memref<!tpu.dma_semaphore, #tpu.memory_space<semaphore_mem>>) src(%dma_wait3A_271 : memref<96xi32, #tpu.memory_space<hbm>>) dst(%arg7 : memref<96xi32, #tpu.memory_space<vmem>>)
        %add3A_272 = arith.constant 2 : i32
        %add3A_273 = arith.addi %add3A_158, %add3A_272 : i32
        %dma_start3A_274 = arith.constant 0 : i32
        %dma_start3A_275 = arith.constant 0 : i32
        %dma_start3A_276 = arith.constant 0 : i32
        %dma_start3A_277 = tpu.memref_slice %arg2[%dma_start3A_275, %dma_start3A_276] : memref<10000x128xf32, #tpu.memory_space<hbm>> -> memref<10000x128xf32, #tpu.memory_space<hbm>>
        %dma_start3A_278 = tpu.memref_slice %arg16[%dma_start3A_274] : memref<3x!tpu.dma_semaphore, #tpu.memory_space<semaphore_mem>> -> memref<1x!tpu.dma_semaphore, #tpu.memory_space<semaphore_mem>>
        %dma_start3A_279 = tpu.memref_squeeze %dma_start3A_278 : memref<1x!tpu.dma_semaphore, #tpu.memory_space<semaphore_mem>> -> memref<!tpu.dma_semaphore, #tpu.memory_space<semaphore_mem>>
        tpu.enqueue_indirect_dma source(%dma_start3A_277 : memref<10000x128xf32, #tpu.memory_space<hbm>>) target(%arg13 : memref<96x128xf32, #tpu.memory_space<vmem>>) offsets(%arg7 : memref<96xi32, #tpu.memory_space<vmem>>) semaphore(%dma_start3A_279 : memref<!tpu.dma_semaphore, #tpu.memory_space<semaphore_mem>>)
      } else {
      }
      %mul3A_182 = arith.constant 96 : i32
      %mul3A_183 = arith.muli %add3A_158, %mul3A_182 : i32
      %add3A_184 = arith.addi %mul3A_20, %mul3A_183 : i32
      %dma_wait3A_185 = arith.constant 1 : i32
      %dma_wait3A_186 = tpu.memref_slice %arg4[%add3A_184] : memref<322560xi32, #tpu.memory_space<hbm>> -> memref<96xi32, #tpu.memory_space<hbm>>
      %dma_wait3A_187 = tpu.memref_slice %arg18[%dma_wait3A_185] : memref<3x!tpu.dma_semaphore, #tpu.memory_space<semaphore_mem>> -> memref<1x!tpu.dma_semaphore, #tpu.memory_space<semaphore_mem>>
      %dma_wait3A_188 = tpu.memref_squeeze %dma_wait3A_187 : memref<1x!tpu.dma_semaphore, #tpu.memory_space<semaphore_mem>> -> memref<!tpu.dma_semaphore, #tpu.memory_space<semaphore_mem>>
      %dma_wait3A_189 = tpu.memref_slice %arg4[%add3A_184] : memref<322560xi32, #tpu.memory_space<hbm>> -> memref<96xi32, #tpu.memory_space<hbm>>
      tpu.wait_dma2 semaphore(%dma_wait3A_188 : memref<!tpu.dma_semaphore, #tpu.memory_space<semaphore_mem>>) src(%dma_wait3A_189 : memref<96xi32, #tpu.memory_space<hbm>>) dst(%arg11 : memref<96xi32, #tpu.memory_space<vmem>>)
      %dma_start3A_190 = arith.constant 1 : i32
      %dma_start3A_191 = arith.constant 0 : i32
      %dma_start3A_192 = arith.constant 0 : i32
      %dma_start3A_193 = tpu.memref_slice %arg6[%dma_start3A_191, %dma_start3A_192] : memref<10240x128xf32, #tpu.memory_space<vmem_shared>> -> memref<10240x128xf32, #tpu.memory_space<vmem_shared>>
      %dma_start3A_194 = tpu.memref_slice %arg19[%dma_start3A_190] : memref<3x!tpu.dma_semaphore, #tpu.memory_space<semaphore_mem>> -> memref<1x!tpu.dma_semaphore, #tpu.memory_space<semaphore_mem>>
      %dma_start3A_195 = tpu.memref_squeeze %dma_start3A_194 : memref<1x!tpu.dma_semaphore, #tpu.memory_space<semaphore_mem>> -> memref<!tpu.dma_semaphore, #tpu.memory_space<semaphore_mem>>
      tpu.enqueue_indirect_dma source(%arg14 : memref<96x128xf32, #tpu.memory_space<vmem>>) target(%dma_start3A_193 : memref<10240x128xf32, #tpu.memory_space<vmem_shared>>) offsets(%arg11 : memref<96xi32, #tpu.memory_space<vmem>>) semaphore(%dma_start3A_195 : memref<!tpu.dma_semaphore, #tpu.memory_space<semaphore_mem>>) {add = true}
      %add3A_196 = arith.constant 3 : i32
      %add3A_197 = arith.addi %add3A_158, %add3A_196 : i32
      %lt3A_198 = arith.constant 105 : i32
      %lt3A_199 = arith.cmpi slt, %add3A_197, %lt3A_198 : i32
      %convert_element_type3A_200 = arith.extui %lt3A_199 : i1 to i32
      %cond3A_201 = arith.constant 0 : i32
      %cond3A_202 = arith.cmpi ne, %convert_element_type3A_200, %cond3A_201 : i32
      scf.if %cond3A_202 {
        %add3A_252 = arith.constant 3 : i32
        %add3A_253 = arith.addi %add3A_158, %add3A_252 : i32
        %mul3A_254 = arith.constant 96 : i32
        %mul3A_255 = arith.muli %add3A_253, %mul3A_254 : i32
        %add3A_256 = arith.addi %mul3A_20, %mul3A_255 : i32
        %dma_start3A_257 = arith.constant 1 : i32
        %dma_start3A_258 = tpu.memref_slice %arg3[%add3A_256] : memref<322560xi32, #tpu.memory_space<hbm>> -> memref<96xi32, #tpu.memory_space<hbm>>
        %dma_start3A_259 = tpu.memref_slice %arg17[%dma_start3A_257] : memref<3x!tpu.dma_semaphore, #tpu.memory_space<semaphore_mem>> -> memref<1x!tpu.dma_semaphore, #tpu.memory_space<semaphore_mem>>
        %dma_start3A_260 = tpu.memref_squeeze %dma_start3A_259 : memref<1x!tpu.dma_semaphore, #tpu.memory_space<semaphore_mem>> -> memref<!tpu.dma_semaphore, #tpu.memory_space<semaphore_mem>>
        %dma_start3A_261 = tpu.memref_slice %arg3[%add3A_256] : memref<322560xi32, #tpu.memory_space<hbm>> -> memref<96xi32, #tpu.memory_space<hbm>>
        tpu.enqueue_dma source(%dma_start3A_261 : memref<96xi32, #tpu.memory_space<hbm>>) target(%arg8 : memref<96xi32, #tpu.memory_space<vmem>>) target_semaphore(%dma_start3A_260 : memref<!tpu.dma_semaphore, #tpu.memory_space<semaphore_mem>>)
      } else {
      }
      %mul3A_203 = arith.constant 3 : i32
      %mul3A_204 = arith.muli %scan3A_110, %mul3A_203 : i32
      %add3A_205 = arith.constant 2 : i32
      %add3A_206 = arith.addi %mul3A_204, %add3A_205 : i32
      %dma_wait3A_207 = arith.constant 2 : i32
      %dma_wait3A_208 = arith.constant 0 : i32
      %dma_wait3A_209 = arith.constant 0 : i32
      %dma_wait3A_210 = tpu.memref_slice %arg2[%dma_wait3A_208, %dma_wait3A_209] : memref<10000x128xf32, #tpu.memory_space<hbm>> -> memref<10000x128xf32, #tpu.memory_space<hbm>>
      %dma_wait3A_211 = tpu.memref_slice %arg16[%dma_wait3A_207] : memref<3x!tpu.dma_semaphore, #tpu.memory_space<semaphore_mem>> -> memref<1x!tpu.dma_semaphore, #tpu.memory_space<semaphore_mem>>
      %dma_wait3A_212 = tpu.memref_squeeze %dma_wait3A_211 : memref<1x!tpu.dma_semaphore, #tpu.memory_space<semaphore_mem>> -> memref<!tpu.dma_semaphore, #tpu.memory_space<semaphore_mem>>
      tpu.wait_indirect_dma semaphore(%dma_wait3A_212 : memref<!tpu.dma_semaphore, #tpu.memory_space<semaphore_mem>>) src(%dma_wait3A_210 : memref<10000x128xf32, #tpu.memory_space<hbm>>) dst(%arg15 : memref<96x128xf32, #tpu.memory_space<vmem>>)
      %ge3A_213 = arith.constant 1 : i32
      %ge3A_214 = arith.cmpi sge, %add3A_206, %ge3A_213 : i32
      %add3A_215 = arith.constant 2 : i32
      %add3A_216 = arith.addi %add3A_206, %add3A_215 : i32
      %lt3A_217 = arith.constant 105 : i32
      %lt3A_218 = arith.cmpi slt, %add3A_216, %lt3A_217 : i32
      %and3A_219 = arith.andi %ge3A_214, %lt3A_218 : i1
      %convert_element_type3A_220 = arith.extui %and3A_219 : i1 to i32
      %cond3A_221 = arith.constant 0 : i32
      %cond3A_222 = arith.cmpi ne, %convert_element_type3A_220, %cond3A_221 : i32
      scf.if %cond3A_222 {
        %dma_wait3A_252 = arith.constant 1 : i32
        %dma_wait3A_253 = arith.constant 0 : i32
        %dma_wait3A_254 = arith.constant 0 : i32
        %dma_wait3A_255 = tpu.memref_slice %arg6[%dma_wait3A_253, %dma_wait3A_254] : memref<10240x128xf32, #tpu.memory_space<vmem_shared>> -> memref<10240x128xf32, #tpu.memory_space<vmem_shared>>
        %dma_wait3A_256 = tpu.memref_slice %arg19[%dma_wait3A_252] : memref<3x!tpu.dma_semaphore, #tpu.memory_space<semaphore_mem>> -> memref<1x!tpu.dma_semaphore, #tpu.memory_space<semaphore_mem>>
        %dma_wait3A_257 = tpu.memref_squeeze %dma_wait3A_256 : memref<1x!tpu.dma_semaphore, #tpu.memory_space<semaphore_mem>> -> memref<!tpu.dma_semaphore, #tpu.memory_space<semaphore_mem>>
        tpu.wait_indirect_dma semaphore(%dma_wait3A_257 : memref<!tpu.dma_semaphore, #tpu.memory_space<semaphore_mem>>) src(%arg14 : memref<96x128xf32, #tpu.memory_space<vmem>>) dst(%dma_wait3A_255 : memref<10240x128xf32, #tpu.memory_space<vmem_shared>>)
      } else {
      }
      %add3A_223 = arith.constant 2 : i32
      %add3A_224 = arith.addi %add3A_206, %add3A_223 : i32
      %lt3A_225 = arith.constant 105 : i32
      %lt3A_226 = arith.cmpi slt, %add3A_224, %lt3A_225 : i32
      %convert_element_type3A_227 = arith.extui %lt3A_226 : i1 to i32
      %cond3A_228 = arith.constant 0 : i32
      %cond3A_229 = arith.cmpi ne, %convert_element_type3A_227, %cond3A_228 : i32
      scf.if %cond3A_229 {
        %add3A_252 = arith.constant 2 : i32
        %add3A_253 = arith.addi %add3A_206, %add3A_252 : i32
        %mul3A_254 = arith.constant 96 : i32
        %mul3A_255 = arith.muli %add3A_253, %mul3A_254 : i32
        %add3A_256 = arith.addi %mul3A_20, %mul3A_255 : i32
        %dma_start3A_257 = arith.constant 1 : i32
        %dma_start3A_258 = tpu.memref_slice %arg4[%add3A_256] : memref<322560xi32, #tpu.memory_space<hbm>> -> memref<96xi32, #tpu.memory_space<hbm>>
        %dma_start3A_259 = tpu.memref_slice %arg18[%dma_start3A_257] : memref<3x!tpu.dma_semaphore, #tpu.memory_space<semaphore_mem>> -> memref<1x!tpu.dma_semaphore, #tpu.memory_space<semaphore_mem>>
        %dma_start3A_260 = tpu.memref_squeeze %dma_start3A_259 : memref<1x!tpu.dma_semaphore, #tpu.memory_space<semaphore_mem>> -> memref<!tpu.dma_semaphore, #tpu.memory_space<semaphore_mem>>
        %dma_start3A_261 = tpu.memref_slice %arg4[%add3A_256] : memref<322560xi32, #tpu.memory_space<hbm>> -> memref<96xi32, #tpu.memory_space<hbm>>
        tpu.enqueue_dma source(%dma_start3A_261 : memref<96xi32, #tpu.memory_space<hbm>>) target(%arg11 : memref<96xi32, #tpu.memory_space<vmem>>) target_semaphore(%dma_start3A_260 : memref<!tpu.dma_semaphore, #tpu.memory_space<semaphore_mem>>)
        %add3A_262 = arith.constant 2 : i32
        %add3A_263 = arith.addi %add3A_206, %add3A_262 : i32
        %mul3A_264 = arith.constant 96 : i32
        %mul3A_265 = arith.muli %add3A_263, %mul3A_264 : i32
        %add3A_266 = arith.addi %mul3A_20, %mul3A_265 : i32
        %dma_wait3A_267 = arith.constant 1 : i32
        %dma_wait3A_268 = tpu.memref_slice %arg3[%add3A_266] : memref<322560xi32, #tpu.memory_space<hbm>> -> memref<96xi32, #tpu.memory_space<hbm>>
        %dma_wait3A_269 = tpu.memref_slice %arg17[%dma_wait3A_267] : memref<3x!tpu.dma_semaphore, #tpu.memory_space<semaphore_mem>> -> memref<1x!tpu.dma_semaphore, #tpu.memory_space<semaphore_mem>>
        %dma_wait3A_270 = tpu.memref_squeeze %dma_wait3A_269 : memref<1x!tpu.dma_semaphore, #tpu.memory_space<semaphore_mem>> -> memref<!tpu.dma_semaphore, #tpu.memory_space<semaphore_mem>>
        %dma_wait3A_271 = tpu.memref_slice %arg3[%add3A_266] : memref<322560xi32, #tpu.memory_space<hbm>> -> memref<96xi32, #tpu.memory_space<hbm>>
        tpu.wait_dma2 semaphore(%dma_wait3A_270 : memref<!tpu.dma_semaphore, #tpu.memory_space<semaphore_mem>>) src(%dma_wait3A_271 : memref<96xi32, #tpu.memory_space<hbm>>) dst(%arg8 : memref<96xi32, #tpu.memory_space<vmem>>)
        %add3A_272 = arith.constant 2 : i32
        %add3A_273 = arith.addi %add3A_206, %add3A_272 : i32
        %dma_start3A_274 = arith.constant 1 : i32
        %dma_start3A_275 = arith.constant 0 : i32
        %dma_start3A_276 = arith.constant 0 : i32
        %dma_start3A_277 = tpu.memref_slice %arg2[%dma_start3A_275, %dma_start3A_276] : memref<10000x128xf32, #tpu.memory_space<hbm>> -> memref<10000x128xf32, #tpu.memory_space<hbm>>
        %dma_start3A_278 = tpu.memref_slice %arg16[%dma_start3A_274] : memref<3x!tpu.dma_semaphore, #tpu.memory_space<semaphore_mem>> -> memref<1x!tpu.dma_semaphore, #tpu.memory_space<semaphore_mem>>
        %dma_start3A_279 = tpu.memref_squeeze %dma_start3A_278 : memref<1x!tpu.dma_semaphore, #tpu.memory_space<semaphore_mem>> -> memref<!tpu.dma_semaphore, #tpu.memory_space<semaphore_mem>>
        tpu.enqueue_indirect_dma source(%dma_start3A_277 : memref<10000x128xf32, #tpu.memory_space<hbm>>) target(%arg14 : memref<96x128xf32, #tpu.memory_space<vmem>>) offsets(%arg8 : memref<96xi32, #tpu.memory_space<vmem>>) semaphore(%dma_start3A_279 : memref<!tpu.dma_semaphore, #tpu.memory_space<semaphore_mem>>)
      } else {
      }
      %mul3A_230 = arith.constant 96 : i32
      %mul3A_231 = arith.muli %add3A_206, %mul3A_230 : i32
      %add3A_232 = arith.addi %mul3A_20, %mul3A_231 : i32
      %dma_wait3A_233 = arith.constant 2 : i32
      %dma_wait3A_234 = tpu.memref_slice %arg4[%add3A_232] : memref<322560xi32, #tpu.memory_space<hbm>> -> memref<96xi32, #tpu.memory_space<hbm>>
      %dma_wait3A_235 = tpu.memref_slice %arg18[%dma_wait3A_233] : memref<3x!tpu.dma_semaphore, #tpu.memory_space<semaphore_mem>> -> memref<1x!tpu.dma_semaphore, #tpu.memory_space<semaphore_mem>>
      %dma_wait3A_236 = tpu.memref_squeeze %dma_wait3A_235 : memref<1x!tpu.dma_semaphore, #tpu.memory_space<semaphore_mem>> -> memref<!tpu.dma_semaphore, #tpu.memory_space<semaphore_mem>>
      %dma_wait3A_237 = tpu.memref_slice %arg4[%add3A_232] : memref<322560xi32, #tpu.memory_space<hbm>> -> memref<96xi32, #tpu.memory_space<hbm>>
      tpu.wait_dma2 semaphore(%dma_wait3A_236 : memref<!tpu.dma_semaphore, #tpu.memory_space<semaphore_mem>>) src(%dma_wait3A_237 : memref<96xi32, #tpu.memory_space<hbm>>) dst(%arg12 : memref<96xi32, #tpu.memory_space<vmem>>)
      %dma_start3A_238 = arith.constant 2 : i32
      %dma_start3A_239 = arith.constant 0 : i32
      %dma_start3A_240 = arith.constant 0 : i32
      %dma_start3A_241 = tpu.memref_slice %arg6[%dma_start3A_239, %dma_start3A_240] : memref<10240x128xf32, #tpu.memory_space<vmem_shared>> -> memref<10240x128xf32, #tpu.memory_space<vmem_shared>>
      %dma_start3A_242 = tpu.memref_slice %arg19[%dma_start3A_238] : memref<3x!tpu.dma_semaphore, #tpu.memory_space<semaphore_mem>> -> memref<1x!tpu.dma_semaphore, #tpu.memory_space<semaphore_mem>>
      %dma_start3A_243 = tpu.memref_squeeze %dma_start3A_242 : memref<1x!tpu.dma_semaphore, #tpu.memory_space<semaphore_mem>> -> memref<!tpu.dma_semaphore, #tpu.memory_space<semaphore_mem>>
      tpu.enqueue_indirect_dma source(%arg15 : memref<96x128xf32, #tpu.memory_space<vmem>>) target(%dma_start3A_241 : memref<10240x128xf32, #tpu.memory_space<vmem_shared>>) offsets(%arg12 : memref<96xi32, #tpu.memory_space<vmem>>) semaphore(%dma_start3A_243 : memref<!tpu.dma_semaphore, #tpu.memory_space<semaphore_mem>>) {add = true}
      %add3A_244 = arith.constant 3 : i32
      %add3A_245 = arith.addi %add3A_206, %add3A_244 : i32
      %lt3A_246 = arith.constant 105 : i32
      %lt3A_247 = arith.cmpi slt, %add3A_245, %lt3A_246 : i32
      %convert_element_type3A_248 = arith.extui %lt3A_247 : i1 to i32
      %cond3A_249 = arith.constant 0 : i32
      %cond3A_250 = arith.cmpi ne, %convert_element_type3A_248, %cond3A_249 : i32
      scf.if %cond3A_250 {
        %add3A_252 = arith.constant 3 : i32
        %add3A_253 = arith.addi %add3A_206, %add3A_252 : i32
        %mul3A_254 = arith.constant 96 : i32
        %mul3A_255 = arith.muli %add3A_253, %mul3A_254 : i32
        %add3A_256 = arith.addi %mul3A_20, %mul3A_255 : i32
        %dma_start3A_257 = arith.constant 2 : i32
        %dma_start3A_258 = tpu.memref_slice %arg3[%add3A_256] : memref<322560xi32, #tpu.memory_space<hbm>> -> memref<96xi32, #tpu.memory_space<hbm>>
        %dma_start3A_259 = tpu.memref_slice %arg17[%dma_start3A_257] : memref<3x!tpu.dma_semaphore, #tpu.memory_space<semaphore_mem>> -> memref<1x!tpu.dma_semaphore, #tpu.memory_space<semaphore_mem>>
        %dma_start3A_260 = tpu.memref_squeeze %dma_start3A_259 : memref<1x!tpu.dma_semaphore, #tpu.memory_space<semaphore_mem>> -> memref<!tpu.dma_semaphore, #tpu.memory_space<semaphore_mem>>
        %dma_start3A_261 = tpu.memref_slice %arg3[%add3A_256] : memref<322560xi32, #tpu.memory_space<hbm>> -> memref<96xi32, #tpu.memory_space<hbm>>
        tpu.enqueue_dma source(%dma_start3A_261 : memref<96xi32, #tpu.memory_space<hbm>>) target(%arg9 : memref<96xi32, #tpu.memory_space<vmem>>) target_semaphore(%dma_start3A_260 : memref<!tpu.dma_semaphore, #tpu.memory_space<semaphore_mem>>)
      } else {
      }
      %scan3A_251 = arith.constant 0 : i32
      scf.yield %scan3A_251 : i32
    }
    %scan3A_86 = arith.constant 35 : i32
    %dma_wait3A_87 = arith.constant 0 : i32
    %dma_wait3A_88 = arith.constant 0 : i32
    %dma_wait3A_89 = arith.constant 0 : i32
    %dma_wait3A_90 = tpu.memref_slice %arg6[%dma_wait3A_88, %dma_wait3A_89] : memref<10240x128xf32, #tpu.memory_space<vmem_shared>> -> memref<10240x128xf32, #tpu.memory_space<vmem_shared>>
    %dma_wait3A_91 = tpu.memref_slice %arg19[%dma_wait3A_87] : memref<3x!tpu.dma_semaphore, #tpu.memory_space<semaphore_mem>> -> memref<1x!tpu.dma_semaphore, #tpu.memory_space<semaphore_mem>>
    %dma_wait3A_92 = tpu.memref_squeeze %dma_wait3A_91 : memref<1x!tpu.dma_semaphore, #tpu.memory_space<semaphore_mem>> -> memref<!tpu.dma_semaphore, #tpu.memory_space<semaphore_mem>>
    tpu.wait_indirect_dma semaphore(%dma_wait3A_92 : memref<!tpu.dma_semaphore, #tpu.memory_space<semaphore_mem>>) src(%arg13 : memref<96x128xf32, #tpu.memory_space<vmem>>) dst(%dma_wait3A_90 : memref<10240x128xf32, #tpu.memory_space<vmem_shared>>)
    %dma_wait3A_93 = arith.constant 1 : i32
    %dma_wait3A_94 = arith.constant 0 : i32
    %dma_wait3A_95 = arith.constant 0 : i32
    %dma_wait3A_96 = tpu.memref_slice %arg6[%dma_wait3A_94, %dma_wait3A_95] : memref<10240x128xf32, #tpu.memory_space<vmem_shared>> -> memref<10240x128xf32, #tpu.memory_space<vmem_shared>>
    %dma_wait3A_97 = tpu.memref_slice %arg19[%dma_wait3A_93] : memref<3x!tpu.dma_semaphore, #tpu.memory_space<semaphore_mem>> -> memref<1x!tpu.dma_semaphore, #tpu.memory_space<semaphore_mem>>
    %dma_wait3A_98 = tpu.memref_squeeze %dma_wait3A_97 : memref<1x!tpu.dma_semaphore, #tpu.memory_space<semaphore_mem>> -> memref<!tpu.dma_semaphore, #tpu.memory_space<semaphore_mem>>
    tpu.wait_indirect_dma semaphore(%dma_wait3A_98 : memref<!tpu.dma_semaphore, #tpu.memory_space<semaphore_mem>>) src(%arg14 : memref<96x128xf32, #tpu.memory_space<vmem>>) dst(%dma_wait3A_96 : memref<10240x128xf32, #tpu.memory_space<vmem_shared>>)
    %dma_wait3A_99 = arith.constant 2 : i32
    %dma_wait3A_100 = arith.constant 0 : i32
    %dma_wait3A_101 = arith.constant 0 : i32
    %dma_wait3A_102 = tpu.memref_slice %arg6[%dma_wait3A_100, %dma_wait3A_101] : memref<10240x128xf32, #tpu.memory_space<vmem_shared>> -> memref<10240x128xf32, #tpu.memory_space<vmem_shared>>
    %dma_wait3A_103 = tpu.memref_slice %arg19[%dma_wait3A_99] : memref<3x!tpu.dma_semaphore, #tpu.memory_space<semaphore_mem>> -> memref<1x!tpu.dma_semaphore, #tpu.memory_space<semaphore_mem>>
    %dma_wait3A_104 = tpu.memref_squeeze %dma_wait3A_103 : memref<1x!tpu.dma_semaphore, #tpu.memory_space<semaphore_mem>> -> memref<!tpu.dma_semaphore, #tpu.memory_space<semaphore_mem>>
    tpu.wait_indirect_dma semaphore(%dma_wait3A_104 : memref<!tpu.dma_semaphore, #tpu.memory_space<semaphore_mem>>) src(%arg15 : memref<96x128xf32, #tpu.memory_space<vmem>>) dst(%dma_wait3A_102 : memref<10240x128xf32, #tpu.memory_space<vmem_shared>>)
    %barrier3A_105 = arith.constant 0 : index
    tpu.barrier barrier_id(%barrier3A_105)
    %mul3A_106 = arith.constant 640 : i32
    %mul3A_107 = arith.muli %arg1, %mul3A_106 : i32
    %mul3A_108 = arith.constant 640 : i32
    %mul3A_109 = arith.muli %arg1, %mul3A_108 : i32
    "tpu.region"() ({
      %run_scoped3A = tpu.sem_alloc : memref<!tpu.dma_semaphore, #tpu.memory_space<semaphore_mem>>
      %dma_start3A_110 = arith.constant 0 : i32
      %dma_start3A_111 = tpu.memref_slice %arg5[%arg0, %mul3A_109, %dma_start3A_110] : memref<2x10240x128xf32, #tpu.memory_space<hbm>> -> memref<1x640x128xf32, #tpu.memory_space<hbm>>
      %dma_start3A_112 = tpu.memref_squeeze %dma_start3A_111 : memref<1x640x128xf32, #tpu.memory_space<hbm>> -> memref<640x128xf32, #tpu.memory_space<hbm>>
      %dma_start3A_113 = arith.constant 0 : i32
      %dma_start3A_114 = tpu.memref_slice %arg6[%mul3A_107, %dma_start3A_113] : memref<10240x128xf32, #tpu.memory_space<vmem_shared>> -> memref<640x128xf32, #tpu.memory_space<vmem_shared>>
      tpu.enqueue_dma source(%dma_start3A_114 : memref<640x128xf32, #tpu.memory_space<vmem_shared>>) target(%dma_start3A_112 : memref<640x128xf32, #tpu.memory_space<hbm>>) target_semaphore(%run_scoped3A : memref<!tpu.dma_semaphore, #tpu.memory_space<semaphore_mem>>)
      %dma_wait3A_115 = arith.constant 0 : i32
      %dma_wait3A_116 = tpu.memref_slice %arg5[%arg0, %mul3A_109, %dma_wait3A_115] : memref<2x10240x128xf32, #tpu.memory_space<hbm>> -> memref<1x640x128xf32, #tpu.memory_space<hbm>>
      %dma_wait3A_117 = tpu.memref_squeeze %dma_wait3A_116 : memref<1x640x128xf32, #tpu.memory_space<hbm>> -> memref<640x128xf32, #tpu.memory_space<hbm>>
      %dma_wait3A_118 = arith.constant 0 : i32
      %dma_wait3A_119 = tpu.memref_slice %arg6[%mul3A_107, %dma_wait3A_118] : memref<10240x128xf32, #tpu.memory_space<vmem_shared>> -> memref<640x128xf32, #tpu.memory_space<vmem_shared>>
      tpu.wait_dma2 semaphore(%run_scoped3A : memref<!tpu.dma_semaphore, #tpu.memory_space<semaphore_mem>>) src(%dma_wait3A_119 : memref<640x128xf32, #tpu.memory_space<vmem_shared>>) dst(%dma_wait3A_117 : memref<640x128xf32, #tpu.memory_space<hbm>>)
      tpu.yield
    }) : () -> ()
    return
  }
}

module attributes {stable_mosaic.version = 14 : i64} {
  func.func @body(%arg0: i32, %arg1: memref<1000x128xf32, #tpu.memory_space<vmem>>, %arg2: memref<128x128xf32, #tpu.memory_space<vmem>>, %arg3: memref<1x128xf32, #tpu.memory_space<vmem>>, %arg4: memref<1000x128xf32, #tpu.memory_space<vmem>>) attributes {dimension_semantics = [#tpu.dimension_semantics<arbitrary>], iteration_bounds = array<i64: 10>, scalar_prefetch = 0 : i64, scratch_operands = 0 : i64, tpu.core_type = #tpu.core_type<tc>, window_params = [{transform_indices = @transform_0, window_bounds = array<i64: 1000, 128>}, {pipeline_mode = #tpu.pipeline_mode<synchronous>, transform_indices = @transform_1, window_bounds = array<i64: 128, 128>}, {pipeline_mode = #tpu.pipeline_mode<synchronous>, transform_indices = @transform_2, window_bounds = array<i64: 1, 128>}, {transform_indices = @transform_3, window_bounds = array<i64: 1000, 128>}]} {
    %get3A = arith.constant 0 : index
    %get3A_0 = arith.constant 0 : index
    %get3A_1 = vector.load %arg1[%get3A, %get3A_0] : memref<1000x128xf32, #tpu.memory_space<vmem>>, vector<1000x128xf32>
    %get3A_2 = arith.constant 0 : index
    %get3A_3 = arith.constant 0 : index
    %get3A_4 = vector.load %arg2[%get3A_2, %get3A_3] : memref<128x128xf32, #tpu.memory_space<vmem>>, vector<128x128xf32>
    %dot_general3A = arith.constant dense<0.000000e+00> : vector<1000x128xf32>
    %dot_general3A_5 = tpu.matmul %get3A_1, %get3A_4, %dot_general3A {dimension_numbers = #tpu.dot_dimension_numbers<[1], [0], [0], [1], [0, 0, 1, 1], [], []>, transpose_lhs_hint = false} : vector<1000x128xf32>, vector<128x128xf32>, vector<1000x128xf32> -> vector<1000x128xf32>
    %get3A_6 = arith.constant 0 : index
    %get3A_7 = arith.constant 0 : index
    %get3A_8 = vector.load %arg3[%get3A_6, %get3A_7] : memref<1x128xf32, #tpu.memory_space<vmem>>, vector<1x128xf32>
    %add3A = vector.broadcast %get3A_8 : vector<1x128xf32> to vector<1000x128xf32>
    %add3A_9 = arith.addf %dot_general3A_5, %add3A : vector<1000x128xf32>
    %max3A = arith.constant 0.000000e+00 : f32
    %max3A_10 = vector.broadcast %max3A : f32 to vector<1000x128xf32>
    %max3A_11 = arith.maximumf %add3A_9, %max3A_10 : vector<1000x128xf32>
    %swap3A = arith.constant 0 : index
    %swap3A_12 = arith.constant 0 : index
    %swap3A_13 = vector.load %arg4[%swap3A, %swap3A_12] : memref<1000x128xf32, #tpu.memory_space<vmem>>, vector<1000x128xf32>
    tpu.vector_store %arg4[%swap3A, %swap3A_12], %max3A_11 {strides = array<i32>} : memref<1000x128xf32, #tpu.memory_space<vmem>>, vector<1000x128xf32>,
    return
  }
  func.func @transform_0(%arg0: i32) -> (i32, i32) {
    %c0_i32 = arith.constant 0 : i32
    %c0_i32_0 = arith.constant 0 : i32
    return %arg0, %c0_i32 : i32, i32
  }
  func.func @transform_1(%arg0: i32) -> (i32, i32) {
    %c0_i32 = arith.constant 0 : i32
    %c0_i32_0 = arith.constant 0 : i32
    %c0_i32_1 = arith.constant 0 : i32
    return %c0_i32, %c0_i32_0 : i32, i32
  }
  func.func @transform_2(%arg0: i32) -> (i32, i32) {
    %c0_i32 = arith.constant 0 : i32
    %c0_i32_0 = arith.constant 0 : i32
    %c0_i32_1 = arith.constant 0 : i32
    return %c0_i32, %c0_i32_0 : i32, i32
  }
  func.func @transform_3(%arg0: i32) -> (i32, i32) {
    %c0_i32 = arith.constant 0 : i32
    %c0_i32_0 = arith.constant 0 : i32
    return %arg0, %c0_i32 : i32, i32
  }
}

module attributes {stable_mosaic.version = 14 : i64} {
  func.func @body(%arg0: i32, %arg1: memref<2x1000x128xf32, #tpu.memory_space<vmem>>, %arg2: memref<1000x128xf32, #tpu.memory_space<vmem>>, %arg3: memref<1000x128xf32, #tpu.memory_space<vmem>>, %arg4: memref<128x128xf32, #tpu.memory_space<vmem>>, %arg5: memref<1000x128xf32, #tpu.memory_space<vmem>>) attributes {dimension_semantics = [#tpu.dimension_semantics<arbitrary>], iteration_bounds = array<i64: 10>, scalar_prefetch = 0 : i64, scratch_operands = 0 : i64, tpu.core_type = #tpu.core_type<tc>, window_params = [{transform_indices = @transform_0, window_bounds = array<i64: 2, 1000, 128>}, {transform_indices = @transform_1, window_bounds = array<i64: 1000, 128>}, {transform_indices = @transform_2, window_bounds = array<i64: 1000, 128>}, {pipeline_mode = #tpu.pipeline_mode<synchronous>, transform_indices = @transform_3, window_bounds = array<i64: 128, 128>}, {transform_indices = @transform_4, window_bounds = array<i64: 1000, 128>}]} {
    %get3A = arith.constant 0 : index
    %get3A_0 = arith.constant 0 : index
    %get3A_1 = arith.constant 0 : index
    %get3A_2 = vector.load %arg1[%get3A, %get3A_0, %get3A_1] : memref<2x1000x128xf32, #tpu.memory_space<vmem>>, vector<1x1000x128xf32>
    %get3A_3 = vector.shape_cast %get3A_2 : vector<1x1000x128xf32> to vector<1000x128xf32>
    %get3A_4 = arith.constant 1 : index
    %get3A_5 = arith.constant 0 : index
    %get3A_6 = arith.constant 0 : index
    %get3A_7 = vector.load %arg1[%get3A_4, %get3A_5, %get3A_6] : memref<2x1000x128xf32, #tpu.memory_space<vmem>>, vector<1x1000x128xf32>
    %get3A_8 = vector.shape_cast %get3A_7 : vector<1x1000x128xf32> to vector<1000x128xf32>
    %add3A = arith.addf %get3A_3, %get3A_8 : vector<1000x128xf32>
    %mul3A = arith.constant 5.000000e-01 : f32
    %mul3A_9 = vector.broadcast %mul3A : f32 to vector<1000x128xf32>
    %mul3A_10 = arith.mulf %mul3A_9, %add3A : vector<1000x128xf32>
    %get3A_11 = arith.constant 0 : index
    %get3A_12 = arith.constant 0 : index
    %get3A_13 = vector.load %arg2[%get3A_11, %get3A_12] : memref<1000x128xf32, #tpu.memory_space<vmem>>, vector<1000x128xf32>
    %mul3A_14 = arith.constant 5.000000e-01 : f32
    %mul3A_15 = vector.broadcast %mul3A_14 : f32 to vector<1000x128xf32>
    %mul3A_16 = arith.mulf %mul3A_15, %get3A_13 : vector<1000x128xf32>
    %add3A_17 = arith.addf %mul3A_10, %mul3A_16 : vector<1000x128xf32>
    %mul3A_18 = arith.constant 0.306852818 : f32
    %mul3A_19 = vector.broadcast %mul3A_18 : f32 to vector<1000x128xf32>
    %mul3A_20 = arith.mulf %mul3A_19, %add3A_17 : vector<1000x128xf32>
    %get3A_21 = arith.constant 0 : index
    %get3A_22 = arith.constant 0 : index
    %get3A_23 = vector.load %arg4[%get3A_21, %get3A_22] : memref<128x128xf32, #tpu.memory_space<vmem>>, vector<128x128xf32>
    %dot_general3A = arith.constant dense<0.000000e+00> : vector<1000x128xf32>
    %dot_general3A_24 = tpu.matmul %add3A_17, %get3A_23, %dot_general3A {dimension_numbers = #tpu.dot_dimension_numbers<[1], [0], [0], [1], [0, 0, 1, 1], [], []>, transpose_lhs_hint = false} : vector<1000x128xf32>, vector<128x128xf32>, vector<1000x128xf32> -> vector<1000x128xf32>
    %mul3A_25 = arith.constant 0.693147182 : f32
    %mul3A_26 = vector.broadcast %mul3A_25 : f32 to vector<1000x128xf32>
    %mul3A_27 = arith.mulf %mul3A_26, %dot_general3A_24 : vector<1000x128xf32>
    %add3A_28 = arith.addf %mul3A_20, %mul3A_27 : vector<1000x128xf32>
    %get3A_29 = arith.constant 0 : index
    %get3A_30 = arith.constant 0 : index
    %get3A_31 = vector.load %arg3[%get3A_29, %get3A_30] : memref<1000x128xf32, #tpu.memory_space<vmem>>, vector<1000x128xf32>
    %add3A_32 = arith.addf %add3A_28, %get3A_31 : vector<1000x128xf32>
    %max3A = arith.constant 0.000000e+00 : f32
    %max3A_33 = vector.broadcast %max3A : f32 to vector<1000x128xf32>
    %max3A_34 = arith.maximumf %add3A_32, %max3A_33 : vector<1000x128xf32>
    %swap3A = arith.constant 0 : index
    %swap3A_35 = arith.constant 0 : index
    %swap3A_36 = vector.load %arg5[%swap3A, %swap3A_35] : memref<1000x128xf32, #tpu.memory_space<vmem>>, vector<1000x128xf32>
    tpu.vector_store %arg5[%swap3A, %swap3A_35], %max3A_34 {strides = array<i32>} : memref<1000x128xf32, #tpu.memory_space<vmem>>, vector<1000x128xf32>,
    return
  }
  func.func @transform_0(%arg0: i32) -> (i32, i32, i32) {
    %c0_i32 = arith.constant 0 : i32
    %c0_i32_0 = arith.constant 0 : i32
    %c0_i32_1 = arith.constant 0 : i32
    return %c0_i32, %arg0, %c0_i32_0 : i32, i32, i32
  }
  func.func @transform_1(%arg0: i32) -> (i32, i32) {
    %c0_i32 = arith.constant 0 : i32
    %c0_i32_0 = arith.constant 0 : i32
    return %arg0, %c0_i32 : i32, i32
  }
  func.func @transform_2(%arg0: i32) -> (i32, i32) {
    %c0_i32 = arith.constant 0 : i32
    %c0_i32_0 = arith.constant 0 : i32
    return %arg0, %c0_i32 : i32, i32
  }
  func.func @transform_3(%arg0: i32) -> (i32, i32) {
    %c0_i32 = arith.constant 0 : i32
    %c0_i32_0 = arith.constant 0 : i32
    %c0_i32_1 = arith.constant 0 : i32
    return %c0_i32, %c0_i32_0 : i32, i32
  }
  func.func @transform_4(%arg0: i32) -> (i32, i32) {
    %c0_i32 = arith.constant 0 : i32
    %c0_i32_0 = arith.constant 0 : i32
    return %arg0, %c0_i32 : i32, i32
  }
}

module attributes {stable_mosaic.version = 14 : i64} {
  func.func @body(%arg0: i32, %arg1: memref<2x1000x128xf32, #tpu.memory_space<vmem>>, %arg2: memref<1000x128xf32, #tpu.memory_space<vmem>>, %arg3: memref<1000x128xf32, #tpu.memory_space<vmem>>, %arg4: memref<128x128xf32, #tpu.memory_space<vmem>>, %arg5: memref<1000x128xf32, #tpu.memory_space<vmem>>) attributes {dimension_semantics = [#tpu.dimension_semantics<arbitrary>], iteration_bounds = array<i64: 10>, scalar_prefetch = 0 : i64, scratch_operands = 0 : i64, tpu.core_type = #tpu.core_type<tc>, window_params = [{transform_indices = @transform_0, window_bounds = array<i64: 2, 1000, 128>}, {transform_indices = @transform_1, window_bounds = array<i64: 1000, 128>}, {transform_indices = @transform_2, window_bounds = array<i64: 1000, 128>}, {pipeline_mode = #tpu.pipeline_mode<synchronous>, transform_indices = @transform_3, window_bounds = array<i64: 128, 128>}, {transform_indices = @transform_4, window_bounds = array<i64: 1000, 128>}]} {
    %get3A = arith.constant 0 : index
    %get3A_0 = arith.constant 0 : index
    %get3A_1 = arith.constant 0 : index
    %get3A_2 = vector.load %arg1[%get3A, %get3A_0, %get3A_1] : memref<2x1000x128xf32, #tpu.memory_space<vmem>>, vector<1x1000x128xf32>
    %get3A_3 = vector.shape_cast %get3A_2 : vector<1x1000x128xf32> to vector<1000x128xf32>
    %get3A_4 = arith.constant 1 : index
    %get3A_5 = arith.constant 0 : index
    %get3A_6 = arith.constant 0 : index
    %get3A_7 = vector.load %arg1[%get3A_4, %get3A_5, %get3A_6] : memref<2x1000x128xf32, #tpu.memory_space<vmem>>, vector<1x1000x128xf32>
    %get3A_8 = vector.shape_cast %get3A_7 : vector<1x1000x128xf32> to vector<1000x128xf32>
    %add3A = arith.addf %get3A_3, %get3A_8 : vector<1000x128xf32>
    %mul3A = arith.constant 5.000000e-01 : f32
    %mul3A_9 = vector.broadcast %mul3A : f32 to vector<1000x128xf32>
    %mul3A_10 = arith.mulf %mul3A_9, %add3A : vector<1000x128xf32>
    %get3A_11 = arith.constant 0 : index
    %get3A_12 = arith.constant 0 : index
    %get3A_13 = vector.load %arg2[%get3A_11, %get3A_12] : memref<1000x128xf32, #tpu.memory_space<vmem>>, vector<1000x128xf32>
    %mul3A_14 = arith.constant 5.000000e-01 : f32
    %mul3A_15 = vector.broadcast %mul3A_14 : f32 to vector<1000x128xf32>
    %mul3A_16 = arith.mulf %mul3A_15, %get3A_13 : vector<1000x128xf32>
    %add3A_17 = arith.addf %mul3A_10, %mul3A_16 : vector<1000x128xf32>
    %mul3A_18 = arith.constant 0.594534874 : f32
    %mul3A_19 = vector.broadcast %mul3A_18 : f32 to vector<1000x128xf32>
    %mul3A_20 = arith.mulf %mul3A_19, %add3A_17 : vector<1000x128xf32>
    %get3A_21 = arith.constant 0 : index
    %get3A_22 = arith.constant 0 : index
    %get3A_23 = vector.load %arg4[%get3A_21, %get3A_22] : memref<128x128xf32, #tpu.memory_space<vmem>>, vector<128x128xf32>
    %dot_general3A = arith.constant dense<0.000000e+00> : vector<1000x128xf32>
    %dot_general3A_24 = tpu.matmul %add3A_17, %get3A_23, %dot_general3A {dimension_numbers = #tpu.dot_dimension_numbers<[1], [0], [0], [1], [0, 0, 1, 1], [], []>, transpose_lhs_hint = false} : vector<1000x128xf32>, vector<128x128xf32>, vector<1000x128xf32> -> vector<1000x128xf32>
    %mul3A_25 = arith.constant 0.405465096 : f32
    %mul3A_26 = vector.broadcast %mul3A_25 : f32 to vector<1000x128xf32>
    %mul3A_27 = arith.mulf %mul3A_26, %dot_general3A_24 : vector<1000x128xf32>
    %add3A_28 = arith.addf %mul3A_20, %mul3A_27 : vector<1000x128xf32>
    %get3A_29 = arith.constant 0 : index
    %get3A_30 = arith.constant 0 : index
    %get3A_31 = vector.load %arg3[%get3A_29, %get3A_30] : memref<1000x128xf32, #tpu.memory_space<vmem>>, vector<1000x128xf32>
    %add3A_32 = arith.addf %add3A_28, %get3A_31 : vector<1000x128xf32>
    %max3A = arith.constant 0.000000e+00 : f32
    %max3A_33 = vector.broadcast %max3A : f32 to vector<1000x128xf32>
    %max3A_34 = arith.maximumf %add3A_32, %max3A_33 : vector<1000x128xf32>
    %swap3A = arith.constant 0 : index
    %swap3A_35 = arith.constant 0 : index
    %swap3A_36 = vector.load %arg5[%swap3A, %swap3A_35] : memref<1000x128xf32, #tpu.memory_space<vmem>>, vector<1000x128xf32>
    tpu.vector_store %arg5[%swap3A, %swap3A_35], %max3A_34 {strides = array<i32>} : memref<1000x128xf32, #tpu.memory_space<vmem>>, vector<1000x128xf32>,
    return
  }
  func.func @transform_0(%arg0: i32) -> (i32, i32, i32) {
    %c0_i32 = arith.constant 0 : i32
    %c0_i32_0 = arith.constant 0 : i32
    %c0_i32_1 = arith.constant 0 : i32
    return %c0_i32, %arg0, %c0_i32_0 : i32, i32, i32
  }
  func.func @transform_1(%arg0: i32) -> (i32, i32) {
    %c0_i32 = arith.constant 0 : i32
    %c0_i32_0 = arith.constant 0 : i32
    return %arg0, %c0_i32 : i32, i32
  }
  func.func @transform_2(%arg0: i32) -> (i32, i32) {
    %c0_i32 = arith.constant 0 : i32
    %c0_i32_0 = arith.constant 0 : i32
    return %arg0, %c0_i32 : i32, i32
  }
  func.func @transform_3(%arg0: i32) -> (i32, i32) {
    %c0_i32 = arith.constant 0 : i32
    %c0_i32_0 = arith.constant 0 : i32
    %c0_i32_1 = arith.constant 0 : i32
    return %c0_i32, %c0_i32_0 : i32, i32
  }
  func.func @transform_4(%arg0: i32) -> (i32, i32) {
    %c0_i32 = arith.constant 0 : i32
    %c0_i32_0 = arith.constant 0 : i32
    return %arg0, %c0_i32 : i32, i32
  }
}

module attributes {stable_mosaic.version = 14 : i64} {
  func.func @body(%arg0: i32, %arg1: memref<2x1000x128xf32, #tpu.memory_space<vmem>>, %arg2: memref<1000x128xf32, #tpu.memory_space<vmem>>, %arg3: memref<1000x128xf32, #tpu.memory_space<vmem>>, %arg4: memref<128x128xf32, #tpu.memory_space<vmem>>, %arg5: memref<1000x128xf32, #tpu.memory_space<vmem>>) attributes {dimension_semantics = [#tpu.dimension_semantics<arbitrary>], iteration_bounds = array<i64: 10>, scalar_prefetch = 0 : i64, scratch_operands = 0 : i64, tpu.core_type = #tpu.core_type<tc>, window_params = [{transform_indices = @transform_0, window_bounds = array<i64: 2, 1000, 128>}, {transform_indices = @transform_1, window_bounds = array<i64: 1000, 128>}, {transform_indices = @transform_2, window_bounds = array<i64: 1000, 128>}, {pipeline_mode = #tpu.pipeline_mode<synchronous>, transform_indices = @transform_3, window_bounds = array<i64: 128, 128>}, {transform_indices = @transform_4, window_bounds = array<i64: 1000, 128>}]} {
    %get3A = arith.constant 0 : index
    %get3A_0 = arith.constant 0 : index
    %get3A_1 = arith.constant 0 : index
    %get3A_2 = vector.load %arg1[%get3A, %get3A_0, %get3A_1] : memref<2x1000x128xf32, #tpu.memory_space<vmem>>, vector<1x1000x128xf32>
    %get3A_3 = vector.shape_cast %get3A_2 : vector<1x1000x128xf32> to vector<1000x128xf32>
    %get3A_4 = arith.constant 1 : index
    %get3A_5 = arith.constant 0 : index
    %get3A_6 = arith.constant 0 : index
    %get3A_7 = vector.load %arg1[%get3A_4, %get3A_5, %get3A_6] : memref<2x1000x128xf32, #tpu.memory_space<vmem>>, vector<1x1000x128xf32>
    %get3A_8 = vector.shape_cast %get3A_7 : vector<1x1000x128xf32> to vector<1000x128xf32>
    %add3A = arith.addf %get3A_3, %get3A_8 : vector<1000x128xf32>
    %mul3A = arith.constant 5.000000e-01 : f32
    %mul3A_9 = vector.broadcast %mul3A : f32 to vector<1000x128xf32>
    %mul3A_10 = arith.mulf %mul3A_9, %add3A : vector<1000x128xf32>
    %get3A_11 = arith.constant 0 : index
    %get3A_12 = arith.constant 0 : index
    %get3A_13 = vector.load %arg2[%get3A_11, %get3A_12] : memref<1000x128xf32, #tpu.memory_space<vmem>>, vector<1000x128xf32>
    %mul3A_14 = arith.constant 5.000000e-01 : f32
    %mul3A_15 = vector.broadcast %mul3A_14 : f32 to vector<1000x128xf32>
    %mul3A_16 = arith.mulf %mul3A_15, %get3A_13 : vector<1000x128xf32>
    %add3A_17 = arith.addf %mul3A_10, %mul3A_16 : vector<1000x128xf32>
    %mul3A_18 = arith.constant 0.712317943 : f32
    %mul3A_19 = vector.broadcast %mul3A_18 : f32 to vector<1000x128xf32>
    %mul3A_20 = arith.mulf %mul3A_19, %add3A_17 : vector<1000x128xf32>
    %get3A_21 = arith.constant 0 : index
    %get3A_22 = arith.constant 0 : index
    %get3A_23 = vector.load %arg4[%get3A_21, %get3A_22] : memref<128x128xf32, #tpu.memory_space<vmem>>, vector<128x128xf32>
    %dot_general3A = arith.constant dense<0.000000e+00> : vector<1000x128xf32>
    %dot_general3A_24 = tpu.matmul %add3A_17, %get3A_23, %dot_general3A {dimension_numbers = #tpu.dot_dimension_numbers<[1], [0], [0], [1], [0, 0, 1, 1], [], []>, transpose_lhs_hint = false} : vector<1000x128xf32>, vector<128x128xf32>, vector<1000x128xf32> -> vector<1000x128xf32>
    %mul3A_25 = arith.constant 0.287682086 : f32
    %mul3A_26 = vector.broadcast %mul3A_25 : f32 to vector<1000x128xf32>
    %mul3A_27 = arith.mulf %mul3A_26, %dot_general3A_24 : vector<1000x128xf32>
    %add3A_28 = arith.addf %mul3A_20, %mul3A_27 : vector<1000x128xf32>
    %get3A_29 = arith.constant 0 : index
    %get3A_30 = arith.constant 0 : index
    %get3A_31 = vector.load %arg3[%get3A_29, %get3A_30] : memref<1000x128xf32, #tpu.memory_space<vmem>>, vector<1000x128xf32>
    %add3A_32 = arith.addf %add3A_28, %get3A_31 : vector<1000x128xf32>
    %max3A = arith.constant 0.000000e+00 : f32
    %max3A_33 = vector.broadcast %max3A : f32 to vector<1000x128xf32>
    %max3A_34 = arith.maximumf %add3A_32, %max3A_33 : vector<1000x128xf32>
    %swap3A = arith.constant 0 : index
    %swap3A_35 = arith.constant 0 : index
    %swap3A_36 = vector.load %arg5[%swap3A, %swap3A_35] : memref<1000x128xf32, #tpu.memory_space<vmem>>, vector<1000x128xf32>
    tpu.vector_store %arg5[%swap3A, %swap3A_35], %max3A_34 {strides = array<i32>} : memref<1000x128xf32, #tpu.memory_space<vmem>>, vector<1000x128xf32>,
    return
  }
  func.func @transform_0(%arg0: i32) -> (i32, i32, i32) {
    %c0_i32 = arith.constant 0 : i32
    %c0_i32_0 = arith.constant 0 : i32
    %c0_i32_1 = arith.constant 0 : i32
    return %c0_i32, %arg0, %c0_i32_0 : i32, i32, i32
  }
  func.func @transform_1(%arg0: i32) -> (i32, i32) {
    %c0_i32 = arith.constant 0 : i32
    %c0_i32_0 = arith.constant 0 : i32
    return %arg0, %c0_i32 : i32, i32
  }
  func.func @transform_2(%arg0: i32) -> (i32, i32) {
    %c0_i32 = arith.constant 0 : i32
    %c0_i32_0 = arith.constant 0 : i32
    return %arg0, %c0_i32 : i32, i32
  }
  func.func @transform_3(%arg0: i32) -> (i32, i32) {
    %c0_i32 = arith.constant 0 : i32
    %c0_i32_0 = arith.constant 0 : i32
    %c0_i32_1 = arith.constant 0 : i32
    return %c0_i32, %c0_i32_0 : i32, i32
  }
  func.func @transform_4(%arg0: i32) -> (i32, i32) {
    %c0_i32 = arith.constant 0 : i32
    %c0_i32_0 = arith.constant 0 : i32
    return %arg0, %c0_i32 : i32, i32
  }
}

module attributes {stable_mosaic.version = 14 : i64} {
  func.func @body(%arg0: i32, %arg1: memref<2x1000x128xf32, #tpu.memory_space<vmem>>, %arg2: memref<1000x128xf32, #tpu.memory_space<vmem>>, %arg3: memref<1000x128xf32, #tpu.memory_space<vmem>>, %arg4: memref<128x128xf32, #tpu.memory_space<vmem>>, %arg5: memref<1000x128xf32, #tpu.memory_space<vmem>>) attributes {dimension_semantics = [#tpu.dimension_semantics<arbitrary>], iteration_bounds = array<i64: 10>, scalar_prefetch = 0 : i64, scratch_operands = 0 : i64, tpu.core_type = #tpu.core_type<tc>, window_params = [{transform_indices = @transform_0, window_bounds = array<i64: 2, 1000, 128>}, {transform_indices = @transform_1, window_bounds = array<i64: 1000, 128>}, {transform_indices = @transform_2, window_bounds = array<i64: 1000, 128>}, {pipeline_mode = #tpu.pipeline_mode<synchronous>, transform_indices = @transform_3, window_bounds = array<i64: 128, 128>}, {transform_indices = @transform_4, window_bounds = array<i64: 1000, 128>}]} {
    %get3A = arith.constant 0 : index
    %get3A_0 = arith.constant 0 : index
    %get3A_1 = arith.constant 0 : index
    %get3A_2 = vector.load %arg1[%get3A, %get3A_0, %get3A_1] : memref<2x1000x128xf32, #tpu.memory_space<vmem>>, vector<1x1000x128xf32>
    %get3A_3 = vector.shape_cast %get3A_2 : vector<1x1000x128xf32> to vector<1000x128xf32>
    %get3A_4 = arith.constant 1 : index
    %get3A_5 = arith.constant 0 : index
    %get3A_6 = arith.constant 0 : index
    %get3A_7 = vector.load %arg1[%get3A_4, %get3A_5, %get3A_6] : memref<2x1000x128xf32, #tpu.memory_space<vmem>>, vector<1x1000x128xf32>
    %get3A_8 = vector.shape_cast %get3A_7 : vector<1x1000x128xf32> to vector<1000x128xf32>
    %add3A = arith.addf %get3A_3, %get3A_8 : vector<1000x128xf32>
    %mul3A = arith.constant 5.000000e-01 : f32
    %mul3A_9 = vector.broadcast %mul3A : f32 to vector<1000x128xf32>
    %mul3A_10 = arith.mulf %mul3A_9, %add3A : vector<1000x128xf32>
    %get3A_11 = arith.constant 0 : index
    %get3A_12 = arith.constant 0 : index
    %get3A_13 = vector.load %arg2[%get3A_11, %get3A_12] : memref<1000x128xf32, #tpu.memory_space<vmem>>, vector<1000x128xf32>
    %mul3A_14 = arith.constant 5.000000e-01 : f32
    %mul3A_15 = vector.broadcast %mul3A_14 : f32 to vector<1000x128xf32>
    %mul3A_16 = arith.mulf %mul3A_15, %get3A_13 : vector<1000x128xf32>
    %add3A_17 = arith.addf %mul3A_10, %mul3A_16 : vector<1000x128xf32>
    %mul3A_18 = arith.constant 0.776856422 : f32
    %mul3A_19 = vector.broadcast %mul3A_18 : f32 to vector<1000x128xf32>
    %mul3A_20 = arith.mulf %mul3A_19, %add3A_17 : vector<1000x128xf32>
    %get3A_21 = arith.constant 0 : index
    %get3A_22 = arith.constant 0 : index
    %get3A_23 = vector.load %arg4[%get3A_21, %get3A_22] : memref<128x128xf32, #tpu.memory_space<vmem>>, vector<128x128xf32>
    %dot_general3A = arith.constant dense<0.000000e+00> : vector<1000x128xf32>
    %dot_general3A_24 = tpu.matmul %add3A_17, %get3A_23, %dot_general3A {dimension_numbers = #tpu.dot_dimension_numbers<[1], [0], [0], [1], [0, 0, 1, 1], [], []>, transpose_lhs_hint = false} : vector<1000x128xf32>, vector<128x128xf32>, vector<1000x128xf32> -> vector<1000x128xf32>
    %mul3A_25 = arith.constant 0.223143548 : f32
    %mul3A_26 = vector.broadcast %mul3A_25 : f32 to vector<1000x128xf32>
    %mul3A_27 = arith.mulf %mul3A_26, %dot_general3A_24 : vector<1000x128xf32>
    %add3A_28 = arith.addf %mul3A_20, %mul3A_27 : vector<1000x128xf32>
    %get3A_29 = arith.constant 0 : index
    %get3A_30 = arith.constant 0 : index
    %get3A_31 = vector.load %arg3[%get3A_29, %get3A_30] : memref<1000x128xf32, #tpu.memory_space<vmem>>, vector<1000x128xf32>
    %add3A_32 = arith.addf %add3A_28, %get3A_31 : vector<1000x128xf32>
    %max3A = arith.constant 0.000000e+00 : f32
    %max3A_33 = vector.broadcast %max3A : f32 to vector<1000x128xf32>
    %max3A_34 = arith.maximumf %add3A_32, %max3A_33 : vector<1000x128xf32>
    %swap3A = arith.constant 0 : index
    %swap3A_35 = arith.constant 0 : index
    %swap3A_36 = vector.load %arg5[%swap3A, %swap3A_35] : memref<1000x128xf32, #tpu.memory_space<vmem>>, vector<1000x128xf32>
    tpu.vector_store %arg5[%swap3A, %swap3A_35], %max3A_34 {strides = array<i32>} : memref<1000x128xf32, #tpu.memory_space<vmem>>, vector<1000x128xf32>,
    return
  }
  func.func @transform_0(%arg0: i32) -> (i32, i32, i32) {
    %c0_i32 = arith.constant 0 : i32
    %c0_i32_0 = arith.constant 0 : i32
    %c0_i32_1 = arith.constant 0 : i32
    return %c0_i32, %arg0, %c0_i32_0 : i32, i32, i32
  }
  func.func @transform_1(%arg0: i32) -> (i32, i32) {
    %c0_i32 = arith.constant 0 : i32
    %c0_i32_0 = arith.constant 0 : i32
    return %arg0, %c0_i32 : i32, i32
  }
  func.func @transform_2(%arg0: i32) -> (i32, i32) {
    %c0_i32 = arith.constant 0 : i32
    %c0_i32_0 = arith.constant 0 : i32
    return %arg0, %c0_i32 : i32, i32
  }
  func.func @transform_3(%arg0: i32) -> (i32, i32) {
    %c0_i32 = arith.constant 0 : i32
    %c0_i32_0 = arith.constant 0 : i32
    %c0_i32_1 = arith.constant 0 : i32
    return %c0_i32, %c0_i32_0 : i32, i32
  }
  func.func @transform_4(%arg0: i32) -> (i32, i32) {
    %c0_i32 = arith.constant 0 : i32
    %c0_i32_0 = arith.constant 0 : i32
    return %arg0, %c0_i32 : i32, i32
  }
}

module attributes {stable_mosaic.version = 14 : i64} {
  func.func @body(%arg0: i32, %arg1: memref<1000x128xf32, #tpu.memory_space<vmem>>, %arg2: memref<128x64xf32, #tpu.memory_space<vmem>>, %arg3: memref<1x64xf32, #tpu.memory_space<vmem>>, %arg4: memref<1000x64xf32, #tpu.memory_space<vmem>>) attributes {dimension_semantics = [#tpu.dimension_semantics<arbitrary>], iteration_bounds = array<i64: 10>, scalar_prefetch = 0 : i64, scratch_operands = 0 : i64, tpu.core_type = #tpu.core_type<tc>, window_params = [{transform_indices = @transform_0, window_bounds = array<i64: 1000, 128>}, {pipeline_mode = #tpu.pipeline_mode<synchronous>, transform_indices = @transform_1, window_bounds = array<i64: 128, 64>}, {pipeline_mode = #tpu.pipeline_mode<synchronous>, transform_indices = @transform_2, window_bounds = array<i64: 1, 64>}, {transform_indices = @transform_3, window_bounds = array<i64: 1000, 64>}]} {
    %get3A = arith.constant 0 : index
    %get3A_0 = arith.constant 0 : index
    %get3A_1 = vector.load %arg1[%get3A, %get3A_0] : memref<1000x128xf32, #tpu.memory_space<vmem>>, vector<1000x128xf32>
    %get3A_2 = arith.constant 0 : index
    %get3A_3 = arith.constant 0 : index
    %get3A_4 = vector.load %arg2[%get3A_2, %get3A_3] : memref<128x64xf32, #tpu.memory_space<vmem>>, vector<128x64xf32>
    %dot_general3A = arith.constant dense<0.000000e+00> : vector<1000x64xf32>
    %dot_general3A_5 = tpu.matmul %get3A_1, %get3A_4, %dot_general3A {dimension_numbers = #tpu.dot_dimension_numbers<[1], [0], [0], [1], [0, 0, 1, 1], [], []>, transpose_lhs_hint = false} : vector<1000x128xf32>, vector<128x64xf32>, vector<1000x64xf32> -> vector<1000x64xf32>
    %get3A_6 = arith.constant 0 : index
    %get3A_7 = arith.constant 0 : index
    %get3A_8 = vector.load %arg3[%get3A_6, %get3A_7] : memref<1x64xf32, #tpu.memory_space<vmem>>, vector<1x64xf32>
    %add3A = vector.broadcast %get3A_8 : vector<1x64xf32> to vector<1000x64xf32>
    %add3A_9 = arith.addf %dot_general3A_5, %add3A : vector<1000x64xf32>
    %reduce_max3A = arith.constant dense<0xFF800000> : vector<1000xf32>
    %reduce_max3A_10 = vector.multi_reduction <maximumf>, %add3A_9, %reduce_max3A [1] : vector<1000x64xf32> to vector<1000xf32>
    %broadcast_in_dim3A = vector.shape_cast %reduce_max3A_10 : vector<1000xf32> to vector<1000x1xf32>
    %sub3A = vector.broadcast %broadcast_in_dim3A : vector<1000x1xf32> to vector<1000x64xf32>
    %sub3A_11 = arith.subf %add3A_9, %sub3A : vector<1000x64xf32>
    %exp3A = math.exp %sub3A_11 : vector<1000x64xf32>
    %reduce_sum3A = arith.constant dense<0.000000e+00> : vector<1000xf32>
    %reduce_sum3A_12 = vector.multi_reduction <add>, %exp3A, %reduce_sum3A [1] : vector<1000x64xf32> to vector<1000xf32>
    %broadcast_in_dim3A_13 = vector.shape_cast %reduce_sum3A_12 : vector<1000xf32> to vector<1000x1xf32>
    %log3A = math.log %broadcast_in_dim3A_13 : vector<1000x1xf32>
    %sub3A_14 = vector.broadcast %log3A : vector<1000x1xf32> to vector<1000x64xf32>
    %sub3A_15 = arith.subf %sub3A_11, %sub3A_14 : vector<1000x64xf32>
    %swap3A = arith.constant 0 : index
    %swap3A_16 = arith.constant 0 : index
    %swap3A_17 = vector.load %arg4[%swap3A, %swap3A_16] : memref<1000x64xf32, #tpu.memory_space<vmem>>, vector<1000x64xf32>
    tpu.vector_store %arg4[%swap3A, %swap3A_16], %sub3A_15 {strides = array<i32>} : memref<1000x64xf32, #tpu.memory_space<vmem>>, vector<1000x64xf32>,
    return
  }
  func.func @transform_0(%arg0: i32) -> (i32, i32) {
    %c0_i32 = arith.constant 0 : i32
    %c0_i32_0 = arith.constant 0 : i32
    return %arg0, %c0_i32 : i32, i32
  }
  func.func @transform_1(%arg0: i32) -> (i32, i32) {
    %c0_i32 = arith.constant 0 : i32
    %c0_i32_0 = arith.constant 0 : i32
    %c0_i32_1 = arith.constant 0 : i32
    return %c0_i32, %c0_i32_0 : i32, i32
  }
  func.func @transform_2(%arg0: i32) -> (i32, i32) {
    %c0_i32 = arith.constant 0 : i32
    %c0_i32_0 = arith.constant 0 : i32
    %c0_i32_1 = arith.constant 0 : i32
    return %c0_i32, %c0_i32_0 : i32, i32
  }
  func.func @transform_3(%arg0: i32) -> (i32, i32) {
    %c0_i32 = arith.constant 0 : i32
    %c0_i32_0 = arith.constant 0 : i32
    return %arg0, %c0_i32 : i32, i32
  }
}

</mosaic_0001>

<sc_bundles>
// kernel: kernel.12.cloned.1.call-start
scs
__scs_entry_jumppad:
0x0: {  	(pc) =	sbr.rel $0x88, $3  }
0x1: {  	(tag) =	ssettag $0x0;
	lr =	simm.s32 $0x1  }
0x2: {  	[smem:$0x3F9A] =	sst lr;
	_ =	strace $0xD0000000  }
0x3: {  	_ = 	snop  }
0x4: {  	_ = 	snop  }
0x5: {  	_ = 	snop  }
0x6: {  	_ = 	snop  }
0x7: {  	_ = 	snop  }
__scs_overlays_trampoline_lowered:
0x8: {  	[smem:$0x3FA9] =	sst s0  }
0x9: {  	[smem:$0x3FAA] =	sst s1  }
0xa: {  	[smem:$0x3FAB] =	sst s2  }
0xb: {  	[smem:$0x3FAC] =	sst s3  }
0xc: {  	[smem:$0x3FAD] =	sst s4  }
0xd: {  	[smem:$0x3FAE] =	sst s5  }
0xe: {  	[smem:$0x3FAF] =	sst s6  }
0xf: {  	[smem:$0x3FB0] =	sst s7  }
0x10: {  	[smem:$0x3FB1] =	sst s8  }
0x11: {  	[smem:$0x3FB2] =	sst s9;
	s0 =	simm.s32 @!p0 $0x0  }
0x12: {  	s1 =	sld [smem:$0x3F98];
	s0 =	simm.s32 @p0 $0x1  }
0x13: {  	[smem:$0x3FB3] =	sst s0;
	s0 =	simm.s32 @!p1 $0x0  }
0x14: {  	s2 =	sld [smem:$0x3F97];
	s0 =	simm.s32 @p1 $0x1  }
0x15: {  	[smem:$0x3FB4] =	sst s0;
	s0 =	simm.s32 @!p2 $0x0  }
0x16: {  	s3 =	sld [smem:$0x3FDB];
	s0 =	simm.s32 @p2 $0x1  }
0x17: {  	s4 =	simm.s32 $0x1BF5;
	[smem:$0x3FB6] =	sst s0  }
0x18: {  	s0 =	sld [smem:$0x3F99];
	_ =	swait.ge [sflag:s4], $0x0  }
0x19: {  	s7 =	sld [smem:$0x3F9A]  }
0x1a: {  	s8 =	sadd.s32 $0xFFFFE003, lr  }
0x1b: {  	s9 =	sadd.s32 $0xFFFFFEF7, lr;
	s5 =	simm.s32 $0xFFFFFFFF;
	p2 =	slt.u32 s8, $0xFFFFF086  }
0x1c: {  	p1 =	slt.u32 s9, $0xF7A;
	s5 =	simm.s32 @!p2 $0x0  }
0x1d: {  	s5 =	simm.s32 @p1 $0x1;
	p0 =	seq.s32 s7, s2  }
0x1e: {  	s7 =	smul.u32 @!p0 $0xF7A, s2;
	p2 =	seq.s32 @!p0 s5, $0x0  }
0x1f: {  	s9 =	smul.u32 $0xF7A, s1;
	s8 =	simm.s32 @!p0 $0x1BF5;
	p2 =	por !p2, p0  }
0x20: {  	[sflag:s8] =	ssyncset.s32 @!p0 $0xFFFFF086;
	s6 =	sadd.s32 @!p0 s3, s7;
	s7 =	simm.s32 @!p0 $0x108  }
0x21: {  	s3 =	sadd.s32 s3, s9;
	s6 =	sadd.s32 @!p0 $0x88, s6;
	s7 =	simm.s32 @p2 $0x1082  }
0x22: {  	[simem:s7], [sflag:s8] =	dma.local @!p0 [hbm:s6], $0xF7A  }
0x23: {  	s9 =	sor.u32 $0xD0000000, s2;
	s6 =	simm.s32 $0x108;
	_ =	swait.ge @!p0 [sflag:s8], $0x0  }
0x24: {  	s3 =	sadd.s32 $0x88, s3;
	s6 =	simm.s32 @!p1 $0x1082;
	[sflag:s4] =	ssyncset.s32 $0xFFFFF086  }
0x25: {  	[simem:s6], [sflag:s4] =	dma.local [hbm:s3], $0xF7A  }
0x26: {  	[smem:$0x3F9A] =	sst s1;
	(tag) =	ssettag s2;
	_ =	strace s9  }
0x27: {  	s1 =	sld [smem:$0x3FAA]  }
0x28: {  	s2 =	sld [smem:$0x3FAB]  }
0x29: {  	s4 =	sld [smem:$0x3FAD]  }
0x2a: {  	p0 =	seq.s32 s5, $0x0;
	s5 =	sld [smem:$0x3FAE]  }
0x2b: {  	s6 =	sld [smem:$0x3FAF]  }
0x2c: {  	s7 =	sld [smem:$0x3FB0]  }
0x2d: {  	s3 =	simm.s32 $0x108;
	s8 =	sld [smem:$0x3FB1]  }
0x2e: {  	s3 =	simm.s32 @!p0 $0x1082;
	s9 =	sld [smem:$0x3FB2]  }
0x2f: {  	lr =	sadd.s32 s0, s3;
	s0 =	sld [smem:$0x3FA9]  }
0x30: {  	s3 =	sld [smem:$0x3FAC]  }
0x31: {  	[smem:$0x3FB5] =	sst s10  }
0x32: {  	s10 =	sld [smem:$0x3FB3];
	_ =	sdelay $0x3  }
0x33: {  	p0 =	seq.s32 s10, $0x1;
	s10 =	sld [smem:$0x3FB5];
	_ =	sdelay $0x3  }
0x34: {  	[smem:$0x3FB5] =	sst s10  }
0x35: {  	s10 =	sld [smem:$0x3FB4];
	_ =	sdelay $0x3  }
0x36: {  	p1 =	seq.s32 s10, $0x1;
	s10 =	sld [smem:$0x3FB5];
	_ =	sdelay $0x3  }
0x37: {  	[smem:$0x3FB5] =	sst s10  }
0x38: {  	s10 =	sld [smem:$0x3FB6]  }
0x39: {  	_ = 	snop;
	(pc) =	sbr.ind lr, $3  }
0x3a: {  	_ = 	snop  }
0x3b: {  	_ = 	snop  }
0x3c: {  	p2 =	seq.s32 s10, $0x1;
	s10 =	sld [smem:$0x3FB5]  }
0x3d: {  	_ =	shalt  }
0x3e: {  	_ =	shalt  }
0x3f: {  	_ =	shalt  }
0x40: {  	_ =	shalt  }
0x41: {  	_ =	shalt  }
0x42: {  	_ =	shalt  }
0x43: {  	_ =	shalt  }
0x44: {  	_ =	shalt  }
0x45: {  	_ =	shalt  }
0x46: {  	_ =	shalt  }
0x47: {  	_ =	shalt  }
0x48: {  	_ =	shalt  }
0x49: {  	_ =	shalt  }
0x4a: {  	_ =	shalt  }
0x4b: {  	_ =	shalt  }
0x4c: {  	_ =	shalt  }
0x4d: {  	_ =	shalt  }
0x4e: {  	_ =	shalt  }
0x4f: {  	_ =	shalt  }
0x50: {  	_ =	shalt  }
0x51: {  	_ =	shalt  }
0x52: {  	_ =	shalt  }
0x53: {  	_ =	shalt  }
0x54: {  	_ =	shalt  }
0x55: {  	_ =	shalt  }
0x56: {  	_ =	shalt  }
0x57: {  	_ =	shalt  }
0x58: {  	_ =	shalt  }
0x59: {  	_ =	shalt  }
0x5a: {  	_ =	shalt  }
0x5b: {  	_ =	shalt  }
0x5c: {  	_ =	shalt  }
0x5d: {  	_ =	shalt  }
0x5e: {  	_ =	shalt  }
0x5f: {  	_ =	shalt  }
0x60: {  	_ =	shalt  }
0x61: {  	_ =	shalt  }
0x62: {  	_ =	shalt  }
0x63: {  	_ =	shalt  }
0x64: {  	_ =	shalt  }
0x65: {  	_ =	shalt  }
0x66: {  	_ =	shalt  }
0x67: {  	_ =	shalt  }
0x68: {  	_ =	shalt  }
0x69: {  	_ =	shalt  }
0x6a: {  	_ =	shalt  }
0x6b: {  	_ =	shalt  }
0x6c: {  	_ =	shalt  }
0x6d: {  	_ =	shalt  }
0x6e: {  	_ =	shalt  }
0x6f: {  	_ =	shalt  }
0x70: {  	_ =	shalt  }
0x71: {  	_ =	shalt  }
0x72: {  	_ =	shalt  }
0x73: {  	_ =	shalt  }
0x74: {  	_ =	shalt  }
0x75: {  	_ =	shalt  }
0x76: {  	_ =	shalt  }
0x77: {  	_ =	shalt  }
0x78: {  	_ =	shalt  }
0x79: {  	_ =	shalt  }
0x7a: {  	_ =	shalt  }
0x7b: {  	_ =	shalt  }
0x7c: {  	_ =	shalt  }
0x7d: {  	_ =	shalt  }
0x7e: {  	_ =	shalt  }
0x7f: {  	_ =	shalt  }
0x80: {  	_ =	shalt  }
0x81: {  	_ =	shalt  }
0x82: {  	_ =	shalt  }
0x83: {  	_ =	shalt  }
0x84: {  	_ =	shalt  }
0x85: {  	_ =	shalt  }
0x86: {  	_ =	shalt  }
0x87: {  	_ =	shalt  }
.Lfunc_end0:
.L_simem_size_0:
called_computation_lowered:
.L_overlay_start_0:
0x88: {  	s2 =	sld [smem:$0x3FD9]  }
0x89: {  	s3 =	sld [smem:$0x3FFE];
	_ =	sdelay $0x1  }
0x8a: {  	s1 =	srdreg.scid  }
0x8b: {  	s0 =	sand.u32 $0x1, s1  }
0x8c: {  	s17 =	sshll.u32 s0, $0xA;
	s2 =	sadd.s32 s3, s2  }
0x8d: {  	s2 =	sadd.s32 s2, s17  }
0x8e: {  	[smem:$0x3FC1] =	sst s2  }
0x8f: {  	_ = 	snop  }
0x90: {  	s2 =	sld [smem:$0x3FD0];
	(tm) =	ssettm $0x1  }
0x91: {  	s18 =	sld [smem:$0x3FFB];
	_ =	sdelay $0x3  }
0x92: {  	_ =	strace s18  }
0x93: {  	s3 =	sld [smem:$0x3FFC];
	_ =	sdelay $0x3  }
0x94: {  	_ =	strace s3  }
0x95: {  	s3 =	sld [smem:$0x3FFD];
	_ =	sdelay $0x3  }
0x96: {  	_ =	strace s3  }
0x97: {  	_ =	strace $0x8FFFFFFF  }
0x98: {  	s19 =	sld [smem:$0x3FDB];
	_ =	sdelay $0x1  }
0x99: {  	s4 =	simm.s32 $_scs_section_size  }
0x9a: {  	s5 =	simm.s32 $_size__tile_overlayer_lowered;
	s6 =	simm.s32 $_tile_overlayer_lowered  }
0x9b: {  	s22 =	simm.s32 $0x1BFF;
	s21 =	sshll.u32 s6, $0x1;
	s3 =	sadd.s32 s4, s19  }
0x9c: {  	s7 =	simm.s32 $0x0;
	s20 =	sshll.u32 s5, $0x1;
	s5 =	sadd.s32 s21, s3  }
0x9d: {  	[timem:s7], [sflag:s22] =	dma.local [hbm:s5], s20  }
0x9e: {  	_ =	swait.ge [sflag:s22], s20  }
0x9f: {  	s4 =	ssub.s32 $0x0, s20;
	[sflag:s22] =	ssyncset.done $0x0  }
0xa0: {  	[sflag:s22] =	ssyncadd.s32 s4;
	_ =	sdelay $0x1  }
0xa1: {  	s23 =	simm.s32 $0x1B8B  }
0xa2: {  	_ =	swait.ge [sflag:s23], $0x1  }
0xa3: {  	[sflag:s23] =	ssyncset.done $0x0  }
0xa4: {  	s25 =	simm.s32 $0x1B8E;
	s24 =	sld [smem:$0x3FFE];
	[sflag:s23] =	ssyncadd.s32 $0xFFFFFFFF  }
0xa5: {  	s26 =	simm.s32 $execute0_lowered;
	[smem:$0x3FD2] =	sst s25  }
0xa6: {  	s5 =	sshll.u32 s26, $0x1;
	_ =	strace $0x80000046;
	[dreg:$0x1] =	wrdreg $0xFFFFFFFF  }
0xa7: {  	s28 =	simm.s32 $_size_execute0_lowered;
	s3 =	sadd.s32 s3, s5;
	[dreg:$0x0] =	wrdreg $0x0  }
0xa8: {  	s5 =	sshll.u32 s28, $0x1;
	[dreg:$0x2] =	wrdreg s3  }
0xa9: {  	[dreg:$0x3] =	wrdreg s5  }
0xaa: {  	[dreg:$0x4] =	wrdreg $0xC0  }
0xab: {  	_ =	task [dreg:s7], $0x5FFFF  }
0xac: {  	[dreg:$0x1] =	wrdreg $0xFFFFFFFF  }
0xad: {  	[dreg:$0x0] =	wrdreg $0x60  }
0xae: {  	[dreg:$0x2] =	wrdreg s24  }
0xaf: {  	[dreg:$0x3] =	wrdreg s2  }
0xb0: {  	[dreg:$0x4] =	wrdreg $0x0  }
0xb1: {  	[dreg:$0x5] =	wrdreg $0x9  }
0xb2: {  	_ =	task.clear_ibuf [dreg:s7], $0x6FFFF;
	_ =	strace $0x90000046  }
0xb3: {  	s29 =	simm.s32 $0x9;
	_ =	strace $0x80000048  }
0xb4: {  	_ =	swait.ge [sflag:s29], $0x1  }
0xb5: {  	[sflag:s29] =	ssyncadd.s32 $0xFFFFFFFF  }
0xb6: {  	_ =	strace $0x90000048  }
0xb7: {  	_ =	sfence  }
0xb8: {  	s30 =	sld [smem:$0x0];
	_ =	sdelay $0x2  }
0xb9: {  	s31 =	sshll.u32 s1, $0xD;
	s1 =	sshrl.u32 s1, $0x2  }
0xba: {  	s3 =	sand.u32 $0x4000, s31;
	s1 =	sadd.s32 s1, s30  }
0xbb: {  	s0 =	sor.u32 s3, s0;
	s1 =	sshll.u32 s1, $0x11  }
0xbc: {  	s0 =	sor.u32 s1, s0  }
0xbd: {  	s0 =	sadd.s32 $0x8F2B, s0  }
0xbe: {  	[sflag:s0] =	ssyncadd.remote.s32 $0x1  }
0xbf: {  	_ =	sfence.sel $0xFFFF  }
0xc0: {  	[dreg:$0x0] =	wrdreg $0xFFFFFFFF;
	(pc) =	sbr.abs _section_cstart, $3  }
0xc1: {  	[dreg:$0x1] =	wrdreg $0xFFFFFFFF  }
0xc2: {  	_ =	task.clear_ibuf [dreg:s7], $0x2FFFF;
	_ =	strace $0x9FFFFFFF  }
0xc3: {  	(tm) =	ssettm $0x7FFFFFFF  }
tec
execute0_lowered:
.L_overlay_start_1:
0x0: {  	(tag) =	ssettag $0x1  }
0x1: {  	s0 =	rddreg [dreg:$0x0]  }
0x2: {  	s1 =	rddreg [dreg:$0x1]  }
0x3: {  	s2 =	rddreg [dreg:$0x2];
	s11 =	stileid.u32  }
0x4: {  	s3 =	srdreg.scid;
	s4 =	simm.s32 $0x0;
	s7 =	smul.u32 $0x14000, s11  }
0x5: {  	s28 =	simm.s32 $0xD;
	s31 =	simm.s32 $0x14100;
	s9 =	smul.u32 $0x50000, s11  }
0x6: {  	s29 =	simm.s32 $0x0;
	s3 =	sand.u32 $0x1, s3;
	s15 =	smul.u32 $0x2760, s11  }
0x7: {  	[smem:$0x7FF] =	sst s4;
	s5 =	sadd.s32 $0xD200, s0;
	s6 =	smul.u32 $0x140000, s3  }
0x8: {  	_ =	strace $0x80000047;
	s8 =	sshll.u32 s3, $0x4;
	s10 =	ssub.s32 $0x2, s3  }
0x9: {  	s3 =	smul.u32 $0x27600, s3;
	s8 =	sor.u32 s11, s8;
	s25 =	sshrl.u32 s9, $0x2  }
0xa: {  	s26 =	sshrl.u32 s10, $0x1;
	s7 =	sadd.s32 s7, s6;
	s6 =	sadd.s32 $0x3400, s0  }
0xb: {  	s8 =	smul.u32 $0x2760, s8;
	s20 =	sadd.s32 s25, s2;
	s9 =	ssub.s32 s10, s26  }
0xc: {  	s21 =	sadd.s32 s15, s3;
	s17 =	smax.u32 s9, $0x1;
	[dreg:$0x4] =	wrdreg s20  }
0xd: {  	s10 =	simm.s32 $0x60;
	s18 =	sadd.s32 $0x3000, s20;
	[dreg:$0xc] =	wrdreg s17  }
0xe: {  	s15 =	simm.s32 $0x1A300;
	s19 =	sadd.s32 $0x6000, s20;
	[dreg:$0xd] =	wrdreg s18  }
0xf: {  	s7 =	sshrl.u32 s7, $0x3;
	s22 =	sadd.s32 $0x9000, s20;
	[dreg:$0xe] =	wrdreg s19  }
0x10: {  	s23 =	sadd.s32 $0xC000, s20;
	s24 =	sadd.s32 $0x180, s21;
	[dreg:$0xf] =	wrdreg s22  }
0x11: {  	s25 =	sadd.s32 $0xF000, s20;
	s26 =	sadd.s32 $0x120, s21;
	[dreg:$0x10] =	wrdreg s23  }
0x12: {  	s9 =	simm.s32 $0x6;
	s0 =	sadd.s32 s7, s0;
	[dreg:$0x11] =	wrdreg s25  }
0x13: {  	s8 =	sshrl.u32 s8, $0x3;
	s7 =	sadd.s32 $0x12000, s20;
	[dreg:$0x12] =	wrdreg s26  }
0x14: {  	s3 =	sshrl.u32 s24, $0x3;
	s26 =	simm.s32 $0x14300;
	s17 =	simm.s32 $0x8  }
0x15: {  	s18 =	simm.s32 $0x9;
	[dreg:$0x5] =	wrdreg s7;
	s30 =	sadd.s32 $0xC, s8  }
0x16: {  	s13 =	sadd.s32 s1, s8;
	s14 =	sadd.s32 s6, s8;
	s0 =	sadd.s32 $0x34400, s0  }
0x17: {  	s22 =	sadd.s32 s3, s6;
	s8 =	sadd.s32 $0x1E0, s21;
	[dreg:$0x6] =	wrdreg s13  }
0x18: {  	s23 =	sadd.s32 s3, s1;
	s3 =	simm.s32 $0x14200;
	[dreg:$0x9] =	wrdreg s14  }
0x19: {  	s12 =	sadd.s32 s1, s30;
	s7 =	sadd.s32 $0x18, s13;
	[dreg:$0xb] =	wrdreg s0  }
.Ltmp0:
0x1a: {  	s16 =	sadd.s32 s6, s30;
	[dreg:$0x7] =	wrdreg s12;
	(pc) =	sbr.rel .LBB2_1-.Ltmp0, $4  }
0x1b: {  	s0 =	sadd.s32 $0xC0, s21;
	s30 =	sshrl.u32 s8, $0x3;
	[dreg:$0x8] =	wrdreg s7  }
0x1c: {  	s13 =	simm.s32 $0x1;
	s14 =	simm.s32 $0x14280;
	[dreg:$0xa] =	wrdreg s16  }
0x1d: {  	s0 =	sshrl.u32 s0, $0x3;
	s24 =	sadd.s32 s30, s1;
	s12 =	simm.s32 $0x17300  }
0x1e: {  	v0 =	vimm.f32 $0.0e+00;
	s16 =	simm.s32 $0x7;
	s25 =	sadd.s32 s0, s6;
	s0 =	simm.s32 $0x14180  }
.LBB2_6:
0x1f: {  	s7 =	simm.s32 $0xA  }
0x20: {  	_ =	swait.ge [sflag:s7], $0x3000  }
0x21: {  	[sflag:s7] =	ssyncset.done $0x0  }
0x22: {  	s19 =	simm.s32 $0xB;
	[sflag:s7] =	ssyncadd.s32 $0xFFFFD000  }
0x23: {  	_ =	swait.ge [sflag:s19], $0x3000  }
0x24: {  	[sflag:s19] =	ssyncset.done $0x0  }
0x25: {  	s20 =	simm.s32 $0xC;
	[sflag:s19] =	ssyncadd.s32 $0xFFFFD000  }
0x26: {  	_ =	swait.ge [sflag:s20], $0x3000  }
0x27: {  	[sflag:s20] =	ssyncset.done $0x0  }
0x28: {  	[sflag:s20] =	ssyncadd.s32 $0xFFFFD000  }
0x29: {  	s21 =	stileid.u32;
	[bflag:$0x0] =	sbarrier.arrive $0xFFFF  }
0x2a: {  	s7 =	sshll.u32 s21, $0x6;
	s20 =	rddreg [dreg:$0x4]  }
0x2b: {  	s7 =	sor.u32 $0x1C0D, s7;
	s11 =	rddreg [dreg:$0xb];
	s8 =	sshrl.u32 s20, $0x3  }
0x2c: {  	[hbm:s11], [sflag:s7] =	dma.local [spmem:s8], $0x2800  }
0x2d: {  	_ =	swait.ge [sflag:s28], $0x2800  }
0x2e: {  	s29 =	sadd.s32 $0x1, s29;
	s30 =	rddreg [dreg:$0xc]  }
0x2f: {  	p0 =	sne.s32 s29, s30  }
.Ltmp1:
0x30: {  	_ = 	snop;
	(pc) =	sbr.rel @!p0 .LBB2_7-.Ltmp1, $3  }
0x31: {  	_ =	sdelay $0x1  }
0x32: {  	[sflag:s28] =	ssyncset.done $0x0  }
0x33: {  	[sflag:s28] =	ssyncadd.s32 $0xFFFFD800  }
.LBB2_1:
0x34: {  	s8 =	sand.u32 $0xFE00, s4  }
0x35: {  	s11 =	sand.u32 $0x70, s4;
	s30 =	sshrl.u32 s8, $0x2  }
0x36: {  	s8 =	simm.s32 $0x40;
	s11 =	sor.u32 s11, s30;
	s30 =	simm.s32 $0x0  }
.LBB2_2:
0x37: {  	p0 =	sne.s32 s8, $0xBFC0  }
0x38: {  	[tilespmem:s11+$0x14300] =	vst v0;
	s30 =	sadd.s32 $0x10, s30;
	s11 =	smov.u32 s8;
	s8 =	sadd.s32 $0x40, s8  }
.Ltmp2:
0x39: {  	(pc) =	sbr.rel @p0 .LBB2_2-.Ltmp2, $4  }
0x3a: {  	_ = 	snop  }
0x3b: {  	s11 =	sand.u32 $0xFE00, s11  }
0x3c: {  	s19 =	sand.u32 $0x70, s30;
	s11 =	sshrl.u32 s11, $0x2  }
0x3d: {  	s11 =	sor.u32 s19, s11  }
0x3e: {  	[tilespmem:s11+$0x14300] =	vst v0  }
0x3f: {  	[spmem:s20] =	stream.linear.scatter [tilespmem:s26], [sflag:$0xD], $0x3000, $0x38;
	[tilespmem:$0x1D300] =	vst v63  }
0x40: {  	_ =	swait.ge [sflag:s28], $0x3000  }
0x41: {  	[sflag:s28] =	ssyncset.done $0x0  }
0x42: {  	s7 =	rddreg [dreg:$0xd];
	[sflag:s28] =	ssyncadd.s32 $0xFFFFD000  }
0x43: {  	[spmem:s7] =	stream.linear.scatter [tilespmem:s26], [sflag:$0xD], $0x3000, $0x38;
	[tilespmem:$0x1D300] =	vst v63  }
0x44: {  	_ =	swait.ge [sflag:s28], $0x3000  }
0x45: {  	[sflag:s28] =	ssyncset.done $0x0  }
0x46: {  	s11 =	rddreg [dreg:$0xe];
	[sflag:s28] =	ssyncadd.s32 $0xFFFFD000  }
0x47: {  	[spmem:s11] =	stream.linear.scatter [tilespmem:s26], [sflag:$0xD], $0x3000, $0x38;
	[tilespmem:$0x1D300] =	vst v63  }
0x48: {  	_ =	swait.ge [sflag:s28], $0x3000  }
0x49: {  	[sflag:s28] =	ssyncset.done $0x0  }
0x4a: {  	s19 =	rddreg [dreg:$0xf];
	[sflag:s28] =	ssyncadd.s32 $0xFFFFD000  }
0x4b: {  	[spmem:s19] =	stream.linear.scatter [tilespmem:s26], [sflag:$0xD], $0x3000, $0x38;
	[tilespmem:$0x1D300] =	vst v63  }
0x4c: {  	_ =	swait.ge [sflag:s28], $0x3000  }
0x4d: {  	[sflag:s28] =	ssyncset.done $0x0  }
0x4e: {  	s20 =	rddreg [dreg:$0x10];
	[sflag:s28] =	ssyncadd.s32 $0xFFFFD000  }
0x4f: {  	[spmem:s20] =	stream.linear.scatter [tilespmem:s26], [sflag:$0xD], $0x3000, $0x38;
	[tilespmem:$0x1D300] =	vst v63  }
0x50: {  	_ =	swait.ge [sflag:s28], $0x3000  }
0x51: {  	[sflag:s28] =	ssyncset.done $0x0  }
0x52: {  	s21 =	rddreg [dreg:$0x11];
	[sflag:s28] =	ssyncadd.s32 $0xFFFFD000  }
0x53: {  	[spmem:s21] =	stream.linear.scatter [tilespmem:s26], [sflag:$0xD], $0x3000, $0x38;
	[tilespmem:$0x1D300] =	vst v63  }
0x54: {  	_ =	swait.ge [sflag:s28], $0x3000  }
0x55: {  	[sflag:s28] =	ssyncset.done $0x0  }
0x56: {  	s8 =	rddreg [dreg:$0x5];
	[sflag:s28] =	ssyncadd.s32 $0xFFFFD000  }
0x57: {  	[spmem:s8] =	stream.linear.scatter [tilespmem:s26], [sflag:$0xD], $0x2000, $0x38;
	[tilespmem:$0x1D300] =	vst v63  }
0x58: {  	_ =	swait.ge [sflag:s28], $0x2000  }
0x59: {  	s30 =	simm.s32 $0x0;
	[sflag:s28] =	ssyncset.done $0x0  }
0x5a: {  	s8 =	simm.s32 $0x14000;
	s11 =	rddreg [dreg:$0x6];
	[sflag:s28] =	ssyncadd.s32 $0xFFFFE000  }
0x5b: {  	[tilespmem:s8], [sflag:$0x4] =	stream.linear.gather [hbm4b:s11+s30], $0x60, $0x38;
	[tilespmem:$0x1D300] =	vst v63  }
0x5c: {  	s19 =	rddreg [dreg:$0x7];
	s11 =	simm.s32 $0x14080  }
0x5d: {  	[tilespmem:s11], [sflag:$0x5] =	stream.linear.gather [hbm4b:s19+s30], $0x60, $0x38;
	[tilespmem:$0x1D300] =	vst v63  }
0x5e: {  	s20 =	rddreg [dreg:$0x8]  }
0x5f: {  	[tilespmem:s31], [sflag:$0x6] =	stream.linear.gather [hbm4b:s20+s30], $0x60, $0x38;
	[tilespmem:$0x1D300] =	vst v63  }
0x60: {  	s21 =	rddreg [dreg:$0x9]  }
0x61: {  	[tilespmem:s0], [sflag:$0x7] =	stream.linear.gather [hbm4b:s21+s30], $0x60, $0x38;
	[tilespmem:$0x1D300] =	vst v63  }
0x62: {  	s19 =	rddreg [dreg:$0xa];
	s20 =	simm.s32 $0x4  }
0x63: {  	[tilespmem:s3], [sflag:$0x8] =	stream.linear.gather [hbm4b:s19+s30], $0x60, $0x38;
	[tilespmem:$0x1D300] =	vst v63  }
0x64: {  	_ =	swait.ge [sflag:s20], $0x60  }
0x65: {  	[sflag:s20] =	ssyncset.done $0x0  }
0x66: {  	s21 =	simm.s32 $0x5;
	[sflag:s20] =	ssyncadd.s32 $0xFFFFFFA0  }
0x67: {  	[tilespmem:s26], [sflag:$0x1] =	stream.indirect.gather [hbm4b:s5+s10], $0x80, s8, s10, $0xb8;
	[tilespmem:$0x1D300] =	vst v63  }
0x68: {  	_ =	swait.ge [sflag:s21], $0x60  }
0x69: {  	[sflag:s21] =	ssyncset.done $0x0  }
0x6a: {  	[sflag:s21] =	ssyncadd.s32 $0xFFFFFFA0  }
0x6b: {  	[tilespmem:s12], [sflag:$0x2] =	stream.indirect.gather [hbm4b:s5+s10], $0x80, s11, s10, $0xb8;
	[tilespmem:$0x1D300] =	vst v63  }
0x6c: {  	[bflag:$0x0] =	sbarrier.arrive $0xFFFF  }
0x6d: {  	s8 =	rddreg [dreg:$0x12]  }
.LBB2_4:
0x6e: {  	_ =	swait.ge [sflag:s13], $0x3000  }
0x6f: {  	p0 =	seq.s32 s30, $0x0;
	[sflag:s13] =	ssyncset.done $0x0  }
0x70: {  	s11 =	simm.s32 @!p0 $0xC;
	[sflag:s13] =	ssyncadd.s32 $0xFFFFD000  }
0x71: {  	_ =	swait.ge @!p0 [sflag:s11], $0x3000  }
0x72: {  	[sflag:s11] =	ssyncset.done @!p0 $0x0  }
0x73: {  	s21 =	sadd.s32 s30, s25;
	[sflag:s11] =	ssyncadd.s32 @!p0 $0xFFFFD000  }
0x74: {  	[tilespmem:s14], [sflag:$0x9] =	stream.linear.gather [hbm4b:s21+s4], $0x60, $0x38;
	[tilespmem:$0x1D300] =	vst v63  }
0x75: {  	_ =	swait.ge [sflag:s9], $0x60  }
0x76: {  	[sflag:s9] =	ssyncset.done $0x0  }
0x77: {  	[sflag:s9] =	ssyncadd.s32 $0xFFFFFFA0  }
0x78: {  	[tilespmem:s15], [sflag:$0x3] =	stream.indirect.gather [hbm4b:s5+s10], $0x80, s31, s10, $0xb8;
	[tilespmem:$0x1D300] =	vst v63  }
0x79: {  	_ =	swait.ge [sflag:s16], $0x60  }
0x7a: {  	p0 =	sne.s32 s30, $0x4C8;
	[sflag:s16] =	ssyncset.done $0x0  }
0x7b: {  	s11 =	sshrl.u32 @p0 s8, $0x3;
	[sflag:s16] =	ssyncadd.s32 $0xFFFFFFA0  }
0x7c: {  	[spmem:s2] =	stream.indirect.scatter.add.f32 [tilespmem:s26], [sflag:$0xA], $0x80, s0, s10, $0xb8;
	[tilespmem:$0x1D300] =	vst v63  }
0x7d: {  	s20 =	simm.s32 @p0 $0x0;
	s21 =	simm.s32 @p0 $0x14000;
	s19 =	sadd.s32 @p0 s1, s11  }
0x7e: {  	[tilespmem:s21], [sflag:$0x4] =	stream.linear.gather @p0 [hbm4b:s19+s20], $0x60, $0x38;
	[tilespmem:$0x1D300] =	vst v63  }
0x7f: {  	s19 =	simm.s32 @p0 $0x2  }
0x80: {  	_ =	swait.ge @p0 [sflag:s19], $0x3000  }
0x81: {  	[sflag:s19] =	ssyncset.done @p0 $0x0  }
0x82: {  	[sflag:s19] =	ssyncadd.s32 @p0 $0xFFFFD000;
	s19 =	simm.s32 @p0 $0xA  }
0x83: {  	_ =	swait.ge @p0 [sflag:s19], $0x3000  }
0x84: {  	[sflag:s19] =	ssyncset.done @p0 $0x0  }
0x85: {  	s11 =	sadd.s32 @p0 s6, s11;
	[sflag:s19] =	ssyncadd.s32 @p0 $0xFFFFD000;
	s19 =	simm.s32 @p0 $0x14180  }
0x86: {  	[tilespmem:s19], [sflag:$0x7] =	stream.linear.gather @p0 [hbm4b:s11+s20], $0x60, $0x38;
	[tilespmem:$0x1D300] =	vst v63  }
0x87: {  	s11 =	simm.s32 @p0 $0x4  }
0x88: {  	_ =	swait.ge @p0 [sflag:s11], $0x60  }
0x89: {  	[sflag:s11] =	ssyncset.done @p0 $0x0  }
0x8a: {  	s19 =	simm.s32 @p0 $0x14300;
	[sflag:s11] =	ssyncadd.s32 @p0 $0xFFFFFFA0;
	s11 =	simm.s32 @p0 $0x60  }
0x8b: {  	[tilespmem:s19], [sflag:$0x1] =	stream.indirect.gather @p0 [hbm4b:s5+s11], $0x80, s21, s11, $0xb8;
	[tilespmem:$0x1D300] =	vst v63  }
0x8c: {  	s19 =	simm.s32 @!p0 $0x2  }
0x8d: {  	_ =	swait.ge @!p0 [sflag:s19], $0x3000  }
0x8e: {  	[sflag:s19] =	ssyncset.done @!p0 $0x0  }
0x8f: {  	[sflag:s19] =	ssyncadd.s32 @!p0 $0xFFFFD000  }
0x90: {  	_ =	swait.ge [sflag:s17], $0x60  }
0x91: {  	[sflag:s17] =	ssyncset.done $0x0  }
0x92: {  	[sflag:s17] =	ssyncadd.s32 $0xFFFFFFA0  }
0x93: {  	[spmem:s2] =	stream.indirect.scatter.add.f32 [tilespmem:s12], [sflag:$0xB], $0x80, s3, s10, $0xb8;
	[tilespmem:$0x1D300] =	vst v63  }
0x94: {  	s21 =	simm.s32 @p0 $0x14080;
	s19 =	sadd.s32 @p0 s30, s23  }
0x95: {  	[tilespmem:s21], [sflag:$0x5] =	stream.linear.gather @p0 [hbm4b:s19+s20], $0x60, $0x38;
	[tilespmem:$0x1D300] =	vst v63  }
0x96: {  	s19 =	simm.s32 @p0 $0x3  }
0x97: {  	_ =	swait.ge @p0 [sflag:s19], $0x3000  }
0x98: {  	[sflag:s19] =	ssyncset.done @p0 $0x0  }
0x99: {  	[sflag:s19] =	ssyncadd.s32 @p0 $0xFFFFD000;
	s19 =	simm.s32 @p0 $0xB  }
0x9a: {  	_ =	swait.ge @p0 [sflag:s19], $0x3000  }
0x9b: {  	[sflag:s19] =	ssyncset.done @p0 $0x0  }
0x9c: {  	s7 =	simm.s32 @p0 $0x14200;
	[sflag:s19] =	ssyncadd.s32 @p0 $0xFFFFD000;
	s19 =	sadd.s32 @p0 s30, s22  }
0x9d: {  	[tilespmem:s7], [sflag:$0x8] =	stream.linear.gather @p0 [hbm4b:s19+s20], $0x60, $0x38;
	[tilespmem:$0x1D300] =	vst v63  }
0x9e: {  	s7 =	simm.s32 @p0 $0x5  }
0x9f: {  	_ =	swait.ge @p0 [sflag:s7], $0x60  }
0xa0: {  	[sflag:s7] =	ssyncset.done @p0 $0x0  }
0xa1: {  	[sflag:s7] =	ssyncadd.s32 @p0 $0xFFFFFFA0;
	s7 =	simm.s32 @p0 $0x17300  }
0xa2: {  	[tilespmem:s7], [sflag:$0x2] =	stream.indirect.gather @p0 [hbm4b:s5+s11], $0x80, s21, s11, $0xb8;
	[tilespmem:$0x1D300] =	vst v63  }
0xa3: {  	s7 =	simm.s32 @!p0 $0x3  }
0xa4: {  	_ =	swait.ge @!p0 [sflag:s7], $0x3000  }
0xa5: {  	[sflag:s7] =	ssyncset.done @!p0 $0x0  }
0xa6: {  	[sflag:s7] =	ssyncadd.s32 @!p0 $0xFFFFD000;
	p0 =	seq.s32 s30, $0x4C8  }
.Ltmp3:
0xa7: {  	_ = 	snop;
	(pc) =	sbr.rel @p0 .LBB2_6-.Ltmp3, $4  }
0xa8: {  	_ =	swait.ge [sflag:s18], $0x60  }
0xa9: {  	[sflag:s18] =	ssyncset.done $0x0  }
0xaa: {  	[sflag:s18] =	ssyncadd.s32 $0xFFFFFFA0  }
0xab: {  	[spmem:s2] =	stream.indirect.scatter.add.f32 [tilespmem:s15], [sflag:$0xC], $0x80, s14, s10, $0xb8;
	[tilespmem:$0x1D300] =	vst v63  }
.Ltmp4:
0xac: {  	(pc) =	sbr.rel .LBB2_4-.Ltmp4, $3  }
0xad: {  	_ =	sdelay $0x1  }
0xae: {  	s7 =	sadd.s32 s30, s24;
	s30 =	sadd.s32 $0x24, s30;
	s8 =	sadd.s32 $0x120, s8  }
0xaf: {  	[tilespmem:s31], [sflag:$0x6] =	stream.linear.gather [hbm4b:s7+s4], $0x60, $0x38;
	[tilespmem:$0x1D300] =	vst v63  }
.LBB2_7:
0xb0: {  	_ =	sfence.sel $0x180000  }
0xb1: {  	[bflag:$0x0] =	sbarrier.arrive $0xFFFF  }
0xb2: {  	_ =	strace $0x90000047  }
0xb3: {  	s0 =	stileid.u32;
	[bflag:$0x2] =	sbarrier.arrive $0xFFFF  }
0xb4: {  	p0 =	sne.s32 s0, $0x0;
	s0 =	rddreg [dreg:$0x3]  }
0xb5: {  	s0 =	sadd.s32 @!p0 $0x100000, s0  }
0xb6: {  	[sflag:s0] =	ssyncadd.tile.s32 @!p0 $0x1;
	_ =	shalt  }
.Lfunc_end2:
_tile_overlayer_lowered:
.L_overlay_start_2:
0xb7: {  	(tag) =	ssettag $0x2  }
0xb8: {  	s0 =	rddreg [dreg:$0x0];
	s2 =	stileid.u32  }
0xb9: {  	s1 =	rddreg [dreg:$0x1];
	p0 =	sne.s32 s2, $0x0  }
0xba: {  	s3 =	rddreg [dreg:$0x2];
	[bflag:$0x3] =	sbarrier.arrive $0xFFFF;
	s2 =	simm.s32 @!p0 $0x1C0D  }
0xbb: {  	[timem:s3], [sflag:s2] =	dma.local @!p0 [hbm:s0], s1  }
0xbc: {  	s0 =	simm.s32 @!p0 $0xD  }
0xbd: {  	_ =	swait.ge @!p0 [sflag:s0], s1  }
0xbe: {  	s1 =	ssub.s32 @!p0 $0x0, s1;
	[sflag:s0] =	ssyncset.done @!p0 $0x0  }
0xbf: {  	[sflag:s0] =	ssyncadd.s32 @!p0 s1  }
0xc0: {  	[bflag:$0x3] =	sbarrier.arrive $0xFFFF  }
0xc1: {  	_ =	shalt  }

// kernel: kernel.15.cloned.1.call-start
scs
__scs_entry_jumppad:
0x0: {  	(pc) =	sbr.rel $0x88, $3  }
0x1: {  	(tag) =	ssettag $0x0;
	lr =	simm.s32 $0x1  }
0x2: {  	[smem:$0x3F9A] =	sst lr;
	_ =	strace $0xD0000000  }
0x3: {  	_ = 	snop  }
0x4: {  	_ = 	snop  }
0x5: {  	_ = 	snop  }
0x6: {  	_ = 	snop  }
0x7: {  	_ = 	snop  }
__scs_overlays_trampoline_lowered:
0x8: {  	[smem:$0x3FA9] =	sst s0  }
0x9: {  	[smem:$0x3FAA] =	sst s1  }
0xa: {  	[smem:$0x3FAB] =	sst s2  }
0xb: {  	[smem:$0x3FAC] =	sst s3  }
0xc: {  	[smem:$0x3FAD] =	sst s4  }
0xd: {  	[smem:$0x3FAE] =	sst s5  }
0xe: {  	[smem:$0x3FAF] =	sst s6  }
0xf: {  	[smem:$0x3FB0] =	sst s7  }
0x10: {  	[smem:$0x3FB1] =	sst s8  }
0x11: {  	[smem:$0x3FB2] =	sst s9;
	s0 =	simm.s32 @!p0 $0x0  }
0x12: {  	s1 =	sld [smem:$0x3F98];
	s0 =	simm.s32 @p0 $0x1  }
0x13: {  	[smem:$0x3FB3] =	sst s0;
	s0 =	simm.s32 @!p1 $0x0  }
0x14: {  	s2 =	sld [smem:$0x3F97];
	s0 =	simm.s32 @p1 $0x1  }
0x15: {  	[smem:$0x3FB4] =	sst s0;
	s0 =	simm.s32 @!p2 $0x0  }
0x16: {  	s3 =	sld [smem:$0x3FDB];
	s0 =	simm.s32 @p2 $0x1  }
0x17: {  	s4 =	simm.s32 $0x1BF5;
	[smem:$0x3FB6] =	sst s0  }
0x18: {  	s0 =	sld [smem:$0x3F99];
	_ =	swait.ge [sflag:s4], $0x0  }
0x19: {  	s7 =	sld [smem:$0x3F9A]  }
0x1a: {  	s8 =	sadd.s32 $0xFFFFE003, lr  }
0x1b: {  	s9 =	sadd.s32 $0xFFFFFEF7, lr;
	s5 =	simm.s32 $0xFFFFFFFF;
	p2 =	slt.u32 s8, $0xFFFFF086  }
0x1c: {  	p1 =	slt.u32 s9, $0xF7A;
	s5 =	simm.s32 @!p2 $0x0  }
0x1d: {  	s5 =	simm.s32 @p1 $0x1;
	p0 =	seq.s32 s7, s2  }
0x1e: {  	s7 =	smul.u32 @!p0 $0xF7A, s2;
	p2 =	seq.s32 @!p0 s5, $0x0  }
0x1f: {  	s9 =	smul.u32 $0xF7A, s1;
	s8 =	simm.s32 @!p0 $0x1BF5;
	p2 =	por !p2, p0  }
0x20: {  	[sflag:s8] =	ssyncset.s32 @!p0 $0xFFFFF086;
	s6 =	sadd.s32 @!p0 s3, s7;
	s7 =	simm.s32 @!p0 $0x108  }
0x21: {  	s3 =	sadd.s32 s3, s9;
	s6 =	sadd.s32 @!p0 $0x88, s6;
	s7 =	simm.s32 @p2 $0x1082  }
0x22: {  	[simem:s7], [sflag:s8] =	dma.local @!p0 [hbm:s6], $0xF7A  }
0x23: {  	s9 =	sor.u32 $0xD0000000, s2;
	s6 =	simm.s32 $0x108;
	_ =	swait.ge @!p0 [sflag:s8], $0x0  }
0x24: {  	s3 =	sadd.s32 $0x88, s3;
	s6 =	simm.s32 @!p1 $0x1082;
	[sflag:s4] =	ssyncset.s32 $0xFFFFF086  }
0x25: {  	[simem:s6], [sflag:s4] =	dma.local [hbm:s3], $0xF7A  }
0x26: {  	[smem:$0x3F9A] =	sst s1;
	(tag) =	ssettag s2;
	_ =	strace s9  }
0x27: {  	s1 =	sld [smem:$0x3FAA]  }
0x28: {  	s2 =	sld [smem:$0x3FAB]  }
0x29: {  	s4 =	sld [smem:$0x3FAD]  }
0x2a: {  	p0 =	seq.s32 s5, $0x0;
	s5 =	sld [smem:$0x3FAE]  }
0x2b: {  	s6 =	sld [smem:$0x3FAF]  }
0x2c: {  	s7 =	sld [smem:$0x3FB0]  }
0x2d: {  	s3 =	simm.s32 $0x108;
	s8 =	sld [smem:$0x3FB1]  }
0x2e: {  	s3 =	simm.s32 @!p0 $0x1082;
	s9 =	sld [smem:$0x3FB2]  }
0x2f: {  	lr =	sadd.s32 s0, s3;
	s0 =	sld [smem:$0x3FA9]  }
0x30: {  	s3 =	sld [smem:$0x3FAC]  }
0x31: {  	[smem:$0x3FB5] =	sst s10  }
0x32: {  	s10 =	sld [smem:$0x3FB3];
	_ =	sdelay $0x3  }
0x33: {  	p0 =	seq.s32 s10, $0x1;
	s10 =	sld [smem:$0x3FB5];
	_ =	sdelay $0x3  }
0x34: {  	[smem:$0x3FB5] =	sst s10  }
0x35: {  	s10 =	sld [smem:$0x3FB4];
	_ =	sdelay $0x3  }
0x36: {  	p1 =	seq.s32 s10, $0x1;
	s10 =	sld [smem:$0x3FB5];
	_ =	sdelay $0x3  }
0x37: {  	[smem:$0x3FB5] =	sst s10  }
0x38: {  	s10 =	sld [smem:$0x3FB6]  }
0x39: {  	_ = 	snop;
	(pc) =	sbr.ind lr, $3  }
0x3a: {  	_ = 	snop  }
0x3b: {  	_ = 	snop  }
0x3c: {  	p2 =	seq.s32 s10, $0x1;
	s10 =	sld [smem:$0x3FB5]  }
0x3d: {  	_ =	shalt  }
0x3e: {  	_ =	shalt  }
0x3f: {  	_ =	shalt  }
0x40: {  	_ =	shalt  }
0x41: {  	_ =	shalt  }
0x42: {  	_ =	shalt  }
0x43: {  	_ =	shalt  }
0x44: {  	_ =	shalt  }
0x45: {  	_ =	shalt  }
0x46: {  	_ =	shalt  }
0x47: {  	_ =	shalt  }
0x48: {  	_ =	shalt  }
0x49: {  	_ =	shalt  }
0x4a: {  	_ =	shalt  }
0x4b: {  	_ =	shalt  }
0x4c: {  	_ =	shalt  }
0x4d: {  	_ =	shalt  }
0x4e: {  	_ =	shalt  }
0x4f: {  	_ =	shalt  }
0x50: {  	_ =	shalt  }
0x51: {  	_ =	shalt  }
0x52: {  	_ =	shalt  }
0x53: {  	_ =	shalt  }
0x54: {  	_ =	shalt  }
0x55: {  	_ =	shalt  }
0x56: {  	_ =	shalt  }
0x57: {  	_ =	shalt  }
0x58: {  	_ =	shalt  }
0x59: {  	_ =	shalt  }
0x5a: {  	_ =	shalt  }
0x5b: {  	_ =	shalt  }
0x5c: {  	_ =	shalt  }
0x5d: {  	_ =	shalt  }
0x5e: {  	_ =	shalt  }
0x5f: {  	_ =	shalt  }
0x60: {  	_ =	shalt  }
0x61: {  	_ =	shalt  }
0x62: {  	_ =	shalt  }
0x63: {  	_ =	shalt  }
0x64: {  	_ =	shalt  }
0x65: {  	_ =	shalt  }
0x66: {  	_ =	shalt  }
0x67: {  	_ =	shalt  }
0x68: {  	_ =	shalt  }
0x69: {  	_ =	shalt  }
0x6a: {  	_ =	shalt  }
0x6b: {  	_ =	shalt  }
0x6c: {  	_ =	shalt  }
0x6d: {  	_ =	shalt  }
0x6e: {  	_ =	shalt  }
0x6f: {  	_ =	shalt  }
0x70: {  	_ =	shalt  }
0x71: {  	_ =	shalt  }
0x72: {  	_ =	shalt  }
0x73: {  	_ =	shalt  }
0x74: {  	_ =	shalt  }
0x75: {  	_ =	shalt  }
0x76: {  	_ =	shalt  }
0x77: {  	_ =	shalt  }
0x78: {  	_ =	shalt  }
0x79: {  	_ =	shalt  }
0x7a: {  	_ =	shalt  }
0x7b: {  	_ =	shalt  }
0x7c: {  	_ =	shalt  }
0x7d: {  	_ =	shalt  }
0x7e: {  	_ =	shalt  }
0x7f: {  	_ =	shalt  }
0x80: {  	_ =	shalt  }
0x81: {  	_ =	shalt  }
0x82: {  	_ =	shalt  }
0x83: {  	_ =	shalt  }
0x84: {  	_ =	shalt  }
0x85: {  	_ =	shalt  }
0x86: {  	_ =	shalt  }
0x87: {  	_ =	shalt  }
.Lfunc_end0:
.L_simem_size_0:
called_computation.1_lowered:
.L_overlay_start_0:
0x88: {  	s2 =	sld [smem:$0x3FD9]  }
0x89: {  	s3 =	sld [smem:$0x3FFE];
	_ =	sdelay $0x1  }
0x8a: {  	s1 =	srdreg.scid  }
0x8b: {  	s0 =	sand.u32 $0x1, s1  }
0x8c: {  	s17 =	sshll.u32 s0, $0xA;
	s2 =	sadd.s32 s3, s2  }
0x8d: {  	s2 =	sadd.s32 s2, s17  }
0x8e: {  	[smem:$0x3FC1] =	sst s2  }
0x8f: {  	_ = 	snop  }
0x90: {  	s2 =	sld [smem:$0x3FD0];
	(tm) =	ssettm $0x1  }
0x91: {  	s18 =	sld [smem:$0x3FFB];
	_ =	sdelay $0x3  }
0x92: {  	_ =	strace s18  }
0x93: {  	s3 =	sld [smem:$0x3FFC];
	_ =	sdelay $0x3  }
0x94: {  	_ =	strace s3  }
0x95: {  	s3 =	sld [smem:$0x3FFD];
	_ =	sdelay $0x3  }
0x96: {  	_ =	strace s3  }
0x97: {  	_ =	strace $0x8FFFFFFF  }
0x98: {  	s19 =	sld [smem:$0x3FDB];
	_ =	sdelay $0x1  }
0x99: {  	s4 =	simm.s32 $_scs_section_size  }
0x9a: {  	s5 =	simm.s32 $_size__tile_overlayer_lowered;
	s6 =	simm.s32 $_tile_overlayer_lowered  }
0x9b: {  	s22 =	simm.s32 $0x1BFF;
	s21 =	sshll.u32 s6, $0x1;
	s3 =	sadd.s32 s4, s19  }
0x9c: {  	s7 =	simm.s32 $0x0;
	s20 =	sshll.u32 s5, $0x1;
	s5 =	sadd.s32 s21, s3  }
0x9d: {  	[timem:s7], [sflag:s22] =	dma.local [hbm:s5], s20  }
0x9e: {  	_ =	swait.ge [sflag:s22], s20  }
0x9f: {  	s4 =	ssub.s32 $0x0, s20;
	[sflag:s22] =	ssyncset.done $0x0  }
0xa0: {  	[sflag:s22] =	ssyncadd.s32 s4;
	_ =	sdelay $0x1  }
0xa1: {  	s23 =	simm.s32 $0x1B8B  }
0xa2: {  	_ =	swait.ge [sflag:s23], $0x1  }
0xa3: {  	[sflag:s23] =	ssyncset.done $0x0  }
0xa4: {  	s25 =	simm.s32 $0x1B8E;
	s24 =	sld [smem:$0x3FFE];
	[sflag:s23] =	ssyncadd.s32 $0xFFFFFFFF  }
0xa5: {  	s26 =	simm.s32 $execute0_lowered;
	[smem:$0x3FD2] =	sst s25  }
0xa6: {  	s5 =	sshll.u32 s26, $0x1;
	_ =	strace $0x80000049;
	[dreg:$0x1] =	wrdreg $0xFFFFFFFF  }
0xa7: {  	s28 =	simm.s32 $_size_execute0_lowered;
	s3 =	sadd.s32 s3, s5;
	[dreg:$0x0] =	wrdreg $0x0  }
0xa8: {  	s5 =	sshll.u32 s28, $0x1;
	[dreg:$0x2] =	wrdreg s3  }
0xa9: {  	[dreg:$0x3] =	wrdreg s5  }
0xaa: {  	[dreg:$0x4] =	wrdreg $0xC0  }
0xab: {  	_ =	task [dreg:s7], $0x5FFFF  }
0xac: {  	[dreg:$0x1] =	wrdreg $0xFFFFFFFF  }
0xad: {  	[dreg:$0x0] =	wrdreg $0x60  }
0xae: {  	[dreg:$0x2] =	wrdreg s24  }
0xaf: {  	[dreg:$0x3] =	wrdreg s2  }
0xb0: {  	[dreg:$0x4] =	wrdreg $0x0  }
0xb1: {  	[dreg:$0x5] =	wrdreg $0x9  }
0xb2: {  	_ =	task.clear_ibuf [dreg:s7], $0x6FFFF;
	_ =	strace $0x90000049  }
0xb3: {  	s29 =	simm.s32 $0x9;
	_ =	strace $0x8000004B  }
0xb4: {  	_ =	swait.ge [sflag:s29], $0x1  }
0xb5: {  	[sflag:s29] =	ssyncadd.s32 $0xFFFFFFFF  }
0xb6: {  	_ =	strace $0x9000004B  }
0xb7: {  	_ =	sfence  }
0xb8: {  	s30 =	sld [smem:$0x0];
	_ =	sdelay $0x2  }
0xb9: {  	s31 =	sshll.u32 s1, $0xD;
	s1 =	sshrl.u32 s1, $0x2  }
0xba: {  	s3 =	sand.u32 $0x4000, s31;
	s1 =	sadd.s32 s1, s30  }
0xbb: {  	s0 =	sor.u32 s3, s0;
	s1 =	sshll.u32 s1, $0x11  }
0xbc: {  	s0 =	sor.u32 s1, s0  }
0xbd: {  	s0 =	sadd.s32 $0x8F2B, s0  }
0xbe: {  	[sflag:s0] =	ssyncadd.remote.s32 $0x1  }
0xbf: {  	_ =	sfence.sel $0xFFFF  }
0xc0: {  	[dreg:$0x0] =	wrdreg $0xFFFFFFFF;
	(pc) =	sbr.abs _section_cstart, $3  }
0xc1: {  	[dreg:$0x1] =	wrdreg $0xFFFFFFFF  }
0xc2: {  	_ =	task.clear_ibuf [dreg:s7], $0x2FFFF;
	_ =	strace $0x9FFFFFFF  }
0xc3: {  	(tm) =	ssettm $0x7FFFFFFF  }
tec
execute0_lowered:
.L_overlay_start_1:
0x0: {  	(tag) =	ssettag $0x1  }
0x1: {  	s0 =	rddreg [dreg:$0x0]  }
0x2: {  	s1 =	rddreg [dreg:$0x1]  }
0x3: {  	s2 =	rddreg [dreg:$0x2];
	s11 =	stileid.u32  }
0x4: {  	s3 =	srdreg.scid;
	s4 =	simm.s32 $0x0;
	s7 =	smul.u32 $0x14000, s11  }
0x5: {  	s28 =	simm.s32 $0xD;
	s31 =	simm.s32 $0x14100;
	s9 =	smul.u32 $0x50000, s11  }
0x6: {  	s29 =	simm.s32 $0x0;
	s3 =	sand.u32 $0x1, s3;
	s15 =	smul.u32 $0x2760, s11  }
0x7: {  	[smem:$0x7FF] =	sst s4;
	s5 =	sadd.s32 $0xD200, s0;
	s6 =	smul.u32 $0x140000, s3  }
0x8: {  	_ =	strace $0x8000004A;
	s8 =	sshll.u32 s3, $0x4;
	s10 =	ssub.s32 $0x2, s3  }
0x9: {  	s3 =	smul.u32 $0x27600, s3;
	s8 =	sor.u32 s11, s8;
	s25 =	sshrl.u32 s9, $0x2  }
0xa: {  	s26 =	sshrl.u32 s10, $0x1;
	s7 =	sadd.s32 s7, s6;
	s6 =	sadd.s32 $0x3400, s0  }
0xb: {  	s8 =	smul.u32 $0x2760, s8;
	s20 =	sadd.s32 s25, s2;
	s9 =	ssub.s32 s10, s26  }
0xc: {  	s21 =	sadd.s32 s15, s3;
	s17 =	smax.u32 s9, $0x1;
	[dreg:$0x4] =	wrdreg s20  }
0xd: {  	s10 =	simm.s32 $0x60;
	s18 =	sadd.s32 $0x3000, s20;
	[dreg:$0xc] =	wrdreg s17  }
0xe: {  	s15 =	simm.s32 $0x1A300;
	s19 =	sadd.s32 $0x6000, s20;
	[dreg:$0xd] =	wrdreg s18  }
0xf: {  	s7 =	sshrl.u32 s7, $0x3;
	s22 =	sadd.s32 $0x9000, s20;
	[dreg:$0xe] =	wrdreg s19  }
0x10: {  	s23 =	sadd.s32 $0xC000, s20;
	s24 =	sadd.s32 $0x180, s21;
	[dreg:$0xf] =	wrdreg s22  }
0x11: {  	s25 =	sadd.s32 $0xF000, s20;
	s26 =	sadd.s32 $0x120, s21;
	[dreg:$0x10] =	wrdreg s23  }
0x12: {  	s9 =	simm.s32 $0x6;
	s0 =	sadd.s32 s7, s0;
	[dreg:$0x11] =	wrdreg s25  }
0x13: {  	s8 =	sshrl.u32 s8, $0x3;
	s7 =	sadd.s32 $0x12000, s20;
	[dreg:$0x12] =	wrdreg s26  }
0x14: {  	s3 =	sshrl.u32 s24, $0x3;
	s26 =	simm.s32 $0x14300;
	s17 =	simm.s32 $0x8  }
0x15: {  	s18 =	simm.s32 $0x9;
	[dreg:$0x5] =	wrdreg s7;
	s30 =	sadd.s32 $0xC, s8  }
0x16: {  	s13 =	sadd.s32 s1, s8;
	s14 =	sadd.s32 s6, s8;
	s0 =	sadd.s32 $0x34400, s0  }
0x17: {  	s22 =	sadd.s32 s3, s6;
	s8 =	sadd.s32 $0x1E0, s21;
	[dreg:$0x6] =	wrdreg s13  }
0x18: {  	s23 =	sadd.s32 s3, s1;
	s3 =	simm.s32 $0x14200;
	[dreg:$0x9] =	wrdreg s14  }
0x19: {  	s12 =	sadd.s32 s1, s30;
	s7 =	sadd.s32 $0x18, s13;
	[dreg:$0xb] =	wrdreg s0  }
.Ltmp0:
0x1a: {  	s16 =	sadd.s32 s6, s30;
	[dreg:$0x7] =	wrdreg s12;
	(pc) =	sbr.rel .LBB2_1-.Ltmp0, $4  }
0x1b: {  	s0 =	sadd.s32 $0xC0, s21;
	s30 =	sshrl.u32 s8, $0x3;
	[dreg:$0x8] =	wrdreg s7  }
0x1c: {  	s13 =	simm.s32 $0x1;
	s14 =	simm.s32 $0x14280;
	[dreg:$0xa] =	wrdreg s16  }
0x1d: {  	s0 =	sshrl.u32 s0, $0x3;
	s24 =	sadd.s32 s30, s1;
	s12 =	simm.s32 $0x17300  }
0x1e: {  	v0 =	vimm.f32 $0.0e+00;
	s16 =	simm.s32 $0x7;
	s25 =	sadd.s32 s0, s6;
	s0 =	simm.s32 $0x14180  }
.LBB2_6:
0x1f: {  	s7 =	simm.s32 $0xA  }
0x20: {  	_ =	swait.ge [sflag:s7], $0x3000  }
0x21: {  	[sflag:s7] =	ssyncset.done $0x0  }
0x22: {  	s19 =	simm.s32 $0xB;
	[sflag:s7] =	ssyncadd.s32 $0xFFFFD000  }
0x23: {  	_ =	swait.ge [sflag:s19], $0x3000  }
0x24: {  	[sflag:s19] =	ssyncset.done $0x0  }
0x25: {  	s20 =	simm.s32 $0xC;
	[sflag:s19] =	ssyncadd.s32 $0xFFFFD000  }
0x26: {  	_ =	swait.ge [sflag:s20], $0x3000  }
0x27: {  	[sflag:s20] =	ssyncset.done $0x0  }
0x28: {  	[sflag:s20] =	ssyncadd.s32 $0xFFFFD000  }
0x29: {  	s21 =	stileid.u32;
	[bflag:$0x0] =	sbarrier.arrive $0xFFFF  }
0x2a: {  	s7 =	sshll.u32 s21, $0x6;
	s20 =	rddreg [dreg:$0x4]  }
0x2b: {  	s7 =	sor.u32 $0x1C0D, s7;
	s11 =	rddreg [dreg:$0xb];
	s8 =	sshrl.u32 s20, $0x3  }
0x2c: {  	[hbm:s11], [sflag:s7] =	dma.local [spmem:s8], $0x2800  }
0x2d: {  	_ =	swait.ge [sflag:s28], $0x2800  }
0x2e: {  	s29 =	sadd.s32 $0x1, s29;
	s30 =	rddreg [dreg:$0xc]  }
0x2f: {  	p0 =	sne.s32 s29, s30  }
.Ltmp1:
0x30: {  	_ = 	snop;
	(pc) =	sbr.rel @!p0 .LBB2_7-.Ltmp1, $3  }
0x31: {  	_ =	sdelay $0x1  }
0x32: {  	[sflag:s28] =	ssyncset.done $0x0  }
0x33: {  	[sflag:s28] =	ssyncadd.s32 $0xFFFFD800  }
.LBB2_1:
0x34: {  	s8 =	sand.u32 $0xFE00, s4  }
0x35: {  	s11 =	sand.u32 $0x70, s4;
	s30 =	sshrl.u32 s8, $0x2  }
0x36: {  	s8 =	simm.s32 $0x40;
	s11 =	sor.u32 s11, s30;
	s30 =	simm.s32 $0x0  }
.LBB2_2:
0x37: {  	p0 =	sne.s32 s8, $0xBFC0  }
0x38: {  	[tilespmem:s11+$0x14300] =	vst v0;
	s30 =	sadd.s32 $0x10, s30;
	s11 =	smov.u32 s8;
	s8 =	sadd.s32 $0x40, s8  }
.Ltmp2:
0x39: {  	(pc) =	sbr.rel @p0 .LBB2_2-.Ltmp2, $4  }
0x3a: {  	_ = 	snop  }
0x3b: {  	s11 =	sand.u32 $0xFE00, s11  }
0x3c: {  	s19 =	sand.u32 $0x70, s30;
	s11 =	sshrl.u32 s11, $0x2  }
0x3d: {  	s11 =	sor.u32 s19, s11  }
0x3e: {  	[tilespmem:s11+$0x14300] =	vst v0  }
0x3f: {  	[spmem:s20] =	stream.linear.scatter [tilespmem:s26], [sflag:$0xD], $0x3000, $0x38;
	[tilespmem:$0x1D300] =	vst v63  }
0x40: {  	_ =	swait.ge [sflag:s28], $0x3000  }
0x41: {  	[sflag:s28] =	ssyncset.done $0x0  }
0x42: {  	s7 =	rddreg [dreg:$0xd];
	[sflag:s28] =	ssyncadd.s32 $0xFFFFD000  }
0x43: {  	[spmem:s7] =	stream.linear.scatter [tilespmem:s26], [sflag:$0xD], $0x3000, $0x38;
	[tilespmem:$0x1D300] =	vst v63  }
0x44: {  	_ =	swait.ge [sflag:s28], $0x3000  }
0x45: {  	[sflag:s28] =	ssyncset.done $0x0  }
0x46: {  	s11 =	rddreg [dreg:$0xe];
	[sflag:s28] =	ssyncadd.s32 $0xFFFFD000  }
0x47: {  	[spmem:s11] =	stream.linear.scatter [tilespmem:s26], [sflag:$0xD], $0x3000, $0x38;
	[tilespmem:$0x1D300] =	vst v63  }
0x48: {  	_ =	swait.ge [sflag:s28], $0x3000  }
0x49: {  	[sflag:s28] =	ssyncset.done $0x0  }
0x4a: {  	s19 =	rddreg [dreg:$0xf];
	[sflag:s28] =	ssyncadd.s32 $0xFFFFD000  }
0x4b: {  	[spmem:s19] =	stream.linear.scatter [tilespmem:s26], [sflag:$0xD], $0x3000, $0x38;
	[tilespmem:$0x1D300] =	vst v63  }
0x4c: {  	_ =	swait.ge [sflag:s28], $0x3000  }
0x4d: {  	[sflag:s28] =	ssyncset.done $0x0  }
0x4e: {  	s20 =	rddreg [dreg:$0x10];
	[sflag:s28] =	ssyncadd.s32 $0xFFFFD000  }
0x4f: {  	[spmem:s20] =	stream.linear.scatter [tilespmem:s26], [sflag:$0xD], $0x3000, $0x38;
	[tilespmem:$0x1D300] =	vst v63  }
0x50: {  	_ =	swait.ge [sflag:s28], $0x3000  }
0x51: {  	[sflag:s28] =	ssyncset.done $0x0  }
0x52: {  	s21 =	rddreg [dreg:$0x11];
	[sflag:s28] =	ssyncadd.s32 $0xFFFFD000  }
0x53: {  	[spmem:s21] =	stream.linear.scatter [tilespmem:s26], [sflag:$0xD], $0x3000, $0x38;
	[tilespmem:$0x1D300] =	vst v63  }
0x54: {  	_ =	swait.ge [sflag:s28], $0x3000  }
0x55: {  	[sflag:s28] =	ssyncset.done $0x0  }
0x56: {  	s8 =	rddreg [dreg:$0x5];
	[sflag:s28] =	ssyncadd.s32 $0xFFFFD000  }
0x57: {  	[spmem:s8] =	stream.linear.scatter [tilespmem:s26], [sflag:$0xD], $0x2000, $0x38;
	[tilespmem:$0x1D300] =	vst v63  }
0x58: {  	_ =	swait.ge [sflag:s28], $0x2000  }
0x59: {  	s30 =	simm.s32 $0x0;
	[sflag:s28] =	ssyncset.done $0x0  }
0x5a: {  	s8 =	simm.s32 $0x14000;
	s11 =	rddreg [dreg:$0x6];
	[sflag:s28] =	ssyncadd.s32 $0xFFFFE000  }
0x5b: {  	[tilespmem:s8], [sflag:$0x4] =	stream.linear.gather [hbm4b:s11+s30], $0x60, $0x38;
	[tilespmem:$0x1D300] =	vst v63  }
0x5c: {  	s19 =	rddreg [dreg:$0x7];
	s11 =	simm.s32 $0x14080  }
0x5d: {  	[tilespmem:s11], [sflag:$0x5] =	stream.linear.gather [hbm4b:s19+s30], $0x60, $0x38;
	[tilespmem:$0x1D300] =	vst v63  }
0x5e: {  	s20 =	rddreg [dreg:$0x8]  }
0x5f: {  	[tilespmem:s31], [sflag:$0x6] =	stream.linear.gather [hbm4b:s20+s30], $0x60, $0x38;
	[tilespmem:$0x1D300] =	vst v63  }
0x60: {  	s21 =	rddreg [dreg:$0x9]  }
0x61: {  	[tilespmem:s0], [sflag:$0x7] =	stream.linear.gather [hbm4b:s21+s30], $0x60, $0x38;
	[tilespmem:$0x1D300] =	vst v63  }
0x62: {  	s19 =	rddreg [dreg:$0xa];
	s20 =	simm.s32 $0x4  }
0x63: {  	[tilespmem:s3], [sflag:$0x8] =	stream.linear.gather [hbm4b:s19+s30], $0x60, $0x38;
	[tilespmem:$0x1D300] =	vst v63  }
0x64: {  	_ =	swait.ge [sflag:s20], $0x60  }
0x65: {  	[sflag:s20] =	ssyncset.done $0x0  }
0x66: {  	s21 =	simm.s32 $0x5;
	[sflag:s20] =	ssyncadd.s32 $0xFFFFFFA0  }
0x67: {  	[tilespmem:s26], [sflag:$0x1] =	stream.indirect.gather [hbm4b:s5+s10], $0x80, s8, s10, $0xb8;
	[tilespmem:$0x1D300] =	vst v63  }
0x68: {  	_ =	swait.ge [sflag:s21], $0x60  }
0x69: {  	[sflag:s21] =	ssyncset.done $0x0  }
0x6a: {  	[sflag:s21] =	ssyncadd.s32 $0xFFFFFFA0  }
0x6b: {  	[tilespmem:s12], [sflag:$0x2] =	stream.indirect.gather [hbm4b:s5+s10], $0x80, s11, s10, $0xb8;
	[tilespmem:$0x1D300] =	vst v63  }
0x6c: {  	[bflag:$0x0] =	sbarrier.arrive $0xFFFF  }
0x6d: {  	s8 =	rddreg [dreg:$0x12]  }
.LBB2_4:
0x6e: {  	_ =	swait.ge [sflag:s13], $0x3000  }
0x6f: {  	p0 =	seq.s32 s30, $0x0;
	[sflag:s13] =	ssyncset.done $0x0  }
0x70: {  	s11 =	simm.s32 @!p0 $0xC;
	[sflag:s13] =	ssyncadd.s32 $0xFFFFD000  }
0x71: {  	_ =	swait.ge @!p0 [sflag:s11], $0x3000  }
0x72: {  	[sflag:s11] =	ssyncset.done @!p0 $0x0  }
0x73: {  	s21 =	sadd.s32 s30, s25;
	[sflag:s11] =	ssyncadd.s32 @!p0 $0xFFFFD000  }
0x74: {  	[tilespmem:s14], [sflag:$0x9] =	stream.linear.gather [hbm4b:s21+s4], $0x60, $0x38;
	[tilespmem:$0x1D300] =	vst v63  }
0x75: {  	_ =	swait.ge [sflag:s9], $0x60  }
0x76: {  	[sflag:s9] =	ssyncset.done $0x0  }
0x77: {  	[sflag:s9] =	ssyncadd.s32 $0xFFFFFFA0  }
0x78: {  	[tilespmem:s15], [sflag:$0x3] =	stream.indirect.gather [hbm4b:s5+s10], $0x80, s31, s10, $0xb8;
	[tilespmem:$0x1D300] =	vst v63  }
0x79: {  	_ =	swait.ge [sflag:s16], $0x60  }
0x7a: {  	p0 =	sne.s32 s30, $0x4C8;
	[sflag:s16] =	ssyncset.done $0x0  }
0x7b: {  	s11 =	sshrl.u32 @p0 s8, $0x3;
	[sflag:s16] =	ssyncadd.s32 $0xFFFFFFA0  }
0x7c: {  	[spmem:s2] =	stream.indirect.scatter.add.f32 [tilespmem:s26], [sflag:$0xA], $0x80, s0, s10, $0xb8;
	[tilespmem:$0x1D300] =	vst v63  }
0x7d: {  	s20 =	simm.s32 @p0 $0x0;
	s21 =	simm.s32 @p0 $0x14000;
	s19 =	sadd.s32 @p0 s1, s11  }
0x7e: {  	[tilespmem:s21], [sflag:$0x4] =	stream.linear.gather @p0 [hbm4b:s19+s20], $0x60, $0x38;
	[tilespmem:$0x1D300] =	vst v63  }
0x7f: {  	s19 =	simm.s32 @p0 $0x2  }
0x80: {  	_ =	swait.ge @p0 [sflag:s19], $0x3000  }
0x81: {  	[sflag:s19] =	ssyncset.done @p0 $0x0  }
0x82: {  	[sflag:s19] =	ssyncadd.s32 @p0 $0xFFFFD000;
	s19 =	simm.s32 @p0 $0xA  }
0x83: {  	_ =	swait.ge @p0 [sflag:s19], $0x3000  }
0x84: {  	[sflag:s19] =	ssyncset.done @p0 $0x0  }
0x85: {  	s11 =	sadd.s32 @p0 s6, s11;
	[sflag:s19] =	ssyncadd.s32 @p0 $0xFFFFD000;
	s19 =	simm.s32 @p0 $0x14180  }
0x86: {  	[tilespmem:s19], [sflag:$0x7] =	stream.linear.gather @p0 [hbm4b:s11+s20], $0x60, $0x38;
	[tilespmem:$0x1D300] =	vst v63  }
0x87: {  	s11 =	simm.s32 @p0 $0x4  }
0x88: {  	_ =	swait.ge @p0 [sflag:s11], $0x60  }
0x89: {  	[sflag:s11] =	ssyncset.done @p0 $0x0  }
0x8a: {  	s19 =	simm.s32 @p0 $0x14300;
	[sflag:s11] =	ssyncadd.s32 @p0 $0xFFFFFFA0;
	s11 =	simm.s32 @p0 $0x60  }
0x8b: {  	[tilespmem:s19], [sflag:$0x1] =	stream.indirect.gather @p0 [hbm4b:s5+s11], $0x80, s21, s11, $0xb8;
	[tilespmem:$0x1D300] =	vst v63  }
0x8c: {  	s19 =	simm.s32 @!p0 $0x2  }
0x8d: {  	_ =	swait.ge @!p0 [sflag:s19], $0x3000  }
0x8e: {  	[sflag:s19] =	ssyncset.done @!p0 $0x0  }
0x8f: {  	[sflag:s19] =	ssyncadd.s32 @!p0 $0xFFFFD000  }
0x90: {  	_ =	swait.ge [sflag:s17], $0x60  }
0x91: {  	[sflag:s17] =	ssyncset.done $0x0  }
0x92: {  	[sflag:s17] =	ssyncadd.s32 $0xFFFFFFA0  }
0x93: {  	[spmem:s2] =	stream.indirect.scatter.add.f32 [tilespmem:s12], [sflag:$0xB], $0x80, s3, s10, $0xb8;
	[tilespmem:$0x1D300] =	vst v63  }
0x94: {  	s21 =	simm.s32 @p0 $0x14080;
	s19 =	sadd.s32 @p0 s30, s23  }
0x95: {  	[tilespmem:s21], [sflag:$0x5] =	stream.linear.gather @p0 [hbm4b:s19+s20], $0x60, $0x38;
	[tilespmem:$0x1D300] =	vst v63  }
0x96: {  	s19 =	simm.s32 @p0 $0x3  }
0x97: {  	_ =	swait.ge @p0 [sflag:s19], $0x3000  }
0x98: {  	[sflag:s19] =	ssyncset.done @p0 $0x0  }
0x99: {  	[sflag:s19] =	ssyncadd.s32 @p0 $0xFFFFD000;
	s19 =	simm.s32 @p0 $0xB  }
0x9a: {  	_ =	swait.ge @p0 [sflag:s19], $0x3000  }
0x9b: {  	[sflag:s19] =	ssyncset.done @p0 $0x0  }
0x9c: {  	s7 =	simm.s32 @p0 $0x14200;
	[sflag:s19] =	ssyncadd.s32 @p0 $0xFFFFD000;
	s19 =	sadd.s32 @p0 s30, s22  }
0x9d: {  	[tilespmem:s7], [sflag:$0x8] =	stream.linear.gather @p0 [hbm4b:s19+s20], $0x60, $0x38;
	[tilespmem:$0x1D300] =	vst v63  }
0x9e: {  	s7 =	simm.s32 @p0 $0x5  }
0x9f: {  	_ =	swait.ge @p0 [sflag:s7], $0x60  }
0xa0: {  	[sflag:s7] =	ssyncset.done @p0 $0x0  }
0xa1: {  	[sflag:s7] =	ssyncadd.s32 @p0 $0xFFFFFFA0;
	s7 =	simm.s32 @p0 $0x17300  }
0xa2: {  	[tilespmem:s7], [sflag:$0x2] =	stream.indirect.gather @p0 [hbm4b:s5+s11], $0x80, s21, s11, $0xb8;
	[tilespmem:$0x1D300] =	vst v63  }
0xa3: {  	s7 =	simm.s32 @!p0 $0x3  }
0xa4: {  	_ =	swait.ge @!p0 [sflag:s7], $0x3000  }
0xa5: {  	[sflag:s7] =	ssyncset.done @!p0 $0x0  }
0xa6: {  	[sflag:s7] =	ssyncadd.s32 @!p0 $0xFFFFD000;
	p0 =	seq.s32 s30, $0x4C8  }
.Ltmp3:
0xa7: {  	_ = 	snop;
	(pc) =	sbr.rel @p0 .LBB2_6-.Ltmp3, $4  }
0xa8: {  	_ =	swait.ge [sflag:s18], $0x60  }
0xa9: {  	[sflag:s18] =	ssyncset.done $0x0  }
0xaa: {  	[sflag:s18] =	ssyncadd.s32 $0xFFFFFFA0  }
0xab: {  	[spmem:s2] =	stream.indirect.scatter.add.f32 [tilespmem:s15], [sflag:$0xC], $0x80, s14, s10, $0xb8;
	[tilespmem:$0x1D300] =	vst v63  }
.Ltmp4:
0xac: {  	(pc) =	sbr.rel .LBB2_4-.Ltmp4, $3  }
0xad: {  	_ =	sdelay $0x1  }
0xae: {  	s7 =	sadd.s32 s30, s24;
	s30 =	sadd.s32 $0x24, s30;
	s8 =	sadd.s32 $0x120, s8  }
0xaf: {  	[tilespmem:s31], [sflag:$0x6] =	stream.linear.gather [hbm4b:s7+s4], $0x60, $0x38;
	[tilespmem:$0x1D300] =	vst v63  }
.LBB2_7:
0xb0: {  	_ =	sfence.sel $0x180000  }
0xb1: {  	[bflag:$0x0] =	sbarrier.arrive $0xFFFF  }
0xb2: {  	_ =	strace $0x9000004A  }
0xb3: {  	s0 =	stileid.u32;
	[bflag:$0x2] =	sbarrier.arrive $0xFFFF  }
0xb4: {  	p0 =	sne.s32 s0, $0x0;
	s0 =	rddreg [dreg:$0x3]  }
0xb5: {  	s0 =	sadd.s32 @!p0 $0x100000, s0  }
0xb6: {  	[sflag:s0] =	ssyncadd.tile.s32 @!p0 $0x1;
	_ =	shalt  }
.Lfunc_end2:
_tile_overlayer_lowered:
.L_overlay_start_2:
0xb7: {  	(tag) =	ssettag $0x2  }
0xb8: {  	s0 =	rddreg [dreg:$0x0];
	s2 =	stileid.u32  }
0xb9: {  	s1 =	rddreg [dreg:$0x1];
	p0 =	sne.s32 s2, $0x0  }
0xba: {  	s3 =	rddreg [dreg:$0x2];
	[bflag:$0x3] =	sbarrier.arrive $0xFFFF;
	s2 =	simm.s32 @!p0 $0x1C0D  }
0xbb: {  	[timem:s3], [sflag:s2] =	dma.local @!p0 [hbm:s0], s1  }
0xbc: {  	s0 =	simm.s32 @!p0 $0xD  }
0xbd: {  	_ =	swait.ge @!p0 [sflag:s0], s1  }
0xbe: {  	s1 =	ssub.s32 @!p0 $0x0, s1;
	[sflag:s0] =	ssyncset.done @!p0 $0x0  }
0xbf: {  	[sflag:s0] =	ssyncadd.s32 @!p0 s1  }
0xc0: {  	[bflag:$0x3] =	sbarrier.arrive $0xFFFF  }
0xc1: {  	_ =	shalt  }

// kernel: kernel.18.cloned.1.call-start
scs
__scs_entry_jumppad:
0x0: {  	(pc) =	sbr.rel $0x88, $3  }
0x1: {  	(tag) =	ssettag $0x0;
	lr =	simm.s32 $0x1  }
0x2: {  	[smem:$0x3F9A] =	sst lr;
	_ =	strace $0xD0000000  }
0x3: {  	_ = 	snop  }
0x4: {  	_ = 	snop  }
0x5: {  	_ = 	snop  }
0x6: {  	_ = 	snop  }
0x7: {  	_ = 	snop  }
__scs_overlays_trampoline_lowered:
0x8: {  	[smem:$0x3FA9] =	sst s0  }
0x9: {  	[smem:$0x3FAA] =	sst s1  }
0xa: {  	[smem:$0x3FAB] =	sst s2  }
0xb: {  	[smem:$0x3FAC] =	sst s3  }
0xc: {  	[smem:$0x3FAD] =	sst s4  }
0xd: {  	[smem:$0x3FAE] =	sst s5  }
0xe: {  	[smem:$0x3FAF] =	sst s6  }
0xf: {  	[smem:$0x3FB0] =	sst s7  }
0x10: {  	[smem:$0x3FB1] =	sst s8  }
0x11: {  	[smem:$0x3FB2] =	sst s9;
	s0 =	simm.s32 @!p0 $0x0  }
0x12: {  	s1 =	sld [smem:$0x3F98];
	s0 =	simm.s32 @p0 $0x1  }
0x13: {  	[smem:$0x3FB3] =	sst s0;
	s0 =	simm.s32 @!p1 $0x0  }
0x14: {  	s2 =	sld [smem:$0x3F97];
	s0 =	simm.s32 @p1 $0x1  }
0x15: {  	[smem:$0x3FB4] =	sst s0;
	s0 =	simm.s32 @!p2 $0x0  }
0x16: {  	s3 =	sld [smem:$0x3FDB];
	s0 =	simm.s32 @p2 $0x1  }
0x17: {  	s4 =	simm.s32 $0x1BF5;
	[smem:$0x3FB6] =	sst s0  }
0x18: {  	s0 =	sld [smem:$0x3F99];
	_ =	swait.ge [sflag:s4], $0x0  }
0x19: {  	s7 =	sld [smem:$0x3F9A]  }
0x1a: {  	s8 =	sadd.s32 $0xFFFFE003, lr  }
0x1b: {  	s9 =	sadd.s32 $0xFFFFFEF7, lr;
	s5 =	simm.s32 $0xFFFFFFFF;
	p2 =	slt.u32 s8, $0xFFFFF086  }
0x1c: {  	p1 =	slt.u32 s9, $0xF7A;
	s5 =	simm.s32 @!p2 $0x0  }
0x1d: {  	s5 =	simm.s32 @p1 $0x1;
	p0 =	seq.s32 s7, s2  }
0x1e: {  	s7 =	smul.u32 @!p0 $0xF7A, s2;
	p2 =	seq.s32 @!p0 s5, $0x0  }
0x1f: {  	s9 =	smul.u32 $0xF7A, s1;
	s8 =	simm.s32 @!p0 $0x1BF5;
	p2 =	por !p2, p0  }
0x20: {  	[sflag:s8] =	ssyncset.s32 @!p0 $0xFFFFF086;
	s6 =	sadd.s32 @!p0 s3, s7;
	s7 =	simm.s32 @!p0 $0x108  }
0x21: {  	s3 =	sadd.s32 s3, s9;
	s6 =	sadd.s32 @!p0 $0x88, s6;
	s7 =	simm.s32 @p2 $0x1082  }
0x22: {  	[simem:s7], [sflag:s8] =	dma.local @!p0 [hbm:s6], $0xF7A  }
0x23: {  	s9 =	sor.u32 $0xD0000000, s2;
	s6 =	simm.s32 $0x108;
	_ =	swait.ge @!p0 [sflag:s8], $0x0  }
0x24: {  	s3 =	sadd.s32 $0x88, s3;
	s6 =	simm.s32 @!p1 $0x1082;
	[sflag:s4] =	ssyncset.s32 $0xFFFFF086  }
0x25: {  	[simem:s6], [sflag:s4] =	dma.local [hbm:s3], $0xF7A  }
0x26: {  	[smem:$0x3F9A] =	sst s1;
	(tag) =	ssettag s2;
	_ =	strace s9  }
0x27: {  	s1 =	sld [smem:$0x3FAA]  }
0x28: {  	s2 =	sld [smem:$0x3FAB]  }
0x29: {  	s4 =	sld [smem:$0x3FAD]  }
0x2a: {  	p0 =	seq.s32 s5, $0x0;
	s5 =	sld [smem:$0x3FAE]  }
0x2b: {  	s6 =	sld [smem:$0x3FAF]  }
0x2c: {  	s7 =	sld [smem:$0x3FB0]  }
0x2d: {  	s3 =	simm.s32 $0x108;
	s8 =	sld [smem:$0x3FB1]  }
0x2e: {  	s3 =	simm.s32 @!p0 $0x1082;
	s9 =	sld [smem:$0x3FB2]  }
0x2f: {  	lr =	sadd.s32 s0, s3;
	s0 =	sld [smem:$0x3FA9]  }
0x30: {  	s3 =	sld [smem:$0x3FAC]  }
0x31: {  	[smem:$0x3FB5] =	sst s10  }
0x32: {  	s10 =	sld [smem:$0x3FB3];
	_ =	sdelay $0x3  }
0x33: {  	p0 =	seq.s32 s10, $0x1;
	s10 =	sld [smem:$0x3FB5];
	_ =	sdelay $0x3  }
0x34: {  	[smem:$0x3FB5] =	sst s10  }
0x35: {  	s10 =	sld [smem:$0x3FB4];
	_ =	sdelay $0x3  }
0x36: {  	p1 =	seq.s32 s10, $0x1;
	s10 =	sld [smem:$0x3FB5];
	_ =	sdelay $0x3  }
0x37: {  	[smem:$0x3FB5] =	sst s10  }
0x38: {  	s10 =	sld [smem:$0x3FB6]  }
0x39: {  	_ = 	snop;
	(pc) =	sbr.ind lr, $3  }
0x3a: {  	_ = 	snop  }
0x3b: {  	_ = 	snop  }
0x3c: {  	p2 =	seq.s32 s10, $0x1;
	s10 =	sld [smem:$0x3FB5]  }
0x3d: {  	_ =	shalt  }
0x3e: {  	_ =	shalt  }
0x3f: {  	_ =	shalt  }
0x40: {  	_ =	shalt  }
0x41: {  	_ =	shalt  }
0x42: {  	_ =	shalt  }
0x43: {  	_ =	shalt  }
0x44: {  	_ =	shalt  }
0x45: {  	_ =	shalt  }
0x46: {  	_ =	shalt  }
0x47: {  	_ =	shalt  }
0x48: {  	_ =	shalt  }
0x49: {  	_ =	shalt  }
0x4a: {  	_ =	shalt  }
0x4b: {  	_ =	shalt  }
0x4c: {  	_ =	shalt  }
0x4d: {  	_ =	shalt  }
0x4e: {  	_ =	shalt  }
0x4f: {  	_ =	shalt  }
0x50: {  	_ =	shalt  }
0x51: {  	_ =	shalt  }
0x52: {  	_ =	shalt  }
0x53: {  	_ =	shalt  }
0x54: {  	_ =	shalt  }
0x55: {  	_ =	shalt  }
0x56: {  	_ =	shalt  }
0x57: {  	_ =	shalt  }
0x58: {  	_ =	shalt  }
0x59: {  	_ =	shalt  }
0x5a: {  	_ =	shalt  }
0x5b: {  	_ =	shalt  }
0x5c: {  	_ =	shalt  }
0x5d: {  	_ =	shalt  }
0x5e: {  	_ =	shalt  }
0x5f: {  	_ =	shalt  }
0x60: {  	_ =	shalt  }
0x61: {  	_ =	shalt  }
0x62: {  	_ =	shalt  }
0x63: {  	_ =	shalt  }
0x64: {  	_ =	shalt  }
0x65: {  	_ =	shalt  }
0x66: {  	_ =	shalt  }
0x67: {  	_ =	shalt  }
0x68: {  	_ =	shalt  }
0x69: {  	_ =	shalt  }
0x6a: {  	_ =	shalt  }
0x6b: {  	_ =	shalt  }
0x6c: {  	_ =	shalt  }
0x6d: {  	_ =	shalt  }
0x6e: {  	_ =	shalt  }
0x6f: {  	_ =	shalt  }
0x70: {  	_ =	shalt  }
0x71: {  	_ =	shalt  }
0x72: {  	_ =	shalt  }
0x73: {  	_ =	shalt  }
0x74: {  	_ =	shalt  }
0x75: {  	_ =	shalt  }
0x76: {  	_ =	shalt  }
0x77: {  	_ =	shalt  }
0x78: {  	_ =	shalt  }
0x79: {  	_ =	shalt  }
0x7a: {  	_ =	shalt  }
0x7b: {  	_ =	shalt  }
0x7c: {  	_ =	shalt  }
0x7d: {  	_ =	shalt  }
0x7e: {  	_ =	shalt  }
0x7f: {  	_ =	shalt  }
0x80: {  	_ =	shalt  }
0x81: {  	_ =	shalt  }
0x82: {  	_ =	shalt  }
0x83: {  	_ =	shalt  }
0x84: {  	_ =	shalt  }
0x85: {  	_ =	shalt  }
0x86: {  	_ =	shalt  }
0x87: {  	_ =	shalt  }
.Lfunc_end0:
.L_simem_size_0:
called_computation.2_lowered:
.L_overlay_start_0:
0x88: {  	s2 =	sld [smem:$0x3FD9]  }
0x89: {  	s3 =	sld [smem:$0x3FFE];
	_ =	sdelay $0x1  }
0x8a: {  	s1 =	srdreg.scid  }
0x8b: {  	s0 =	sand.u32 $0x1, s1  }
0x8c: {  	s17 =	sshll.u32 s0, $0xA;
	s2 =	sadd.s32 s3, s2  }
0x8d: {  	s2 =	sadd.s32 s2, s17  }
0x8e: {  	[smem:$0x3FC1] =	sst s2  }
0x8f: {  	_ = 	snop  }
0x90: {  	s2 =	sld [smem:$0x3FD0];
	(tm) =	ssettm $0x1  }
0x91: {  	s18 =	sld [smem:$0x3FFB];
	_ =	sdelay $0x3  }
0x92: {  	_ =	strace s18  }
0x93: {  	s3 =	sld [smem:$0x3FFC];
	_ =	sdelay $0x3  }
0x94: {  	_ =	strace s3  }
0x95: {  	s3 =	sld [smem:$0x3FFD];
	_ =	sdelay $0x3  }
0x96: {  	_ =	strace s3  }
0x97: {  	_ =	strace $0x8FFFFFFF  }
0x98: {  	s19 =	sld [smem:$0x3FDB];
	_ =	sdelay $0x1  }
0x99: {  	s4 =	simm.s32 $_scs_section_size  }
0x9a: {  	s5 =	simm.s32 $_size__tile_overlayer_lowered;
	s6 =	simm.s32 $_tile_overlayer_lowered  }
0x9b: {  	s22 =	simm.s32 $0x1BFF;
	s21 =	sshll.u32 s6, $0x1;
	s3 =	sadd.s32 s4, s19  }
0x9c: {  	s7 =	simm.s32 $0x0;
	s20 =	sshll.u32 s5, $0x1;
	s5 =	sadd.s32 s21, s3  }
0x9d: {  	[timem:s7], [sflag:s22] =	dma.local [hbm:s5], s20  }
0x9e: {  	_ =	swait.ge [sflag:s22], s20  }
0x9f: {  	s4 =	ssub.s32 $0x0, s20;
	[sflag:s22] =	ssyncset.done $0x0  }
0xa0: {  	[sflag:s22] =	ssyncadd.s32 s4;
	_ =	sdelay $0x1  }
0xa1: {  	s23 =	simm.s32 $0x1B8B  }
0xa2: {  	_ =	swait.ge [sflag:s23], $0x1  }
0xa3: {  	[sflag:s23] =	ssyncset.done $0x0  }
0xa4: {  	s25 =	simm.s32 $0x1B8E;
	s24 =	sld [smem:$0x3FFE];
	[sflag:s23] =	ssyncadd.s32 $0xFFFFFFFF  }
0xa5: {  	s26 =	simm.s32 $execute0_lowered;
	[smem:$0x3FD2] =	sst s25  }
0xa6: {  	s5 =	sshll.u32 s26, $0x1;
	_ =	strace $0x8000004C;
	[dreg:$0x1] =	wrdreg $0xFFFFFFFF  }
0xa7: {  	s28 =	simm.s32 $_size_execute0_lowered;
	s3 =	sadd.s32 s3, s5;
	[dreg:$0x0] =	wrdreg $0x0  }
0xa8: {  	s5 =	sshll.u32 s28, $0x1;
	[dreg:$0x2] =	wrdreg s3  }
0xa9: {  	[dreg:$0x3] =	wrdreg s5  }
0xaa: {  	[dreg:$0x4] =	wrdreg $0xC0  }
0xab: {  	_ =	task [dreg:s7], $0x5FFFF  }
0xac: {  	[dreg:$0x1] =	wrdreg $0xFFFFFFFF  }
0xad: {  	[dreg:$0x0] =	wrdreg $0x60  }
0xae: {  	[dreg:$0x2] =	wrdreg s24  }
0xaf: {  	[dreg:$0x3] =	wrdreg s2  }
0xb0: {  	[dreg:$0x4] =	wrdreg $0x0  }
0xb1: {  	[dreg:$0x5] =	wrdreg $0x9  }
0xb2: {  	_ =	task.clear_ibuf [dreg:s7], $0x6FFFF;
	_ =	strace $0x9000004C  }
0xb3: {  	s29 =	simm.s32 $0x9;
	_ =	strace $0x8000004E  }
0xb4: {  	_ =	swait.ge [sflag:s29], $0x1  }
0xb5: {  	[sflag:s29] =	ssyncadd.s32 $0xFFFFFFFF  }
0xb6: {  	_ =	strace $0x9000004E  }
0xb7: {  	_ =	sfence  }
0xb8: {  	s30 =	sld [smem:$0x0];
	_ =	sdelay $0x2  }
0xb9: {  	s31 =	sshll.u32 s1, $0xD;
	s1 =	sshrl.u32 s1, $0x2  }
0xba: {  	s3 =	sand.u32 $0x4000, s31;
	s1 =	sadd.s32 s1, s30  }
0xbb: {  	s0 =	sor.u32 s3, s0;
	s1 =	sshll.u32 s1, $0x11  }
0xbc: {  	s0 =	sor.u32 s1, s0  }
0xbd: {  	s0 =	sadd.s32 $0x8F2B, s0  }
0xbe: {  	[sflag:s0] =	ssyncadd.remote.s32 $0x1  }
0xbf: {  	_ =	sfence.sel $0xFFFF  }
0xc0: {  	[dreg:$0x0] =	wrdreg $0xFFFFFFFF;
	(pc) =	sbr.abs _section_cstart, $3  }
0xc1: {  	[dreg:$0x1] =	wrdreg $0xFFFFFFFF  }
0xc2: {  	_ =	task.clear_ibuf [dreg:s7], $0x2FFFF;
	_ =	strace $0x9FFFFFFF  }
0xc3: {  	(tm) =	ssettm $0x7FFFFFFF  }
tec
execute0_lowered:
.L_overlay_start_1:
0x0: {  	(tag) =	ssettag $0x1  }
0x1: {  	s0 =	rddreg [dreg:$0x0]  }
0x2: {  	s1 =	rddreg [dreg:$0x1]  }
0x3: {  	s2 =	rddreg [dreg:$0x2];
	s11 =	stileid.u32  }
0x4: {  	s3 =	srdreg.scid;
	s4 =	simm.s32 $0x0;
	s7 =	smul.u32 $0x14000, s11  }
0x5: {  	s28 =	simm.s32 $0xD;
	s31 =	simm.s32 $0x14100;
	s9 =	smul.u32 $0x50000, s11  }
0x6: {  	s29 =	simm.s32 $0x0;
	s3 =	sand.u32 $0x1, s3;
	s15 =	smul.u32 $0x2760, s11  }
0x7: {  	[smem:$0x7FF] =	sst s4;
	s5 =	sadd.s32 $0xD200, s0;
	s6 =	smul.u32 $0x140000, s3  }
0x8: {  	_ =	strace $0x8000004D;
	s8 =	sshll.u32 s3, $0x4;
	s10 =	ssub.s32 $0x2, s3  }
0x9: {  	s3 =	smul.u32 $0x27600, s3;
	s8 =	sor.u32 s11, s8;
	s25 =	sshrl.u32 s9, $0x2  }
0xa: {  	s26 =	sshrl.u32 s10, $0x1;
	s7 =	sadd.s32 s7, s6;
	s6 =	sadd.s32 $0x3400, s0  }
0xb: {  	s8 =	smul.u32 $0x2760, s8;
	s20 =	sadd.s32 s25, s2;
	s9 =	ssub.s32 s10, s26  }
0xc: {  	s21 =	sadd.s32 s15, s3;
	s17 =	smax.u32 s9, $0x1;
	[dreg:$0x4] =	wrdreg s20  }
0xd: {  	s10 =	simm.s32 $0x60;
	s18 =	sadd.s32 $0x3000, s20;
	[dreg:$0xc] =	wrdreg s17  }
0xe: {  	s15 =	simm.s32 $0x1A300;
	s19 =	sadd.s32 $0x6000, s20;
	[dreg:$0xd] =	wrdreg s18  }
0xf: {  	s7 =	sshrl.u32 s7, $0x3;
	s22 =	sadd.s32 $0x9000, s20;
	[dreg:$0xe] =	wrdreg s19  }
0x10: {  	s23 =	sadd.s32 $0xC000, s20;
	s24 =	sadd.s32 $0x180, s21;
	[dreg:$0xf] =	wrdreg s22  }
0x11: {  	s25 =	sadd.s32 $0xF000, s20;
	s26 =	sadd.s32 $0x120, s21;
	[dreg:$0x10] =	wrdreg s23  }
0x12: {  	s9 =	simm.s32 $0x6;
	s0 =	sadd.s32 s7, s0;
	[dreg:$0x11] =	wrdreg s25  }
0x13: {  	s8 =	sshrl.u32 s8, $0x3;
	s7 =	sadd.s32 $0x12000, s20;
	[dreg:$0x12] =	wrdreg s26  }
0x14: {  	s3 =	sshrl.u32 s24, $0x3;
	s26 =	simm.s32 $0x14300;
	s17 =	simm.s32 $0x8  }
0x15: {  	s18 =	simm.s32 $0x9;
	[dreg:$0x5] =	wrdreg s7;
	s30 =	sadd.s32 $0xC, s8  }
0x16: {  	s13 =	sadd.s32 s1, s8;
	s14 =	sadd.s32 s6, s8;
	s0 =	sadd.s32 $0x34400, s0  }
0x17: {  	s22 =	sadd.s32 s3, s6;
	s8 =	sadd.s32 $0x1E0, s21;
	[dreg:$0x6] =	wrdreg s13  }
0x18: {  	s23 =	sadd.s32 s3, s1;
	s3 =	simm.s32 $0x14200;
	[dreg:$0x9] =	wrdreg s14  }
0x19: {  	s12 =	sadd.s32 s1, s30;
	s7 =	sadd.s32 $0x18, s13;
	[dreg:$0xb] =	wrdreg s0  }
.Ltmp0:
0x1a: {  	s16 =	sadd.s32 s6, s30;
	[dreg:$0x7] =	wrdreg s12;
	(pc) =	sbr.rel .LBB2_1-.Ltmp0, $4  }
0x1b: {  	s0 =	sadd.s32 $0xC0, s21;
	s30 =	sshrl.u32 s8, $0x3;
	[dreg:$0x8] =	wrdreg s7  }
0x1c: {  	s13 =	simm.s32 $0x1;
	s14 =	simm.s32 $0x14280;
	[dreg:$0xa] =	wrdreg s16  }
0x1d: {  	s0 =	sshrl.u32 s0, $0x3;
	s24 =	sadd.s32 s30, s1;
	s12 =	simm.s32 $0x17300  }
0x1e: {  	v0 =	vimm.f32 $0.0e+00;
	s16 =	simm.s32 $0x7;
	s25 =	sadd.s32 s0, s6;
	s0 =	simm.s32 $0x14180  }
.LBB2_6:
0x1f: {  	s7 =	simm.s32 $0xA  }
0x20: {  	_ =	swait.ge [sflag:s7], $0x3000  }
0x21: {  	[sflag:s7] =	ssyncset.done $0x0  }
0x22: {  	s19 =	simm.s32 $0xB;
	[sflag:s7] =	ssyncadd.s32 $0xFFFFD000  }
0x23: {  	_ =	swait.ge [sflag:s19], $0x3000  }
0x24: {  	[sflag:s19] =	ssyncset.done $0x0  }
0x25: {  	s20 =	simm.s32 $0xC;
	[sflag:s19] =	ssyncadd.s32 $0xFFFFD000  }
0x26: {  	_ =	swait.ge [sflag:s20], $0x3000  }
0x27: {  	[sflag:s20] =	ssyncset.done $0x0  }
0x28: {  	[sflag:s20] =	ssyncadd.s32 $0xFFFFD000  }
0x29: {  	s21 =	stileid.u32;
	[bflag:$0x0] =	sbarrier.arrive $0xFFFF  }
0x2a: {  	s7 =	sshll.u32 s21, $0x6;
	s20 =	rddreg [dreg:$0x4]  }
0x2b: {  	s7 =	sor.u32 $0x1C0D, s7;
	s11 =	rddreg [dreg:$0xb];
	s8 =	sshrl.u32 s20, $0x3  }
0x2c: {  	[hbm:s11], [sflag:s7] =	dma.local [spmem:s8], $0x2800  }
0x2d: {  	_ =	swait.ge [sflag:s28], $0x2800  }
0x2e: {  	s29 =	sadd.s32 $0x1, s29;
	s30 =	rddreg [dreg:$0xc]  }
0x2f: {  	p0 =	sne.s32 s29, s30  }
.Ltmp1:
0x30: {  	_ = 	snop;
	(pc) =	sbr.rel @!p0 .LBB2_7-.Ltmp1, $3  }
0x31: {  	_ =	sdelay $0x1  }
0x32: {  	[sflag:s28] =	ssyncset.done $0x0  }
0x33: {  	[sflag:s28] =	ssyncadd.s32 $0xFFFFD800  }
.LBB2_1:
0x34: {  	s8 =	sand.u32 $0xFE00, s4  }
0x35: {  	s11 =	sand.u32 $0x70, s4;
	s30 =	sshrl.u32 s8, $0x2  }
0x36: {  	s8 =	simm.s32 $0x40;
	s11 =	sor.u32 s11, s30;
	s30 =	simm.s32 $0x0  }
.LBB2_2:
0x37: {  	p0 =	sne.s32 s8, $0xBFC0  }
0x38: {  	[tilespmem:s11+$0x14300] =	vst v0;
	s30 =	sadd.s32 $0x10, s30;
	s11 =	smov.u32 s8;
	s8 =	sadd.s32 $0x40, s8  }
.Ltmp2:
0x39: {  	(pc) =	sbr.rel @p0 .LBB2_2-.Ltmp2, $4  }
0x3a: {  	_ = 	snop  }
0x3b: {  	s11 =	sand.u32 $0xFE00, s11  }
0x3c: {  	s19 =	sand.u32 $0x70, s30;
	s11 =	sshrl.u32 s11, $0x2  }
0x3d: {  	s11 =	sor.u32 s19, s11  }
0x3e: {  	[tilespmem:s11+$0x14300] =	vst v0  }
0x3f: {  	[spmem:s20] =	stream.linear.scatter [tilespmem:s26], [sflag:$0xD], $0x3000, $0x38;
	[tilespmem:$0x1D300] =	vst v63  }
0x40: {  	_ =	swait.ge [sflag:s28], $0x3000  }
0x41: {  	[sflag:s28] =	ssyncset.done $0x0  }
0x42: {  	s7 =	rddreg [dreg:$0xd];
	[sflag:s28] =	ssyncadd.s32 $0xFFFFD000  }
0x43: {  	[spmem:s7] =	stream.linear.scatter [tilespmem:s26], [sflag:$0xD], $0x3000, $0x38;
	[tilespmem:$0x1D300] =	vst v63  }
0x44: {  	_ =	swait.ge [sflag:s28], $0x3000  }
0x45: {  	[sflag:s28] =	ssyncset.done $0x0  }
0x46: {  	s11 =	rddreg [dreg:$0xe];
	[sflag:s28] =	ssyncadd.s32 $0xFFFFD000  }
0x47: {  	[spmem:s11] =	stream.linear.scatter [tilespmem:s26], [sflag:$0xD], $0x3000, $0x38;
	[tilespmem:$0x1D300] =	vst v63  }
0x48: {  	_ =	swait.ge [sflag:s28], $0x3000  }
0x49: {  	[sflag:s28] =	ssyncset.done $0x0  }
0x4a: {  	s19 =	rddreg [dreg:$0xf];
	[sflag:s28] =	ssyncadd.s32 $0xFFFFD000  }
0x4b: {  	[spmem:s19] =	stream.linear.scatter [tilespmem:s26], [sflag:$0xD], $0x3000, $0x38;
	[tilespmem:$0x1D300] =	vst v63  }
0x4c: {  	_ =	swait.ge [sflag:s28], $0x3000  }
0x4d: {  	[sflag:s28] =	ssyncset.done $0x0  }
0x4e: {  	s20 =	rddreg [dreg:$0x10];
	[sflag:s28] =	ssyncadd.s32 $0xFFFFD000  }
0x4f: {  	[spmem:s20] =	stream.linear.scatter [tilespmem:s26], [sflag:$0xD], $0x3000, $0x38;
	[tilespmem:$0x1D300] =	vst v63  }
0x50: {  	_ =	swait.ge [sflag:s28], $0x3000  }
0x51: {  	[sflag:s28] =	ssyncset.done $0x0  }
0x52: {  	s21 =	rddreg [dreg:$0x11];
	[sflag:s28] =	ssyncadd.s32 $0xFFFFD000  }
0x53: {  	[spmem:s21] =	stream.linear.scatter [tilespmem:s26], [sflag:$0xD], $0x3000, $0x38;
	[tilespmem:$0x1D300] =	vst v63  }
0x54: {  	_ =	swait.ge [sflag:s28], $0x3000  }
0x55: {  	[sflag:s28] =	ssyncset.done $0x0  }
0x56: {  	s8 =	rddreg [dreg:$0x5];
	[sflag:s28] =	ssyncadd.s32 $0xFFFFD000  }
0x57: {  	[spmem:s8] =	stream.linear.scatter [tilespmem:s26], [sflag:$0xD], $0x2000, $0x38;
	[tilespmem:$0x1D300] =	vst v63  }
0x58: {  	_ =	swait.ge [sflag:s28], $0x2000  }
0x59: {  	s30 =	simm.s32 $0x0;
	[sflag:s28] =	ssyncset.done $0x0  }
0x5a: {  	s8 =	simm.s32 $0x14000;
	s11 =	rddreg [dreg:$0x6];
	[sflag:s28] =	ssyncadd.s32 $0xFFFFE000  }
0x5b: {  	[tilespmem:s8], [sflag:$0x4] =	stream.linear.gather [hbm4b:s11+s30], $0x60, $0x38;
	[tilespmem:$0x1D300] =	vst v63  }
0x5c: {  	s19 =	rddreg [dreg:$0x7];
	s11 =	simm.s32 $0x14080  }
0x5d: {  	[tilespmem:s11], [sflag:$0x5] =	stream.linear.gather [hbm4b:s19+s30], $0x60, $0x38;
	[tilespmem:$0x1D300] =	vst v63  }
0x5e: {  	s20 =	rddreg [dreg:$0x8]  }
0x5f: {  	[tilespmem:s31], [sflag:$0x6] =	stream.linear.gather [hbm4b:s20+s30], $0x60, $0x38;
	[tilespmem:$0x1D300] =	vst v63  }
0x60: {  	s21 =	rddreg [dreg:$0x9]  }
0x61: {  	[tilespmem:s0], [sflag:$0x7] =	stream.linear.gather [hbm4b:s21+s30], $0x60, $0x38;
	[tilespmem:$0x1D300] =	vst v63  }
0x62: {  	s19 =	rddreg [dreg:$0xa];
	s20 =	simm.s32 $0x4  }
0x63: {  	[tilespmem:s3], [sflag:$0x8] =	stream.linear.gather [hbm4b:s19+s30], $0x60, $0x38;
	[tilespmem:$0x1D300] =	vst v63  }
0x64: {  	_ =	swait.ge [sflag:s20], $0x60  }
0x65: {  	[sflag:s20] =	ssyncset.done $0x0  }
0x66: {  	s21 =	simm.s32 $0x5;
	[sflag:s20] =	ssyncadd.s32 $0xFFFFFFA0  }
0x67: {  	[tilespmem:s26], [sflag:$0x1] =	stream.indirect.gather [hbm4b:s5+s10], $0x80, s8, s10, $0xb8;
	[tilespmem:$0x1D300] =	vst v63  }
0x68: {  	_ =	swait.ge [sflag:s21], $0x60  }
0x69: {  	[sflag:s21] =	ssyncset.done $0x0  }
0x6a: {  	[sflag:s21] =	ssyncadd.s32 $0xFFFFFFA0  }
0x6b: {  	[tilespmem:s12], [sflag:$0x2] =	stream.indirect.gather [hbm4b:s5+s10], $0x80, s11, s10, $0xb8;
	[tilespmem:$0x1D300] =	vst v63  }
0x6c: {  	[bflag:$0x0] =	sbarrier.arrive $0xFFFF  }
0x6d: {  	s8 =	rddreg [dreg:$0x12]  }
.LBB2_4:
0x6e: {  	_ =	swait.ge [sflag:s13], $0x3000  }
0x6f: {  	p0 =	seq.s32 s30, $0x0;
	[sflag:s13] =	ssyncset.done $0x0  }
0x70: {  	s11 =	simm.s32 @!p0 $0xC;
	[sflag:s13] =	ssyncadd.s32 $0xFFFFD000  }
0x71: {  	_ =	swait.ge @!p0 [sflag:s11], $0x3000  }
0x72: {  	[sflag:s11] =	ssyncset.done @!p0 $0x0  }
0x73: {  	s21 =	sadd.s32 s30, s25;
	[sflag:s11] =	ssyncadd.s32 @!p0 $0xFFFFD000  }
0x74: {  	[tilespmem:s14], [sflag:$0x9] =	stream.linear.gather [hbm4b:s21+s4], $0x60, $0x38;
	[tilespmem:$0x1D300] =	vst v63  }
0x75: {  	_ =	swait.ge [sflag:s9], $0x60  }
0x76: {  	[sflag:s9] =	ssyncset.done $0x0  }
0x77: {  	[sflag:s9] =	ssyncadd.s32 $0xFFFFFFA0  }
0x78: {  	[tilespmem:s15], [sflag:$0x3] =	stream.indirect.gather [hbm4b:s5+s10], $0x80, s31, s10, $0xb8;
	[tilespmem:$0x1D300] =	vst v63  }
0x79: {  	_ =	swait.ge [sflag:s16], $0x60  }
0x7a: {  	p0 =	sne.s32 s30, $0x4C8;
	[sflag:s16] =	ssyncset.done $0x0  }
0x7b: {  	s11 =	sshrl.u32 @p0 s8, $0x3;
	[sflag:s16] =	ssyncadd.s32 $0xFFFFFFA0  }
0x7c: {  	[spmem:s2] =	stream.indirect.scatter.add.f32 [tilespmem:s26], [sflag:$0xA], $0x80, s0, s10, $0xb8;
	[tilespmem:$0x1D300] =	vst v63  }
0x7d: {  	s20 =	simm.s32 @p0 $0x0;
	s21 =	simm.s32 @p0 $0x14000;
	s19 =	sadd.s32 @p0 s1, s11  }
0x7e: {  	[tilespmem:s21], [sflag:$0x4] =	stream.linear.gather @p0 [hbm4b:s19+s20], $0x60, $0x38;
	[tilespmem:$0x1D300] =	vst v63  }
0x7f: {  	s19 =	simm.s32 @p0 $0x2  }
0x80: {  	_ =	swait.ge @p0 [sflag:s19], $0x3000  }
0x81: {  	[sflag:s19] =	ssyncset.done @p0 $0x0  }
0x82: {  	[sflag:s19] =	ssyncadd.s32 @p0 $0xFFFFD000;
	s19 =	simm.s32 @p0 $0xA  }
0x83: {  	_ =	swait.ge @p0 [sflag:s19], $0x3000  }
0x84: {  	[sflag:s19] =	ssyncset.done @p0 $0x0  }
0x85: {  	s11 =	sadd.s32 @p0 s6, s11;
	[sflag:s19] =	ssyncadd.s32 @p0 $0xFFFFD000;
	s19 =	simm.s32 @p0 $0x14180  }
0x86: {  	[tilespmem:s19], [sflag:$0x7] =	stream.linear.gather @p0 [hbm4b:s11+s20], $0x60, $0x38;
	[tilespmem:$0x1D300] =	vst v63  }
0x87: {  	s11 =	simm.s32 @p0 $0x4  }
0x88: {  	_ =	swait.ge @p0 [sflag:s11], $0x60  }
0x89: {  	[sflag:s11] =	ssyncset.done @p0 $0x0  }
0x8a: {  	s19 =	simm.s32 @p0 $0x14300;
	[sflag:s11] =	ssyncadd.s32 @p0 $0xFFFFFFA0;
	s11 =	simm.s32 @p0 $0x60  }
0x8b: {  	[tilespmem:s19], [sflag:$0x1] =	stream.indirect.gather @p0 [hbm4b:s5+s11], $0x80, s21, s11, $0xb8;
	[tilespmem:$0x1D300] =	vst v63  }
0x8c: {  	s19 =	simm.s32 @!p0 $0x2  }
0x8d: {  	_ =	swait.ge @!p0 [sflag:s19], $0x3000  }
0x8e: {  	[sflag:s19] =	ssyncset.done @!p0 $0x0  }
0x8f: {  	[sflag:s19] =	ssyncadd.s32 @!p0 $0xFFFFD000  }
0x90: {  	_ =	swait.ge [sflag:s17], $0x60  }
0x91: {  	[sflag:s17] =	ssyncset.done $0x0  }
0x92: {  	[sflag:s17] =	ssyncadd.s32 $0xFFFFFFA0  }
0x93: {  	[spmem:s2] =	stream.indirect.scatter.add.f32 [tilespmem:s12], [sflag:$0xB], $0x80, s3, s10, $0xb8;
	[tilespmem:$0x1D300] =	vst v63  }
0x94: {  	s21 =	simm.s32 @p0 $0x14080;
	s19 =	sadd.s32 @p0 s30, s23  }
0x95: {  	[tilespmem:s21], [sflag:$0x5] =	stream.linear.gather @p0 [hbm4b:s19+s20], $0x60, $0x38;
	[tilespmem:$0x1D300] =	vst v63  }
0x96: {  	s19 =	simm.s32 @p0 $0x3  }
0x97: {  	_ =	swait.ge @p0 [sflag:s19], $0x3000  }
0x98: {  	[sflag:s19] =	ssyncset.done @p0 $0x0  }
0x99: {  	[sflag:s19] =	ssyncadd.s32 @p0 $0xFFFFD000;
	s19 =	simm.s32 @p0 $0xB  }
0x9a: {  	_ =	swait.ge @p0 [sflag:s19], $0x3000  }
0x9b: {  	[sflag:s19] =	ssyncset.done @p0 $0x0  }
0x9c: {  	s7 =	simm.s32 @p0 $0x14200;
	[sflag:s19] =	ssyncadd.s32 @p0 $0xFFFFD000;
	s19 =	sadd.s32 @p0 s30, s22  }
0x9d: {  	[tilespmem:s7], [sflag:$0x8] =	stream.linear.gather @p0 [hbm4b:s19+s20], $0x60, $0x38;
	[tilespmem:$0x1D300] =	vst v63  }
0x9e: {  	s7 =	simm.s32 @p0 $0x5  }
0x9f: {  	_ =	swait.ge @p0 [sflag:s7], $0x60  }
0xa0: {  	[sflag:s7] =	ssyncset.done @p0 $0x0  }
0xa1: {  	[sflag:s7] =	ssyncadd.s32 @p0 $0xFFFFFFA0;
	s7 =	simm.s32 @p0 $0x17300  }
0xa2: {  	[tilespmem:s7], [sflag:$0x2] =	stream.indirect.gather @p0 [hbm4b:s5+s11], $0x80, s21, s11, $0xb8;
	[tilespmem:$0x1D300] =	vst v63  }
0xa3: {  	s7 =	simm.s32 @!p0 $0x3  }
0xa4: {  	_ =	swait.ge @!p0 [sflag:s7], $0x3000  }
0xa5: {  	[sflag:s7] =	ssyncset.done @!p0 $0x0  }
0xa6: {  	[sflag:s7] =	ssyncadd.s32 @!p0 $0xFFFFD000;
	p0 =	seq.s32 s30, $0x4C8  }
.Ltmp3:
0xa7: {  	_ = 	snop;
	(pc) =	sbr.rel @p0 .LBB2_6-.Ltmp3, $4  }
0xa8: {  	_ =	swait.ge [sflag:s18], $0x60  }
0xa9: {  	[sflag:s18] =	ssyncset.done $0x0  }
0xaa: {  	[sflag:s18] =	ssyncadd.s32 $0xFFFFFFA0  }
0xab: {  	[spmem:s2] =	stream.indirect.scatter.add.f32 [tilespmem:s15], [sflag:$0xC], $0x80, s14, s10, $0xb8;
	[tilespmem:$0x1D300] =	vst v63  }
.Ltmp4:
0xac: {  	(pc) =	sbr.rel .LBB2_4-.Ltmp4, $3  }
0xad: {  	_ =	sdelay $0x1  }
0xae: {  	s7 =	sadd.s32 s30, s24;
	s30 =	sadd.s32 $0x24, s30;
	s8 =	sadd.s32 $0x120, s8  }
0xaf: {  	[tilespmem:s31], [sflag:$0x6] =	stream.linear.gather [hbm4b:s7+s4], $0x60, $0x38;
	[tilespmem:$0x1D300] =	vst v63  }
.LBB2_7:
0xb0: {  	_ =	sfence.sel $0x180000  }
0xb1: {  	[bflag:$0x0] =	sbarrier.arrive $0xFFFF  }
0xb2: {  	_ =	strace $0x9000004D  }
0xb3: {  	s0 =	stileid.u32;
	[bflag:$0x2] =	sbarrier.arrive $0xFFFF  }
0xb4: {  	p0 =	sne.s32 s0, $0x0;
	s0 =	rddreg [dreg:$0x3]  }
0xb5: {  	s0 =	sadd.s32 @!p0 $0x100000, s0  }
0xb6: {  	[sflag:s0] =	ssyncadd.tile.s32 @!p0 $0x1;
	_ =	shalt  }
.Lfunc_end2:
_tile_overlayer_lowered:
.L_overlay_start_2:
0xb7: {  	(tag) =	ssettag $0x2  }
0xb8: {  	s0 =	rddreg [dreg:$0x0];
	s2 =	stileid.u32  }
0xb9: {  	s1 =	rddreg [dreg:$0x1];
	p0 =	sne.s32 s2, $0x0  }
0xba: {  	s3 =	rddreg [dreg:$0x2];
	[bflag:$0x3] =	sbarrier.arrive $0xFFFF;
	s2 =	simm.s32 @!p0 $0x1C0D  }
0xbb: {  	[timem:s3], [sflag:s2] =	dma.local @!p0 [hbm:s0], s1  }
0xbc: {  	s0 =	simm.s32 @!p0 $0xD  }
0xbd: {  	_ =	swait.ge @!p0 [sflag:s0], s1  }
0xbe: {  	s1 =	ssub.s32 @!p0 $0x0, s1;
	[sflag:s0] =	ssyncset.done @!p0 $0x0  }
0xbf: {  	[sflag:s0] =	ssyncadd.s32 @!p0 s1  }
0xc0: {  	[bflag:$0x3] =	sbarrier.arrive $0xFFFF  }
0xc1: {  	_ =	shalt  }

// kernel: kernel.21.cloned.1.call-start
scs
__scs_entry_jumppad:
0x0: {  	(pc) =	sbr.rel $0x88, $3  }
0x1: {  	(tag) =	ssettag $0x0;
	lr =	simm.s32 $0x1  }
0x2: {  	[smem:$0x3F9A] =	sst lr;
	_ =	strace $0xD0000000  }
0x3: {  	_ = 	snop  }
0x4: {  	_ = 	snop  }
0x5: {  	_ = 	snop  }
0x6: {  	_ = 	snop  }
0x7: {  	_ = 	snop  }
__scs_overlays_trampoline_lowered:
0x8: {  	[smem:$0x3FA9] =	sst s0  }
0x9: {  	[smem:$0x3FAA] =	sst s1  }
0xa: {  	[smem:$0x3FAB] =	sst s2  }
0xb: {  	[smem:$0x3FAC] =	sst s3  }
0xc: {  	[smem:$0x3FAD] =	sst s4  }
0xd: {  	[smem:$0x3FAE] =	sst s5  }
0xe: {  	[smem:$0x3FAF] =	sst s6  }
0xf: {  	[smem:$0x3FB0] =	sst s7  }
0x10: {  	[smem:$0x3FB1] =	sst s8  }
0x11: {  	[smem:$0x3FB2] =	sst s9;
	s0 =	simm.s32 @!p0 $0x0  }
0x12: {  	s1 =	sld [smem:$0x3F98];
	s0 =	simm.s32 @p0 $0x1  }
0x13: {  	[smem:$0x3FB3] =	sst s0;
	s0 =	simm.s32 @!p1 $0x0  }
0x14: {  	s2 =	sld [smem:$0x3F97];
	s0 =	simm.s32 @p1 $0x1  }
0x15: {  	[smem:$0x3FB4] =	sst s0;
	s0 =	simm.s32 @!p2 $0x0  }
0x16: {  	s3 =	sld [smem:$0x3FDB];
	s0 =	simm.s32 @p2 $0x1  }
0x17: {  	s4 =	simm.s32 $0x1BF5;
	[smem:$0x3FB6] =	sst s0  }
0x18: {  	s0 =	sld [smem:$0x3F99];
	_ =	swait.ge [sflag:s4], $0x0  }
0x19: {  	s7 =	sld [smem:$0x3F9A]  }
0x1a: {  	s8 =	sadd.s32 $0xFFFFE003, lr  }
0x1b: {  	s9 =	sadd.s32 $0xFFFFFEF7, lr;
	s5 =	simm.s32 $0xFFFFFFFF;
	p2 =	slt.u32 s8, $0xFFFFF086  }
0x1c: {  	p1 =	slt.u32 s9, $0xF7A;
	s5 =	simm.s32 @!p2 $0x0  }
0x1d: {  	s5 =	simm.s32 @p1 $0x1;
	p0 =	seq.s32 s7, s2  }
0x1e: {  	s7 =	smul.u32 @!p0 $0xF7A, s2;
	p2 =	seq.s32 @!p0 s5, $0x0  }
0x1f: {  	s9 =	smul.u32 $0xF7A, s1;
	s8 =	simm.s32 @!p0 $0x1BF5;
	p2 =	por !p2, p0  }
0x20: {  	[sflag:s8] =	ssyncset.s32 @!p0 $0xFFFFF086;
	s6 =	sadd.s32 @!p0 s3, s7;
	s7 =	simm.s32 @!p0 $0x108  }
0x21: {  	s3 =	sadd.s32 s3, s9;
	s6 =	sadd.s32 @!p0 $0x88, s6;
	s7 =	simm.s32 @p2 $0x1082  }
0x22: {  	[simem:s7], [sflag:s8] =	dma.local @!p0 [hbm:s6], $0xF7A  }
0x23: {  	s9 =	sor.u32 $0xD0000000, s2;
	s6 =	simm.s32 $0x108;
	_ =	swait.ge @!p0 [sflag:s8], $0x0  }
0x24: {  	s3 =	sadd.s32 $0x88, s3;
	s6 =	simm.s32 @!p1 $0x1082;
	[sflag:s4] =	ssyncset.s32 $0xFFFFF086  }
0x25: {  	[simem:s6], [sflag:s4] =	dma.local [hbm:s3], $0xF7A  }
0x26: {  	[smem:$0x3F9A] =	sst s1;
	(tag) =	ssettag s2;
	_ =	strace s9  }
0x27: {  	s1 =	sld [smem:$0x3FAA]  }
0x28: {  	s2 =	sld [smem:$0x3FAB]  }
0x29: {  	s4 =	sld [smem:$0x3FAD]  }
0x2a: {  	p0 =	seq.s32 s5, $0x0;
	s5 =	sld [smem:$0x3FAE]  }
0x2b: {  	s6 =	sld [smem:$0x3FAF]  }
0x2c: {  	s7 =	sld [smem:$0x3FB0]  }
0x2d: {  	s3 =	simm.s32 $0x108;
	s8 =	sld [smem:$0x3FB1]  }
0x2e: {  	s3 =	simm.s32 @!p0 $0x1082;
	s9 =	sld [smem:$0x3FB2]  }
0x2f: {  	lr =	sadd.s32 s0, s3;
	s0 =	sld [smem:$0x3FA9]  }
0x30: {  	s3 =	sld [smem:$0x3FAC]  }
0x31: {  	[smem:$0x3FB5] =	sst s10  }
0x32: {  	s10 =	sld [smem:$0x3FB3];
	_ =	sdelay $0x3  }
0x33: {  	p0 =	seq.s32 s10, $0x1;
	s10 =	sld [smem:$0x3FB5];
	_ =	sdelay $0x3  }
0x34: {  	[smem:$0x3FB5] =	sst s10  }
0x35: {  	s10 =	sld [smem:$0x3FB4];
	_ =	sdelay $0x3  }
0x36: {  	p1 =	seq.s32 s10, $0x1;
	s10 =	sld [smem:$0x3FB5];
	_ =	sdelay $0x3  }
0x37: {  	[smem:$0x3FB5] =	sst s10  }
0x38: {  	s10 =	sld [smem:$0x3FB6]  }
0x39: {  	_ = 	snop;
	(pc) =	sbr.ind lr, $3  }
0x3a: {  	_ = 	snop  }
0x3b: {  	_ = 	snop  }
0x3c: {  	p2 =	seq.s32 s10, $0x1;
	s10 =	sld [smem:$0x3FB5]  }
0x3d: {  	_ =	shalt  }
0x3e: {  	_ =	shalt  }
0x3f: {  	_ =	shalt  }
0x40: {  	_ =	shalt  }
0x41: {  	_ =	shalt  }
0x42: {  	_ =	shalt  }
0x43: {  	_ =	shalt  }
0x44: {  	_ =	shalt  }
0x45: {  	_ =	shalt  }
0x46: {  	_ =	shalt  }
0x47: {  	_ =	shalt  }
0x48: {  	_ =	shalt  }
0x49: {  	_ =	shalt  }
0x4a: {  	_ =	shalt  }
0x4b: {  	_ =	shalt  }
0x4c: {  	_ =	shalt  }
0x4d: {  	_ =	shalt  }
0x4e: {  	_ =	shalt  }
0x4f: {  	_ =	shalt  }
0x50: {  	_ =	shalt  }
0x51: {  	_ =	shalt  }
0x52: {  	_ =	shalt  }
0x53: {  	_ =	shalt  }
0x54: {  	_ =	shalt  }
0x55: {  	_ =	shalt  }
0x56: {  	_ =	shalt  }
0x57: {  	_ =	shalt  }
0x58: {  	_ =	shalt  }
0x59: {  	_ =	shalt  }
0x5a: {  	_ =	shalt  }
0x5b: {  	_ =	shalt  }
0x5c: {  	_ =	shalt  }
0x5d: {  	_ =	shalt  }
0x5e: {  	_ =	shalt  }
0x5f: {  	_ =	shalt  }
0x60: {  	_ =	shalt  }
0x61: {  	_ =	shalt  }
0x62: {  	_ =	shalt  }
0x63: {  	_ =	shalt  }
0x64: {  	_ =	shalt  }
0x65: {  	_ =	shalt  }
0x66: {  	_ =	shalt  }
0x67: {  	_ =	shalt  }
0x68: {  	_ =	shalt  }
0x69: {  	_ =	shalt  }
0x6a: {  	_ =	shalt  }
0x6b: {  	_ =	shalt  }
0x6c: {  	_ =	shalt  }
0x6d: {  	_ =	shalt  }
0x6e: {  	_ =	shalt  }
0x6f: {  	_ =	shalt  }
0x70: {  	_ =	shalt  }
0x71: {  	_ =	shalt  }
0x72: {  	_ =	shalt  }
0x73: {  	_ =	shalt  }
0x74: {  	_ =	shalt  }
0x75: {  	_ =	shalt  }
0x76: {  	_ =	shalt  }
0x77: {  	_ =	shalt  }
0x78: {  	_ =	shalt  }
0x79: {  	_ =	shalt  }
0x7a: {  	_ =	shalt  }
0x7b: {  	_ =	shalt  }
0x7c: {  	_ =	shalt  }
0x7d: {  	_ =	shalt  }
0x7e: {  	_ =	shalt  }
0x7f: {  	_ =	shalt  }
0x80: {  	_ =	shalt  }
0x81: {  	_ =	shalt  }
0x82: {  	_ =	shalt  }
0x83: {  	_ =	shalt  }
0x84: {  	_ =	shalt  }
0x85: {  	_ =	shalt  }
0x86: {  	_ =	shalt  }
0x87: {  	_ =	shalt  }
.Lfunc_end0:
.L_simem_size_0:
called_computation.3_lowered:
.L_overlay_start_0:
0x88: {  	s2 =	sld [smem:$0x3FD9]  }
0x89: {  	s3 =	sld [smem:$0x3FFE];
	_ =	sdelay $0x1  }
0x8a: {  	s1 =	srdreg.scid  }
0x8b: {  	s0 =	sand.u32 $0x1, s1  }
0x8c: {  	s17 =	sshll.u32 s0, $0xA;
	s2 =	sadd.s32 s3, s2  }
0x8d: {  	s2 =	sadd.s32 s2, s17  }
0x8e: {  	[smem:$0x3FC1] =	sst s2  }
0x8f: {  	_ = 	snop  }
0x90: {  	s2 =	sld [smem:$0x3FD0];
	(tm) =	ssettm $0x1  }
0x91: {  	s18 =	sld [smem:$0x3FFB];
	_ =	sdelay $0x3  }
0x92: {  	_ =	strace s18  }
0x93: {  	s3 =	sld [smem:$0x3FFC];
	_ =	sdelay $0x3  }
0x94: {  	_ =	strace s3  }
0x95: {  	s3 =	sld [smem:$0x3FFD];
	_ =	sdelay $0x3  }
0x96: {  	_ =	strace s3  }
0x97: {  	_ =	strace $0x8FFFFFFF  }
0x98: {  	s19 =	sld [smem:$0x3FDB];
	_ =	sdelay $0x1  }
0x99: {  	s4 =	simm.s32 $_scs_section_size  }
0x9a: {  	s5 =	simm.s32 $_size__tile_overlayer_lowered;
	s6 =	simm.s32 $_tile_overlayer_lowered  }
0x9b: {  	s22 =	simm.s32 $0x1BFF;
	s21 =	sshll.u32 s6, $0x1;
	s3 =	sadd.s32 s4, s19  }
0x9c: {  	s7 =	simm.s32 $0x0;
	s20 =	sshll.u32 s5, $0x1;
	s5 =	sadd.s32 s21, s3  }
0x9d: {  	[timem:s7], [sflag:s22] =	dma.local [hbm:s5], s20  }
0x9e: {  	_ =	swait.ge [sflag:s22], s20  }
0x9f: {  	s4 =	ssub.s32 $0x0, s20;
	[sflag:s22] =	ssyncset.done $0x0  }
0xa0: {  	[sflag:s22] =	ssyncadd.s32 s4;
	_ =	sdelay $0x1  }
0xa1: {  	s23 =	simm.s32 $0x1B8B  }
0xa2: {  	_ =	swait.ge [sflag:s23], $0x1  }
0xa3: {  	[sflag:s23] =	ssyncset.done $0x0  }
0xa4: {  	s25 =	simm.s32 $0x1B8E;
	s24 =	sld [smem:$0x3FFE];
	[sflag:s23] =	ssyncadd.s32 $0xFFFFFFFF  }
0xa5: {  	s26 =	simm.s32 $execute0_lowered;
	[smem:$0x3FD2] =	sst s25  }
0xa6: {  	s5 =	sshll.u32 s26, $0x1;
	_ =	strace $0x8000004F;
	[dreg:$0x1] =	wrdreg $0xFFFFFFFF  }
0xa7: {  	s28 =	simm.s32 $_size_execute0_lowered;
	s3 =	sadd.s32 s3, s5;
	[dreg:$0x0] =	wrdreg $0x0  }
0xa8: {  	s5 =	sshll.u32 s28, $0x1;
	[dreg:$0x2] =	wrdreg s3  }
0xa9: {  	[dreg:$0x3] =	wrdreg s5  }
0xaa: {  	[dreg:$0x4] =	wrdreg $0xC0  }
0xab: {  	_ =	task [dreg:s7], $0x5FFFF  }
0xac: {  	[dreg:$0x1] =	wrdreg $0xFFFFFFFF  }
0xad: {  	[dreg:$0x0] =	wrdreg $0x60  }
0xae: {  	[dreg:$0x2] =	wrdreg s24  }
0xaf: {  	[dreg:$0x3] =	wrdreg s2  }
0xb0: {  	[dreg:$0x4] =	wrdreg $0x0  }
0xb1: {  	[dreg:$0x5] =	wrdreg $0x9  }
0xb2: {  	_ =	task.clear_ibuf [dreg:s7], $0x6FFFF;
	_ =	strace $0x9000004F  }
0xb3: {  	s29 =	simm.s32 $0x9;
	_ =	strace $0x80000051  }
0xb4: {  	_ =	swait.ge [sflag:s29], $0x1  }
0xb5: {  	[sflag:s29] =	ssyncadd.s32 $0xFFFFFFFF  }
0xb6: {  	_ =	strace $0x90000051  }
0xb7: {  	_ =	sfence  }
0xb8: {  	s30 =	sld [smem:$0x0];
	_ =	sdelay $0x2  }
0xb9: {  	s31 =	sshll.u32 s1, $0xD;
	s1 =	sshrl.u32 s1, $0x2  }
0xba: {  	s3 =	sand.u32 $0x4000, s31;
	s1 =	sadd.s32 s1, s30  }
0xbb: {  	s0 =	sor.u32 s3, s0;
	s1 =	sshll.u32 s1, $0x11  }
0xbc: {  	s0 =	sor.u32 s1, s0  }
0xbd: {  	s0 =	sadd.s32 $0x8F2B, s0  }
0xbe: {  	[sflag:s0] =	ssyncadd.remote.s32 $0x1  }
0xbf: {  	_ =	sfence.sel $0xFFFF  }
0xc0: {  	[dreg:$0x0] =	wrdreg $0xFFFFFFFF;
	(pc) =	sbr.abs _section_cstart, $3  }
0xc1: {  	[dreg:$0x1] =	wrdreg $0xFFFFFFFF  }
0xc2: {  	_ =	task.clear_ibuf [dreg:s7], $0x2FFFF;
	_ =	strace $0x9FFFFFFF  }
0xc3: {  	(tm) =	ssettm $0x7FFFFFFF  }
tec
execute0_lowered:
.L_overlay_start_1:
0x0: {  	(tag) =	ssettag $0x1  }
0x1: {  	s0 =	rddreg [dreg:$0x0]  }
0x2: {  	s1 =	rddreg [dreg:$0x1]  }
0x3: {  	s2 =	rddreg [dreg:$0x2];
	s11 =	stileid.u32  }
0x4: {  	s3 =	srdreg.scid;
	s4 =	simm.s32 $0x0;
	s7 =	smul.u32 $0x14000, s11  }
0x5: {  	s28 =	simm.s32 $0xD;
	s31 =	simm.s32 $0x14100;
	s9 =	smul.u32 $0x50000, s11  }
0x6: {  	s29 =	simm.s32 $0x0;
	s3 =	sand.u32 $0x1, s3;
	s15 =	smul.u32 $0x2760, s11  }
0x7: {  	[smem:$0x7FF] =	sst s4;
	s5 =	sadd.s32 $0xD200, s0;
	s6 =	smul.u32 $0x140000, s3  }
0x8: {  	_ =	strace $0x80000050;
	s8 =	sshll.u32 s3, $0x4;
	s10 =	ssub.s32 $0x2, s3  }
0x9: {  	s3 =	smul.u32 $0x27600, s3;
	s8 =	sor.u32 s11, s8;
	s25 =	sshrl.u32 s9, $0x2  }
0xa: {  	s26 =	sshrl.u32 s10, $0x1;
	s7 =	sadd.s32 s7, s6;
	s6 =	sadd.s32 $0x3400, s0  }
0xb: {  	s8 =	smul.u32 $0x2760, s8;
	s20 =	sadd.s32 s25, s2;
	s9 =	ssub.s32 s10, s26  }
0xc: {  	s21 =	sadd.s32 s15, s3;
	s17 =	smax.u32 s9, $0x1;
	[dreg:$0x4] =	wrdreg s20  }
0xd: {  	s10 =	simm.s32 $0x60;
	s18 =	sadd.s32 $0x3000, s20;
	[dreg:$0xc] =	wrdreg s17  }
0xe: {  	s15 =	simm.s32 $0x1A300;
	s19 =	sadd.s32 $0x6000, s20;
	[dreg:$0xd] =	wrdreg s18  }
0xf: {  	s7 =	sshrl.u32 s7, $0x3;
	s22 =	sadd.s32 $0x9000, s20;
	[dreg:$0xe] =	wrdreg s19  }
0x10: {  	s23 =	sadd.s32 $0xC000, s20;
	s24 =	sadd.s32 $0x180, s21;
	[dreg:$0xf] =	wrdreg s22  }
0x11: {  	s25 =	sadd.s32 $0xF000, s20;
	s26 =	sadd.s32 $0x120, s21;
	[dreg:$0x10] =	wrdreg s23  }
0x12: {  	s9 =	simm.s32 $0x6;
	s0 =	sadd.s32 s7, s0;
	[dreg:$0x11] =	wrdreg s25  }
0x13: {  	s8 =	sshrl.u32 s8, $0x3;
	s7 =	sadd.s32 $0x12000, s20;
	[dreg:$0x12] =	wrdreg s26  }
0x14: {  	s3 =	sshrl.u32 s24, $0x3;
	s26 =	simm.s32 $0x14300;
	s17 =	simm.s32 $0x8  }
0x15: {  	s18 =	simm.s32 $0x9;
	[dreg:$0x5] =	wrdreg s7;
	s30 =	sadd.s32 $0xC, s8  }
0x16: {  	s13 =	sadd.s32 s1, s8;
	s14 =	sadd.s32 s6, s8;
	s0 =	sadd.s32 $0x34400, s0  }
0x17: {  	s22 =	sadd.s32 s3, s6;
	s8 =	sadd.s32 $0x1E0, s21;
	[dreg:$0x6] =	wrdreg s13  }
0x18: {  	s23 =	sadd.s32 s3, s1;
	s3 =	simm.s32 $0x14200;
	[dreg:$0x9] =	wrdreg s14  }
0x19: {  	s12 =	sadd.s32 s1, s30;
	s7 =	sadd.s32 $0x18, s13;
	[dreg:$0xb] =	wrdreg s0  }
.Ltmp0:
0x1a: {  	s16 =	sadd.s32 s6, s30;
	[dreg:$0x7] =	wrdreg s12;
	(pc) =	sbr.rel .LBB2_1-.Ltmp0, $4  }
0x1b: {  	s0 =	sadd.s32 $0xC0, s21;
	s30 =	sshrl.u32 s8, $0x3;
	[dreg:$0x8] =	wrdreg s7  }
0x1c: {  	s13 =	simm.s32 $0x1;
	s14 =	simm.s32 $0x14280;
	[dreg:$0xa] =	wrdreg s16  }
0x1d: {  	s0 =	sshrl.u32 s0, $0x3;
	s24 =	sadd.s32 s30, s1;
	s12 =	simm.s32 $0x17300  }
0x1e: {  	v0 =	vimm.f32 $0.0e+00;
	s16 =	simm.s32 $0x7;
	s25 =	sadd.s32 s0, s6;
	s0 =	simm.s32 $0x14180  }
.LBB2_6:
0x1f: {  	s7 =	simm.s32 $0xA  }
0x20: {  	_ =	swait.ge [sflag:s7], $0x3000  }
0x21: {  	[sflag:s7] =	ssyncset.done $0x0  }
0x22: {  	s19 =	simm.s32 $0xB;
	[sflag:s7] =	ssyncadd.s32 $0xFFFFD000  }
0x23: {  	_ =	swait.ge [sflag:s19], $0x3000  }
0x24: {  	[sflag:s19] =	ssyncset.done $0x0  }
0x25: {  	s20 =	simm.s32 $0xC;
	[sflag:s19] =	ssyncadd.s32 $0xFFFFD000  }
0x26: {  	_ =	swait.ge [sflag:s20], $0x3000  }
0x27: {  	[sflag:s20] =	ssyncset.done $0x0  }
0x28: {  	[sflag:s20] =	ssyncadd.s32 $0xFFFFD000  }
0x29: {  	s21 =	stileid.u32;
	[bflag:$0x0] =	sbarrier.arrive $0xFFFF  }
0x2a: {  	s7 =	sshll.u32 s21, $0x6;
	s20 =	rddreg [dreg:$0x4]  }
0x2b: {  	s7 =	sor.u32 $0x1C0D, s7;
	s11 =	rddreg [dreg:$0xb];
	s8 =	sshrl.u32 s20, $0x3  }
0x2c: {  	[hbm:s11], [sflag:s7] =	dma.local [spmem:s8], $0x2800  }
0x2d: {  	_ =	swait.ge [sflag:s28], $0x2800  }
0x2e: {  	s29 =	sadd.s32 $0x1, s29;
	s30 =	rddreg [dreg:$0xc]  }
0x2f: {  	p0 =	sne.s32 s29, s30  }
.Ltmp1:
0x30: {  	_ = 	snop;
	(pc) =	sbr.rel @!p0 .LBB2_7-.Ltmp1, $3  }
0x31: {  	_ =	sdelay $0x1  }
0x32: {  	[sflag:s28] =	ssyncset.done $0x0  }
0x33: {  	[sflag:s28] =	ssyncadd.s32 $0xFFFFD800  }
.LBB2_1:
0x34: {  	s8 =	sand.u32 $0xFE00, s4  }
0x35: {  	s11 =	sand.u32 $0x70, s4;
	s30 =	sshrl.u32 s8, $0x2  }
0x36: {  	s8 =	simm.s32 $0x40;
	s11 =	sor.u32 s11, s30;
	s30 =	simm.s32 $0x0  }
.LBB2_2:
0x37: {  	p0 =	sne.s32 s8, $0xBFC0  }
0x38: {  	[tilespmem:s11+$0x14300] =	vst v0;
	s30 =	sadd.s32 $0x10, s30;
	s11 =	smov.u32 s8;
	s8 =	sadd.s32 $0x40, s8  }
.Ltmp2:
0x39: {  	(pc) =	sbr.rel @p0 .LBB2_2-.Ltmp2, $4  }
0x3a: {  	_ = 	snop  }
0x3b: {  	s11 =	sand.u32 $0xFE00, s11  }
0x3c: {  	s19 =	sand.u32 $0x70, s30;
	s11 =	sshrl.u32 s11, $0x2  }
0x3d: {  	s11 =	sor.u32 s19, s11  }
0x3e: {  	[tilespmem:s11+$0x14300] =	vst v0  }
0x3f: {  	[spmem:s20] =	stream.linear.scatter [tilespmem:s26], [sflag:$0xD], $0x3000, $0x38;
	[tilespmem:$0x1D300] =	vst v63  }
0x40: {  	_ =	swait.ge [sflag:s28], $0x3000  }
0x41: {  	[sflag:s28] =	ssyncset.done $0x0  }
0x42: {  	s7 =	rddreg [dreg:$0xd];
	[sflag:s28] =	ssyncadd.s32 $0xFFFFD000  }
0x43: {  	[spmem:s7] =	stream.linear.scatter [tilespmem:s26], [sflag:$0xD], $0x3000, $0x38;
	[tilespmem:$0x1D300] =	vst v63  }
0x44: {  	_ =	swait.ge [sflag:s28], $0x3000  }
0x45: {  	[sflag:s28] =	ssyncset.done $0x0  }
0x46: {  	s11 =	rddreg [dreg:$0xe];
	[sflag:s28] =	ssyncadd.s32 $0xFFFFD000  }
0x47: {  	[spmem:s11] =	stream.linear.scatter [tilespmem:s26], [sflag:$0xD], $0x3000, $0x38;
	[tilespmem:$0x1D300] =	vst v63  }
0x48: {  	_ =	swait.ge [sflag:s28], $0x3000  }
0x49: {  	[sflag:s28] =	ssyncset.done $0x0  }
0x4a: {  	s19 =	rddreg [dreg:$0xf];
	[sflag:s28] =	ssyncadd.s32 $0xFFFFD000  }
0x4b: {  	[spmem:s19] =	stream.linear.scatter [tilespmem:s26], [sflag:$0xD], $0x3000, $0x38;
	[tilespmem:$0x1D300] =	vst v63  }
0x4c: {  	_ =	swait.ge [sflag:s28], $0x3000  }
0x4d: {  	[sflag:s28] =	ssyncset.done $0x0  }
0x4e: {  	s20 =	rddreg [dreg:$0x10];
	[sflag:s28] =	ssyncadd.s32 $0xFFFFD000  }
0x4f: {  	[spmem:s20] =	stream.linear.scatter [tilespmem:s26], [sflag:$0xD], $0x3000, $0x38;
	[tilespmem:$0x1D300] =	vst v63  }
0x50: {  	_ =	swait.ge [sflag:s28], $0x3000  }
0x51: {  	[sflag:s28] =	ssyncset.done $0x0  }
0x52: {  	s21 =	rddreg [dreg:$0x11];
	[sflag:s28] =	ssyncadd.s32 $0xFFFFD000  }
0x53: {  	[spmem:s21] =	stream.linear.scatter [tilespmem:s26], [sflag:$0xD], $0x3000, $0x38;
	[tilespmem:$0x1D300] =	vst v63  }
0x54: {  	_ =	swait.ge [sflag:s28], $0x3000  }
0x55: {  	[sflag:s28] =	ssyncset.done $0x0  }
0x56: {  	s8 =	rddreg [dreg:$0x5];
	[sflag:s28] =	ssyncadd.s32 $0xFFFFD000  }
0x57: {  	[spmem:s8] =	stream.linear.scatter [tilespmem:s26], [sflag:$0xD], $0x2000, $0x38;
	[tilespmem:$0x1D300] =	vst v63  }
0x58: {  	_ =	swait.ge [sflag:s28], $0x2000  }
0x59: {  	s30 =	simm.s32 $0x0;
	[sflag:s28] =	ssyncset.done $0x0  }
0x5a: {  	s8 =	simm.s32 $0x14000;
	s11 =	rddreg [dreg:$0x6];
	[sflag:s28] =	ssyncadd.s32 $0xFFFFE000  }
0x5b: {  	[tilespmem:s8], [sflag:$0x4] =	stream.linear.gather [hbm4b:s11+s30], $0x60, $0x38;
	[tilespmem:$0x1D300] =	vst v63  }
0x5c: {  	s19 =	rddreg [dreg:$0x7];
	s11 =	simm.s32 $0x14080  }
0x5d: {  	[tilespmem:s11], [sflag:$0x5] =	stream.linear.gather [hbm4b:s19+s30], $0x60, $0x38;
	[tilespmem:$0x1D300] =	vst v63  }
0x5e: {  	s20 =	rddreg [dreg:$0x8]  }
0x5f: {  	[tilespmem:s31], [sflag:$0x6] =	stream.linear.gather [hbm4b:s20+s30], $0x60, $0x38;
	[tilespmem:$0x1D300] =	vst v63  }
0x60: {  	s21 =	rddreg [dreg:$0x9]  }
0x61: {  	[tilespmem:s0], [sflag:$0x7] =	stream.linear.gather [hbm4b:s21+s30], $0x60, $0x38;
	[tilespmem:$0x1D300] =	vst v63  }
0x62: {  	s19 =	rddreg [dreg:$0xa];
	s20 =	simm.s32 $0x4  }
0x63: {  	[tilespmem:s3], [sflag:$0x8] =	stream.linear.gather [hbm4b:s19+s30], $0x60, $0x38;
	[tilespmem:$0x1D300] =	vst v63  }
0x64: {  	_ =	swait.ge [sflag:s20], $0x60  }
0x65: {  	[sflag:s20] =	ssyncset.done $0x0  }
0x66: {  	s21 =	simm.s32 $0x5;
	[sflag:s20] =	ssyncadd.s32 $0xFFFFFFA0  }
0x67: {  	[tilespmem:s26], [sflag:$0x1] =	stream.indirect.gather [hbm4b:s5+s10], $0x80, s8, s10, $0xb8;
	[tilespmem:$0x1D300] =	vst v63  }
0x68: {  	_ =	swait.ge [sflag:s21], $0x60  }
0x69: {  	[sflag:s21] =	ssyncset.done $0x0  }
0x6a: {  	[sflag:s21] =	ssyncadd.s32 $0xFFFFFFA0  }
0x6b: {  	[tilespmem:s12], [sflag:$0x2] =	stream.indirect.gather [hbm4b:s5+s10], $0x80, s11, s10, $0xb8;
	[tilespmem:$0x1D300] =	vst v63  }
0x6c: {  	[bflag:$0x0] =	sbarrier.arrive $0xFFFF  }
0x6d: {  	s8 =	rddreg [dreg:$0x12]  }
.LBB2_4:
0x6e: {  	_ =	swait.ge [sflag:s13], $0x3000  }
0x6f: {  	p0 =	seq.s32 s30, $0x0;
	[sflag:s13] =	ssyncset.done $0x0  }
0x70: {  	s11 =	simm.s32 @!p0 $0xC;
	[sflag:s13] =	ssyncadd.s32 $0xFFFFD000  }
0x71: {  	_ =	swait.ge @!p0 [sflag:s11], $0x3000  }
0x72: {  	[sflag:s11] =	ssyncset.done @!p0 $0x0  }
0x73: {  	s21 =	sadd.s32 s30, s25;
	[sflag:s11] =	ssyncadd.s32 @!p0 $0xFFFFD000  }
0x74: {  	[tilespmem:s14], [sflag:$0x9] =	stream.linear.gather [hbm4b:s21+s4], $0x60, $0x38;
	[tilespmem:$0x1D300] =	vst v63  }
0x75: {  	_ =	swait.ge [sflag:s9], $0x60  }
0x76: {  	[sflag:s9] =	ssyncset.done $0x0  }
0x77: {  	[sflag:s9] =	ssyncadd.s32 $0xFFFFFFA0  }
0x78: {  	[tilespmem:s15], [sflag:$0x3] =	stream.indirect.gather [hbm4b:s5+s10], $0x80, s31, s10, $0xb8;
	[tilespmem:$0x1D300] =	vst v63  }
0x79: {  	_ =	swait.ge [sflag:s16], $0x60  }
0x7a: {  	p0 =	sne.s32 s30, $0x4C8;
	[sflag:s16] =	ssyncset.done $0x0  }
0x7b: {  	s11 =	sshrl.u32 @p0 s8, $0x3;
	[sflag:s16] =	ssyncadd.s32 $0xFFFFFFA0  }
0x7c: {  	[spmem:s2] =	stream.indirect.scatter.add.f32 [tilespmem:s26], [sflag:$0xA], $0x80, s0, s10, $0xb8;
	[tilespmem:$0x1D300] =	vst v63  }
0x7d: {  	s20 =	simm.s32 @p0 $0x0;
	s21 =	simm.s32 @p0 $0x14000;
	s19 =	sadd.s32 @p0 s1, s11  }
0x7e: {  	[tilespmem:s21], [sflag:$0x4] =	stream.linear.gather @p0 [hbm4b:s19+s20], $0x60, $0x38;
	[tilespmem:$0x1D300] =	vst v63  }
0x7f: {  	s19 =	simm.s32 @p0 $0x2  }
0x80: {  	_ =	swait.ge @p0 [sflag:s19], $0x3000  }
0x81: {  	[sflag:s19] =	ssyncset.done @p0 $0x0  }
0x82: {  	[sflag:s19] =	ssyncadd.s32 @p0 $0xFFFFD000;
	s19 =	simm.s32 @p0 $0xA  }
0x83: {  	_ =	swait.ge @p0 [sflag:s19], $0x3000  }
0x84: {  	[sflag:s19] =	ssyncset.done @p0 $0x0  }
0x85: {  	s11 =	sadd.s32 @p0 s6, s11;
	[sflag:s19] =	ssyncadd.s32 @p0 $0xFFFFD000;
	s19 =	simm.s32 @p0 $0x14180  }
0x86: {  	[tilespmem:s19], [sflag:$0x7] =	stream.linear.gather @p0 [hbm4b:s11+s20], $0x60, $0x38;
	[tilespmem:$0x1D300] =	vst v63  }
0x87: {  	s11 =	simm.s32 @p0 $0x4  }
0x88: {  	_ =	swait.ge @p0 [sflag:s11], $0x60  }
0x89: {  	[sflag:s11] =	ssyncset.done @p0 $0x0  }
0x8a: {  	s19 =	simm.s32 @p0 $0x14300;
	[sflag:s11] =	ssyncadd.s32 @p0 $0xFFFFFFA0;
	s11 =	simm.s32 @p0 $0x60  }
0x8b: {  	[tilespmem:s19], [sflag:$0x1] =	stream.indirect.gather @p0 [hbm4b:s5+s11], $0x80, s21, s11, $0xb8;
	[tilespmem:$0x1D300] =	vst v63  }
0x8c: {  	s19 =	simm.s32 @!p0 $0x2  }
0x8d: {  	_ =	swait.ge @!p0 [sflag:s19], $0x3000  }
0x8e: {  	[sflag:s19] =	ssyncset.done @!p0 $0x0  }
0x8f: {  	[sflag:s19] =	ssyncadd.s32 @!p0 $0xFFFFD000  }
0x90: {  	_ =	swait.ge [sflag:s17], $0x60  }
0x91: {  	[sflag:s17] =	ssyncset.done $0x0  }
0x92: {  	[sflag:s17] =	ssyncadd.s32 $0xFFFFFFA0  }
0x93: {  	[spmem:s2] =	stream.indirect.scatter.add.f32 [tilespmem:s12], [sflag:$0xB], $0x80, s3, s10, $0xb8;
	[tilespmem:$0x1D300] =	vst v63  }
0x94: {  	s21 =	simm.s32 @p0 $0x14080;
	s19 =	sadd.s32 @p0 s30, s23  }
0x95: {  	[tilespmem:s21], [sflag:$0x5] =	stream.linear.gather @p0 [hbm4b:s19+s20], $0x60, $0x38;
	[tilespmem:$0x1D300] =	vst v63  }
0x96: {  	s19 =	simm.s32 @p0 $0x3  }
0x97: {  	_ =	swait.ge @p0 [sflag:s19], $0x3000  }
0x98: {  	[sflag:s19] =	ssyncset.done @p0 $0x0  }
0x99: {  	[sflag:s19] =	ssyncadd.s32 @p0 $0xFFFFD000;
	s19 =	simm.s32 @p0 $0xB  }
0x9a: {  	_ =	swait.ge @p0 [sflag:s19], $0x3000  }
0x9b: {  	[sflag:s19] =	ssyncset.done @p0 $0x0  }
0x9c: {  	s7 =	simm.s32 @p0 $0x14200;
	[sflag:s19] =	ssyncadd.s32 @p0 $0xFFFFD000;
	s19 =	sadd.s32 @p0 s30, s22  }
0x9d: {  	[tilespmem:s7], [sflag:$0x8] =	stream.linear.gather @p0 [hbm4b:s19+s20], $0x60, $0x38;
	[tilespmem:$0x1D300] =	vst v63  }
0x9e: {  	s7 =	simm.s32 @p0 $0x5  }
0x9f: {  	_ =	swait.ge @p0 [sflag:s7], $0x60  }
0xa0: {  	[sflag:s7] =	ssyncset.done @p0 $0x0  }
0xa1: {  	[sflag:s7] =	ssyncadd.s32 @p0 $0xFFFFFFA0;
	s7 =	simm.s32 @p0 $0x17300  }
0xa2: {  	[tilespmem:s7], [sflag:$0x2] =	stream.indirect.gather @p0 [hbm4b:s5+s11], $0x80, s21, s11, $0xb8;
	[tilespmem:$0x1D300] =	vst v63  }
0xa3: {  	s7 =	simm.s32 @!p0 $0x3  }
0xa4: {  	_ =	swait.ge @!p0 [sflag:s7], $0x3000  }
0xa5: {  	[sflag:s7] =	ssyncset.done @!p0 $0x0  }
0xa6: {  	[sflag:s7] =	ssyncadd.s32 @!p0 $0xFFFFD000;
	p0 =	seq.s32 s30, $0x4C8  }
.Ltmp3:
0xa7: {  	_ = 	snop;
	(pc) =	sbr.rel @p0 .LBB2_6-.Ltmp3, $4  }
0xa8: {  	_ =	swait.ge [sflag:s18], $0x60  }
0xa9: {  	[sflag:s18] =	ssyncset.done $0x0  }
0xaa: {  	[sflag:s18] =	ssyncadd.s32 $0xFFFFFFA0  }
0xab: {  	[spmem:s2] =	stream.indirect.scatter.add.f32 [tilespmem:s15], [sflag:$0xC], $0x80, s14, s10, $0xb8;
	[tilespmem:$0x1D300] =	vst v63  }
.Ltmp4:
0xac: {  	(pc) =	sbr.rel .LBB2_4-.Ltmp4, $3  }
0xad: {  	_ =	sdelay $0x1  }
0xae: {  	s7 =	sadd.s32 s30, s24;
	s30 =	sadd.s32 $0x24, s30;
	s8 =	sadd.s32 $0x120, s8  }
0xaf: {  	[tilespmem:s31], [sflag:$0x6] =	stream.linear.gather [hbm4b:s7+s4], $0x60, $0x38;
	[tilespmem:$0x1D300] =	vst v63  }
.LBB2_7:
0xb0: {  	_ =	sfence.sel $0x180000  }
0xb1: {  	[bflag:$0x0] =	sbarrier.arrive $0xFFFF  }
0xb2: {  	_ =	strace $0x90000050  }
0xb3: {  	s0 =	stileid.u32;
	[bflag:$0x2] =	sbarrier.arrive $0xFFFF  }
0xb4: {  	p0 =	sne.s32 s0, $0x0;
	s0 =	rddreg [dreg:$0x3]  }
0xb5: {  	s0 =	sadd.s32 @!p0 $0x100000, s0  }
0xb6: {  	[sflag:s0] =	ssyncadd.tile.s32 @!p0 $0x1;
	_ =	shalt  }
.Lfunc_end2:
_tile_overlayer_lowered:
.L_overlay_start_2:
0xb7: {  	(tag) =	ssettag $0x2  }
0xb8: {  	s0 =	rddreg [dreg:$0x0];
	s2 =	stileid.u32  }
0xb9: {  	s1 =	rddreg [dreg:$0x1];
	p0 =	sne.s32 s2, $0x0  }
0xba: {  	s3 =	rddreg [dreg:$0x2];
	[bflag:$0x3] =	sbarrier.arrive $0xFFFF;
	s2 =	simm.s32 @!p0 $0x1C0D  }
0xbb: {  	[timem:s3], [sflag:s2] =	dma.local @!p0 [hbm:s0], s1  }
0xbc: {  	s0 =	simm.s32 @!p0 $0xD  }
0xbd: {  	_ =	swait.ge @!p0 [sflag:s0], s1  }
0xbe: {  	s1 =	ssub.s32 @!p0 $0x0, s1;
	[sflag:s0] =	ssyncset.done @!p0 $0x0  }
0xbf: {  	[sflag:s0] =	ssyncadd.s32 @!p0 s1  }
0xc0: {  	[bflag:$0x3] =	sbarrier.arrive $0xFFFF  }
0xc1: {  	_ =	shalt  }

</sc_bundles>
